<compile_context>
chip_gen: v7x
topology: tpu7x:2x2x1
jax: 0.10.2.dev20260603
libtpu: 0.0.44.dev20260713+nightly
codegen_flags: <defaults>
</compile_context>

<pallas_src>
import dataclasses
import functools

import jax
import jax.numpy as jnp
from jax import lax
from jax.experimental import pallas as pl
from jax.experimental.pallas import tpu as pltpu
from jax.experimental.pallas import tpu_sc as plsc

D = 128
E = 16384
LANES = 16
NUM_WORKERS = 32
EDGES_PER_WORKER = E // NUM_WORKERS
CHUNK = 128
NUM_CHUNKS = EDGES_PER_WORKER // CHUNK
GROUPS = CHUNK // LANES


def _build():
    mesh = plsc.VectorSubcoreMesh(core_axis_name="c", subcore_axis_name="s")
    cp = pltpu.CompilerParams()
    if "needs_layout_passes" in pltpu.CompilerParams.__dataclass_fields__:
        cp = dataclasses.replace(cp, needs_layout_passes=False)

    @functools.partial(
        pl.kernel,
        mesh=mesh,
        compiler_params=cp,
        out_type=jax.ShapeDtypeStruct((E,), jnp.float32),
        scratch_types=[
            pltpu.VMEM((NUM_CHUNKS, CHUNK), jnp.int32),
            pltpu.VMEM((NUM_CHUNKS, CHUNK), jnp.int32),
            pltpu.VMEM((CHUNK, D), jnp.float32),
            pltpu.VMEM((CHUNK, D), jnp.float32),
            pltpu.VMEM((CHUNK, D), jnp.float32),
            pltpu.VMEM((CHUNK, D), jnp.float32),
            pltpu.VMEM((LANES, LANES), jnp.float32),
            pltpu.VMEM((EDGES_PER_WORKER,), jnp.float32),
            pltpu.SemaphoreType.DMA,
            pltpu.SemaphoreType.DMA,
        ],
    )
    def k(src_hbm, dst_hbm, table_hbm, out_hbm,
          sidx, didx, srows0, drows0, srows1, drows1, tbuf, outv, sem0, sem1):
        wid = lax.axis_index("s") * 2 + lax.axis_index("c")
        base_row = wid * NUM_CHUNKS
        pltpu.sync_copy(src_hbm.at[pl.ds(base_row, NUM_CHUNKS)], sidx)
        pltpu.sync_copy(dst_hbm.at[pl.ds(base_row, NUM_CHUNKS)], didx)
        lane_iota = lax.iota(jnp.int32, LANES)
        sbufs = (srows0, srows1)
        dbufs = (drows0, drows1)
        sems = (sem0, sem1)

        def fire(j):
            b = j % 2
            c0 = pltpu.async_copy(table_hbm.at[sidx.at[j]], sbufs[b], sems[b])
            c1 = pltpu.async_copy(table_hbm.at[didx.at[j]], dbufs[b], sems[b])
            return c0, c1

        def compute(j):
            srows, drows = sbufs[j % 2], dbufs[j % 2]

            @pl.loop(0, GROUPS)
            def _group(g):
                ebase = g * LANES
                for jj in range(LANES):
                    e = ebase + jj
                    acc = srows[e, pl.ds(0, LANES)] * drows[e, pl.ds(0, LANES)]
                    for c in range(1, D // LANES):
                        acc = acc + (srows[e, pl.ds(c * LANES, LANES)]
                                     * drows[e, pl.ds(c * LANES, LANES)])
                    col = jnp.full((LANES,), jj, jnp.int32)
                    plsc.store_scatter(tbuf, [lane_iota, col], acc)
                tot = tbuf[0]
                for l in range(1, LANES):
                    tot = tot + tbuf[l]
                outv[pl.ds(j * CHUNK + ebase, LANES)] = tot

        pending = fire(0)
        for j in range(NUM_CHUNKS):
            nxt = fire(j + 1) if j + 1 < NUM_CHUNKS else None
            pending[0].wait()
            pending[1].wait()
            compute(j)
            pending = nxt

        pltpu.sync_copy(outv, out_hbm.at[pl.ds(wid * EDGES_PER_WORKER,
                                               EDGES_PER_WORKER)])

    return k


_sc_dot = _build()


def kernel(edge_index, table):
    ei = edge_index.astype(jnp.int32)
    src = ei[0].reshape(NUM_WORKERS * NUM_CHUNKS, CHUNK)
    dst = ei[1].reshape(NUM_WORKERS * NUM_CHUNKS, CHUNK)
    return _sc_dot(src, dst, table)

# --- scband reference (transcript-rebuilt; emitter-appended) ---
"""Pipeline reference for scband-conventional-collaborative-filtering-14843406975285 (READ-ONLY COPY).

The authoritative reference and input builder live on the scoring server;
editing this copy changes nothing except your own understanding.
"""

import jax, jax.numpy as jnp
import numpy as np

NUM_EMBEDDINGS = 100000
EMBED_DIM = 128
NUM_EDGES = 16384

def setup_inputs(seed: int = 0) -> dict:
    key = jax.random.key(seed)
    k1, k2 = jax.random.split(key)
    edge_index = jax.random.randint(k1, (2, NUM_EDGES), 0, NUM_EMBEDDINGS, dtype=jnp.int64) if jax.config.jax_enable_x64 else jax.random.randint(k1, (2, NUM_EDGES), 0, NUM_EMBEDDINGS, dtype=jnp.int32)
    table = jax.random.normal(k2, (NUM_EMBEDDINGS, EMBED_DIM), dtype=jnp.float32)
    return {"edge_index": edge_index, "table": table}

def reference(edge_index, table):
    # Conventional collaborative filtering: dot product of src/dst node embeddings
    x_src = jnp.take(table, edge_index[0], axis=0)  # [E, D]
    x_dst = jnp.take(table, edge_index[1], axis=0)  # [E, D]
    out = jnp.sum(x_src * x_dst, axis=-1)           # [E]
    return jnp.squeeze(out)

if __name__ == "__main__":
    import jax
    _d = setup_inputs()
    print(jax.jit(kernel)(*tuple(_d.values())))

</pallas_src>

<mosaic_0001>
#map = affine_map<(d0, d1) -> (0, 0)>
#map1 = affine_map<(d0, d1) -> (0)>
module attributes {stable_mosaic.version = 14 : i64} {
  func.func @k(%arg0: i32, %arg1: i32, %arg2: memref<128x128xi32, #tpu.memory_space<hbm>>, %arg3: memref<128x128xi32, #tpu.memory_space<hbm>>, %arg4: memref<100000x128xf32, #tpu.memory_space<hbm>>, %arg5: memref<16384xf32, #tpu.memory_space<hbm>>, %arg6: memref<4x128xi32, #tpu.memory_space<vmem>>, %arg7: memref<4x128xi32, #tpu.memory_space<vmem>>, %arg8: memref<128x128xf32, #tpu.memory_space<vmem>>, %arg9: memref<128x128xf32, #tpu.memory_space<vmem>>, %arg10: memref<128x128xf32, #tpu.memory_space<vmem>>, %arg11: memref<128x128xf32, #tpu.memory_space<vmem>>, %arg12: memref<16x16xf32, #tpu.memory_space<vmem>>, %arg13: memref<512xf32, #tpu.memory_space<vmem>>, %arg14: memref<!tpu.dma_semaphore, #tpu.memory_space<semaphore_mem>>, %arg15: memref<!tpu.dma_semaphore, #tpu.memory_space<semaphore_mem>>) attributes {dimension_semantics = [#tpu.dimension_semantics<core_parallel>, #tpu.dimension_semantics<subcore_parallel>], iteration_bounds = array<i64: 2, 16>, scalar_prefetch = 0 : i64, scratch_operands = 10 : i64, tpu.core_type = #tpu.core_type<sc_vector_subcore>, window_params = [{transform_indices = #map}, {transform_indices = #map}, {transform_indices = #map}, {transform_indices = #map1}]} {
    %mul3A = arith.constant 2 : i32
    %mul3A_0 = arith.muli %arg1, %mul3A : i32
    %add3A = arith.addi %mul3A_0, %arg0 : i32
    %mul3A_1 = arith.constant 4 : i32
    %mul3A_2 = arith.muli %add3A, %mul3A_1 : i32
    "tpu.region"() ({
      %run_scoped3A = tpu.sem_alloc : memref<!tpu.dma_semaphore, #tpu.memory_space<semaphore_mem>>
      %dma_start3A_134 = arith.constant 0 : i32
      %dma_start3A_135 = tpu.memref_slice %arg2[%mul3A_2, %dma_start3A_134] : memref<128x128xi32, #tpu.memory_space<hbm>> -> memref<4x128xi32, #tpu.memory_space<hbm>>
      %dma_start3A_136 = arith.constant 0 : i32
      %dma_start3A_137 = tpu.memref_slice %arg2[%mul3A_2, %dma_start3A_136] : memref<128x128xi32, #tpu.memory_space<hbm>> -> memref<4x128xi32, #tpu.memory_space<hbm>>
      tpu.enqueue_dma source(%dma_start3A_137 : memref<4x128xi32, #tpu.memory_space<hbm>>) target(%arg6 : memref<4x128xi32, #tpu.memory_space<vmem>>) target_semaphore(%run_scoped3A : memref<!tpu.dma_semaphore, #tpu.memory_space<semaphore_mem>>)
      %dma_wait3A_138 = arith.constant 0 : i32
      %dma_wait3A_139 = tpu.memref_slice %arg2[%mul3A_2, %dma_wait3A_138] : memref<128x128xi32, #tpu.memory_space<hbm>> -> memref<4x128xi32, #tpu.memory_space<hbm>>
      %dma_wait3A_140 = arith.constant 0 : i32
      %dma_wait3A_141 = tpu.memref_slice %arg2[%mul3A_2, %dma_wait3A_140] : memref<128x128xi32, #tpu.memory_space<hbm>> -> memref<4x128xi32, #tpu.memory_space<hbm>>
      tpu.wait_dma2 semaphore(%run_scoped3A : memref<!tpu.dma_semaphore, #tpu.memory_space<semaphore_mem>>) src(%dma_wait3A_141 : memref<4x128xi32, #tpu.memory_space<hbm>>) dst(%arg6 : memref<4x128xi32, #tpu.memory_space<vmem>>)
      tpu.yield
    }) : () -> ()
    "tpu.region"() ({
      %run_scoped3A = tpu.sem_alloc : memref<!tpu.dma_semaphore, #tpu.memory_space<semaphore_mem>>
      %dma_start3A_134 = arith.constant 0 : i32
      %dma_start3A_135 = tpu.memref_slice %arg3[%mul3A_2, %dma_start3A_134] : memref<128x128xi32, #tpu.memory_space<hbm>> -> memref<4x128xi32, #tpu.memory_space<hbm>>
      %dma_start3A_136 = arith.constant 0 : i32
      %dma_start3A_137 = tpu.memref_slice %arg3[%mul3A_2, %dma_start3A_136] : memref<128x128xi32, #tpu.memory_space<hbm>> -> memref<4x128xi32, #tpu.memory_space<hbm>>
      tpu.enqueue_dma source(%dma_start3A_137 : memref<4x128xi32, #tpu.memory_space<hbm>>) target(%arg7 : memref<4x128xi32, #tpu.memory_space<vmem>>) target_semaphore(%run_scoped3A : memref<!tpu.dma_semaphore, #tpu.memory_space<semaphore_mem>>)
      %dma_wait3A_138 = arith.constant 0 : i32
      %dma_wait3A_139 = tpu.memref_slice %arg3[%mul3A_2, %dma_wait3A_138] : memref<128x128xi32, #tpu.memory_space<hbm>> -> memref<4x128xi32, #tpu.memory_space<hbm>>
      %dma_wait3A_140 = arith.constant 0 : i32
      %dma_wait3A_141 = tpu.memref_slice %arg3[%mul3A_2, %dma_wait3A_140] : memref<128x128xi32, #tpu.memory_space<hbm>> -> memref<4x128xi32, #tpu.memory_space<hbm>>
      tpu.wait_dma2 semaphore(%run_scoped3A : memref<!tpu.dma_semaphore, #tpu.memory_space<semaphore_mem>>) src(%dma_wait3A_141 : memref<4x128xi32, #tpu.memory_space<hbm>>) dst(%arg7 : memref<4x128xi32, #tpu.memory_space<vmem>>)
      tpu.yield
    }) : () -> ()
    %iota3A = tpu.iota {dimensions = array<i32: 0>} : vector<16xi32>
    %dma_start3A = arith.constant 0 : i32
    %dma_start3A_3 = arith.constant 0 : i32
    %dma_start3A_4 = tpu.memref_slice %arg6[%dma_start3A, %dma_start3A_3] : memref<4x128xi32, #tpu.memory_space<vmem>> -> memref<1x128xi32, #tpu.memory_space<vmem>>
    %dma_start3A_5 = tpu.memref_squeeze %dma_start3A_4 : memref<1x128xi32, #tpu.memory_space<vmem>> -> memref<128xi32, #tpu.memory_space<vmem>>
    %dma_start3A_6 = arith.constant 0 : i32
    %dma_start3A_7 = arith.constant 0 : i32
    %dma_start3A_8 = tpu.memref_slice %arg4[%dma_start3A_6, %dma_start3A_7] : memref<100000x128xf32, #tpu.memory_space<hbm>> -> memref<100000x128xf32, #tpu.memory_space<hbm>>
    tpu.enqueue_indirect_dma source(%dma_start3A_8 : memref<100000x128xf32, #tpu.memory_space<hbm>>) target(%arg8 : memref<128x128xf32, #tpu.memory_space<vmem>>) offsets(%dma_start3A_5 : memref<128xi32, #tpu.memory_space<vmem>>) semaphore(%arg14 : memref<!tpu.dma_semaphore, #tpu.memory_space<semaphore_mem>>)
    %dma_start3A_9 = arith.constant 0 : i32
    %dma_start3A_10 = arith.constant 0 : i32
    %dma_start3A_11 = tpu.memref_slice %arg7[%dma_start3A_9, %dma_start3A_10] : memref<4x128xi32, #tpu.memory_space<vmem>> -> memref<1x128xi32, #tpu.memory_space<vmem>>
    %dma_start3A_12 = tpu.memref_squeeze %dma_start3A_11 : memref<1x128xi32, #tpu.memory_space<vmem>> -> memref<128xi32, #tpu.memory_space<vmem>>
    %dma_start3A_13 = arith.constant 0 : i32
    %dma_start3A_14 = arith.constant 0 : i32
    %dma_start3A_15 = tpu.memref_slice %arg4[%dma_start3A_13, %dma_start3A_14] : memref<100000x128xf32, #tpu.memory_space<hbm>> -> memref<100000x128xf32, #tpu.memory_space<hbm>>
    tpu.enqueue_indirect_dma source(%dma_start3A_15 : memref<100000x128xf32, #tpu.memory_space<hbm>>) target(%arg9 : memref<128x128xf32, #tpu.memory_space<vmem>>) offsets(%dma_start3A_12 : memref<128xi32, #tpu.memory_space<vmem>>) semaphore(%arg14 : memref<!tpu.dma_semaphore, #tpu.memory_space<semaphore_mem>>)
    %dma_start3A_16 = arith.constant 1 : i32
    %dma_start3A_17 = arith.constant 0 : i32
    %dma_start3A_18 = tpu.memref_slice %arg6[%dma_start3A_16, %dma_start3A_17] : memref<4x128xi32, #tpu.memory_space<vmem>> -> memref<1x128xi32, #tpu.memory_space<vmem>>
    %dma_start3A_19 = tpu.memref_squeeze %dma_start3A_18 : memref<1x128xi32, #tpu.memory_space<vmem>> -> memref<128xi32, #tpu.memory_space<vmem>>
    %dma_start3A_20 = arith.constant 0 : i32
    %dma_start3A_21 = arith.constant 0 : i32
    %dma_start3A_22 = tpu.memref_slice %arg4[%dma_start3A_20, %dma_start3A_21] : memref<100000x128xf32, #tpu.memory_space<hbm>> -> memref<100000x128xf32, #tpu.memory_space<hbm>>
    tpu.enqueue_indirect_dma source(%dma_start3A_22 : memref<100000x128xf32, #tpu.memory_space<hbm>>) target(%arg10 : memref<128x128xf32, #tpu.memory_space<vmem>>) offsets(%dma_start3A_19 : memref<128xi32, #tpu.memory_space<vmem>>) semaphore(%arg15 : memref<!tpu.dma_semaphore, #tpu.memory_space<semaphore_mem>>)
    %dma_start3A_23 = arith.constant 1 : i32
    %dma_start3A_24 = arith.constant 0 : i32
    %dma_start3A_25 = tpu.memref_slice %arg7[%dma_start3A_23, %dma_start3A_24] : memref<4x128xi32, #tpu.memory_space<vmem>> -> memref<1x128xi32, #tpu.memory_space<vmem>>
    %dma_start3A_26 = tpu.memref_squeeze %dma_start3A_25 : memref<1x128xi32, #tpu.memory_space<vmem>> -> memref<128xi32, #tpu.memory_space<vmem>>
    %dma_start3A_27 = arith.constant 0 : i32
    %dma_start3A_28 = arith.constant 0 : i32
    %dma_start3A_29 = tpu.memref_slice %arg4[%dma_start3A_27, %dma_start3A_28] : memref<100000x128xf32, #tpu.memory_space<hbm>> -> memref<100000x128xf32, #tpu.memory_space<hbm>>
    tpu.enqueue_indirect_dma source(%dma_start3A_29 : memref<100000x128xf32, #tpu.memory_space<hbm>>) target(%arg11 : memref<128x128xf32, #tpu.memory_space<vmem>>) offsets(%dma_start3A_26 : memref<128xi32, #tpu.memory_space<vmem>>) semaphore(%arg15 : memref<!tpu.dma_semaphore, #tpu.memory_space<semaphore_mem>>)
    %dma_wait3A = arith.constant 0 : i32
    %dma_wait3A_30 = arith.constant 0 : i32
    %dma_wait3A_31 = tpu.memref_slice %arg6[%dma_wait3A, %dma_wait3A_30] : memref<4x128xi32, #tpu.memory_space<vmem>> -> memref<1x128xi32, #tpu.memory_space<vmem>>
    %dma_wait3A_32 = tpu.memref_squeeze %dma_wait3A_31 : memref<1x128xi32, #tpu.memory_space<vmem>> -> memref<128xi32, #tpu.memory_space<vmem>>
    %dma_wait3A_33 = arith.constant 0 : i32
    %dma_wait3A_34 = arith.constant 0 : i32
    %dma_wait3A_35 = tpu.memref_slice %arg4[%dma_wait3A_33, %dma_wait3A_34] : memref<100000x128xf32, #tpu.memory_space<hbm>> -> memref<100000x128xf32, #tpu.memory_space<hbm>>
    tpu.wait_indirect_dma semaphore(%arg14 : memref<!tpu.dma_semaphore, #tpu.memory_space<semaphore_mem>>) src(%dma_wait3A_35 : memref<100000x128xf32, #tpu.memory_space<hbm>>) dst(%arg8 : memref<128x128xf32, #tpu.memory_space<vmem>>)
    %dma_wait3A_36 = arith.constant 0 : i32
    %dma_wait3A_37 = arith.constant 0 : i32
    %dma_wait3A_38 = tpu.memref_slice %arg7[%dma_wait3A_36, %dma_wait3A_37] : memref<4x128xi32, #tpu.memory_space<vmem>> -> memref<1x128xi32, #tpu.memory_space<vmem>>
    %dma_wait3A_39 = tpu.memref_squeeze %dma_wait3A_38 : memref<1x128xi32, #tpu.memory_space<vmem>> -> memref<128xi32, #tpu.memory_space<vmem>>
    %dma_wait3A_40 = arith.constant 0 : i32
    %dma_wait3A_41 = arith.constant 0 : i32
    %dma_wait3A_42 = tpu.memref_slice %arg4[%dma_wait3A_40, %dma_wait3A_41] : memref<100000x128xf32, #tpu.memory_space<hbm>> -> memref<100000x128xf32, #tpu.memory_space<hbm>>
    tpu.wait_indirect_dma semaphore(%arg14 : memref<!tpu.dma_semaphore, #tpu.memory_space<semaphore_mem>>) src(%dma_wait3A_42 : memref<100000x128xf32, #tpu.memory_space<hbm>>) dst(%arg9 : memref<128x128xf32, #tpu.memory_space<vmem>>)
    %scan3A = arith.constant 0 : i32
    %scan3A_43 = arith.constant 8 : i32
    %scan3A_44 = arith.addi %scan3A, %scan3A_43 : i32
    %scan3A_45 = arith.constant 1 : i32
    scf.for %scan3A_134 = %scan3A to %scan3A_44 step %scan3A_45  : i32 {
      %mul3A_135 = arith.constant 1 : i32
      %mul3A_136 = arith.muli %scan3A_134, %mul3A_135 : i32
      %add3A_137 = arith.constant 0 : i32
      %add3A_138 = arith.addi %add3A_137, %mul3A_136 : i32
      %mul3A_139 = arith.constant 16 : i32
      %mul3A_140 = arith.muli %add3A_138, %mul3A_139 : i32
      %add3A_141 = arith.constant 0 : i32
      %add3A_142 = arith.addi %mul3A_140, %add3A_141 : i32
      %get3A = arith.index_cast %add3A_142 : i32 to index
      %get3A_143 = arith.constant 0 : index
      %get3A_144 = tpu.vector_load %arg8[%get3A, %get3A_143] {strides = array<i32>} : memref<128x128xf32, #tpu.memory_space<vmem>>, vector<16xf32>,
      %get3A_145 = arith.index_cast %add3A_142 : i32 to index
      %get3A_146 = arith.constant 0 : index
      %get3A_147 = tpu.vector_load %arg9[%get3A_145, %get3A_146] {strides = array<i32>} : memref<128x128xf32, #tpu.memory_space<vmem>>, vector<16xf32>,
      %mul3A_148 = arith.mulf %get3A_144, %get3A_147 : vector<16xf32>
      %get3A_149 = arith.index_cast %add3A_142 : i32 to index
      %get3A_150 = arith.constant 16 : index
      %get3A_151 = tpu.vector_load %arg8[%get3A_149, %get3A_150] {strides = array<i32>} : memref<128x128xf32, #tpu.memory_space<vmem>>, vector<16xf32>,
      %get3A_152 = arith.index_cast %add3A_142 : i32 to index
      %get3A_153 = arith.constant 16 : index
      %get3A_154 = tpu.vector_load %arg9[%get3A_152, %get3A_153] {strides = array<i32>} : memref<128x128xf32, #tpu.memory_space<vmem>>, vector<16xf32>,
      %mul3A_155 = arith.mulf %get3A_151, %get3A_154 : vector<16xf32>
      %add3A_156 = arith.addf %mul3A_148, %mul3A_155 : vector<16xf32>
      %get3A_157 = arith.index_cast %add3A_142 : i32 to index
      %get3A_158 = arith.constant 32 : index
      %get3A_159 = tpu.vector_load %arg8[%get3A_157, %get3A_158] {strides = array<i32>} : memref<128x128xf32, #tpu.memory_space<vmem>>, vector<16xf32>,
      %get3A_160 = arith.index_cast %add3A_142 : i32 to index
      %get3A_161 = arith.constant 32 : index
      %get3A_162 = tpu.vector_load %arg9[%get3A_160, %get3A_161] {strides = array<i32>} : memref<128x128xf32, #tpu.memory_space<vmem>>, vector<16xf32>,
      %mul3A_163 = arith.mulf %get3A_159, %get3A_162 : vector<16xf32>
      %add3A_164 = arith.addf %add3A_156, %mul3A_163 : vector<16xf32>
      %get3A_165 = arith.index_cast %add3A_142 : i32 to index
      %get3A_166 = arith.constant 48 : index
      %get3A_167 = tpu.vector_load %arg8[%get3A_165, %get3A_166] {strides = array<i32>} : memref<128x128xf32, #tpu.memory_space<vmem>>, vector<16xf32>,
      %get3A_168 = arith.index_cast %add3A_142 : i32 to index
      %get3A_169 = arith.constant 48 : index
      %get3A_170 = tpu.vector_load %arg9[%get3A_168, %get3A_169] {strides = array<i32>} : memref<128x128xf32, #tpu.memory_space<vmem>>, vector<16xf32>,
      %mul3A_171 = arith.mulf %get3A_167, %get3A_170 : vector<16xf32>
      %add3A_172 = arith.addf %add3A_164, %mul3A_171 : vector<16xf32>
      %get3A_173 = arith.index_cast %add3A_142 : i32 to index
      %get3A_174 = arith.constant 64 : index
      %get3A_175 = tpu.vector_load %arg8[%get3A_173, %get3A_174] {strides = array<i32>} : memref<128x128xf32, #tpu.memory_space<vmem>>, vector<16xf32>,
      %get3A_176 = arith.index_cast %add3A_142 : i32 to index
      %get3A_177 = arith.constant 64 : index
      %get3A_178 = tpu.vector_load %arg9[%get3A_176, %get3A_177] {strides = array<i32>} : memref<128x128xf32, #tpu.memory_space<vmem>>, vector<16xf32>,
      %mul3A_179 = arith.mulf %get3A_175, %get3A_178 : vector<16xf32>
      %add3A_180 = arith.addf %add3A_172, %mul3A_179 : vector<16xf32>
      %get3A_181 = arith.index_cast %add3A_142 : i32 to index
      %get3A_182 = arith.constant 80 : index
      %get3A_183 = tpu.vector_load %arg8[%get3A_181, %get3A_182] {strides = array<i32>} : memref<128x128xf32, #tpu.memory_space<vmem>>, vector<16xf32>,
      %get3A_184 = arith.index_cast %add3A_142 : i32 to index
      %get3A_185 = arith.constant 80 : index
      %get3A_186 = tpu.vector_load %arg9[%get3A_184, %get3A_185] {strides = array<i32>} : memref<128x128xf32, #tpu.memory_space<vmem>>, vector<16xf32>,
      %mul3A_187 = arith.mulf %get3A_183, %get3A_186 : vector<16xf32>
      %add3A_188 = arith.addf %add3A_180, %mul3A_187 : vector<16xf32>
      %get3A_189 = arith.index_cast %add3A_142 : i32 to index
      %get3A_190 = arith.constant 96 : index
      %get3A_191 = tpu.vector_load %arg8[%get3A_189, %get3A_190] {strides = array<i32>} : memref<128x128xf32, #tpu.memory_space<vmem>>, vector<16xf32>,
      %get3A_192 = arith.index_cast %add3A_142 : i32 to index
      %get3A_193 = arith.constant 96 : index
      %get3A_194 = tpu.vector_load %arg9[%get3A_192, %get3A_193] {strides = array<i32>} : memref<128x128xf32, #tpu.memory_space<vmem>>, vector<16xf32>,
      %mul3A_195 = arith.mulf %get3A_191, %get3A_194 : vector<16xf32>
      %add3A_196 = arith.addf %add3A_188, %mul3A_195 : vector<16xf32>
      %get3A_197 = arith.index_cast %add3A_142 : i32 to index
      %get3A_198 = arith.constant 112 : index
      %get3A_199 = tpu.vector_load %arg8[%get3A_197, %get3A_198] {strides = array<i32>} : memref<128x128xf32, #tpu.memory_space<vmem>>, vector<16xf32>,
      %get3A_200 = arith.index_cast %add3A_142 : i32 to index
      %get3A_201 = arith.constant 112 : index
      %get3A_202 = tpu.vector_load %arg9[%get3A_200, %get3A_201] {strides = array<i32>} : memref<128x128xf32, #tpu.memory_space<vmem>>, vector<16xf32>,
      %mul3A_203 = arith.mulf %get3A_199, %get3A_202 : vector<16xf32>
      %add3A_204 = arith.addf %add3A_196, %mul3A_203 : vector<16xf32>
      %broadcast_in_dim3A = arith.constant 0 : i32
      %broadcast_in_dim3A_205 = vector.broadcast %broadcast_in_dim3A : i32 to vector<16xi32>
      tpu.vector_store_idx %arg12[%iota3A, %broadcast_in_dim3A_205], %add3A_204 : memref<16x16xf32, #tpu.memory_space<vmem>>[vector<16xi32>, vector<16xi32>], vector<16xf32>,
      %add3A_206 = arith.constant 1 : i32
      %add3A_207 = arith.addi %mul3A_140, %add3A_206 : i32
      %get3A_208 = arith.index_cast %add3A_207 : i32 to index
      %get3A_209 = arith.constant 0 : index
      %get3A_210 = tpu.vector_load %arg8[%get3A_208, %get3A_209] {strides = array<i32>} : memref<128x128xf32, #tpu.memory_space<vmem>>, vector<16xf32>,
      %get3A_211 = arith.index_cast %add3A_207 : i32 to index
      %get3A_212 = arith.constant 0 : index
      %get3A_213 = tpu.vector_load %arg9[%get3A_211, %get3A_212] {strides = array<i32>} : memref<128x128xf32, #tpu.memory_space<vmem>>, vector<16xf32>,
      %mul3A_214 = arith.mulf %get3A_210, %get3A_213 : vector<16xf32>
      %get3A_215 = arith.index_cast %add3A_207 : i32 to index
      %get3A_216 = arith.constant 16 : index
      %get3A_217 = tpu.vector_load %arg8[%get3A_215, %get3A_216] {strides = array<i32>} : memref<128x128xf32, #tpu.memory_space<vmem>>, vector<16xf32>,
      %get3A_218 = arith.index_cast %add3A_207 : i32 to index
      %get3A_219 = arith.constant 16 : index
      %get3A_220 = tpu.vector_load %arg9[%get3A_218, %get3A_219] {strides = array<i32>} : memref<128x128xf32, #tpu.memory_space<vmem>>, vector<16xf32>,
      %mul3A_221 = arith.mulf %get3A_217, %get3A_220 : vector<16xf32>
      %add3A_222 = arith.addf %mul3A_214, %mul3A_221 : vector<16xf32>
      %get3A_223 = arith.index_cast %add3A_207 : i32 to index
      %get3A_224 = arith.constant 32 : index
      %get3A_225 = tpu.vector_load %arg8[%get3A_223, %get3A_224] {strides = array<i32>} : memref<128x128xf32, #tpu.memory_space<vmem>>, vector<16xf32>,
      %get3A_226 = arith.index_cast %add3A_207 : i32 to index
      %get3A_227 = arith.constant 32 : index
      %get3A_228 = tpu.vector_load %arg9[%get3A_226, %get3A_227] {strides = array<i32>} : memref<128x128xf32, #tpu.memory_space<vmem>>, vector<16xf32>,
      %mul3A_229 = arith.mulf %get3A_225, %get3A_228 : vector<16xf32>
      %add3A_230 = arith.addf %add3A_222, %mul3A_229 : vector<16xf32>
      %get3A_231 = arith.index_cast %add3A_207 : i32 to index
      %get3A_232 = arith.constant 48 : index
      %get3A_233 = tpu.vector_load %arg8[%get3A_231, %get3A_232] {strides = array<i32>} : memref<128x128xf32, #tpu.memory_space<vmem>>, vector<16xf32>,
      %get3A_234 = arith.index_cast %add3A_207 : i32 to index
      %get3A_235 = arith.constant 48 : index
      %get3A_236 = tpu.vector_load %arg9[%get3A_234, %get3A_235] {strides = array<i32>} : memref<128x128xf32, #tpu.memory_space<vmem>>, vector<16xf32>,
      %mul3A_237 = arith.mulf %get3A_233, %get3A_236 : vector<16xf32>
      %add3A_238 = arith.addf %add3A_230, %mul3A_237 : vector<16xf32>
      %get3A_239 = arith.index_cast %add3A_207 : i32 to index
      %get3A_240 = arith.constant 64 : index
      %get3A_241 = tpu.vector_load %arg8[%get3A_239, %get3A_240] {strides = array<i32>} : memref<128x128xf32, #tpu.memory_space<vmem>>, vector<16xf32>,
      %get3A_242 = arith.index_cast %add3A_207 : i32 to index
      %get3A_243 = arith.constant 64 : index
      %get3A_244 = tpu.vector_load %arg9[%get3A_242, %get3A_243] {strides = array<i32>} : memref<128x128xf32, #tpu.memory_space<vmem>>, vector<16xf32>,
      %mul3A_245 = arith.mulf %get3A_241, %get3A_244 : vector<16xf32>
      %add3A_246 = arith.addf %add3A_238, %mul3A_245 : vector<16xf32>
      %get3A_247 = arith.index_cast %add3A_207 : i32 to index
      %get3A_248 = arith.constant 80 : index
      %get3A_249 = tpu.vector_load %arg8[%get3A_247, %get3A_248] {strides = array<i32>} : memref<128x128xf32, #tpu.memory_space<vmem>>, vector<16xf32>,
      %get3A_250 = arith.index_cast %add3A_207 : i32 to index
      %get3A_251 = arith.constant 80 : index
      %get3A_252 = tpu.vector_load %arg9[%get3A_250, %get3A_251] {strides = array<i32>} : memref<128x128xf32, #tpu.memory_space<vmem>>, vector<16xf32>,
      %mul3A_253 = arith.mulf %get3A_249, %get3A_252 : vector<16xf32>
      %add3A_254 = arith.addf %add3A_246, %mul3A_253 : vector<16xf32>
      %get3A_255 = arith.index_cast %add3A_207 : i32 to index
      %get3A_256 = arith.constant 96 : index
      %get3A_257 = tpu.vector_load %arg8[%get3A_255, %get3A_256] {strides = array<i32>} : memref<128x128xf32, #tpu.memory_space<vmem>>, vector<16xf32>,
      %get3A_258 = arith.index_cast %add3A_207 : i32 to index
      %get3A_259 = arith.constant 96 : index
      %get3A_260 = tpu.vector_load %arg9[%get3A_258, %get3A_259] {strides = array<i32>} : memref<128x128xf32, #tpu.memory_space<vmem>>, vector<16xf32>,
      %mul3A_261 = arith.mulf %get3A_257, %get3A_260 : vector<16xf32>
      %add3A_262 = arith.addf %add3A_254, %mul3A_261 : vector<16xf32>
      %get3A_263 = arith.index_cast %add3A_207 : i32 to index
      %get3A_264 = arith.constant 112 : index
      %get3A_265 = tpu.vector_load %arg8[%get3A_263, %get3A_264] {strides = array<i32>} : memref<128x128xf32, #tpu.memory_space<vmem>>, vector<16xf32>,
      %get3A_266 = arith.index_cast %add3A_207 : i32 to index
      %get3A_267 = arith.constant 112 : index
      %get3A_268 = tpu.vector_load %arg9[%get3A_266, %get3A_267] {strides = array<i32>} : memref<128x128xf32, #tpu.memory_space<vmem>>, vector<16xf32>,
      %mul3A_269 = arith.mulf %get3A_265, %get3A_268 : vector<16xf32>
      %add3A_270 = arith.addf %add3A_262, %mul3A_269 : vector<16xf32>
      %broadcast_in_dim3A_271 = arith.constant 1 : i32
      %broadcast_in_dim3A_272 = vector.broadcast %broadcast_in_dim3A_271 : i32 to vector<16xi32>
      tpu.vector_store_idx %arg12[%iota3A, %broadcast_in_dim3A_272], %add3A_270 : memref<16x16xf32, #tpu.memory_space<vmem>>[vector<16xi32>, vector<16xi32>], vector<16xf32>,
      %add3A_273 = arith.constant 2 : i32
      %add3A_274 = arith.addi %mul3A_140, %add3A_273 : i32
      %get3A_275 = arith.index_cast %add3A_274 : i32 to index
      %get3A_276 = arith.constant 0 : index
      %get3A_277 = tpu.vector_load %arg8[%get3A_275, %get3A_276] {strides = array<i32>} : memref<128x128xf32, #tpu.memory_space<vmem>>, vector<16xf32>,
      %get3A_278 = arith.index_cast %add3A_274 : i32 to index
      %get3A_279 = arith.constant 0 : index
      %get3A_280 = tpu.vector_load %arg9[%get3A_278, %get3A_279] {strides = array<i32>} : memref<128x128xf32, #tpu.memory_space<vmem>>, vector<16xf32>,
      %mul3A_281 = arith.mulf %get3A_277, %get3A_280 : vector<16xf32>
      %get3A_282 = arith.index_cast %add3A_274 : i32 to index
      %get3A_283 = arith.constant 16 : index
      %get3A_284 = tpu.vector_load %arg8[%get3A_282, %get3A_283] {strides = array<i32>} : memref<128x128xf32, #tpu.memory_space<vmem>>, vector<16xf32>,
      %get3A_285 = arith.index_cast %add3A_274 : i32 to index
      %get3A_286 = arith.constant 16 : index
      %get3A_287 = tpu.vector_load %arg9[%get3A_285, %get3A_286] {strides = array<i32>} : memref<128x128xf32, #tpu.memory_space<vmem>>, vector<16xf32>,
      %mul3A_288 = arith.mulf %get3A_284, %get3A_287 : vector<16xf32>
      %add3A_289 = arith.addf %mul3A_281, %mul3A_288 : vector<16xf32>
      %get3A_290 = arith.index_cast %add3A_274 : i32 to index
      %get3A_291 = arith.constant 32 : index
      %get3A_292 = tpu.vector_load %arg8[%get3A_290, %get3A_291] {strides = array<i32>} : memref<128x128xf32, #tpu.memory_space<vmem>>, vector<16xf32>,
      %get3A_293 = arith.index_cast %add3A_274 : i32 to index
      %get3A_294 = arith.constant 32 : index
      %get3A_295 = tpu.vector_load %arg9[%get3A_293, %get3A_294] {strides = array<i32>} : memref<128x128xf32, #tpu.memory_space<vmem>>, vector<16xf32>,
      %mul3A_296 = arith.mulf %get3A_292, %get3A_295 : vector<16xf32>
      %add3A_297 = arith.addf %add3A_289, %mul3A_296 : vector<16xf32>
      %get3A_298 = arith.index_cast %add3A_274 : i32 to index
      %get3A_299 = arith.constant 48 : index
      %get3A_300 = tpu.vector_load %arg8[%get3A_298, %get3A_299] {strides = array<i32>} : memref<128x128xf32, #tpu.memory_space<vmem>>, vector<16xf32>,
      %get3A_301 = arith.index_cast %add3A_274 : i32 to index
      %get3A_302 = arith.constant 48 : index
      %get3A_303 = tpu.vector_load %arg9[%get3A_301, %get3A_302] {strides = array<i32>} : memref<128x128xf32, #tpu.memory_space<vmem>>, vector<16xf32>,
      %mul3A_304 = arith.mulf %get3A_300, %get3A_303 : vector<16xf32>
      %add3A_305 = arith.addf %add3A_297, %mul3A_304 : vector<16xf32>
      %get3A_306 = arith.index_cast %add3A_274 : i32 to index
      %get3A_307 = arith.constant 64 : index
      %get3A_308 = tpu.vector_load %arg8[%get3A_306, %get3A_307] {strides = array<i32>} : memref<128x128xf32, #tpu.memory_space<vmem>>, vector<16xf32>,
      %get3A_309 = arith.index_cast %add3A_274 : i32 to index
      %get3A_310 = arith.constant 64 : index
      %get3A_311 = tpu.vector_load %arg9[%get3A_309, %get3A_310] {strides = array<i32>} : memref<128x128xf32, #tpu.memory_space<vmem>>, vector<16xf32>,
      %mul3A_312 = arith.mulf %get3A_308, %get3A_311 : vector<16xf32>
      %add3A_313 = arith.addf %add3A_305, %mul3A_312 : vector<16xf32>
      %get3A_314 = arith.index_cast %add3A_274 : i32 to index
      %get3A_315 = arith.constant 80 : index
      %get3A_316 = tpu.vector_load %arg8[%get3A_314, %get3A_315] {strides = array<i32>} : memref<128x128xf32, #tpu.memory_space<vmem>>, vector<16xf32>,
      %get3A_317 = arith.index_cast %add3A_274 : i32 to index
      %get3A_318 = arith.constant 80 : index
      %get3A_319 = tpu.vector_load %arg9[%get3A_317, %get3A_318] {strides = array<i32>} : memref<128x128xf32, #tpu.memory_space<vmem>>, vector<16xf32>,
      %mul3A_320 = arith.mulf %get3A_316, %get3A_319 : vector<16xf32>
      %add3A_321 = arith.addf %add3A_313, %mul3A_320 : vector<16xf32>
      %get3A_322 = arith.index_cast %add3A_274 : i32 to index
      %get3A_323 = arith.constant 96 : index
      %get3A_324 = tpu.vector_load %arg8[%get3A_322, %get3A_323] {strides = array<i32>} : memref<128x128xf32, #tpu.memory_space<vmem>>, vector<16xf32>,
      %get3A_325 = arith.index_cast %add3A_274 : i32 to index
      %get3A_326 = arith.constant 96 : index
      %get3A_327 = tpu.vector_load %arg9[%get3A_325, %get3A_326] {strides = array<i32>} : memref<128x128xf32, #tpu.memory_space<vmem>>, vector<16xf32>,
      %mul3A_328 = arith.mulf %get3A_324, %get3A_327 : vector<16xf32>
      %add3A_329 = arith.addf %add3A_321, %mul3A_328 : vector<16xf32>
      %get3A_330 = arith.index_cast %add3A_274 : i32 to index
      %get3A_331 = arith.constant 112 : index
      %get3A_332 = tpu.vector_load %arg8[%get3A_330, %get3A_331] {strides = array<i32>} : memref<128x128xf32, #tpu.memory_space<vmem>>, vector<16xf32>,
      %get3A_333 = arith.index_cast %add3A_274 : i32 to index
      %get3A_334 = arith.constant 112 : index
      %get3A_335 = tpu.vector_load %arg9[%get3A_333, %get3A_334] {strides = array<i32>} : memref<128x128xf32, #tpu.memory_space<vmem>>, vector<16xf32>,
      %mul3A_336 = arith.mulf %get3A_332, %get3A_335 : vector<16xf32>
      %add3A_337 = arith.addf %add3A_329, %mul3A_336 : vector<16xf32>
      %broadcast_in_dim3A_338 = arith.constant 2 : i32
      %broadcast_in_dim3A_339 = vector.broadcast %broadcast_in_dim3A_338 : i32 to vector<16xi32>
      tpu.vector_store_idx %arg12[%iota3A, %broadcast_in_dim3A_339], %add3A_337 : memref<16x16xf32, #tpu.memory_space<vmem>>[vector<16xi32>, vector<16xi32>], vector<16xf32>,
      %add3A_340 = arith.constant 3 : i32
      %add3A_341 = arith.addi %mul3A_140, %add3A_340 : i32
      %get3A_342 = arith.index_cast %add3A_341 : i32 to index
      %get3A_343 = arith.constant 0 : index
      %get3A_344 = tpu.vector_load %arg8[%get3A_342, %get3A_343] {strides = array<i32>} : memref<128x128xf32, #tpu.memory_space<vmem>>, vector<16xf32>,
      %get3A_345 = arith.index_cast %add3A_341 : i32 to index
      %get3A_346 = arith.constant 0 : index
      %get3A_347 = tpu.vector_load %arg9[%get3A_345, %get3A_346] {strides = array<i32>} : memref<128x128xf32, #tpu.memory_space<vmem>>, vector<16xf32>,
      %mul3A_348 = arith.mulf %get3A_344, %get3A_347 : vector<16xf32>
      %get3A_349 = arith.index_cast %add3A_341 : i32 to index
      %get3A_350 = arith.constant 16 : index
      %get3A_351 = tpu.vector_load %arg8[%get3A_349, %get3A_350] {strides = array<i32>} : memref<128x128xf32, #tpu.memory_space<vmem>>, vector<16xf32>,
      %get3A_352 = arith.index_cast %add3A_341 : i32 to index
      %get3A_353 = arith.constant 16 : index
      %get3A_354 = tpu.vector_load %arg9[%get3A_352, %get3A_353] {strides = array<i32>} : memref<128x128xf32, #tpu.memory_space<vmem>>, vector<16xf32>,
      %mul3A_355 = arith.mulf %get3A_351, %get3A_354 : vector<16xf32>
      %add3A_356 = arith.addf %mul3A_348, %mul3A_355 : vector<16xf32>
      %get3A_357 = arith.index_cast %add3A_341 : i32 to index
      %get3A_358 = arith.constant 32 : index
      %get3A_359 = tpu.vector_load %arg8[%get3A_357, %get3A_358] {strides = array<i32>} : memref<128x128xf32, #tpu.memory_space<vmem>>, vector<16xf32>,
      %get3A_360 = arith.index_cast %add3A_341 : i32 to index
      %get3A_361 = arith.constant 32 : index
      %get3A_362 = tpu.vector_load %arg9[%get3A_360, %get3A_361] {strides = array<i32>} : memref<128x128xf32, #tpu.memory_space<vmem>>, vector<16xf32>,
      %mul3A_363 = arith.mulf %get3A_359, %get3A_362 : vector<16xf32>
      %add3A_364 = arith.addf %add3A_356, %mul3A_363 : vector<16xf32>
      %get3A_365 = arith.index_cast %add3A_341 : i32 to index
      %get3A_366 = arith.constant 48 : index
      %get3A_367 = tpu.vector_load %arg8[%get3A_365, %get3A_366] {strides = array<i32>} : memref<128x128xf32, #tpu.memory_space<vmem>>, vector<16xf32>,
      %get3A_368 = arith.index_cast %add3A_341 : i32 to index
      %get3A_369 = arith.constant 48 : index
      %get3A_370 = tpu.vector_load %arg9[%get3A_368, %get3A_369] {strides = array<i32>} : memref<128x128xf32, #tpu.memory_space<vmem>>, vector<16xf32>,
      %mul3A_371 = arith.mulf %get3A_367, %get3A_370 : vector<16xf32>
      %add3A_372 = arith.addf %add3A_364, %mul3A_371 : vector<16xf32>
      %get3A_373 = arith.index_cast %add3A_341 : i32 to index
      %get3A_374 = arith.constant 64 : index
      %get3A_375 = tpu.vector_load %arg8[%get3A_373, %get3A_374] {strides = array<i32>} : memref<128x128xf32, #tpu.memory_space<vmem>>, vector<16xf32>,
      %get3A_376 = arith.index_cast %add3A_341 : i32 to index
      %get3A_377 = arith.constant 64 : index
      %get3A_378 = tpu.vector_load %arg9[%get3A_376, %get3A_377] {strides = array<i32>} : memref<128x128xf32, #tpu.memory_space<vmem>>, vector<16xf32>,
      %mul3A_379 = arith.mulf %get3A_375, %get3A_378 : vector<16xf32>
      %add3A_380 = arith.addf %add3A_372, %mul3A_379 : vector<16xf32>
      %get3A_381 = arith.index_cast %add3A_341 : i32 to index
      %get3A_382 = arith.constant 80 : index
      %get3A_383 = tpu.vector_load %arg8[%get3A_381, %get3A_382] {strides = array<i32>} : memref<128x128xf32, #tpu.memory_space<vmem>>, vector<16xf32>,
      %get3A_384 = arith.index_cast %add3A_341 : i32 to index
      %get3A_385 = arith.constant 80 : index
      %get3A_386 = tpu.vector_load %arg9[%get3A_384, %get3A_385] {strides = array<i32>} : memref<128x128xf32, #tpu.memory_space<vmem>>, vector<16xf32>,
      %mul3A_387 = arith.mulf %get3A_383, %get3A_386 : vector<16xf32>
      %add3A_388 = arith.addf %add3A_380, %mul3A_387 : vector<16xf32>
      %get3A_389 = arith.index_cast %add3A_341 : i32 to index
      %get3A_390 = arith.constant 96 : index
      %get3A_391 = tpu.vector_load %arg8[%get3A_389, %get3A_390] {strides = array<i32>} : memref<128x128xf32, #tpu.memory_space<vmem>>, vector<16xf32>,
      %get3A_392 = arith.index_cast %add3A_341 : i32 to index
      %get3A_393 = arith.constant 96 : index
      %get3A_394 = tpu.vector_load %arg9[%get3A_392, %get3A_393] {strides = array<i32>} : memref<128x128xf32, #tpu.memory_space<vmem>>, vector<16xf32>,
      %mul3A_395 = arith.mulf %get3A_391, %get3A_394 : vector<16xf32>
      %add3A_396 = arith.addf %add3A_388, %mul3A_395 : vector<16xf32>
      %get3A_397 = arith.index_cast %add3A_341 : i32 to index
      %get3A_398 = arith.constant 112 : index
      %get3A_399 = tpu.vector_load %arg8[%get3A_397, %get3A_398] {strides = array<i32>} : memref<128x128xf32, #tpu.memory_space<vmem>>, vector<16xf32>,
      %get3A_400 = arith.index_cast %add3A_341 : i32 to index
      %get3A_401 = arith.constant 112 : index
      %get3A_402 = tpu.vector_load %arg9[%get3A_400, %get3A_401] {strides = array<i32>} : memref<128x128xf32, #tpu.memory_space<vmem>>, vector<16xf32>,
      %mul3A_403 = arith.mulf %get3A_399, %get3A_402 : vector<16xf32>
      %add3A_404 = arith.addf %add3A_396, %mul3A_403 : vector<16xf32>
      %broadcast_in_dim3A_405 = arith.constant 3 : i32
      %broadcast_in_dim3A_406 = vector.broadcast %broadcast_in_dim3A_405 : i32 to vector<16xi32>
      tpu.vector_store_idx %arg12[%iota3A, %broadcast_in_dim3A_406], %add3A_404 : memref<16x16xf32, #tpu.memory_space<vmem>>[vector<16xi32>, vector<16xi32>], vector<16xf32>,
      %add3A_407 = arith.constant 4 : i32
      %add3A_408 = arith.addi %mul3A_140, %add3A_407 : i32
      %get3A_409 = arith.index_cast %add3A_408 : i32 to index
      %get3A_410 = arith.constant 0 : index
      %get3A_411 = tpu.vector_load %arg8[%get3A_409, %get3A_410] {strides = array<i32>} : memref<128x128xf32, #tpu.memory_space<vmem>>, vector<16xf32>,
      %get3A_412 = arith.index_cast %add3A_408 : i32 to index
      %get3A_413 = arith.constant 0 : index
      %get3A_414 = tpu.vector_load %arg9[%get3A_412, %get3A_413] {strides = array<i32>} : memref<128x128xf32, #tpu.memory_space<vmem>>, vector<16xf32>,
      %mul3A_415 = arith.mulf %get3A_411, %get3A_414 : vector<16xf32>
      %get3A_416 = arith.index_cast %add3A_408 : i32 to index
      %get3A_417 = arith.constant 16 : index
      %get3A_418 = tpu.vector_load %arg8[%get3A_416, %get3A_417] {strides = array<i32>} : memref<128x128xf32, #tpu.memory_space<vmem>>, vector<16xf32>,
      %get3A_419 = arith.index_cast %add3A_408 : i32 to index
      %get3A_420 = arith.constant 16 : index
      %get3A_421 = tpu.vector_load %arg9[%get3A_419, %get3A_420] {strides = array<i32>} : memref<128x128xf32, #tpu.memory_space<vmem>>, vector<16xf32>,
      %mul3A_422 = arith.mulf %get3A_418, %get3A_421 : vector<16xf32>
      %add3A_423 = arith.addf %mul3A_415, %mul3A_422 : vector<16xf32>
      %get3A_424 = arith.index_cast %add3A_408 : i32 to index
      %get3A_425 = arith.constant 32 : index
      %get3A_426 = tpu.vector_load %arg8[%get3A_424, %get3A_425] {strides = array<i32>} : memref<128x128xf32, #tpu.memory_space<vmem>>, vector<16xf32>,
      %get3A_427 = arith.index_cast %add3A_408 : i32 to index
      %get3A_428 = arith.constant 32 : index
      %get3A_429 = tpu.vector_load %arg9[%get3A_427, %get3A_428] {strides = array<i32>} : memref<128x128xf32, #tpu.memory_space<vmem>>, vector<16xf32>,
      %mul3A_430 = arith.mulf %get3A_426, %get3A_429 : vector<16xf32>
      %add3A_431 = arith.addf %add3A_423, %mul3A_430 : vector<16xf32>
      %get3A_432 = arith.index_cast %add3A_408 : i32 to index
      %get3A_433 = arith.constant 48 : index
      %get3A_434 = tpu.vector_load %arg8[%get3A_432, %get3A_433] {strides = array<i32>} : memref<128x128xf32, #tpu.memory_space<vmem>>, vector<16xf32>,
      %get3A_435 = arith.index_cast %add3A_408 : i32 to index
      %get3A_436 = arith.constant 48 : index
      %get3A_437 = tpu.vector_load %arg9[%get3A_435, %get3A_436] {strides = array<i32>} : memref<128x128xf32, #tpu.memory_space<vmem>>, vector<16xf32>,
      %mul3A_438 = arith.mulf %get3A_434, %get3A_437 : vector<16xf32>
      %add3A_439 = arith.addf %add3A_431, %mul3A_438 : vector<16xf32>
      %get3A_440 = arith.index_cast %add3A_408 : i32 to index
      %get3A_441 = arith.constant 64 : index
      %get3A_442 = tpu.vector_load %arg8[%get3A_440, %get3A_441] {strides = array<i32>} : memref<128x128xf32, #tpu.memory_space<vmem>>, vector<16xf32>,
      %get3A_443 = arith.index_cast %add3A_408 : i32 to index
      %get3A_444 = arith.constant 64 : index
      %get3A_445 = tpu.vector_load %arg9[%get3A_443, %get3A_444] {strides = array<i32>} : memref<128x128xf32, #tpu.memory_space<vmem>>, vector<16xf32>,
      %mul3A_446 = arith.mulf %get3A_442, %get3A_445 : vector<16xf32>
      %add3A_447 = arith.addf %add3A_439, %mul3A_446 : vector<16xf32>
      %get3A_448 = arith.index_cast %add3A_408 : i32 to index
      %get3A_449 = arith.constant 80 : index
      %get3A_450 = tpu.vector_load %arg8[%get3A_448, %get3A_449] {strides = array<i32>} : memref<128x128xf32, #tpu.memory_space<vmem>>, vector<16xf32>,
      %get3A_451 = arith.index_cast %add3A_408 : i32 to index
      %get3A_452 = arith.constant 80 : index
      %get3A_453 = tpu.vector_load %arg9[%get3A_451, %get3A_452] {strides = array<i32>} : memref<128x128xf32, #tpu.memory_space<vmem>>, vector<16xf32>,
      %mul3A_454 = arith.mulf %get3A_450, %get3A_453 : vector<16xf32>
      %add3A_455 = arith.addf %add3A_447, %mul3A_454 : vector<16xf32>
      %get3A_456 = arith.index_cast %add3A_408 : i32 to index
      %get3A_457 = arith.constant 96 : index
      %get3A_458 = tpu.vector_load %arg8[%get3A_456, %get3A_457] {strides = array<i32>} : memref<128x128xf32, #tpu.memory_space<vmem>>, vector<16xf32>,
      %get3A_459 = arith.index_cast %add3A_408 : i32 to index
      %get3A_460 = arith.constant 96 : index
      %get3A_461 = tpu.vector_load %arg9[%get3A_459, %get3A_460] {strides = array<i32>} : memref<128x128xf32, #tpu.memory_space<vmem>>, vector<16xf32>,
      %mul3A_462 = arith.mulf %get3A_458, %get3A_461 : vector<16xf32>
      %add3A_463 = arith.addf %add3A_455, %mul3A_462 : vector<16xf32>
      %get3A_464 = arith.index_cast %add3A_408 : i32 to index
      %get3A_465 = arith.constant 112 : index
      %get3A_466 = tpu.vector_load %arg8[%get3A_464, %get3A_465] {strides = array<i32>} : memref<128x128xf32, #tpu.memory_space<vmem>>, vector<16xf32>,
      %get3A_467 = arith.index_cast %add3A_408 : i32 to index
      %get3A_468 = arith.constant 112 : index
      %get3A_469 = tpu.vector_load %arg9[%get3A_467, %get3A_468] {strides = array<i32>} : memref<128x128xf32, #tpu.memory_space<vmem>>, vector<16xf32>,
      %mul3A_470 = arith.mulf %get3A_466, %get3A_469 : vector<16xf32>
      %add3A_471 = arith.addf %add3A_463, %mul3A_470 : vector<16xf32>
      %broadcast_in_dim3A_472 = arith.constant 4 : i32
      %broadcast_in_dim3A_473 = vector.broadcast %broadcast_in_dim3A_472 : i32 to vector<16xi32>
      tpu.vector_store_idx %arg12[%iota3A, %broadcast_in_dim3A_473], %add3A_471 : memref<16x16xf32, #tpu.memory_space<vmem>>[vector<16xi32>, vector<16xi32>], vector<16xf32>,
      %add3A_474 = arith.constant 5 : i32
      %add3A_475 = arith.addi %mul3A_140, %add3A_474 : i32
      %get3A_476 = arith.index_cast %add3A_475 : i32 to index
      %get3A_477 = arith.constant 0 : index
      %get3A_478 = tpu.vector_load %arg8[%get3A_476, %get3A_477] {strides = array<i32>} : memref<128x128xf32, #tpu.memory_space<vmem>>, vector<16xf32>,
      %get3A_479 = arith.index_cast %add3A_475 : i32 to index
      %get3A_480 = arith.constant 0 : index
      %get3A_481 = tpu.vector_load %arg9[%get3A_479, %get3A_480] {strides = array<i32>} : memref<128x128xf32, #tpu.memory_space<vmem>>, vector<16xf32>,
      %mul3A_482 = arith.mulf %get3A_478, %get3A_481 : vector<16xf32>
      %get3A_483 = arith.index_cast %add3A_475 : i32 to index
      %get3A_484 = arith.constant 16 : index
      %get3A_485 = tpu.vector_load %arg8[%get3A_483, %get3A_484] {strides = array<i32>} : memref<128x128xf32, #tpu.memory_space<vmem>>, vector<16xf32>,
      %get3A_486 = arith.index_cast %add3A_475 : i32 to index
      %get3A_487 = arith.constant 16 : index
      %get3A_488 = tpu.vector_load %arg9[%get3A_486, %get3A_487] {strides = array<i32>} : memref<128x128xf32, #tpu.memory_space<vmem>>, vector<16xf32>,
      %mul3A_489 = arith.mulf %get3A_485, %get3A_488 : vector<16xf32>
      %add3A_490 = arith.addf %mul3A_482, %mul3A_489 : vector<16xf32>
      %get3A_491 = arith.index_cast %add3A_475 : i32 to index
      %get3A_492 = arith.constant 32 : index
      %get3A_493 = tpu.vector_load %arg8[%get3A_491, %get3A_492] {strides = array<i32>} : memref<128x128xf32, #tpu.memory_space<vmem>>, vector<16xf32>,
      %get3A_494 = arith.index_cast %add3A_475 : i32 to index
      %get3A_495 = arith.constant 32 : index
      %get3A_496 = tpu.vector_load %arg9[%get3A_494, %get3A_495] {strides = array<i32>} : memref<128x128xf32, #tpu.memory_space<vmem>>, vector<16xf32>,
      %mul3A_497 = arith.mulf %get3A_493, %get3A_496 : vector<16xf32>
      %add3A_498 = arith.addf %add3A_490, %mul3A_497 : vector<16xf32>
      %get3A_499 = arith.index_cast %add3A_475 : i32 to index
      %get3A_500 = arith.constant 48 : index
      %get3A_501 = tpu.vector_load %arg8[%get3A_499, %get3A_500] {strides = array<i32>} : memref<128x128xf32, #tpu.memory_space<vmem>>, vector<16xf32>,
      %get3A_502 = arith.index_cast %add3A_475 : i32 to index
      %get3A_503 = arith.constant 48 : index
      %get3A_504 = tpu.vector_load %arg9[%get3A_502, %get3A_503] {strides = array<i32>} : memref<128x128xf32, #tpu.memory_space<vmem>>, vector<16xf32>,
      %mul3A_505 = arith.mulf %get3A_501, %get3A_504 : vector<16xf32>
      %add3A_506 = arith.addf %add3A_498, %mul3A_505 : vector<16xf32>
      %get3A_507 = arith.index_cast %add3A_475 : i32 to index
      %get3A_508 = arith.constant 64 : index
      %get3A_509 = tpu.vector_load %arg8[%get3A_507, %get3A_508] {strides = array<i32>} : memref<128x128xf32, #tpu.memory_space<vmem>>, vector<16xf32>,
      %get3A_510 = arith.index_cast %add3A_475 : i32 to index
      %get3A_511 = arith.constant 64 : index
      %get3A_512 = tpu.vector_load %arg9[%get3A_510, %get3A_511] {strides = array<i32>} : memref<128x128xf32, #tpu.memory_space<vmem>>, vector<16xf32>,
      %mul3A_513 = arith.mulf %get3A_509, %get3A_512 : vector<16xf32>
      %add3A_514 = arith.addf %add3A_506, %mul3A_513 : vector<16xf32>
      %get3A_515 = arith.index_cast %add3A_475 : i32 to index
      %get3A_516 = arith.constant 80 : index
      %get3A_517 = tpu.vector_load %arg8[%get3A_515, %get3A_516] {strides = array<i32>} : memref<128x128xf32, #tpu.memory_space<vmem>>, vector<16xf32>,
      %get3A_518 = arith.index_cast %add3A_475 : i32 to index
      %get3A_519 = arith.constant 80 : index
      %get3A_520 = tpu.vector_load %arg9[%get3A_518, %get3A_519] {strides = array<i32>} : memref<128x128xf32, #tpu.memory_space<vmem>>, vector<16xf32>,
      %mul3A_521 = arith.mulf %get3A_517, %get3A_520 : vector<16xf32>
      %add3A_522 = arith.addf %add3A_514, %mul3A_521 : vector<16xf32>
      %get3A_523 = arith.index_cast %add3A_475 : i32 to index
      %get3A_524 = arith.constant 96 : index
      %get3A_525 = tpu.vector_load %arg8[%get3A_523, %get3A_524] {strides = array<i32>} : memref<128x128xf32, #tpu.memory_space<vmem>>, vector<16xf32>,
      %get3A_526 = arith.index_cast %add3A_475 : i32 to index
      %get3A_527 = arith.constant 96 : index
      %get3A_528 = tpu.vector_load %arg9[%get3A_526, %get3A_527] {strides = array<i32>} : memref<128x128xf32, #tpu.memory_space<vmem>>, vector<16xf32>,
      %mul3A_529 = arith.mulf %get3A_525, %get3A_528 : vector<16xf32>
      %add3A_530 = arith.addf %add3A_522, %mul3A_529 : vector<16xf32>
      %get3A_531 = arith.index_cast %add3A_475 : i32 to index
      %get3A_532 = arith.constant 112 : index
      %get3A_533 = tpu.vector_load %arg8[%get3A_531, %get3A_532] {strides = array<i32>} : memref<128x128xf32, #tpu.memory_space<vmem>>, vector<16xf32>,
      %get3A_534 = arith.index_cast %add3A_475 : i32 to index
      %get3A_535 = arith.constant 112 : index
      %get3A_536 = tpu.vector_load %arg9[%get3A_534, %get3A_535] {strides = array<i32>} : memref<128x128xf32, #tpu.memory_space<vmem>>, vector<16xf32>,
      %mul3A_537 = arith.mulf %get3A_533, %get3A_536 : vector<16xf32>
      %add3A_538 = arith.addf %add3A_530, %mul3A_537 : vector<16xf32>
      %broadcast_in_dim3A_539 = arith.constant 5 : i32
      %broadcast_in_dim3A_540 = vector.broadcast %broadcast_in_dim3A_539 : i32 to vector<16xi32>
      tpu.vector_store_idx %arg12[%iota3A, %broadcast_in_dim3A_540], %add3A_538 : memref<16x16xf32, #tpu.memory_space<vmem>>[vector<16xi32>, vector<16xi32>], vector<16xf32>,
      %add3A_541 = arith.constant 6 : i32
      %add3A_542 = arith.addi %mul3A_140, %add3A_541 : i32
      %get3A_543 = arith.index_cast %add3A_542 : i32 to index
      %get3A_544 = arith.constant 0 : index
      %get3A_545 = tpu.vector_load %arg8[%get3A_543, %get3A_544] {strides = array<i32>} : memref<128x128xf32, #tpu.memory_space<vmem>>, vector<16xf32>,
      %get3A_546 = arith.index_cast %add3A_542 : i32 to index
      %get3A_547 = arith.constant 0 : index
      %get3A_548 = tpu.vector_load %arg9[%get3A_546, %get3A_547] {strides = array<i32>} : memref<128x128xf32, #tpu.memory_space<vmem>>, vector<16xf32>,
      %mul3A_549 = arith.mulf %get3A_545, %get3A_548 : vector<16xf32>
      %get3A_550 = arith.index_cast %add3A_542 : i32 to index
      %get3A_551 = arith.constant 16 : index
      %get3A_552 = tpu.vector_load %arg8[%get3A_550, %get3A_551] {strides = array<i32>} : memref<128x128xf32, #tpu.memory_space<vmem>>, vector<16xf32>,
      %get3A_553 = arith.index_cast %add3A_542 : i32 to index
      %get3A_554 = arith.constant 16 : index
      %get3A_555 = tpu.vector_load %arg9[%get3A_553, %get3A_554] {strides = array<i32>} : memref<128x128xf32, #tpu.memory_space<vmem>>, vector<16xf32>,
      %mul3A_556 = arith.mulf %get3A_552, %get3A_555 : vector<16xf32>
      %add3A_557 = arith.addf %mul3A_549, %mul3A_556 : vector<16xf32>
      %get3A_558 = arith.index_cast %add3A_542 : i32 to index
      %get3A_559 = arith.constant 32 : index
      %get3A_560 = tpu.vector_load %arg8[%get3A_558, %get3A_559] {strides = array<i32>} : memref<128x128xf32, #tpu.memory_space<vmem>>, vector<16xf32>,
      %get3A_561 = arith.index_cast %add3A_542 : i32 to index
      %get3A_562 = arith.constant 32 : index
      %get3A_563 = tpu.vector_load %arg9[%get3A_561, %get3A_562] {strides = array<i32>} : memref<128x128xf32, #tpu.memory_space<vmem>>, vector<16xf32>,
      %mul3A_564 = arith.mulf %get3A_560, %get3A_563 : vector<16xf32>
      %add3A_565 = arith.addf %add3A_557, %mul3A_564 : vector<16xf32>
      %get3A_566 = arith.index_cast %add3A_542 : i32 to index
      %get3A_567 = arith.constant 48 : index
      %get3A_568 = tpu.vector_load %arg8[%get3A_566, %get3A_567] {strides = array<i32>} : memref<128x128xf32, #tpu.memory_space<vmem>>, vector<16xf32>,
      %get3A_569 = arith.index_cast %add3A_542 : i32 to index
      %get3A_570 = arith.constant 48 : index
      %get3A_571 = tpu.vector_load %arg9[%get3A_569, %get3A_570] {strides = array<i32>} : memref<128x128xf32, #tpu.memory_space<vmem>>, vector<16xf32>,
      %mul3A_572 = arith.mulf %get3A_568, %get3A_571 : vector<16xf32>
      %add3A_573 = arith.addf %add3A_565, %mul3A_572 : vector<16xf32>
      %get3A_574 = arith.index_cast %add3A_542 : i32 to index
      %get3A_575 = arith.constant 64 : index
      %get3A_576 = tpu.vector_load %arg8[%get3A_574, %get3A_575] {strides = array<i32>} : memref<128x128xf32, #tpu.memory_space<vmem>>, vector<16xf32>,
      %get3A_577 = arith.index_cast %add3A_542 : i32 to index
      %get3A_578 = arith.constant 64 : index
      %get3A_579 = tpu.vector_load %arg9[%get3A_577, %get3A_578] {strides = array<i32>} : memref<128x128xf32, #tpu.memory_space<vmem>>, vector<16xf32>,
      %mul3A_580 = arith.mulf %get3A_576, %get3A_579 : vector<16xf32>
      %add3A_581 = arith.addf %add3A_573, %mul3A_580 : vector<16xf32>
      %get3A_582 = arith.index_cast %add3A_542 : i32 to index
      %get3A_583 = arith.constant 80 : index
      %get3A_584 = tpu.vector_load %arg8[%get3A_582, %get3A_583] {strides = array<i32>} : memref<128x128xf32, #tpu.memory_space<vmem>>, vector<16xf32>,
      %get3A_585 = arith.index_cast %add3A_542 : i32 to index
      %get3A_586 = arith.constant 80 : index
      %get3A_587 = tpu.vector_load %arg9[%get3A_585, %get3A_586] {strides = array<i32>} : memref<128x128xf32, #tpu.memory_space<vmem>>, vector<16xf32>,
      %mul3A_588 = arith.mulf %get3A_584, %get3A_587 : vector<16xf32>
      %add3A_589 = arith.addf %add3A_581, %mul3A_588 : vector<16xf32>
      %get3A_590 = arith.index_cast %add3A_542 : i32 to index
      %get3A_591 = arith.constant 96 : index
      %get3A_592 = tpu.vector_load %arg8[%get3A_590, %get3A_591] {strides = array<i32>} : memref<128x128xf32, #tpu.memory_space<vmem>>, vector<16xf32>,
      %get3A_593 = arith.index_cast %add3A_542 : i32 to index
      %get3A_594 = arith.constant 96 : index
      %get3A_595 = tpu.vector_load %arg9[%get3A_593, %get3A_594] {strides = array<i32>} : memref<128x128xf32, #tpu.memory_space<vmem>>, vector<16xf32>,
      %mul3A_596 = arith.mulf %get3A_592, %get3A_595 : vector<16xf32>
      %add3A_597 = arith.addf %add3A_589, %mul3A_596 : vector<16xf32>
      %get3A_598 = arith.index_cast %add3A_542 : i32 to index
      %get3A_599 = arith.constant 112 : index
      %get3A_600 = tpu.vector_load %arg8[%get3A_598, %get3A_599] {strides = array<i32>} : memref<128x128xf32, #tpu.memory_space<vmem>>, vector<16xf32>,
      %get3A_601 = arith.index_cast %add3A_542 : i32 to index
      %get3A_602 = arith.constant 112 : index
      %get3A_603 = tpu.vector_load %arg9[%get3A_601, %get3A_602] {strides = array<i32>} : memref<128x128xf32, #tpu.memory_space<vmem>>, vector<16xf32>,
      %mul3A_604 = arith.mulf %get3A_600, %get3A_603 : vector<16xf32>
      %add3A_605 = arith.addf %add3A_597, %mul3A_604 : vector<16xf32>
      %broadcast_in_dim3A_606 = arith.constant 6 : i32
      %broadcast_in_dim3A_607 = vector.broadcast %broadcast_in_dim3A_606 : i32 to vector<16xi32>
      tpu.vector_store_idx %arg12[%iota3A, %broadcast_in_dim3A_607], %add3A_605 : memref<16x16xf32, #tpu.memory_space<vmem>>[vector<16xi32>, vector<16xi32>], vector<16xf32>,
      %add3A_608 = arith.constant 7 : i32
      %add3A_609 = arith.addi %mul3A_140, %add3A_608 : i32
      %get3A_610 = arith.index_cast %add3A_609 : i32 to index
      %get3A_611 = arith.constant 0 : index
      %get3A_612 = tpu.vector_load %arg8[%get3A_610, %get3A_611] {strides = array<i32>} : memref<128x128xf32, #tpu.memory_space<vmem>>, vector<16xf32>,
      %get3A_613 = arith.index_cast %add3A_609 : i32 to index
      %get3A_614 = arith.constant 0 : index
      %get3A_615 = tpu.vector_load %arg9[%get3A_613, %get3A_614] {strides = array<i32>} : memref<128x128xf32, #tpu.memory_space<vmem>>, vector<16xf32>,
      %mul3A_616 = arith.mulf %get3A_612, %get3A_615 : vector<16xf32>
      %get3A_617 = arith.index_cast %add3A_609 : i32 to index
      %get3A_618 = arith.constant 16 : index
      %get3A_619 = tpu.vector_load %arg8[%get3A_617, %get3A_618] {strides = array<i32>} : memref<128x128xf32, #tpu.memory_space<vmem>>, vector<16xf32>,
      %get3A_620 = arith.index_cast %add3A_609 : i32 to index
      %get3A_621 = arith.constant 16 : index
      %get3A_622 = tpu.vector_load %arg9[%get3A_620, %get3A_621] {strides = array<i32>} : memref<128x128xf32, #tpu.memory_space<vmem>>, vector<16xf32>,
      %mul3A_623 = arith.mulf %get3A_619, %get3A_622 : vector<16xf32>
      %add3A_624 = arith.addf %mul3A_616, %mul3A_623 : vector<16xf32>
      %get3A_625 = arith.index_cast %add3A_609 : i32 to index
      %get3A_626 = arith.constant 32 : index
      %get3A_627 = tpu.vector_load %arg8[%get3A_625, %get3A_626] {strides = array<i32>} : memref<128x128xf32, #tpu.memory_space<vmem>>, vector<16xf32>,
      %get3A_628 = arith.index_cast %add3A_609 : i32 to index
      %get3A_629 = arith.constant 32 : index
      %get3A_630 = tpu.vector_load %arg9[%get3A_628, %get3A_629] {strides = array<i32>} : memref<128x128xf32, #tpu.memory_space<vmem>>, vector<16xf32>,
      %mul3A_631 = arith.mulf %get3A_627, %get3A_630 : vector<16xf32>
      %add3A_632 = arith.addf %add3A_624, %mul3A_631 : vector<16xf32>
      %get3A_633 = arith.index_cast %add3A_609 : i32 to index
      %get3A_634 = arith.constant 48 : index
      %get3A_635 = tpu.vector_load %arg8[%get3A_633, %get3A_634] {strides = array<i32>} : memref<128x128xf32, #tpu.memory_space<vmem>>, vector<16xf32>,
      %get3A_636 = arith.index_cast %add3A_609 : i32 to index
      %get3A_637 = arith.constant 48 : index
      %get3A_638 = tpu.vector_load %arg9[%get3A_636, %get3A_637] {strides = array<i32>} : memref<128x128xf32, #tpu.memory_space<vmem>>, vector<16xf32>,
      %mul3A_639 = arith.mulf %get3A_635, %get3A_638 : vector<16xf32>
      %add3A_640 = arith.addf %add3A_632, %mul3A_639 : vector<16xf32>
      %get3A_641 = arith.index_cast %add3A_609 : i32 to index
      %get3A_642 = arith.constant 64 : index
      %get3A_643 = tpu.vector_load %arg8[%get3A_641, %get3A_642] {strides = array<i32>} : memref<128x128xf32, #tpu.memory_space<vmem>>, vector<16xf32>,
      %get3A_644 = arith.index_cast %add3A_609 : i32 to index
      %get3A_645 = arith.constant 64 : index
      %get3A_646 = tpu.vector_load %arg9[%get3A_644, %get3A_645] {strides = array<i32>} : memref<128x128xf32, #tpu.memory_space<vmem>>, vector<16xf32>,
      %mul3A_647 = arith.mulf %get3A_643, %get3A_646 : vector<16xf32>
      %add3A_648 = arith.addf %add3A_640, %mul3A_647 : vector<16xf32>
      %get3A_649 = arith.index_cast %add3A_609 : i32 to index
      %get3A_650 = arith.constant 80 : index
      %get3A_651 = tpu.vector_load %arg8[%get3A_649, %get3A_650] {strides = array<i32>} : memref<128x128xf32, #tpu.memory_space<vmem>>, vector<16xf32>,
      %get3A_652 = arith.index_cast %add3A_609 : i32 to index
      %get3A_653 = arith.constant 80 : index
      %get3A_654 = tpu.vector_load %arg9[%get3A_652, %get3A_653] {strides = array<i32>} : memref<128x128xf32, #tpu.memory_space<vmem>>, vector<16xf32>,
      %mul3A_655 = arith.mulf %get3A_651, %get3A_654 : vector<16xf32>
      %add3A_656 = arith.addf %add3A_648, %mul3A_655 : vector<16xf32>
      %get3A_657 = arith.index_cast %add3A_609 : i32 to index
      %get3A_658 = arith.constant 96 : index
      %get3A_659 = tpu.vector_load %arg8[%get3A_657, %get3A_658] {strides = array<i32>} : memref<128x128xf32, #tpu.memory_space<vmem>>, vector<16xf32>,
      %get3A_660 = arith.index_cast %add3A_609 : i32 to index
      %get3A_661 = arith.constant 96 : index
      %get3A_662 = tpu.vector_load %arg9[%get3A_660, %get3A_661] {strides = array<i32>} : memref<128x128xf32, #tpu.memory_space<vmem>>, vector<16xf32>,
      %mul3A_663 = arith.mulf %get3A_659, %get3A_662 : vector<16xf32>
      %add3A_664 = arith.addf %add3A_656, %mul3A_663 : vector<16xf32>
      %get3A_665 = arith.index_cast %add3A_609 : i32 to index
      %get3A_666 = arith.constant 112 : index
      %get3A_667 = tpu.vector_load %arg8[%get3A_665, %get3A_666] {strides = array<i32>} : memref<128x128xf32, #tpu.memory_space<vmem>>, vector<16xf32>,
      %get3A_668 = arith.index_cast %add3A_609 : i32 to index
      %get3A_669 = arith.constant 112 : index
      %get3A_670 = tpu.vector_load %arg9[%get3A_668, %get3A_669] {strides = array<i32>} : memref<128x128xf32, #tpu.memory_space<vmem>>, vector<16xf32>,
      %mul3A_671 = arith.mulf %get3A_667, %get3A_670 : vector<16xf32>
      %add3A_672 = arith.addf %add3A_664, %mul3A_671 : vector<16xf32>
      %broadcast_in_dim3A_673 = arith.constant 7 : i32
      %broadcast_in_dim3A_674 = vector.broadcast %broadcast_in_dim3A_673 : i32 to vector<16xi32>
      tpu.vector_store_idx %arg12[%iota3A, %broadcast_in_dim3A_674], %add3A_672 : memref<16x16xf32, #tpu.memory_space<vmem>>[vector<16xi32>, vector<16xi32>], vector<16xf32>,
      %add3A_675 = arith.constant 8 : i32
      %add3A_676 = arith.addi %mul3A_140, %add3A_675 : i32
      %get3A_677 = arith.index_cast %add3A_676 : i32 to index
      %get3A_678 = arith.constant 0 : index
      %get3A_679 = tpu.vector_load %arg8[%get3A_677, %get3A_678] {strides = array<i32>} : memref<128x128xf32, #tpu.memory_space<vmem>>, vector<16xf32>,
      %get3A_680 = arith.index_cast %add3A_676 : i32 to index
      %get3A_681 = arith.constant 0 : index
      %get3A_682 = tpu.vector_load %arg9[%get3A_680, %get3A_681] {strides = array<i32>} : memref<128x128xf32, #tpu.memory_space<vmem>>, vector<16xf32>,
      %mul3A_683 = arith.mulf %get3A_679, %get3A_682 : vector<16xf32>
      %get3A_684 = arith.index_cast %add3A_676 : i32 to index
      %get3A_685 = arith.constant 16 : index
      %get3A_686 = tpu.vector_load %arg8[%get3A_684, %get3A_685] {strides = array<i32>} : memref<128x128xf32, #tpu.memory_space<vmem>>, vector<16xf32>,
      %get3A_687 = arith.index_cast %add3A_676 : i32 to index
      %get3A_688 = arith.constant 16 : index
      %get3A_689 = tpu.vector_load %arg9[%get3A_687, %get3A_688] {strides = array<i32>} : memref<128x128xf32, #tpu.memory_space<vmem>>, vector<16xf32>,
      %mul3A_690 = arith.mulf %get3A_686, %get3A_689 : vector<16xf32>
      %add3A_691 = arith.addf %mul3A_683, %mul3A_690 : vector<16xf32>
      %get3A_692 = arith.index_cast %add3A_676 : i32 to index
      %get3A_693 = arith.constant 32 : index
      %get3A_694 = tpu.vector_load %arg8[%get3A_692, %get3A_693] {strides = array<i32>} : memref<128x128xf32, #tpu.memory_space<vmem>>, vector<16xf32>,
      %get3A_695 = arith.index_cast %add3A_676 : i32 to index
      %get3A_696 = arith.constant 32 : index
      %get3A_697 = tpu.vector_load %arg9[%get3A_695, %get3A_696] {strides = array<i32>} : memref<128x128xf32, #tpu.memory_space<vmem>>, vector<16xf32>,
      %mul3A_698 = arith.mulf %get3A_694, %get3A_697 : vector<16xf32>
      %add3A_699 = arith.addf %add3A_691, %mul3A_698 : vector<16xf32>
      %get3A_700 = arith.index_cast %add3A_676 : i32 to index
      %get3A_701 = arith.constant 48 : index
      %get3A_702 = tpu.vector_load %arg8[%get3A_700, %get3A_701] {strides = array<i32>} : memref<128x128xf32, #tpu.memory_space<vmem>>, vector<16xf32>,
      %get3A_703 = arith.index_cast %add3A_676 : i32 to index
      %get3A_704 = arith.constant 48 : index
      %get3A_705 = tpu.vector_load %arg9[%get3A_703, %get3A_704] {strides = array<i32>} : memref<128x128xf32, #tpu.memory_space<vmem>>, vector<16xf32>,
      %mul3A_706 = arith.mulf %get3A_702, %get3A_705 : vector<16xf32>
      %add3A_707 = arith.addf %add3A_699, %mul3A_706 : vector<16xf32>
      %get3A_708 = arith.index_cast %add3A_676 : i32 to index
      %get3A_709 = arith.constant 64 : index
      %get3A_710 = tpu.vector_load %arg8[%get3A_708, %get3A_709] {strides = array<i32>} : memref<128x128xf32, #tpu.memory_space<vmem>>, vector<16xf32>,
      %get3A_711 = arith.index_cast %add3A_676 : i32 to index
      %get3A_712 = arith.constant 64 : index
      %get3A_713 = tpu.vector_load %arg9[%get3A_711, %get3A_712] {strides = array<i32>} : memref<128x128xf32, #tpu.memory_space<vmem>>, vector<16xf32>,
      %mul3A_714 = arith.mulf %get3A_710, %get3A_713 : vector<16xf32>
      %add3A_715 = arith.addf %add3A_707, %mul3A_714 : vector<16xf32>
      %get3A_716 = arith.index_cast %add3A_676 : i32 to index
      %get3A_717 = arith.constant 80 : index
      %get3A_718 = tpu.vector_load %arg8[%get3A_716, %get3A_717] {strides = array<i32>} : memref<128x128xf32, #tpu.memory_space<vmem>>, vector<16xf32>,
      %get3A_719 = arith.index_cast %add3A_676 : i32 to index
      %get3A_720 = arith.constant 80 : index
      %get3A_721 = tpu.vector_load %arg9[%get3A_719, %get3A_720] {strides = array<i32>} : memref<128x128xf32, #tpu.memory_space<vmem>>, vector<16xf32>,
      %mul3A_722 = arith.mulf %get3A_718, %get3A_721 : vector<16xf32>
      %add3A_723 = arith.addf %add3A_715, %mul3A_722 : vector<16xf32>
      %get3A_724 = arith.index_cast %add3A_676 : i32 to index
      %get3A_725 = arith.constant 96 : index
      %get3A_726 = tpu.vector_load %arg8[%get3A_724, %get3A_725] {strides = array<i32>} : memref<128x128xf32, #tpu.memory_space<vmem>>, vector<16xf32>,
      %get3A_727 = arith.index_cast %add3A_676 : i32 to index
      %get3A_728 = arith.constant 96 : index
      %get3A_729 = tpu.vector_load %arg9[%get3A_727, %get3A_728] {strides = array<i32>} : memref<128x128xf32, #tpu.memory_space<vmem>>, vector<16xf32>,
      %mul3A_730 = arith.mulf %get3A_726, %get3A_729 : vector<16xf32>
      %add3A_731 = arith.addf %add3A_723, %mul3A_730 : vector<16xf32>
      %get3A_732 = arith.index_cast %add3A_676 : i32 to index
      %get3A_733 = arith.constant 112 : index
      %get3A_734 = tpu.vector_load %arg8[%get3A_732, %get3A_733] {strides = array<i32>} : memref<128x128xf32, #tpu.memory_space<vmem>>, vector<16xf32>,
      %get3A_735 = arith.index_cast %add3A_676 : i32 to index
      %get3A_736 = arith.constant 112 : index
      %get3A_737 = tpu.vector_load %arg9[%get3A_735, %get3A_736] {strides = array<i32>} : memref<128x128xf32, #tpu.memory_space<vmem>>, vector<16xf32>,
      %mul3A_738 = arith.mulf %get3A_734, %get3A_737 : vector<16xf32>
      %add3A_739 = arith.addf %add3A_731, %mul3A_738 : vector<16xf32>
      %broadcast_in_dim3A_740 = arith.constant 8 : i32
      %broadcast_in_dim3A_741 = vector.broadcast %broadcast_in_dim3A_740 : i32 to vector<16xi32>
      tpu.vector_store_idx %arg12[%iota3A, %broadcast_in_dim3A_741], %add3A_739 : memref<16x16xf32, #tpu.memory_space<vmem>>[vector<16xi32>, vector<16xi32>], vector<16xf32>,
      %add3A_742 = arith.constant 9 : i32
      %add3A_743 = arith.addi %mul3A_140, %add3A_742 : i32
      %get3A_744 = arith.index_cast %add3A_743 : i32 to index
      %get3A_745 = arith.constant 0 : index
      %get3A_746 = tpu.vector_load %arg8[%get3A_744, %get3A_745] {strides = array<i32>} : memref<128x128xf32, #tpu.memory_space<vmem>>, vector<16xf32>,
      %get3A_747 = arith.index_cast %add3A_743 : i32 to index
      %get3A_748 = arith.constant 0 : index
      %get3A_749 = tpu.vector_load %arg9[%get3A_747, %get3A_748] {strides = array<i32>} : memref<128x128xf32, #tpu.memory_space<vmem>>, vector<16xf32>,
      %mul3A_750 = arith.mulf %get3A_746, %get3A_749 : vector<16xf32>
      %get3A_751 = arith.index_cast %add3A_743 : i32 to index
      %get3A_752 = arith.constant 16 : index
      %get3A_753 = tpu.vector_load %arg8[%get3A_751, %get3A_752] {strides = array<i32>} : memref<128x128xf32, #tpu.memory_space<vmem>>, vector<16xf32>,
      %get3A_754 = arith.index_cast %add3A_743 : i32 to index
      %get3A_755 = arith.constant 16 : index
      %get3A_756 = tpu.vector_load %arg9[%get3A_754, %get3A_755] {strides = array<i32>} : memref<128x128xf32, #tpu.memory_space<vmem>>, vector<16xf32>,
      %mul3A_757 = arith.mulf %get3A_753, %get3A_756 : vector<16xf32>
      %add3A_758 = arith.addf %mul3A_750, %mul3A_757 : vector<16xf32>
      %get3A_759 = arith.index_cast %add3A_743 : i32 to index
      %get3A_760 = arith.constant 32 : index
      %get3A_761 = tpu.vector_load %arg8[%get3A_759, %get3A_760] {strides = array<i32>} : memref<128x128xf32, #tpu.memory_space<vmem>>, vector<16xf32>,
      %get3A_762 = arith.index_cast %add3A_743 : i32 to index
      %get3A_763 = arith.constant 32 : index
      %get3A_764 = tpu.vector_load %arg9[%get3A_762, %get3A_763] {strides = array<i32>} : memref<128x128xf32, #tpu.memory_space<vmem>>, vector<16xf32>,
      %mul3A_765 = arith.mulf %get3A_761, %get3A_764 : vector<16xf32>
      %add3A_766 = arith.addf %add3A_758, %mul3A_765 : vector<16xf32>
      %get3A_767 = arith.index_cast %add3A_743 : i32 to index
      %get3A_768 = arith.constant 48 : index
      %get3A_769 = tpu.vector_load %arg8[%get3A_767, %get3A_768] {strides = array<i32>} : memref<128x128xf32, #tpu.memory_space<vmem>>, vector<16xf32>,
      %get3A_770 = arith.index_cast %add3A_743 : i32 to index
      %get3A_771 = arith.constant 48 : index
      %get3A_772 = tpu.vector_load %arg9[%get3A_770, %get3A_771] {strides = array<i32>} : memref<128x128xf32, #tpu.memory_space<vmem>>, vector<16xf32>,
      %mul3A_773 = arith.mulf %get3A_769, %get3A_772 : vector<16xf32>
      %add3A_774 = arith.addf %add3A_766, %mul3A_773 : vector<16xf32>
      %get3A_775 = arith.index_cast %add3A_743 : i32 to index
      %get3A_776 = arith.constant 64 : index
      %get3A_777 = tpu.vector_load %arg8[%get3A_775, %get3A_776] {strides = array<i32>} : memref<128x128xf32, #tpu.memory_space<vmem>>, vector<16xf32>,
      %get3A_778 = arith.index_cast %add3A_743 : i32 to index
      %get3A_779 = arith.constant 64 : index
      %get3A_780 = tpu.vector_load %arg9[%get3A_778, %get3A_779] {strides = array<i32>} : memref<128x128xf32, #tpu.memory_space<vmem>>, vector<16xf32>,
      %mul3A_781 = arith.mulf %get3A_777, %get3A_780 : vector<16xf32>
      %add3A_782 = arith.addf %add3A_774, %mul3A_781 : vector<16xf32>
      %get3A_783 = arith.index_cast %add3A_743 : i32 to index
      %get3A_784 = arith.constant 80 : index
      %get3A_785 = tpu.vector_load %arg8[%get3A_783, %get3A_784] {strides = array<i32>} : memref<128x128xf32, #tpu.memory_space<vmem>>, vector<16xf32>,
      %get3A_786 = arith.index_cast %add3A_743 : i32 to index
      %get3A_787 = arith.constant 80 : index
      %get3A_788 = tpu.vector_load %arg9[%get3A_786, %get3A_787] {strides = array<i32>} : memref<128x128xf32, #tpu.memory_space<vmem>>, vector<16xf32>,
      %mul3A_789 = arith.mulf %get3A_785, %get3A_788 : vector<16xf32>
      %add3A_790 = arith.addf %add3A_782, %mul3A_789 : vector<16xf32>
      %get3A_791 = arith.index_cast %add3A_743 : i32 to index
      %get3A_792 = arith.constant 96 : index
      %get3A_793 = tpu.vector_load %arg8[%get3A_791, %get3A_792] {strides = array<i32>} : memref<128x128xf32, #tpu.memory_space<vmem>>, vector<16xf32>,
      %get3A_794 = arith.index_cast %add3A_743 : i32 to index
      %get3A_795 = arith.constant 96 : index
      %get3A_796 = tpu.vector_load %arg9[%get3A_794, %get3A_795] {strides = array<i32>} : memref<128x128xf32, #tpu.memory_space<vmem>>, vector<16xf32>,
      %mul3A_797 = arith.mulf %get3A_793, %get3A_796 : vector<16xf32>
      %add3A_798 = arith.addf %add3A_790, %mul3A_797 : vector<16xf32>
      %get3A_799 = arith.index_cast %add3A_743 : i32 to index
      %get3A_800 = arith.constant 112 : index
      %get3A_801 = tpu.vector_load %arg8[%get3A_799, %get3A_800] {strides = array<i32>} : memref<128x128xf32, #tpu.memory_space<vmem>>, vector<16xf32>,
      %get3A_802 = arith.index_cast %add3A_743 : i32 to index
      %get3A_803 = arith.constant 112 : index
      %get3A_804 = tpu.vector_load %arg9[%get3A_802, %get3A_803] {strides = array<i32>} : memref<128x128xf32, #tpu.memory_space<vmem>>, vector<16xf32>,
      %mul3A_805 = arith.mulf %get3A_801, %get3A_804 : vector<16xf32>
      %add3A_806 = arith.addf %add3A_798, %mul3A_805 : vector<16xf32>
      %broadcast_in_dim3A_807 = arith.constant 9 : i32
      %broadcast_in_dim3A_808 = vector.broadcast %broadcast_in_dim3A_807 : i32 to vector<16xi32>
      tpu.vector_store_idx %arg12[%iota3A, %broadcast_in_dim3A_808], %add3A_806 : memref<16x16xf32, #tpu.memory_space<vmem>>[vector<16xi32>, vector<16xi32>], vector<16xf32>,
      %add3A_809 = arith.constant 10 : i32
      %add3A_810 = arith.addi %mul3A_140, %add3A_809 : i32
      %get3A_811 = arith.index_cast %add3A_810 : i32 to index
      %get3A_812 = arith.constant 0 : index
      %get3A_813 = tpu.vector_load %arg8[%get3A_811, %get3A_812] {strides = array<i32>} : memref<128x128xf32, #tpu.memory_space<vmem>>, vector<16xf32>,
      %get3A_814 = arith.index_cast %add3A_810 : i32 to index
      %get3A_815 = arith.constant 0 : index
      %get3A_816 = tpu.vector_load %arg9[%get3A_814, %get3A_815] {strides = array<i32>} : memref<128x128xf32, #tpu.memory_space<vmem>>, vector<16xf32>,
      %mul3A_817 = arith.mulf %get3A_813, %get3A_816 : vector<16xf32>
      %get3A_818 = arith.index_cast %add3A_810 : i32 to index
      %get3A_819 = arith.constant 16 : index
      %get3A_820 = tpu.vector_load %arg8[%get3A_818, %get3A_819] {strides = array<i32>} : memref<128x128xf32, #tpu.memory_space<vmem>>, vector<16xf32>,
      %get3A_821 = arith.index_cast %add3A_810 : i32 to index
      %get3A_822 = arith.constant 16 : index
      %get3A_823 = tpu.vector_load %arg9[%get3A_821, %get3A_822] {strides = array<i32>} : memref<128x128xf32, #tpu.memory_space<vmem>>, vector<16xf32>,
      %mul3A_824 = arith.mulf %get3A_820, %get3A_823 : vector<16xf32>
      %add3A_825 = arith.addf %mul3A_817, %mul3A_824 : vector<16xf32>
      %get3A_826 = arith.index_cast %add3A_810 : i32 to index
      %get3A_827 = arith.constant 32 : index
      %get3A_828 = tpu.vector_load %arg8[%get3A_826, %get3A_827] {strides = array<i32>} : memref<128x128xf32, #tpu.memory_space<vmem>>, vector<16xf32>,
      %get3A_829 = arith.index_cast %add3A_810 : i32 to index
      %get3A_830 = arith.constant 32 : index
      %get3A_831 = tpu.vector_load %arg9[%get3A_829, %get3A_830] {strides = array<i32>} : memref<128x128xf32, #tpu.memory_space<vmem>>, vector<16xf32>,
      %mul3A_832 = arith.mulf %get3A_828, %get3A_831 : vector<16xf32>
      %add3A_833 = arith.addf %add3A_825, %mul3A_832 : vector<16xf32>
      %get3A_834 = arith.index_cast %add3A_810 : i32 to index
      %get3A_835 = arith.constant 48 : index
      %get3A_836 = tpu.vector_load %arg8[%get3A_834, %get3A_835] {strides = array<i32>} : memref<128x128xf32, #tpu.memory_space<vmem>>, vector<16xf32>,
      %get3A_837 = arith.index_cast %add3A_810 : i32 to index
      %get3A_838 = arith.constant 48 : index
      %get3A_839 = tpu.vector_load %arg9[%get3A_837, %get3A_838] {strides = array<i32>} : memref<128x128xf32, #tpu.memory_space<vmem>>, vector<16xf32>,
      %mul3A_840 = arith.mulf %get3A_836, %get3A_839 : vector<16xf32>
      %add3A_841 = arith.addf %add3A_833, %mul3A_840 : vector<16xf32>
      %get3A_842 = arith.index_cast %add3A_810 : i32 to index
      %get3A_843 = arith.constant 64 : index
      %get3A_844 = tpu.vector_load %arg8[%get3A_842, %get3A_843] {strides = array<i32>} : memref<128x128xf32, #tpu.memory_space<vmem>>, vector<16xf32>,
      %get3A_845 = arith.index_cast %add3A_810 : i32 to index
      %get3A_846 = arith.constant 64 : index
      %get3A_847 = tpu.vector_load %arg9[%get3A_845, %get3A_846] {strides = array<i32>} : memref<128x128xf32, #tpu.memory_space<vmem>>, vector<16xf32>,
      %mul3A_848 = arith.mulf %get3A_844, %get3A_847 : vector<16xf32>
      %add3A_849 = arith.addf %add3A_841, %mul3A_848 : vector<16xf32>
      %get3A_850 = arith.index_cast %add3A_810 : i32 to index
      %get3A_851 = arith.constant 80 : index
      %get3A_852 = tpu.vector_load %arg8[%get3A_850, %get3A_851] {strides = array<i32>} : memref<128x128xf32, #tpu.memory_space<vmem>>, vector<16xf32>,
      %get3A_853 = arith.index_cast %add3A_810 : i32 to index
      %get3A_854 = arith.constant 80 : index
      %get3A_855 = tpu.vector_load %arg9[%get3A_853, %get3A_854] {strides = array<i32>} : memref<128x128xf32, #tpu.memory_space<vmem>>, vector<16xf32>,
      %mul3A_856 = arith.mulf %get3A_852, %get3A_855 : vector<16xf32>
      %add3A_857 = arith.addf %add3A_849, %mul3A_856 : vector<16xf32>
      %get3A_858 = arith.index_cast %add3A_810 : i32 to index
      %get3A_859 = arith.constant 96 : index
      %get3A_860 = tpu.vector_load %arg8[%get3A_858, %get3A_859] {strides = array<i32>} : memref<128x128xf32, #tpu.memory_space<vmem>>, vector<16xf32>,
      %get3A_861 = arith.index_cast %add3A_810 : i32 to index
      %get3A_862 = arith.constant 96 : index
      %get3A_863 = tpu.vector_load %arg9[%get3A_861, %get3A_862] {strides = array<i32>} : memref<128x128xf32, #tpu.memory_space<vmem>>, vector<16xf32>,
      %mul3A_864 = arith.mulf %get3A_860, %get3A_863 : vector<16xf32>
      %add3A_865 = arith.addf %add3A_857, %mul3A_864 : vector<16xf32>
      %get3A_866 = arith.index_cast %add3A_810 : i32 to index
      %get3A_867 = arith.constant 112 : index
      %get3A_868 = tpu.vector_load %arg8[%get3A_866, %get3A_867] {strides = array<i32>} : memref<128x128xf32, #tpu.memory_space<vmem>>, vector<16xf32>,
      %get3A_869 = arith.index_cast %add3A_810 : i32 to index
      %get3A_870 = arith.constant 112 : index
      %get3A_871 = tpu.vector_load %arg9[%get3A_869, %get3A_870] {strides = array<i32>} : memref<128x128xf32, #tpu.memory_space<vmem>>, vector<16xf32>,
      %mul3A_872 = arith.mulf %get3A_868, %get3A_871 : vector<16xf32>
      %add3A_873 = arith.addf %add3A_865, %mul3A_872 : vector<16xf32>
      %broadcast_in_dim3A_874 = arith.constant 10 : i32
      %broadcast_in_dim3A_875 = vector.broadcast %broadcast_in_dim3A_874 : i32 to vector<16xi32>
      tpu.vector_store_idx %arg12[%iota3A, %broadcast_in_dim3A_875], %add3A_873 : memref<16x16xf32, #tpu.memory_space<vmem>>[vector<16xi32>, vector<16xi32>], vector<16xf32>,
      %add3A_876 = arith.constant 11 : i32
      %add3A_877 = arith.addi %mul3A_140, %add3A_876 : i32
      %get3A_878 = arith.index_cast %add3A_877 : i32 to index
      %get3A_879 = arith.constant 0 : index
      %get3A_880 = tpu.vector_load %arg8[%get3A_878, %get3A_879] {strides = array<i32>} : memref<128x128xf32, #tpu.memory_space<vmem>>, vector<16xf32>,
      %get3A_881 = arith.index_cast %add3A_877 : i32 to index
      %get3A_882 = arith.constant 0 : index
      %get3A_883 = tpu.vector_load %arg9[%get3A_881, %get3A_882] {strides = array<i32>} : memref<128x128xf32, #tpu.memory_space<vmem>>, vector<16xf32>,
      %mul3A_884 = arith.mulf %get3A_880, %get3A_883 : vector<16xf32>
      %get3A_885 = arith.index_cast %add3A_877 : i32 to index
      %get3A_886 = arith.constant 16 : index
      %get3A_887 = tpu.vector_load %arg8[%get3A_885, %get3A_886] {strides = array<i32>} : memref<128x128xf32, #tpu.memory_space<vmem>>, vector<16xf32>,
      %get3A_888 = arith.index_cast %add3A_877 : i32 to index
      %get3A_889 = arith.constant 16 : index
      %get3A_890 = tpu.vector_load %arg9[%get3A_888, %get3A_889] {strides = array<i32>} : memref<128x128xf32, #tpu.memory_space<vmem>>, vector<16xf32>,
      %mul3A_891 = arith.mulf %get3A_887, %get3A_890 : vector<16xf32>
      %add3A_892 = arith.addf %mul3A_884, %mul3A_891 : vector<16xf32>
      %get3A_893 = arith.index_cast %add3A_877 : i32 to index
      %get3A_894 = arith.constant 32 : index
      %get3A_895 = tpu.vector_load %arg8[%get3A_893, %get3A_894] {strides = array<i32>} : memref<128x128xf32, #tpu.memory_space<vmem>>, vector<16xf32>,
      %get3A_896 = arith.index_cast %add3A_877 : i32 to index
      %get3A_897 = arith.constant 32 : index
      %get3A_898 = tpu.vector_load %arg9[%get3A_896, %get3A_897] {strides = array<i32>} : memref<128x128xf32, #tpu.memory_space<vmem>>, vector<16xf32>,
      %mul3A_899 = arith.mulf %get3A_895, %get3A_898 : vector<16xf32>
      %add3A_900 = arith.addf %add3A_892, %mul3A_899 : vector<16xf32>
      %get3A_901 = arith.index_cast %add3A_877 : i32 to index
      %get3A_902 = arith.constant 48 : index
      %get3A_903 = tpu.vector_load %arg8[%get3A_901, %get3A_902] {strides = array<i32>} : memref<128x128xf32, #tpu.memory_space<vmem>>, vector<16xf32>,
      %get3A_904 = arith.index_cast %add3A_877 : i32 to index
      %get3A_905 = arith.constant 48 : index
      %get3A_906 = tpu.vector_load %arg9[%get3A_904, %get3A_905] {strides = array<i32>} : memref<128x128xf32, #tpu.memory_space<vmem>>, vector<16xf32>,
      %mul3A_907 = arith.mulf %get3A_903, %get3A_906 : vector<16xf32>
      %add3A_908 = arith.addf %add3A_900, %mul3A_907 : vector<16xf32>
      %get3A_909 = arith.index_cast %add3A_877 : i32 to index
      %get3A_910 = arith.constant 64 : index
      %get3A_911 = tpu.vector_load %arg8[%get3A_909, %get3A_910] {strides = array<i32>} : memref<128x128xf32, #tpu.memory_space<vmem>>, vector<16xf32>,
      %get3A_912 = arith.index_cast %add3A_877 : i32 to index
      %get3A_913 = arith.constant 64 : index
      %get3A_914 = tpu.vector_load %arg9[%get3A_912, %get3A_913] {strides = array<i32>} : memref<128x128xf32, #tpu.memory_space<vmem>>, vector<16xf32>,
      %mul3A_915 = arith.mulf %get3A_911, %get3A_914 : vector<16xf32>
      %add3A_916 = arith.addf %add3A_908, %mul3A_915 : vector<16xf32>
      %get3A_917 = arith.index_cast %add3A_877 : i32 to index
      %get3A_918 = arith.constant 80 : index
      %get3A_919 = tpu.vector_load %arg8[%get3A_917, %get3A_918] {strides = array<i32>} : memref<128x128xf32, #tpu.memory_space<vmem>>, vector<16xf32>,
      %get3A_920 = arith.index_cast %add3A_877 : i32 to index
      %get3A_921 = arith.constant 80 : index
      %get3A_922 = tpu.vector_load %arg9[%get3A_920, %get3A_921] {strides = array<i32>} : memref<128x128xf32, #tpu.memory_space<vmem>>, vector<16xf32>,
      %mul3A_923 = arith.mulf %get3A_919, %get3A_922 : vector<16xf32>
      %add3A_924 = arith.addf %add3A_916, %mul3A_923 : vector<16xf32>
      %get3A_925 = arith.index_cast %add3A_877 : i32 to index
      %get3A_926 = arith.constant 96 : index
      %get3A_927 = tpu.vector_load %arg8[%get3A_925, %get3A_926] {strides = array<i32>} : memref<128x128xf32, #tpu.memory_space<vmem>>, vector<16xf32>,
      %get3A_928 = arith.index_cast %add3A_877 : i32 to index
      %get3A_929 = arith.constant 96 : index
      %get3A_930 = tpu.vector_load %arg9[%get3A_928, %get3A_929] {strides = array<i32>} : memref<128x128xf32, #tpu.memory_space<vmem>>, vector<16xf32>,
      %mul3A_931 = arith.mulf %get3A_927, %get3A_930 : vector<16xf32>
      %add3A_932 = arith.addf %add3A_924, %mul3A_931 : vector<16xf32>
      %get3A_933 = arith.index_cast %add3A_877 : i32 to index
      %get3A_934 = arith.constant 112 : index
      %get3A_935 = tpu.vector_load %arg8[%get3A_933, %get3A_934] {strides = array<i32>} : memref<128x128xf32, #tpu.memory_space<vmem>>, vector<16xf32>,
      %get3A_936 = arith.index_cast %add3A_877 : i32 to index
      %get3A_937 = arith.constant 112 : index
      %get3A_938 = tpu.vector_load %arg9[%get3A_936, %get3A_937] {strides = array<i32>} : memref<128x128xf32, #tpu.memory_space<vmem>>, vector<16xf32>,
      %mul3A_939 = arith.mulf %get3A_935, %get3A_938 : vector<16xf32>
      %add3A_940 = arith.addf %add3A_932, %mul3A_939 : vector<16xf32>
      %broadcast_in_dim3A_941 = arith.constant 11 : i32
      %broadcast_in_dim3A_942 = vector.broadcast %broadcast_in_dim3A_941 : i32 to vector<16xi32>
      tpu.vector_store_idx %arg12[%iota3A, %broadcast_in_dim3A_942], %add3A_940 : memref<16x16xf32, #tpu.memory_space<vmem>>[vector<16xi32>, vector<16xi32>], vector<16xf32>,
      %add3A_943 = arith.constant 12 : i32
      %add3A_944 = arith.addi %mul3A_140, %add3A_943 : i32
      %get3A_945 = arith.index_cast %add3A_944 : i32 to index
      %get3A_946 = arith.constant 0 : index
      %get3A_947 = tpu.vector_load %arg8[%get3A_945, %get3A_946] {strides = array<i32>} : memref<128x128xf32, #tpu.memory_space<vmem>>, vector<16xf32>,
      %get3A_948 = arith.index_cast %add3A_944 : i32 to index
      %get3A_949 = arith.constant 0 : index
      %get3A_950 = tpu.vector_load %arg9[%get3A_948, %get3A_949] {strides = array<i32>} : memref<128x128xf32, #tpu.memory_space<vmem>>, vector<16xf32>,
      %mul3A_951 = arith.mulf %get3A_947, %get3A_950 : vector<16xf32>
      %get3A_952 = arith.index_cast %add3A_944 : i32 to index
      %get3A_953 = arith.constant 16 : index
      %get3A_954 = tpu.vector_load %arg8[%get3A_952, %get3A_953] {strides = array<i32>} : memref<128x128xf32, #tpu.memory_space<vmem>>, vector<16xf32>,
      %get3A_955 = arith.index_cast %add3A_944 : i32 to index
      %get3A_956 = arith.constant 16 : index
      %get3A_957 = tpu.vector_load %arg9[%get3A_955, %get3A_956] {strides = array<i32>} : memref<128x128xf32, #tpu.memory_space<vmem>>, vector<16xf32>,
      %mul3A_958 = arith.mulf %get3A_954, %get3A_957 : vector<16xf32>
      %add3A_959 = arith.addf %mul3A_951, %mul3A_958 : vector<16xf32>
      %get3A_960 = arith.index_cast %add3A_944 : i32 to index
      %get3A_961 = arith.constant 32 : index
      %get3A_962 = tpu.vector_load %arg8[%get3A_960, %get3A_961] {strides = array<i32>} : memref<128x128xf32, #tpu.memory_space<vmem>>, vector<16xf32>,
      %get3A_963 = arith.index_cast %add3A_944 : i32 to index
      %get3A_964 = arith.constant 32 : index
      %get3A_965 = tpu.vector_load %arg9[%get3A_963, %get3A_964] {strides = array<i32>} : memref<128x128xf32, #tpu.memory_space<vmem>>, vector<16xf32>,
      %mul3A_966 = arith.mulf %get3A_962, %get3A_965 : vector<16xf32>
      %add3A_967 = arith.addf %add3A_959, %mul3A_966 : vector<16xf32>
      %get3A_968 = arith.index_cast %add3A_944 : i32 to index
      %get3A_969 = arith.constant 48 : index
      %get3A_970 = tpu.vector_load %arg8[%get3A_968, %get3A_969] {strides = array<i32>} : memref<128x128xf32, #tpu.memory_space<vmem>>, vector<16xf32>,
      %get3A_971 = arith.index_cast %add3A_944 : i32 to index
      %get3A_972 = arith.constant 48 : index
      %get3A_973 = tpu.vector_load %arg9[%get3A_971, %get3A_972] {strides = array<i32>} : memref<128x128xf32, #tpu.memory_space<vmem>>, vector<16xf32>,
      %mul3A_974 = arith.mulf %get3A_970, %get3A_973 : vector<16xf32>
      %add3A_975 = arith.addf %add3A_967, %mul3A_974 : vector<16xf32>
      %get3A_976 = arith.index_cast %add3A_944 : i32 to index
      %get3A_977 = arith.constant 64 : index
      %get3A_978 = tpu.vector_load %arg8[%get3A_976, %get3A_977] {strides = array<i32>} : memref<128x128xf32, #tpu.memory_space<vmem>>, vector<16xf32>,
      %get3A_979 = arith.index_cast %add3A_944 : i32 to index
      %get3A_980 = arith.constant 64 : index
      %get3A_981 = tpu.vector_load %arg9[%get3A_979, %get3A_980] {strides = array<i32>} : memref<128x128xf32, #tpu.memory_space<vmem>>, vector<16xf32>,
      %mul3A_982 = arith.mulf %get3A_978, %get3A_981 : vector<16xf32>
      %add3A_983 = arith.addf %add3A_975, %mul3A_982 : vector<16xf32>
      %get3A_984 = arith.index_cast %add3A_944 : i32 to index
      %get3A_985 = arith.constant 80 : index
      %get3A_986 = tpu.vector_load %arg8[%get3A_984, %get3A_985] {strides = array<i32>} : memref<128x128xf32, #tpu.memory_space<vmem>>, vector<16xf32>,
      %get3A_987 = arith.index_cast %add3A_944 : i32 to index
      %get3A_988 = arith.constant 80 : index
      %get3A_989 = tpu.vector_load %arg9[%get3A_987, %get3A_988] {strides = array<i32>} : memref<128x128xf32, #tpu.memory_space<vmem>>, vector<16xf32>,
      %mul3A_990 = arith.mulf %get3A_986, %get3A_989 : vector<16xf32>
      %add3A_991 = arith.addf %add3A_983, %mul3A_990 : vector<16xf32>
      %get3A_992 = arith.index_cast %add3A_944 : i32 to index
      %get3A_993 = arith.constant 96 : index
      %get3A_994 = tpu.vector_load %arg8[%get3A_992, %get3A_993] {strides = array<i32>} : memref<128x128xf32, #tpu.memory_space<vmem>>, vector<16xf32>,
      %get3A_995 = arith.index_cast %add3A_944 : i32 to index
      %get3A_996 = arith.constant 96 : index
      %get3A_997 = tpu.vector_load %arg9[%get3A_995, %get3A_996] {strides = array<i32>} : memref<128x128xf32, #tpu.memory_space<vmem>>, vector<16xf32>,
      %mul3A_998 = arith.mulf %get3A_994, %get3A_997 : vector<16xf32>
      %add3A_999 = arith.addf %add3A_991, %mul3A_998 : vector<16xf32>
      %get3A_1000 = arith.index_cast %add3A_944 : i32 to index
      %get3A_1001 = arith.constant 112 : index
      %get3A_1002 = tpu.vector_load %arg8[%get3A_1000, %get3A_1001] {strides = array<i32>} : memref<128x128xf32, #tpu.memory_space<vmem>>, vector<16xf32>,
      %get3A_1003 = arith.index_cast %add3A_944 : i32 to index
      %get3A_1004 = arith.constant 112 : index
      %get3A_1005 = tpu.vector_load %arg9[%get3A_1003, %get3A_1004] {strides = array<i32>} : memref<128x128xf32, #tpu.memory_space<vmem>>, vector<16xf32>,
      %mul3A_1006 = arith.mulf %get3A_1002, %get3A_1005 : vector<16xf32>
      %add3A_1007 = arith.addf %add3A_999, %mul3A_1006 : vector<16xf32>
      %broadcast_in_dim3A_1008 = arith.constant 12 : i32
      %broadcast_in_dim3A_1009 = vector.broadcast %broadcast_in_dim3A_1008 : i32 to vector<16xi32>
      tpu.vector_store_idx %arg12[%iota3A, %broadcast_in_dim3A_1009], %add3A_1007 : memref<16x16xf32, #tpu.memory_space<vmem>>[vector<16xi32>, vector<16xi32>], vector<16xf32>,
      %add3A_1010 = arith.constant 13 : i32
      %add3A_1011 = arith.addi %mul3A_140, %add3A_1010 : i32
      %get3A_1012 = arith.index_cast %add3A_1011 : i32 to index
      %get3A_1013 = arith.constant 0 : index
      %get3A_1014 = tpu.vector_load %arg8[%get3A_1012, %get3A_1013] {strides = array<i32>} : memref<128x128xf32, #tpu.memory_space<vmem>>, vector<16xf32>,
      %get3A_1015 = arith.index_cast %add3A_1011 : i32 to index
      %get3A_1016 = arith.constant 0 : index
      %get3A_1017 = tpu.vector_load %arg9[%get3A_1015, %get3A_1016] {strides = array<i32>} : memref<128x128xf32, #tpu.memory_space<vmem>>, vector<16xf32>,
      %mul3A_1018 = arith.mulf %get3A_1014, %get3A_1017 : vector<16xf32>
      %get3A_1019 = arith.index_cast %add3A_1011 : i32 to index
      %get3A_1020 = arith.constant 16 : index
      %get3A_1021 = tpu.vector_load %arg8[%get3A_1019, %get3A_1020] {strides = array<i32>} : memref<128x128xf32, #tpu.memory_space<vmem>>, vector<16xf32>,
      %get3A_1022 = arith.index_cast %add3A_1011 : i32 to index
      %get3A_1023 = arith.constant 16 : index
      %get3A_1024 = tpu.vector_load %arg9[%get3A_1022, %get3A_1023] {strides = array<i32>} : memref<128x128xf32, #tpu.memory_space<vmem>>, vector<16xf32>,
      %mul3A_1025 = arith.mulf %get3A_1021, %get3A_1024 : vector<16xf32>
      %add3A_1026 = arith.addf %mul3A_1018, %mul3A_1025 : vector<16xf32>
      %get3A_1027 = arith.index_cast %add3A_1011 : i32 to index
      %get3A_1028 = arith.constant 32 : index
      %get3A_1029 = tpu.vector_load %arg8[%get3A_1027, %get3A_1028] {strides = array<i32>} : memref<128x128xf32, #tpu.memory_space<vmem>>, vector<16xf32>,
      %get3A_1030 = arith.index_cast %add3A_1011 : i32 to index
      %get3A_1031 = arith.constant 32 : index
      %get3A_1032 = tpu.vector_load %arg9[%get3A_1030, %get3A_1031] {strides = array<i32>} : memref<128x128xf32, #tpu.memory_space<vmem>>, vector<16xf32>,
      %mul3A_1033 = arith.mulf %get3A_1029, %get3A_1032 : vector<16xf32>
      %add3A_1034 = arith.addf %add3A_1026, %mul3A_1033 : vector<16xf32>
      %get3A_1035 = arith.index_cast %add3A_1011 : i32 to index
      %get3A_1036 = arith.constant 48 : index
      %get3A_1037 = tpu.vector_load %arg8[%get3A_1035, %get3A_1036] {strides = array<i32>} : memref<128x128xf32, #tpu.memory_space<vmem>>, vector<16xf32>,
      %get3A_1038 = arith.index_cast %add3A_1011 : i32 to index
      %get3A_1039 = arith.constant 48 : index
      %get3A_1040 = tpu.vector_load %arg9[%get3A_1038, %get3A_1039] {strides = array<i32>} : memref<128x128xf32, #tpu.memory_space<vmem>>, vector<16xf32>,
      %mul3A_1041 = arith.mulf %get3A_1037, %get3A_1040 : vector<16xf32>
      %add3A_1042 = arith.addf %add3A_1034, %mul3A_1041 : vector<16xf32>
      %get3A_1043 = arith.index_cast %add3A_1011 : i32 to index
      %get3A_1044 = arith.constant 64 : index
      %get3A_1045 = tpu.vector_load %arg8[%get3A_1043, %get3A_1044] {strides = array<i32>} : memref<128x128xf32, #tpu.memory_space<vmem>>, vector<16xf32>,
      %get3A_1046 = arith.index_cast %add3A_1011 : i32 to index
      %get3A_1047 = arith.constant 64 : index
      %get3A_1048 = tpu.vector_load %arg9[%get3A_1046, %get3A_1047] {strides = array<i32>} : memref<128x128xf32, #tpu.memory_space<vmem>>, vector<16xf32>,
      %mul3A_1049 = arith.mulf %get3A_1045, %get3A_1048 : vector<16xf32>
      %add3A_1050 = arith.addf %add3A_1042, %mul3A_1049 : vector<16xf32>
      %get3A_1051 = arith.index_cast %add3A_1011 : i32 to index
      %get3A_1052 = arith.constant 80 : index
      %get3A_1053 = tpu.vector_load %arg8[%get3A_1051, %get3A_1052] {strides = array<i32>} : memref<128x128xf32, #tpu.memory_space<vmem>>, vector<16xf32>,
      %get3A_1054 = arith.index_cast %add3A_1011 : i32 to index
      %get3A_1055 = arith.constant 80 : index
      %get3A_1056 = tpu.vector_load %arg9[%get3A_1054, %get3A_1055] {strides = array<i32>} : memref<128x128xf32, #tpu.memory_space<vmem>>, vector<16xf32>,
      %mul3A_1057 = arith.mulf %get3A_1053, %get3A_1056 : vector<16xf32>
      %add3A_1058 = arith.addf %add3A_1050, %mul3A_1057 : vector<16xf32>
      %get3A_1059 = arith.index_cast %add3A_1011 : i32 to index
      %get3A_1060 = arith.constant 96 : index
      %get3A_1061 = tpu.vector_load %arg8[%get3A_1059, %get3A_1060] {strides = array<i32>} : memref<128x128xf32, #tpu.memory_space<vmem>>, vector<16xf32>,
      %get3A_1062 = arith.index_cast %add3A_1011 : i32 to index
      %get3A_1063 = arith.constant 96 : index
      %get3A_1064 = tpu.vector_load %arg9[%get3A_1062, %get3A_1063] {strides = array<i32>} : memref<128x128xf32, #tpu.memory_space<vmem>>, vector<16xf32>,
      %mul3A_1065 = arith.mulf %get3A_1061, %get3A_1064 : vector<16xf32>
      %add3A_1066 = arith.addf %add3A_1058, %mul3A_1065 : vector<16xf32>
      %get3A_1067 = arith.index_cast %add3A_1011 : i32 to index
      %get3A_1068 = arith.constant 112 : index
      %get3A_1069 = tpu.vector_load %arg8[%get3A_1067, %get3A_1068] {strides = array<i32>} : memref<128x128xf32, #tpu.memory_space<vmem>>, vector<16xf32>,
      %get3A_1070 = arith.index_cast %add3A_1011 : i32 to index
      %get3A_1071 = arith.constant 112 : index
      %get3A_1072 = tpu.vector_load %arg9[%get3A_1070, %get3A_1071] {strides = array<i32>} : memref<128x128xf32, #tpu.memory_space<vmem>>, vector<16xf32>,
      %mul3A_1073 = arith.mulf %get3A_1069, %get3A_1072 : vector<16xf32>
      %add3A_1074 = arith.addf %add3A_1066, %mul3A_1073 : vector<16xf32>
      %broadcast_in_dim3A_1075 = arith.constant 13 : i32
      %broadcast_in_dim3A_1076 = vector.broadcast %broadcast_in_dim3A_1075 : i32 to vector<16xi32>
      tpu.vector_store_idx %arg12[%iota3A, %broadcast_in_dim3A_1076], %add3A_1074 : memref<16x16xf32, #tpu.memory_space<vmem>>[vector<16xi32>, vector<16xi32>], vector<16xf32>,
      %add3A_1077 = arith.constant 14 : i32
      %add3A_1078 = arith.addi %mul3A_140, %add3A_1077 : i32
      %get3A_1079 = arith.index_cast %add3A_1078 : i32 to index
      %get3A_1080 = arith.constant 0 : index
      %get3A_1081 = tpu.vector_load %arg8[%get3A_1079, %get3A_1080] {strides = array<i32>} : memref<128x128xf32, #tpu.memory_space<vmem>>, vector<16xf32>,
      %get3A_1082 = arith.index_cast %add3A_1078 : i32 to index
      %get3A_1083 = arith.constant 0 : index
      %get3A_1084 = tpu.vector_load %arg9[%get3A_1082, %get3A_1083] {strides = array<i32>} : memref<128x128xf32, #tpu.memory_space<vmem>>, vector<16xf32>,
      %mul3A_1085 = arith.mulf %get3A_1081, %get3A_1084 : vector<16xf32>
      %get3A_1086 = arith.index_cast %add3A_1078 : i32 to index
      %get3A_1087 = arith.constant 16 : index
      %get3A_1088 = tpu.vector_load %arg8[%get3A_1086, %get3A_1087] {strides = array<i32>} : memref<128x128xf32, #tpu.memory_space<vmem>>, vector<16xf32>,
      %get3A_1089 = arith.index_cast %add3A_1078 : i32 to index
      %get3A_1090 = arith.constant 16 : index
      %get3A_1091 = tpu.vector_load %arg9[%get3A_1089, %get3A_1090] {strides = array<i32>} : memref<128x128xf32, #tpu.memory_space<vmem>>, vector<16xf32>,
      %mul3A_1092 = arith.mulf %get3A_1088, %get3A_1091 : vector<16xf32>
      %add3A_1093 = arith.addf %mul3A_1085, %mul3A_1092 : vector<16xf32>
      %get3A_1094 = arith.index_cast %add3A_1078 : i32 to index
      %get3A_1095 = arith.constant 32 : index
      %get3A_1096 = tpu.vector_load %arg8[%get3A_1094, %get3A_1095] {strides = array<i32>} : memref<128x128xf32, #tpu.memory_space<vmem>>, vector<16xf32>,
      %get3A_1097 = arith.index_cast %add3A_1078 : i32 to index
      %get3A_1098 = arith.constant 32 : index
      %get3A_1099 = tpu.vector_load %arg9[%get3A_1097, %get3A_1098] {strides = array<i32>} : memref<128x128xf32, #tpu.memory_space<vmem>>, vector<16xf32>,
      %mul3A_1100 = arith.mulf %get3A_1096, %get3A_1099 : vector<16xf32>
      %add3A_1101 = arith.addf %add3A_1093, %mul3A_1100 : vector<16xf32>
      %get3A_1102 = arith.index_cast %add3A_1078 : i32 to index
      %get3A_1103 = arith.constant 48 : index
      %get3A_1104 = tpu.vector_load %arg8[%get3A_1102, %get3A_1103] {strides = array<i32>} : memref<128x128xf32, #tpu.memory_space<vmem>>, vector<16xf32>,
      %get3A_1105 = arith.index_cast %add3A_1078 : i32 to index
      %get3A_1106 = arith.constant 48 : index
      %get3A_1107 = tpu.vector_load %arg9[%get3A_1105, %get3A_1106] {strides = array<i32>} : memref<128x128xf32, #tpu.memory_space<vmem>>, vector<16xf32>,
      %mul3A_1108 = arith.mulf %get3A_1104, %get3A_1107 : vector<16xf32>
      %add3A_1109 = arith.addf %add3A_1101, %mul3A_1108 : vector<16xf32>
      %get3A_1110 = arith.index_cast %add3A_1078 : i32 to index
      %get3A_1111 = arith.constant 64 : index
      %get3A_1112 = tpu.vector_load %arg8[%get3A_1110, %get3A_1111] {strides = array<i32>} : memref<128x128xf32, #tpu.memory_space<vmem>>, vector<16xf32>,
      %get3A_1113 = arith.index_cast %add3A_1078 : i32 to index
      %get3A_1114 = arith.constant 64 : index
      %get3A_1115 = tpu.vector_load %arg9[%get3A_1113, %get3A_1114] {strides = array<i32>} : memref<128x128xf32, #tpu.memory_space<vmem>>, vector<16xf32>,
      %mul3A_1116 = arith.mulf %get3A_1112, %get3A_1115 : vector<16xf32>
      %add3A_1117 = arith.addf %add3A_1109, %mul3A_1116 : vector<16xf32>
      %get3A_1118 = arith.index_cast %add3A_1078 : i32 to index
      %get3A_1119 = arith.constant 80 : index
      %get3A_1120 = tpu.vector_load %arg8[%get3A_1118, %get3A_1119] {strides = array<i32>} : memref<128x128xf32, #tpu.memory_space<vmem>>, vector<16xf32>,
      %get3A_1121 = arith.index_cast %add3A_1078 : i32 to index
      %get3A_1122 = arith.constant 80 : index
      %get3A_1123 = tpu.vector_load %arg9[%get3A_1121, %get3A_1122] {strides = array<i32>} : memref<128x128xf32, #tpu.memory_space<vmem>>, vector<16xf32>,
      %mul3A_1124 = arith.mulf %get3A_1120, %get3A_1123 : vector<16xf32>
      %add3A_1125 = arith.addf %add3A_1117, %mul3A_1124 : vector<16xf32>
      %get3A_1126 = arith.index_cast %add3A_1078 : i32 to index
      %get3A_1127 = arith.constant 96 : index
      %get3A_1128 = tpu.vector_load %arg8[%get3A_1126, %get3A_1127] {strides = array<i32>} : memref<128x128xf32, #tpu.memory_space<vmem>>, vector<16xf32>,
      %get3A_1129 = arith.index_cast %add3A_1078 : i32 to index
      %get3A_1130 = arith.constant 96 : index
      %get3A_1131 = tpu.vector_load %arg9[%get3A_1129, %get3A_1130] {strides = array<i32>} : memref<128x128xf32, #tpu.memory_space<vmem>>, vector<16xf32>,
      %mul3A_1132 = arith.mulf %get3A_1128, %get3A_1131 : vector<16xf32>
      %add3A_1133 = arith.addf %add3A_1125, %mul3A_1132 : vector<16xf32>
      %get3A_1134 = arith.index_cast %add3A_1078 : i32 to index
      %get3A_1135 = arith.constant 112 : index
      %get3A_1136 = tpu.vector_load %arg8[%get3A_1134, %get3A_1135] {strides = array<i32>} : memref<128x128xf32, #tpu.memory_space<vmem>>, vector<16xf32>,
      %get3A_1137 = arith.index_cast %add3A_1078 : i32 to index
      %get3A_1138 = arith.constant 112 : index
      %get3A_1139 = tpu.vector_load %arg9[%get3A_1137, %get3A_1138] {strides = array<i32>} : memref<128x128xf32, #tpu.memory_space<vmem>>, vector<16xf32>,
      %mul3A_1140 = arith.mulf %get3A_1136, %get3A_1139 : vector<16xf32>
      %add3A_1141 = arith.addf %add3A_1133, %mul3A_1140 : vector<16xf32>
      %broadcast_in_dim3A_1142 = arith.constant 14 : i32
      %broadcast_in_dim3A_1143 = vector.broadcast %broadcast_in_dim3A_1142 : i32 to vector<16xi32>
      tpu.vector_store_idx %arg12[%iota3A, %broadcast_in_dim3A_1143], %add3A_1141 : memref<16x16xf32, #tpu.memory_space<vmem>>[vector<16xi32>, vector<16xi32>], vector<16xf32>,
      %add3A_1144 = arith.constant 15 : i32
      %add3A_1145 = arith.addi %mul3A_140, %add3A_1144 : i32
      %get3A_1146 = arith.index_cast %add3A_1145 : i32 to index
      %get3A_1147 = arith.constant 0 : index
      %get3A_1148 = tpu.vector_load %arg8[%get3A_1146, %get3A_1147] {strides = array<i32>} : memref<128x128xf32, #tpu.memory_space<vmem>>, vector<16xf32>,
      %get3A_1149 = arith.index_cast %add3A_1145 : i32 to index
      %get3A_1150 = arith.constant 0 : index
      %get3A_1151 = tpu.vector_load %arg9[%get3A_1149, %get3A_1150] {strides = array<i32>} : memref<128x128xf32, #tpu.memory_space<vmem>>, vector<16xf32>,
      %mul3A_1152 = arith.mulf %get3A_1148, %get3A_1151 : vector<16xf32>
      %get3A_1153 = arith.index_cast %add3A_1145 : i32 to index
      %get3A_1154 = arith.constant 16 : index
      %get3A_1155 = tpu.vector_load %arg8[%get3A_1153, %get3A_1154] {strides = array<i32>} : memref<128x128xf32, #tpu.memory_space<vmem>>, vector<16xf32>,
      %get3A_1156 = arith.index_cast %add3A_1145 : i32 to index
      %get3A_1157 = arith.constant 16 : index
      %get3A_1158 = tpu.vector_load %arg9[%get3A_1156, %get3A_1157] {strides = array<i32>} : memref<128x128xf32, #tpu.memory_space<vmem>>, vector<16xf32>,
      %mul3A_1159 = arith.mulf %get3A_1155, %get3A_1158 : vector<16xf32>
      %add3A_1160 = arith.addf %mul3A_1152, %mul3A_1159 : vector<16xf32>
      %get3A_1161 = arith.index_cast %add3A_1145 : i32 to index
      %get3A_1162 = arith.constant 32 : index
      %get3A_1163 = tpu.vector_load %arg8[%get3A_1161, %get3A_1162] {strides = array<i32>} : memref<128x128xf32, #tpu.memory_space<vmem>>, vector<16xf32>,
      %get3A_1164 = arith.index_cast %add3A_1145 : i32 to index
      %get3A_1165 = arith.constant 32 : index
      %get3A_1166 = tpu.vector_load %arg9[%get3A_1164, %get3A_1165] {strides = array<i32>} : memref<128x128xf32, #tpu.memory_space<vmem>>, vector<16xf32>,
      %mul3A_1167 = arith.mulf %get3A_1163, %get3A_1166 : vector<16xf32>
      %add3A_1168 = arith.addf %add3A_1160, %mul3A_1167 : vector<16xf32>
      %get3A_1169 = arith.index_cast %add3A_1145 : i32 to index
      %get3A_1170 = arith.constant 48 : index
      %get3A_1171 = tpu.vector_load %arg8[%get3A_1169, %get3A_1170] {strides = array<i32>} : memref<128x128xf32, #tpu.memory_space<vmem>>, vector<16xf32>,
      %get3A_1172 = arith.index_cast %add3A_1145 : i32 to index
      %get3A_1173 = arith.constant 48 : index
      %get3A_1174 = tpu.vector_load %arg9[%get3A_1172, %get3A_1173] {strides = array<i32>} : memref<128x128xf32, #tpu.memory_space<vmem>>, vector<16xf32>,
      %mul3A_1175 = arith.mulf %get3A_1171, %get3A_1174 : vector<16xf32>
      %add3A_1176 = arith.addf %add3A_1168, %mul3A_1175 : vector<16xf32>
      %get3A_1177 = arith.index_cast %add3A_1145 : i32 to index
      %get3A_1178 = arith.constant 64 : index
      %get3A_1179 = tpu.vector_load %arg8[%get3A_1177, %get3A_1178] {strides = array<i32>} : memref<128x128xf32, #tpu.memory_space<vmem>>, vector<16xf32>,
      %get3A_1180 = arith.index_cast %add3A_1145 : i32 to index
      %get3A_1181 = arith.constant 64 : index
      %get3A_1182 = tpu.vector_load %arg9[%get3A_1180, %get3A_1181] {strides = array<i32>} : memref<128x128xf32, #tpu.memory_space<vmem>>, vector<16xf32>,
      %mul3A_1183 = arith.mulf %get3A_1179, %get3A_1182 : vector<16xf32>
      %add3A_1184 = arith.addf %add3A_1176, %mul3A_1183 : vector<16xf32>
      %get3A_1185 = arith.index_cast %add3A_1145 : i32 to index
      %get3A_1186 = arith.constant 80 : index
      %get3A_1187 = tpu.vector_load %arg8[%get3A_1185, %get3A_1186] {strides = array<i32>} : memref<128x128xf32, #tpu.memory_space<vmem>>, vector<16xf32>,
      %get3A_1188 = arith.index_cast %add3A_1145 : i32 to index
      %get3A_1189 = arith.constant 80 : index
      %get3A_1190 = tpu.vector_load %arg9[%get3A_1188, %get3A_1189] {strides = array<i32>} : memref<128x128xf32, #tpu.memory_space<vmem>>, vector<16xf32>,
      %mul3A_1191 = arith.mulf %get3A_1187, %get3A_1190 : vector<16xf32>
      %add3A_1192 = arith.addf %add3A_1184, %mul3A_1191 : vector<16xf32>
      %get3A_1193 = arith.index_cast %add3A_1145 : i32 to index
      %get3A_1194 = arith.constant 96 : index
      %get3A_1195 = tpu.vector_load %arg8[%get3A_1193, %get3A_1194] {strides = array<i32>} : memref<128x128xf32, #tpu.memory_space<vmem>>, vector<16xf32>,
      %get3A_1196 = arith.index_cast %add3A_1145 : i32 to index
      %get3A_1197 = arith.constant 96 : index
      %get3A_1198 = tpu.vector_load %arg9[%get3A_1196, %get3A_1197] {strides = array<i32>} : memref<128x128xf32, #tpu.memory_space<vmem>>, vector<16xf32>,
      %mul3A_1199 = arith.mulf %get3A_1195, %get3A_1198 : vector<16xf32>
      %add3A_1200 = arith.addf %add3A_1192, %mul3A_1199 : vector<16xf32>
      %get3A_1201 = arith.index_cast %add3A_1145 : i32 to index
      %get3A_1202 = arith.constant 112 : index
      %get3A_1203 = tpu.vector_load %arg8[%get3A_1201, %get3A_1202] {strides = array<i32>} : memref<128x128xf32, #tpu.memory_space<vmem>>, vector<16xf32>,
      %get3A_1204 = arith.index_cast %add3A_1145 : i32 to index
      %get3A_1205 = arith.constant 112 : index
      %get3A_1206 = tpu.vector_load %arg9[%get3A_1204, %get3A_1205] {strides = array<i32>} : memref<128x128xf32, #tpu.memory_space<vmem>>, vector<16xf32>,
      %mul3A_1207 = arith.mulf %get3A_1203, %get3A_1206 : vector<16xf32>
      %add3A_1208 = arith.addf %add3A_1200, %mul3A_1207 : vector<16xf32>
      %broadcast_in_dim3A_1209 = arith.constant 15 : i32
      %broadcast_in_dim3A_1210 = vector.broadcast %broadcast_in_dim3A_1209 : i32 to vector<16xi32>
      tpu.vector_store_idx %arg12[%iota3A, %broadcast_in_dim3A_1210], %add3A_1208 : memref<16x16xf32, #tpu.memory_space<vmem>>[vector<16xi32>, vector<16xi32>], vector<16xf32>,
      %get3A_1211 = arith.constant 0 : i32
      %get3A_1212 = arith.index_cast %get3A_1211 : i32 to index
      %get3A_1213 = arith.constant 0 : index
      %get3A_1214 = tpu.vector_load %arg12[%get3A_1212, %get3A_1213] {strides = array<i32>} : memref<16x16xf32, #tpu.memory_space<vmem>>, vector<16xf32>,
      %get3A_1215 = arith.constant 1 : i32
      %get3A_1216 = arith.index_cast %get3A_1215 : i32 to index
      %get3A_1217 = arith.constant 0 : index
      %get3A_1218 = tpu.vector_load %arg12[%get3A_1216, %get3A_1217] {strides = array<i32>} : memref<16x16xf32, #tpu.memory_space<vmem>>, vector<16xf32>,
      %add3A_1219 = arith.addf %get3A_1214, %get3A_1218 : vector<16xf32>
      %get3A_1220 = arith.constant 2 : i32
      %get3A_1221 = arith.index_cast %get3A_1220 : i32 to index
      %get3A_1222 = arith.constant 0 : index
      %get3A_1223 = tpu.vector_load %arg12[%get3A_1221, %get3A_1222] {strides = array<i32>} : memref<16x16xf32, #tpu.memory_space<vmem>>, vector<16xf32>,
      %add3A_1224 = arith.addf %add3A_1219, %get3A_1223 : vector<16xf32>
      %get3A_1225 = arith.constant 3 : i32
      %get3A_1226 = arith.index_cast %get3A_1225 : i32 to index
      %get3A_1227 = arith.constant 0 : index
      %get3A_1228 = tpu.vector_load %arg12[%get3A_1226, %get3A_1227] {strides = array<i32>} : memref<16x16xf32, #tpu.memory_space<vmem>>, vector<16xf32>,
      %add3A_1229 = arith.addf %add3A_1224, %get3A_1228 : vector<16xf32>
      %get3A_1230 = arith.constant 4 : i32
      %get3A_1231 = arith.index_cast %get3A_1230 : i32 to index
      %get3A_1232 = arith.constant 0 : index
      %get3A_1233 = tpu.vector_load %arg12[%get3A_1231, %get3A_1232] {strides = array<i32>} : memref<16x16xf32, #tpu.memory_space<vmem>>, vector<16xf32>,
      %add3A_1234 = arith.addf %add3A_1229, %get3A_1233 : vector<16xf32>
      %get3A_1235 = arith.constant 5 : i32
      %get3A_1236 = arith.index_cast %get3A_1235 : i32 to index
      %get3A_1237 = arith.constant 0 : index
      %get3A_1238 = tpu.vector_load %arg12[%get3A_1236, %get3A_1237] {strides = array<i32>} : memref<16x16xf32, #tpu.memory_space<vmem>>, vector<16xf32>,
      %add3A_1239 = arith.addf %add3A_1234, %get3A_1238 : vector<16xf32>
      %get3A_1240 = arith.constant 6 : i32
      %get3A_1241 = arith.index_cast %get3A_1240 : i32 to index
      %get3A_1242 = arith.constant 0 : index
      %get3A_1243 = tpu.vector_load %arg12[%get3A_1241, %get3A_1242] {strides = array<i32>} : memref<16x16xf32, #tpu.memory_space<vmem>>, vector<16xf32>,
      %add3A_1244 = arith.addf %add3A_1239, %get3A_1243 : vector<16xf32>
      %get3A_1245 = arith.constant 7 : i32
      %get3A_1246 = arith.index_cast %get3A_1245 : i32 to index
      %get3A_1247 = arith.constant 0 : index
      %get3A_1248 = tpu.vector_load %arg12[%get3A_1246, %get3A_1247] {strides = array<i32>} : memref<16x16xf32, #tpu.memory_space<vmem>>, vector<16xf32>,
      %add3A_1249 = arith.addf %add3A_1244, %get3A_1248 : vector<16xf32>
      %get3A_1250 = arith.constant 8 : i32
      %get3A_1251 = arith.index_cast %get3A_1250 : i32 to index
      %get3A_1252 = arith.constant 0 : index
      %get3A_1253 = tpu.vector_load %arg12[%get3A_1251, %get3A_1252] {strides = array<i32>} : memref<16x16xf32, #tpu.memory_space<vmem>>, vector<16xf32>,
      %add3A_1254 = arith.addf %add3A_1249, %get3A_1253 : vector<16xf32>
      %get3A_1255 = arith.constant 9 : i32
      %get3A_1256 = arith.index_cast %get3A_1255 : i32 to index
      %get3A_1257 = arith.constant 0 : index
      %get3A_1258 = tpu.vector_load %arg12[%get3A_1256, %get3A_1257] {strides = array<i32>} : memref<16x16xf32, #tpu.memory_space<vmem>>, vector<16xf32>,
      %add3A_1259 = arith.addf %add3A_1254, %get3A_1258 : vector<16xf32>
      %get3A_1260 = arith.constant 10 : i32
      %get3A_1261 = arith.index_cast %get3A_1260 : i32 to index
      %get3A_1262 = arith.constant 0 : index
      %get3A_1263 = tpu.vector_load %arg12[%get3A_1261, %get3A_1262] {strides = array<i32>} : memref<16x16xf32, #tpu.memory_space<vmem>>, vector<16xf32>,
      %add3A_1264 = arith.addf %add3A_1259, %get3A_1263 : vector<16xf32>
      %get3A_1265 = arith.constant 11 : i32
      %get3A_1266 = arith.index_cast %get3A_1265 : i32 to index
      %get3A_1267 = arith.constant 0 : index
      %get3A_1268 = tpu.vector_load %arg12[%get3A_1266, %get3A_1267] {strides = array<i32>} : memref<16x16xf32, #tpu.memory_space<vmem>>, vector<16xf32>,
      %add3A_1269 = arith.addf %add3A_1264, %get3A_1268 : vector<16xf32>
      %get3A_1270 = arith.constant 12 : i32
      %get3A_1271 = arith.index_cast %get3A_1270 : i32 to index
      %get3A_1272 = arith.constant 0 : index
      %get3A_1273 = tpu.vector_load %arg12[%get3A_1271, %get3A_1272] {strides = array<i32>} : memref<16x16xf32, #tpu.memory_space<vmem>>, vector<16xf32>,
      %add3A_1274 = arith.addf %add3A_1269, %get3A_1273 : vector<16xf32>
      %get3A_1275 = arith.constant 13 : i32
      %get3A_1276 = arith.index_cast %get3A_1275 : i32 to index
      %get3A_1277 = arith.constant 0 : index
      %get3A_1278 = tpu.vector_load %arg12[%get3A_1276, %get3A_1277] {strides = array<i32>} : memref<16x16xf32, #tpu.memory_space<vmem>>, vector<16xf32>,
      %add3A_1279 = arith.addf %add3A_1274, %get3A_1278 : vector<16xf32>
      %get3A_1280 = arith.constant 14 : i32
      %get3A_1281 = arith.index_cast %get3A_1280 : i32 to index
      %get3A_1282 = arith.constant 0 : index
      %get3A_1283 = tpu.vector_load %arg12[%get3A_1281, %get3A_1282] {strides = array<i32>} : memref<16x16xf32, #tpu.memory_space<vmem>>, vector<16xf32>,
      %add3A_1284 = arith.addf %add3A_1279, %get3A_1283 : vector<16xf32>
      %get3A_1285 = arith.constant 15 : i32
      %get3A_1286 = arith.index_cast %get3A_1285 : i32 to index
      %get3A_1287 = arith.constant 0 : index
      %get3A_1288 = tpu.vector_load %arg12[%get3A_1286, %get3A_1287] {strides = array<i32>} : memref<16x16xf32, #tpu.memory_space<vmem>>, vector<16xf32>,
      %add3A_1289 = arith.addf %add3A_1284, %get3A_1288 : vector<16xf32>
      %add3A_1290 = arith.constant 0 : i32
      %add3A_1291 = arith.addi %add3A_1290, %mul3A_140 : i32
      %swap3A = arith.index_cast %add3A_1291 : i32 to index
      %swap3A_1292 = tpu.vector_load %arg13[%swap3A] {strides = array<i32>} : memref<512xf32, #tpu.memory_space<vmem>>, vector<16xf32>,
      tpu.vector_store %arg13[%swap3A], %add3A_1289 {strides = array<i32>} : memref<512xf32, #tpu.memory_space<vmem>>, vector<16xf32>,
    }
    %scan3A_46 = arith.constant 8 : i32
    %dma_start3A_47 = arith.constant 2 : i32
    %dma_start3A_48 = arith.constant 0 : i32
    %dma_start3A_49 = tpu.memref_slice %arg6[%dma_start3A_47, %dma_start3A_48] : memref<4x128xi32, #tpu.memory_space<vmem>> -> memref<1x128xi32, #tpu.memory_space<vmem>>
    %dma_start3A_50 = tpu.memref_squeeze %dma_start3A_49 : memref<1x128xi32, #tpu.memory_space<vmem>> -> memref<128xi32, #tpu.memory_space<vmem>>
    %dma_start3A_51 = arith.constant 0 : i32
    %dma_start3A_52 = arith.constant 0 : i32
    %dma_start3A_53 = tpu.memref_slice %arg4[%dma_start3A_51, %dma_start3A_52] : memref<100000x128xf32, #tpu.memory_space<hbm>> -> memref<100000x128xf32, #tpu.memory_space<hbm>>
    tpu.enqueue_indirect_dma source(%dma_start3A_53 : memref<100000x128xf32, #tpu.memory_space<hbm>>) target(%arg8 : memref<128x128xf32, #tpu.memory_space<vmem>>) offsets(%dma_start3A_50 : memref<128xi32, #tpu.memory_space<vmem>>) semaphore(%arg14 : memref<!tpu.dma_semaphore, #tpu.memory_space<semaphore_mem>>)
    %dma_start3A_54 = arith.constant 2 : i32
    %dma_start3A_55 = arith.constant 0 : i32
    %dma_start3A_56 = tpu.memref_slice %arg7[%dma_start3A_54, %dma_start3A_55] : memref<4x128xi32, #tpu.memory_space<vmem>> -> memref<1x128xi32, #tpu.memory_space<vmem>>
    %dma_start3A_57 = tpu.memref_squeeze %dma_start3A_56 : memref<1x128xi32, #tpu.memory_space<vmem>> -> memref<128xi32, #tpu.memory_space<vmem>>
    %dma_start3A_58 = arith.constant 0 : i32
    %dma_start3A_59 = arith.constant 0 : i32
    %dma_start3A_60 = tpu.memref_slice %arg4[%dma_start3A_58, %dma_start3A_59] : memref<100000x128xf32, #tpu.memory_space<hbm>> -> memref<100000x128xf32, #tpu.memory_space<hbm>>
    tpu.enqueue_indirect_dma source(%dma_start3A_60 : memref<100000x128xf32, #tpu.memory_space<hbm>>) target(%arg9 : memref<128x128xf32, #tpu.memory_space<vmem>>) offsets(%dma_start3A_57 : memref<128xi32, #tpu.memory_space<vmem>>) semaphore(%arg14 : memref<!tpu.dma_semaphore, #tpu.memory_space<semaphore_mem>>)
    %dma_wait3A_61 = arith.constant 1 : i32
    %dma_wait3A_62 = arith.constant 0 : i32
    %dma_wait3A_63 = tpu.memref_slice %arg6[%dma_wait3A_61, %dma_wait3A_62] : memref<4x128xi32, #tpu.memory_space<vmem>> -> memref<1x128xi32, #tpu.memory_space<vmem>>
    %dma_wait3A_64 = tpu.memref_squeeze %dma_wait3A_63 : memref<1x128xi32, #tpu.memory_space<vmem>> -> memref<128xi32, #tpu.memory_space<vmem>>
    %dma_wait3A_65 = arith.constant 0 : i32
    %dma_wait3A_66 = arith.constant 0 : i32
    %dma_wait3A_67 = tpu.memref_slice %arg4[%dma_wait3A_65, %dma_wait3A_66] : memref<100000x128xf32, #tpu.memory_space<hbm>> -> memref<100000x128xf32, #tpu.memory_space<hbm>>
    tpu.wait_indirect_dma semaphore(%arg15 : memref<!tpu.dma_semaphore, #tpu.memory_space<semaphore_mem>>) src(%dma_wait3A_67 : memref<100000x128xf32, #tpu.memory_space<hbm>>) dst(%arg10 : memref<128x128xf32, #tpu.memory_space<vmem>>)
    %dma_wait3A_68 = arith.constant 1 : i32
    %dma_wait3A_69 = arith.constant 0 : i32
    %dma_wait3A_70 = tpu.memref_slice %arg7[%dma_wait3A_68, %dma_wait3A_69] : memref<4x128xi32, #tpu.memory_space<vmem>> -> memref<1x128xi32, #tpu.memory_space<vmem>>
    %dma_wait3A_71 = tpu.memref_squeeze %dma_wait3A_70 : memref<1x128xi32, #tpu.memory_space<vmem>> -> memref<128xi32, #tpu.memory_space<vmem>>
    %dma_wait3A_72 = arith.constant 0 : i32
    %dma_wait3A_73 = arith.constant 0 : i32
    %dma_wait3A_74 = tpu.memref_slice %arg4[%dma_wait3A_72, %dma_wait3A_73] : memref<100000x128xf32, #tpu.memory_space<hbm>> -> memref<100000x128xf32, #tpu.memory_space<hbm>>
    tpu.wait_indirect_dma semaphore(%arg15 : memref<!tpu.dma_semaphore, #tpu.memory_space<semaphore_mem>>) src(%dma_wait3A_74 : memref<100000x128xf32, #tpu.memory_space<hbm>>) dst(%arg11 : memref<128x128xf32, #tpu.memory_space<vmem>>)
    %scan3A_75 = arith.constant 0 : i32
    %scan3A_76 = arith.constant 8 : i32
    %scan3A_77 = arith.addi %scan3A_75, %scan3A_76 : i32
    %scan3A_78 = arith.constant 1 : i32
    scf.for %scan3A_134 = %scan3A_75 to %scan3A_77 step %scan3A_78  : i32 {
      %mul3A_135 = arith.constant 1 : i32
      %mul3A_136 = arith.muli %scan3A_134, %mul3A_135 : i32
      %add3A_137 = arith.constant 0 : i32
      %add3A_138 = arith.addi %add3A_137, %mul3A_136 : i32
      %mul3A_139 = arith.constant 16 : i32
      %mul3A_140 = arith.muli %add3A_138, %mul3A_139 : i32
      %add3A_141 = arith.constant 0 : i32
      %add3A_142 = arith.addi %mul3A_140, %add3A_141 : i32
      %get3A = arith.index_cast %add3A_142 : i32 to index
      %get3A_143 = arith.constant 0 : index
      %get3A_144 = tpu.vector_load %arg10[%get3A, %get3A_143] {strides = array<i32>} : memref<128x128xf32, #tpu.memory_space<vmem>>, vector<16xf32>,
      %get3A_145 = arith.index_cast %add3A_142 : i32 to index
      %get3A_146 = arith.constant 0 : index
      %get3A_147 = tpu.vector_load %arg11[%get3A_145, %get3A_146] {strides = array<i32>} : memref<128x128xf32, #tpu.memory_space<vmem>>, vector<16xf32>,
      %mul3A_148 = arith.mulf %get3A_144, %get3A_147 : vector<16xf32>
      %get3A_149 = arith.index_cast %add3A_142 : i32 to index
      %get3A_150 = arith.constant 16 : index
      %get3A_151 = tpu.vector_load %arg10[%get3A_149, %get3A_150] {strides = array<i32>} : memref<128x128xf32, #tpu.memory_space<vmem>>, vector<16xf32>,
      %get3A_152 = arith.index_cast %add3A_142 : i32 to index
      %get3A_153 = arith.constant 16 : index
      %get3A_154 = tpu.vector_load %arg11[%get3A_152, %get3A_153] {strides = array<i32>} : memref<128x128xf32, #tpu.memory_space<vmem>>, vector<16xf32>,
      %mul3A_155 = arith.mulf %get3A_151, %get3A_154 : vector<16xf32>
      %add3A_156 = arith.addf %mul3A_148, %mul3A_155 : vector<16xf32>
      %get3A_157 = arith.index_cast %add3A_142 : i32 to index
      %get3A_158 = arith.constant 32 : index
      %get3A_159 = tpu.vector_load %arg10[%get3A_157, %get3A_158] {strides = array<i32>} : memref<128x128xf32, #tpu.memory_space<vmem>>, vector<16xf32>,
      %get3A_160 = arith.index_cast %add3A_142 : i32 to index
      %get3A_161 = arith.constant 32 : index
      %get3A_162 = tpu.vector_load %arg11[%get3A_160, %get3A_161] {strides = array<i32>} : memref<128x128xf32, #tpu.memory_space<vmem>>, vector<16xf32>,
      %mul3A_163 = arith.mulf %get3A_159, %get3A_162 : vector<16xf32>
      %add3A_164 = arith.addf %add3A_156, %mul3A_163 : vector<16xf32>
      %get3A_165 = arith.index_cast %add3A_142 : i32 to index
      %get3A_166 = arith.constant 48 : index
      %get3A_167 = tpu.vector_load %arg10[%get3A_165, %get3A_166] {strides = array<i32>} : memref<128x128xf32, #tpu.memory_space<vmem>>, vector<16xf32>,
      %get3A_168 = arith.index_cast %add3A_142 : i32 to index
      %get3A_169 = arith.constant 48 : index
      %get3A_170 = tpu.vector_load %arg11[%get3A_168, %get3A_169] {strides = array<i32>} : memref<128x128xf32, #tpu.memory_space<vmem>>, vector<16xf32>,
      %mul3A_171 = arith.mulf %get3A_167, %get3A_170 : vector<16xf32>
      %add3A_172 = arith.addf %add3A_164, %mul3A_171 : vector<16xf32>
      %get3A_173 = arith.index_cast %add3A_142 : i32 to index
      %get3A_174 = arith.constant 64 : index
      %get3A_175 = tpu.vector_load %arg10[%get3A_173, %get3A_174] {strides = array<i32>} : memref<128x128xf32, #tpu.memory_space<vmem>>, vector<16xf32>,
      %get3A_176 = arith.index_cast %add3A_142 : i32 to index
      %get3A_177 = arith.constant 64 : index
      %get3A_178 = tpu.vector_load %arg11[%get3A_176, %get3A_177] {strides = array<i32>} : memref<128x128xf32, #tpu.memory_space<vmem>>, vector<16xf32>,
      %mul3A_179 = arith.mulf %get3A_175, %get3A_178 : vector<16xf32>
      %add3A_180 = arith.addf %add3A_172, %mul3A_179 : vector<16xf32>
      %get3A_181 = arith.index_cast %add3A_142 : i32 to index
      %get3A_182 = arith.constant 80 : index
      %get3A_183 = tpu.vector_load %arg10[%get3A_181, %get3A_182] {strides = array<i32>} : memref<128x128xf32, #tpu.memory_space<vmem>>, vector<16xf32>,
      %get3A_184 = arith.index_cast %add3A_142 : i32 to index
      %get3A_185 = arith.constant 80 : index
      %get3A_186 = tpu.vector_load %arg11[%get3A_184, %get3A_185] {strides = array<i32>} : memref<128x128xf32, #tpu.memory_space<vmem>>, vector<16xf32>,
      %mul3A_187 = arith.mulf %get3A_183, %get3A_186 : vector<16xf32>
      %add3A_188 = arith.addf %add3A_180, %mul3A_187 : vector<16xf32>
      %get3A_189 = arith.index_cast %add3A_142 : i32 to index
      %get3A_190 = arith.constant 96 : index
      %get3A_191 = tpu.vector_load %arg10[%get3A_189, %get3A_190] {strides = array<i32>} : memref<128x128xf32, #tpu.memory_space<vmem>>, vector<16xf32>,
      %get3A_192 = arith.index_cast %add3A_142 : i32 to index
      %get3A_193 = arith.constant 96 : index
      %get3A_194 = tpu.vector_load %arg11[%get3A_192, %get3A_193] {strides = array<i32>} : memref<128x128xf32, #tpu.memory_space<vmem>>, vector<16xf32>,
      %mul3A_195 = arith.mulf %get3A_191, %get3A_194 : vector<16xf32>
      %add3A_196 = arith.addf %add3A_188, %mul3A_195 : vector<16xf32>
      %get3A_197 = arith.index_cast %add3A_142 : i32 to index
      %get3A_198 = arith.constant 112 : index
      %get3A_199 = tpu.vector_load %arg10[%get3A_197, %get3A_198] {strides = array<i32>} : memref<128x128xf32, #tpu.memory_space<vmem>>, vector<16xf32>,
      %get3A_200 = arith.index_cast %add3A_142 : i32 to index
      %get3A_201 = arith.constant 112 : index
      %get3A_202 = tpu.vector_load %arg11[%get3A_200, %get3A_201] {strides = array<i32>} : memref<128x128xf32, #tpu.memory_space<vmem>>, vector<16xf32>,
      %mul3A_203 = arith.mulf %get3A_199, %get3A_202 : vector<16xf32>
      %add3A_204 = arith.addf %add3A_196, %mul3A_203 : vector<16xf32>
      %broadcast_in_dim3A = arith.constant 0 : i32
      %broadcast_in_dim3A_205 = vector.broadcast %broadcast_in_dim3A : i32 to vector<16xi32>
      tpu.vector_store_idx %arg12[%iota3A, %broadcast_in_dim3A_205], %add3A_204 : memref<16x16xf32, #tpu.memory_space<vmem>>[vector<16xi32>, vector<16xi32>], vector<16xf32>,
      %add3A_206 = arith.constant 1 : i32
      %add3A_207 = arith.addi %mul3A_140, %add3A_206 : i32
      %get3A_208 = arith.index_cast %add3A_207 : i32 to index
      %get3A_209 = arith.constant 0 : index
      %get3A_210 = tpu.vector_load %arg10[%get3A_208, %get3A_209] {strides = array<i32>} : memref<128x128xf32, #tpu.memory_space<vmem>>, vector<16xf32>,
      %get3A_211 = arith.index_cast %add3A_207 : i32 to index
      %get3A_212 = arith.constant 0 : index
      %get3A_213 = tpu.vector_load %arg11[%get3A_211, %get3A_212] {strides = array<i32>} : memref<128x128xf32, #tpu.memory_space<vmem>>, vector<16xf32>,
      %mul3A_214 = arith.mulf %get3A_210, %get3A_213 : vector<16xf32>
      %get3A_215 = arith.index_cast %add3A_207 : i32 to index
      %get3A_216 = arith.constant 16 : index
      %get3A_217 = tpu.vector_load %arg10[%get3A_215, %get3A_216] {strides = array<i32>} : memref<128x128xf32, #tpu.memory_space<vmem>>, vector<16xf32>,
      %get3A_218 = arith.index_cast %add3A_207 : i32 to index
      %get3A_219 = arith.constant 16 : index
      %get3A_220 = tpu.vector_load %arg11[%get3A_218, %get3A_219] {strides = array<i32>} : memref<128x128xf32, #tpu.memory_space<vmem>>, vector<16xf32>,
      %mul3A_221 = arith.mulf %get3A_217, %get3A_220 : vector<16xf32>
      %add3A_222 = arith.addf %mul3A_214, %mul3A_221 : vector<16xf32>
      %get3A_223 = arith.index_cast %add3A_207 : i32 to index
      %get3A_224 = arith.constant 32 : index
      %get3A_225 = tpu.vector_load %arg10[%get3A_223, %get3A_224] {strides = array<i32>} : memref<128x128xf32, #tpu.memory_space<vmem>>, vector<16xf32>,
      %get3A_226 = arith.index_cast %add3A_207 : i32 to index
      %get3A_227 = arith.constant 32 : index
      %get3A_228 = tpu.vector_load %arg11[%get3A_226, %get3A_227] {strides = array<i32>} : memref<128x128xf32, #tpu.memory_space<vmem>>, vector<16xf32>,
      %mul3A_229 = arith.mulf %get3A_225, %get3A_228 : vector<16xf32>
      %add3A_230 = arith.addf %add3A_222, %mul3A_229 : vector<16xf32>
      %get3A_231 = arith.index_cast %add3A_207 : i32 to index
      %get3A_232 = arith.constant 48 : index
      %get3A_233 = tpu.vector_load %arg10[%get3A_231, %get3A_232] {strides = array<i32>} : memref<128x128xf32, #tpu.memory_space<vmem>>, vector<16xf32>,
      %get3A_234 = arith.index_cast %add3A_207 : i32 to index
      %get3A_235 = arith.constant 48 : index
      %get3A_236 = tpu.vector_load %arg11[%get3A_234, %get3A_235] {strides = array<i32>} : memref<128x128xf32, #tpu.memory_space<vmem>>, vector<16xf32>,
      %mul3A_237 = arith.mulf %get3A_233, %get3A_236 : vector<16xf32>
      %add3A_238 = arith.addf %add3A_230, %mul3A_237 : vector<16xf32>
      %get3A_239 = arith.index_cast %add3A_207 : i32 to index
      %get3A_240 = arith.constant 64 : index
      %get3A_241 = tpu.vector_load %arg10[%get3A_239, %get3A_240] {strides = array<i32>} : memref<128x128xf32, #tpu.memory_space<vmem>>, vector<16xf32>,
      %get3A_242 = arith.index_cast %add3A_207 : i32 to index
      %get3A_243 = arith.constant 64 : index
      %get3A_244 = tpu.vector_load %arg11[%get3A_242, %get3A_243] {strides = array<i32>} : memref<128x128xf32, #tpu.memory_space<vmem>>, vector<16xf32>,
      %mul3A_245 = arith.mulf %get3A_241, %get3A_244 : vector<16xf32>
      %add3A_246 = arith.addf %add3A_238, %mul3A_245 : vector<16xf32>
      %get3A_247 = arith.index_cast %add3A_207 : i32 to index
      %get3A_248 = arith.constant 80 : index
      %get3A_249 = tpu.vector_load %arg10[%get3A_247, %get3A_248] {strides = array<i32>} : memref<128x128xf32, #tpu.memory_space<vmem>>, vector<16xf32>,
      %get3A_250 = arith.index_cast %add3A_207 : i32 to index
      %get3A_251 = arith.constant 80 : index
      %get3A_252 = tpu.vector_load %arg11[%get3A_250, %get3A_251] {strides = array<i32>} : memref<128x128xf32, #tpu.memory_space<vmem>>, vector<16xf32>,
      %mul3A_253 = arith.mulf %get3A_249, %get3A_252 : vector<16xf32>
      %add3A_254 = arith.addf %add3A_246, %mul3A_253 : vector<16xf32>
      %get3A_255 = arith.index_cast %add3A_207 : i32 to index
      %get3A_256 = arith.constant 96 : index
      %get3A_257 = tpu.vector_load %arg10[%get3A_255, %get3A_256] {strides = array<i32>} : memref<128x128xf32, #tpu.memory_space<vmem>>, vector<16xf32>,
      %get3A_258 = arith.index_cast %add3A_207 : i32 to index
      %get3A_259 = arith.constant 96 : index
      %get3A_260 = tpu.vector_load %arg11[%get3A_258, %get3A_259] {strides = array<i32>} : memref<128x128xf32, #tpu.memory_space<vmem>>, vector<16xf32>,
      %mul3A_261 = arith.mulf %get3A_257, %get3A_260 : vector<16xf32>
      %add3A_262 = arith.addf %add3A_254, %mul3A_261 : vector<16xf32>
      %get3A_263 = arith.index_cast %add3A_207 : i32 to index
      %get3A_264 = arith.constant 112 : index
      %get3A_265 = tpu.vector_load %arg10[%get3A_263, %get3A_264] {strides = array<i32>} : memref<128x128xf32, #tpu.memory_space<vmem>>, vector<16xf32>,
      %get3A_266 = arith.index_cast %add3A_207 : i32 to index
      %get3A_267 = arith.constant 112 : index
      %get3A_268 = tpu.vector_load %arg11[%get3A_266, %get3A_267] {strides = array<i32>} : memref<128x128xf32, #tpu.memory_space<vmem>>, vector<16xf32>,
      %mul3A_269 = arith.mulf %get3A_265, %get3A_268 : vector<16xf32>
      %add3A_270 = arith.addf %add3A_262, %mul3A_269 : vector<16xf32>
      %broadcast_in_dim3A_271 = arith.constant 1 : i32
      %broadcast_in_dim3A_272 = vector.broadcast %broadcast_in_dim3A_271 : i32 to vector<16xi32>
      tpu.vector_store_idx %arg12[%iota3A, %broadcast_in_dim3A_272], %add3A_270 : memref<16x16xf32, #tpu.memory_space<vmem>>[vector<16xi32>, vector<16xi32>], vector<16xf32>,
      %add3A_273 = arith.constant 2 : i32
      %add3A_274 = arith.addi %mul3A_140, %add3A_273 : i32
      %get3A_275 = arith.index_cast %add3A_274 : i32 to index
      %get3A_276 = arith.constant 0 : index
      %get3A_277 = tpu.vector_load %arg10[%get3A_275, %get3A_276] {strides = array<i32>} : memref<128x128xf32, #tpu.memory_space<vmem>>, vector<16xf32>,
      %get3A_278 = arith.index_cast %add3A_274 : i32 to index
      %get3A_279 = arith.constant 0 : index
      %get3A_280 = tpu.vector_load %arg11[%get3A_278, %get3A_279] {strides = array<i32>} : memref<128x128xf32, #tpu.memory_space<vmem>>, vector<16xf32>,
      %mul3A_281 = arith.mulf %get3A_277, %get3A_280 : vector<16xf32>
      %get3A_282 = arith.index_cast %add3A_274 : i32 to index
      %get3A_283 = arith.constant 16 : index
      %get3A_284 = tpu.vector_load %arg10[%get3A_282, %get3A_283] {strides = array<i32>} : memref<128x128xf32, #tpu.memory_space<vmem>>, vector<16xf32>,
      %get3A_285 = arith.index_cast %add3A_274 : i32 to index
      %get3A_286 = arith.constant 16 : index
      %get3A_287 = tpu.vector_load %arg11[%get3A_285, %get3A_286] {strides = array<i32>} : memref<128x128xf32, #tpu.memory_space<vmem>>, vector<16xf32>,
      %mul3A_288 = arith.mulf %get3A_284, %get3A_287 : vector<16xf32>
      %add3A_289 = arith.addf %mul3A_281, %mul3A_288 : vector<16xf32>
      %get3A_290 = arith.index_cast %add3A_274 : i32 to index
      %get3A_291 = arith.constant 32 : index
      %get3A_292 = tpu.vector_load %arg10[%get3A_290, %get3A_291] {strides = array<i32>} : memref<128x128xf32, #tpu.memory_space<vmem>>, vector<16xf32>,
      %get3A_293 = arith.index_cast %add3A_274 : i32 to index
      %get3A_294 = arith.constant 32 : index
      %get3A_295 = tpu.vector_load %arg11[%get3A_293, %get3A_294] {strides = array<i32>} : memref<128x128xf32, #tpu.memory_space<vmem>>, vector<16xf32>,
      %mul3A_296 = arith.mulf %get3A_292, %get3A_295 : vector<16xf32>
      %add3A_297 = arith.addf %add3A_289, %mul3A_296 : vector<16xf32>
      %get3A_298 = arith.index_cast %add3A_274 : i32 to index
      %get3A_299 = arith.constant 48 : index
      %get3A_300 = tpu.vector_load %arg10[%get3A_298, %get3A_299] {strides = array<i32>} : memref<128x128xf32, #tpu.memory_space<vmem>>, vector<16xf32>,
      %get3A_301 = arith.index_cast %add3A_274 : i32 to index
      %get3A_302 = arith.constant 48 : index
      %get3A_303 = tpu.vector_load %arg11[%get3A_301, %get3A_302] {strides = array<i32>} : memref<128x128xf32, #tpu.memory_space<vmem>>, vector<16xf32>,
      %mul3A_304 = arith.mulf %get3A_300, %get3A_303 : vector<16xf32>
      %add3A_305 = arith.addf %add3A_297, %mul3A_304 : vector<16xf32>
      %get3A_306 = arith.index_cast %add3A_274 : i32 to index
      %get3A_307 = arith.constant 64 : index
      %get3A_308 = tpu.vector_load %arg10[%get3A_306, %get3A_307] {strides = array<i32>} : memref<128x128xf32, #tpu.memory_space<vmem>>, vector<16xf32>,
      %get3A_309 = arith.index_cast %add3A_274 : i32 to index
      %get3A_310 = arith.constant 64 : index
      %get3A_311 = tpu.vector_load %arg11[%get3A_309, %get3A_310] {strides = array<i32>} : memref<128x128xf32, #tpu.memory_space<vmem>>, vector<16xf32>,
      %mul3A_312 = arith.mulf %get3A_308, %get3A_311 : vector<16xf32>
      %add3A_313 = arith.addf %add3A_305, %mul3A_312 : vector<16xf32>
      %get3A_314 = arith.index_cast %add3A_274 : i32 to index
      %get3A_315 = arith.constant 80 : index
      %get3A_316 = tpu.vector_load %arg10[%get3A_314, %get3A_315] {strides = array<i32>} : memref<128x128xf32, #tpu.memory_space<vmem>>, vector<16xf32>,
      %get3A_317 = arith.index_cast %add3A_274 : i32 to index
      %get3A_318 = arith.constant 80 : index
      %get3A_319 = tpu.vector_load %arg11[%get3A_317, %get3A_318] {strides = array<i32>} : memref<128x128xf32, #tpu.memory_space<vmem>>, vector<16xf32>,
      %mul3A_320 = arith.mulf %get3A_316, %get3A_319 : vector<16xf32>
      %add3A_321 = arith.addf %add3A_313, %mul3A_320 : vector<16xf32>
      %get3A_322 = arith.index_cast %add3A_274 : i32 to index
      %get3A_323 = arith.constant 96 : index
      %get3A_324 = tpu.vector_load %arg10[%get3A_322, %get3A_323] {strides = array<i32>} : memref<128x128xf32, #tpu.memory_space<vmem>>, vector<16xf32>,
      %get3A_325 = arith.index_cast %add3A_274 : i32 to index
      %get3A_326 = arith.constant 96 : index
      %get3A_327 = tpu.vector_load %arg11[%get3A_325, %get3A_326] {strides = array<i32>} : memref<128x128xf32, #tpu.memory_space<vmem>>, vector<16xf32>,
      %mul3A_328 = arith.mulf %get3A_324, %get3A_327 : vector<16xf32>
      %add3A_329 = arith.addf %add3A_321, %mul3A_328 : vector<16xf32>
      %get3A_330 = arith.index_cast %add3A_274 : i32 to index
      %get3A_331 = arith.constant 112 : index
      %get3A_332 = tpu.vector_load %arg10[%get3A_330, %get3A_331] {strides = array<i32>} : memref<128x128xf32, #tpu.memory_space<vmem>>, vector<16xf32>,
      %get3A_333 = arith.index_cast %add3A_274 : i32 to index
      %get3A_334 = arith.constant 112 : index
      %get3A_335 = tpu.vector_load %arg11[%get3A_333, %get3A_334] {strides = array<i32>} : memref<128x128xf32, #tpu.memory_space<vmem>>, vector<16xf32>,
      %mul3A_336 = arith.mulf %get3A_332, %get3A_335 : vector<16xf32>
      %add3A_337 = arith.addf %add3A_329, %mul3A_336 : vector<16xf32>
      %broadcast_in_dim3A_338 = arith.constant 2 : i32
      %broadcast_in_dim3A_339 = vector.broadcast %broadcast_in_dim3A_338 : i32 to vector<16xi32>
      tpu.vector_store_idx %arg12[%iota3A, %broadcast_in_dim3A_339], %add3A_337 : memref<16x16xf32, #tpu.memory_space<vmem>>[vector<16xi32>, vector<16xi32>], vector<16xf32>,
      %add3A_340 = arith.constant 3 : i32
      %add3A_341 = arith.addi %mul3A_140, %add3A_340 : i32
      %get3A_342 = arith.index_cast %add3A_341 : i32 to index
      %get3A_343 = arith.constant 0 : index
      %get3A_344 = tpu.vector_load %arg10[%get3A_342, %get3A_343] {strides = array<i32>} : memref<128x128xf32, #tpu.memory_space<vmem>>, vector<16xf32>,
      %get3A_345 = arith.index_cast %add3A_341 : i32 to index
      %get3A_346 = arith.constant 0 : index
      %get3A_347 = tpu.vector_load %arg11[%get3A_345, %get3A_346] {strides = array<i32>} : memref<128x128xf32, #tpu.memory_space<vmem>>, vector<16xf32>,
      %mul3A_348 = arith.mulf %get3A_344, %get3A_347 : vector<16xf32>
      %get3A_349 = arith.index_cast %add3A_341 : i32 to index
      %get3A_350 = arith.constant 16 : index
      %get3A_351 = tpu.vector_load %arg10[%get3A_349, %get3A_350] {strides = array<i32>} : memref<128x128xf32, #tpu.memory_space<vmem>>, vector<16xf32>,
      %get3A_352 = arith.index_cast %add3A_341 : i32 to index
      %get3A_353 = arith.constant 16 : index
      %get3A_354 = tpu.vector_load %arg11[%get3A_352, %get3A_353] {strides = array<i32>} : memref<128x128xf32, #tpu.memory_space<vmem>>, vector<16xf32>,
      %mul3A_355 = arith.mulf %get3A_351, %get3A_354 : vector<16xf32>
      %add3A_356 = arith.addf %mul3A_348, %mul3A_355 : vector<16xf32>
      %get3A_357 = arith.index_cast %add3A_341 : i32 to index
      %get3A_358 = arith.constant 32 : index
      %get3A_359 = tpu.vector_load %arg10[%get3A_357, %get3A_358] {strides = array<i32>} : memref<128x128xf32, #tpu.memory_space<vmem>>, vector<16xf32>,
      %get3A_360 = arith.index_cast %add3A_341 : i32 to index
      %get3A_361 = arith.constant 32 : index
      %get3A_362 = tpu.vector_load %arg11[%get3A_360, %get3A_361] {strides = array<i32>} : memref<128x128xf32, #tpu.memory_space<vmem>>, vector<16xf32>,
      %mul3A_363 = arith.mulf %get3A_359, %get3A_362 : vector<16xf32>
      %add3A_364 = arith.addf %add3A_356, %mul3A_363 : vector<16xf32>
      %get3A_365 = arith.index_cast %add3A_341 : i32 to index
      %get3A_366 = arith.constant 48 : index
      %get3A_367 = tpu.vector_load %arg10[%get3A_365, %get3A_366] {strides = array<i32>} : memref<128x128xf32, #tpu.memory_space<vmem>>, vector<16xf32>,
      %get3A_368 = arith.index_cast %add3A_341 : i32 to index
      %get3A_369 = arith.constant 48 : index
      %get3A_370 = tpu.vector_load %arg11[%get3A_368, %get3A_369] {strides = array<i32>} : memref<128x128xf32, #tpu.memory_space<vmem>>, vector<16xf32>,
      %mul3A_371 = arith.mulf %get3A_367, %get3A_370 : vector<16xf32>
      %add3A_372 = arith.addf %add3A_364, %mul3A_371 : vector<16xf32>
      %get3A_373 = arith.index_cast %add3A_341 : i32 to index
      %get3A_374 = arith.constant 64 : index
      %get3A_375 = tpu.vector_load %arg10[%get3A_373, %get3A_374] {strides = array<i32>} : memref<128x128xf32, #tpu.memory_space<vmem>>, vector<16xf32>,
      %get3A_376 = arith.index_cast %add3A_341 : i32 to index
      %get3A_377 = arith.constant 64 : index
      %get3A_378 = tpu.vector_load %arg11[%get3A_376, %get3A_377] {strides = array<i32>} : memref<128x128xf32, #tpu.memory_space<vmem>>, vector<16xf32>,
      %mul3A_379 = arith.mulf %get3A_375, %get3A_378 : vector<16xf32>
      %add3A_380 = arith.addf %add3A_372, %mul3A_379 : vector<16xf32>
      %get3A_381 = arith.index_cast %add3A_341 : i32 to index
      %get3A_382 = arith.constant 80 : index
      %get3A_383 = tpu.vector_load %arg10[%get3A_381, %get3A_382] {strides = array<i32>} : memref<128x128xf32, #tpu.memory_space<vmem>>, vector<16xf32>,
      %get3A_384 = arith.index_cast %add3A_341 : i32 to index
      %get3A_385 = arith.constant 80 : index
      %get3A_386 = tpu.vector_load %arg11[%get3A_384, %get3A_385] {strides = array<i32>} : memref<128x128xf32, #tpu.memory_space<vmem>>, vector<16xf32>,
      %mul3A_387 = arith.mulf %get3A_383, %get3A_386 : vector<16xf32>
      %add3A_388 = arith.addf %add3A_380, %mul3A_387 : vector<16xf32>
      %get3A_389 = arith.index_cast %add3A_341 : i32 to index
      %get3A_390 = arith.constant 96 : index
      %get3A_391 = tpu.vector_load %arg10[%get3A_389, %get3A_390] {strides = array<i32>} : memref<128x128xf32, #tpu.memory_space<vmem>>, vector<16xf32>,
      %get3A_392 = arith.index_cast %add3A_341 : i32 to index
      %get3A_393 = arith.constant 96 : index
      %get3A_394 = tpu.vector_load %arg11[%get3A_392, %get3A_393] {strides = array<i32>} : memref<128x128xf32, #tpu.memory_space<vmem>>, vector<16xf32>,
      %mul3A_395 = arith.mulf %get3A_391, %get3A_394 : vector<16xf32>
      %add3A_396 = arith.addf %add3A_388, %mul3A_395 : vector<16xf32>
      %get3A_397 = arith.index_cast %add3A_341 : i32 to index
      %get3A_398 = arith.constant 112 : index
      %get3A_399 = tpu.vector_load %arg10[%get3A_397, %get3A_398] {strides = array<i32>} : memref<128x128xf32, #tpu.memory_space<vmem>>, vector<16xf32>,
      %get3A_400 = arith.index_cast %add3A_341 : i32 to index
      %get3A_401 = arith.constant 112 : index
      %get3A_402 = tpu.vector_load %arg11[%get3A_400, %get3A_401] {strides = array<i32>} : memref<128x128xf32, #tpu.memory_space<vmem>>, vector<16xf32>,
      %mul3A_403 = arith.mulf %get3A_399, %get3A_402 : vector<16xf32>
      %add3A_404 = arith.addf %add3A_396, %mul3A_403 : vector<16xf32>
      %broadcast_in_dim3A_405 = arith.constant 3 : i32
      %broadcast_in_dim3A_406 = vector.broadcast %broadcast_in_dim3A_405 : i32 to vector<16xi32>
      tpu.vector_store_idx %arg12[%iota3A, %broadcast_in_dim3A_406], %add3A_404 : memref<16x16xf32, #tpu.memory_space<vmem>>[vector<16xi32>, vector<16xi32>], vector<16xf32>,
      %add3A_407 = arith.constant 4 : i32
      %add3A_408 = arith.addi %mul3A_140, %add3A_407 : i32
      %get3A_409 = arith.index_cast %add3A_408 : i32 to index
      %get3A_410 = arith.constant 0 : index
      %get3A_411 = tpu.vector_load %arg10[%get3A_409, %get3A_410] {strides = array<i32>} : memref<128x128xf32, #tpu.memory_space<vmem>>, vector<16xf32>,
      %get3A_412 = arith.index_cast %add3A_408 : i32 to index
      %get3A_413 = arith.constant 0 : index
      %get3A_414 = tpu.vector_load %arg11[%get3A_412, %get3A_413] {strides = array<i32>} : memref<128x128xf32, #tpu.memory_space<vmem>>, vector<16xf32>,
      %mul3A_415 = arith.mulf %get3A_411, %get3A_414 : vector<16xf32>
      %get3A_416 = arith.index_cast %add3A_408 : i32 to index
      %get3A_417 = arith.constant 16 : index
      %get3A_418 = tpu.vector_load %arg10[%get3A_416, %get3A_417] {strides = array<i32>} : memref<128x128xf32, #tpu.memory_space<vmem>>, vector<16xf32>,
      %get3A_419 = arith.index_cast %add3A_408 : i32 to index
      %get3A_420 = arith.constant 16 : index
      %get3A_421 = tpu.vector_load %arg11[%get3A_419, %get3A_420] {strides = array<i32>} : memref<128x128xf32, #tpu.memory_space<vmem>>, vector<16xf32>,
      %mul3A_422 = arith.mulf %get3A_418, %get3A_421 : vector<16xf32>
      %add3A_423 = arith.addf %mul3A_415, %mul3A_422 : vector<16xf32>
      %get3A_424 = arith.index_cast %add3A_408 : i32 to index
      %get3A_425 = arith.constant 32 : index
      %get3A_426 = tpu.vector_load %arg10[%get3A_424, %get3A_425] {strides = array<i32>} : memref<128x128xf32, #tpu.memory_space<vmem>>, vector<16xf32>,
      %get3A_427 = arith.index_cast %add3A_408 : i32 to index
      %get3A_428 = arith.constant 32 : index
      %get3A_429 = tpu.vector_load %arg11[%get3A_427, %get3A_428] {strides = array<i32>} : memref<128x128xf32, #tpu.memory_space<vmem>>, vector<16xf32>,
      %mul3A_430 = arith.mulf %get3A_426, %get3A_429 : vector<16xf32>
      %add3A_431 = arith.addf %add3A_423, %mul3A_430 : vector<16xf32>
      %get3A_432 = arith.index_cast %add3A_408 : i32 to index
      %get3A_433 = arith.constant 48 : index
      %get3A_434 = tpu.vector_load %arg10[%get3A_432, %get3A_433] {strides = array<i32>} : memref<128x128xf32, #tpu.memory_space<vmem>>, vector<16xf32>,
      %get3A_435 = arith.index_cast %add3A_408 : i32 to index
      %get3A_436 = arith.constant 48 : index
      %get3A_437 = tpu.vector_load %arg11[%get3A_435, %get3A_436] {strides = array<i32>} : memref<128x128xf32, #tpu.memory_space<vmem>>, vector<16xf32>,
      %mul3A_438 = arith.mulf %get3A_434, %get3A_437 : vector<16xf32>
      %add3A_439 = arith.addf %add3A_431, %mul3A_438 : vector<16xf32>
      %get3A_440 = arith.index_cast %add3A_408 : i32 to index
      %get3A_441 = arith.constant 64 : index
      %get3A_442 = tpu.vector_load %arg10[%get3A_440, %get3A_441] {strides = array<i32>} : memref<128x128xf32, #tpu.memory_space<vmem>>, vector<16xf32>,
      %get3A_443 = arith.index_cast %add3A_408 : i32 to index
      %get3A_444 = arith.constant 64 : index
      %get3A_445 = tpu.vector_load %arg11[%get3A_443, %get3A_444] {strides = array<i32>} : memref<128x128xf32, #tpu.memory_space<vmem>>, vector<16xf32>,
      %mul3A_446 = arith.mulf %get3A_442, %get3A_445 : vector<16xf32>
      %add3A_447 = arith.addf %add3A_439, %mul3A_446 : vector<16xf32>
      %get3A_448 = arith.index_cast %add3A_408 : i32 to index
      %get3A_449 = arith.constant 80 : index
      %get3A_450 = tpu.vector_load %arg10[%get3A_448, %get3A_449] {strides = array<i32>} : memref<128x128xf32, #tpu.memory_space<vmem>>, vector<16xf32>,
      %get3A_451 = arith.index_cast %add3A_408 : i32 to index
      %get3A_452 = arith.constant 80 : index
      %get3A_453 = tpu.vector_load %arg11[%get3A_451, %get3A_452] {strides = array<i32>} : memref<128x128xf32, #tpu.memory_space<vmem>>, vector<16xf32>,
      %mul3A_454 = arith.mulf %get3A_450, %get3A_453 : vector<16xf32>
      %add3A_455 = arith.addf %add3A_447, %mul3A_454 : vector<16xf32>
      %get3A_456 = arith.index_cast %add3A_408 : i32 to index
      %get3A_457 = arith.constant 96 : index
      %get3A_458 = tpu.vector_load %arg10[%get3A_456, %get3A_457] {strides = array<i32>} : memref<128x128xf32, #tpu.memory_space<vmem>>, vector<16xf32>,
      %get3A_459 = arith.index_cast %add3A_408 : i32 to index
      %get3A_460 = arith.constant 96 : index
      %get3A_461 = tpu.vector_load %arg11[%get3A_459, %get3A_460] {strides = array<i32>} : memref<128x128xf32, #tpu.memory_space<vmem>>, vector<16xf32>,
      %mul3A_462 = arith.mulf %get3A_458, %get3A_461 : vector<16xf32>
      %add3A_463 = arith.addf %add3A_455, %mul3A_462 : vector<16xf32>
      %get3A_464 = arith.index_cast %add3A_408 : i32 to index
      %get3A_465 = arith.constant 112 : index
      %get3A_466 = tpu.vector_load %arg10[%get3A_464, %get3A_465] {strides = array<i32>} : memref<128x128xf32, #tpu.memory_space<vmem>>, vector<16xf32>,
      %get3A_467 = arith.index_cast %add3A_408 : i32 to index
      %get3A_468 = arith.constant 112 : index
      %get3A_469 = tpu.vector_load %arg11[%get3A_467, %get3A_468] {strides = array<i32>} : memref<128x128xf32, #tpu.memory_space<vmem>>, vector<16xf32>,
      %mul3A_470 = arith.mulf %get3A_466, %get3A_469 : vector<16xf32>
      %add3A_471 = arith.addf %add3A_463, %mul3A_470 : vector<16xf32>
      %broadcast_in_dim3A_472 = arith.constant 4 : i32
      %broadcast_in_dim3A_473 = vector.broadcast %broadcast_in_dim3A_472 : i32 to vector<16xi32>
      tpu.vector_store_idx %arg12[%iota3A, %broadcast_in_dim3A_473], %add3A_471 : memref<16x16xf32, #tpu.memory_space<vmem>>[vector<16xi32>, vector<16xi32>], vector<16xf32>,
      %add3A_474 = arith.constant 5 : i32
      %add3A_475 = arith.addi %mul3A_140, %add3A_474 : i32
      %get3A_476 = arith.index_cast %add3A_475 : i32 to index
      %get3A_477 = arith.constant 0 : index
      %get3A_478 = tpu.vector_load %arg10[%get3A_476, %get3A_477] {strides = array<i32>} : memref<128x128xf32, #tpu.memory_space<vmem>>, vector<16xf32>,
      %get3A_479 = arith.index_cast %add3A_475 : i32 to index
      %get3A_480 = arith.constant 0 : index
      %get3A_481 = tpu.vector_load %arg11[%get3A_479, %get3A_480] {strides = array<i32>} : memref<128x128xf32, #tpu.memory_space<vmem>>, vector<16xf32>,
      %mul3A_482 = arith.mulf %get3A_478, %get3A_481 : vector<16xf32>
      %get3A_483 = arith.index_cast %add3A_475 : i32 to index
      %get3A_484 = arith.constant 16 : index
      %get3A_485 = tpu.vector_load %arg10[%get3A_483, %get3A_484] {strides = array<i32>} : memref<128x128xf32, #tpu.memory_space<vmem>>, vector<16xf32>,
      %get3A_486 = arith.index_cast %add3A_475 : i32 to index
      %get3A_487 = arith.constant 16 : index
      %get3A_488 = tpu.vector_load %arg11[%get3A_486, %get3A_487] {strides = array<i32>} : memref<128x128xf32, #tpu.memory_space<vmem>>, vector<16xf32>,
      %mul3A_489 = arith.mulf %get3A_485, %get3A_488 : vector<16xf32>
      %add3A_490 = arith.addf %mul3A_482, %mul3A_489 : vector<16xf32>
      %get3A_491 = arith.index_cast %add3A_475 : i32 to index
      %get3A_492 = arith.constant 32 : index
      %get3A_493 = tpu.vector_load %arg10[%get3A_491, %get3A_492] {strides = array<i32>} : memref<128x128xf32, #tpu.memory_space<vmem>>, vector<16xf32>,
      %get3A_494 = arith.index_cast %add3A_475 : i32 to index
      %get3A_495 = arith.constant 32 : index
      %get3A_496 = tpu.vector_load %arg11[%get3A_494, %get3A_495] {strides = array<i32>} : memref<128x128xf32, #tpu.memory_space<vmem>>, vector<16xf32>,
      %mul3A_497 = arith.mulf %get3A_493, %get3A_496 : vector<16xf32>
      %add3A_498 = arith.addf %add3A_490, %mul3A_497 : vector<16xf32>
      %get3A_499 = arith.index_cast %add3A_475 : i32 to index
      %get3A_500 = arith.constant 48 : index
      %get3A_501 = tpu.vector_load %arg10[%get3A_499, %get3A_500] {strides = array<i32>} : memref<128x128xf32, #tpu.memory_space<vmem>>, vector<16xf32>,
      %get3A_502 = arith.index_cast %add3A_475 : i32 to index
      %get3A_503 = arith.constant 48 : index
      %get3A_504 = tpu.vector_load %arg11[%get3A_502, %get3A_503] {strides = array<i32>} : memref<128x128xf32, #tpu.memory_space<vmem>>, vector<16xf32>,
      %mul3A_505 = arith.mulf %get3A_501, %get3A_504 : vector<16xf32>
      %add3A_506 = arith.addf %add3A_498, %mul3A_505 : vector<16xf32>
      %get3A_507 = arith.index_cast %add3A_475 : i32 to index
      %get3A_508 = arith.constant 64 : index
      %get3A_509 = tpu.vector_load %arg10[%get3A_507, %get3A_508] {strides = array<i32>} : memref<128x128xf32, #tpu.memory_space<vmem>>, vector<16xf32>,
      %get3A_510 = arith.index_cast %add3A_475 : i32 to index
      %get3A_511 = arith.constant 64 : index
      %get3A_512 = tpu.vector_load %arg11[%get3A_510, %get3A_511] {strides = array<i32>} : memref<128x128xf32, #tpu.memory_space<vmem>>, vector<16xf32>,
      %mul3A_513 = arith.mulf %get3A_509, %get3A_512 : vector<16xf32>
      %add3A_514 = arith.addf %add3A_506, %mul3A_513 : vector<16xf32>
      %get3A_515 = arith.index_cast %add3A_475 : i32 to index
      %get3A_516 = arith.constant 80 : index
      %get3A_517 = tpu.vector_load %arg10[%get3A_515, %get3A_516] {strides = array<i32>} : memref<128x128xf32, #tpu.memory_space<vmem>>, vector<16xf32>,
      %get3A_518 = arith.index_cast %add3A_475 : i32 to index
      %get3A_519 = arith.constant 80 : index
      %get3A_520 = tpu.vector_load %arg11[%get3A_518, %get3A_519] {strides = array<i32>} : memref<128x128xf32, #tpu.memory_space<vmem>>, vector<16xf32>,
      %mul3A_521 = arith.mulf %get3A_517, %get3A_520 : vector<16xf32>
      %add3A_522 = arith.addf %add3A_514, %mul3A_521 : vector<16xf32>
      %get3A_523 = arith.index_cast %add3A_475 : i32 to index
      %get3A_524 = arith.constant 96 : index
      %get3A_525 = tpu.vector_load %arg10[%get3A_523, %get3A_524] {strides = array<i32>} : memref<128x128xf32, #tpu.memory_space<vmem>>, vector<16xf32>,
      %get3A_526 = arith.index_cast %add3A_475 : i32 to index
      %get3A_527 = arith.constant 96 : index
      %get3A_528 = tpu.vector_load %arg11[%get3A_526, %get3A_527] {strides = array<i32>} : memref<128x128xf32, #tpu.memory_space<vmem>>, vector<16xf32>,
      %mul3A_529 = arith.mulf %get3A_525, %get3A_528 : vector<16xf32>
      %add3A_530 = arith.addf %add3A_522, %mul3A_529 : vector<16xf32>
      %get3A_531 = arith.index_cast %add3A_475 : i32 to index
      %get3A_532 = arith.constant 112 : index
      %get3A_533 = tpu.vector_load %arg10[%get3A_531, %get3A_532] {strides = array<i32>} : memref<128x128xf32, #tpu.memory_space<vmem>>, vector<16xf32>,
      %get3A_534 = arith.index_cast %add3A_475 : i32 to index
      %get3A_535 = arith.constant 112 : index
      %get3A_536 = tpu.vector_load %arg11[%get3A_534, %get3A_535] {strides = array<i32>} : memref<128x128xf32, #tpu.memory_space<vmem>>, vector<16xf32>,
      %mul3A_537 = arith.mulf %get3A_533, %get3A_536 : vector<16xf32>
      %add3A_538 = arith.addf %add3A_530, %mul3A_537 : vector<16xf32>
      %broadcast_in_dim3A_539 = arith.constant 5 : i32
      %broadcast_in_dim3A_540 = vector.broadcast %broadcast_in_dim3A_539 : i32 to vector<16xi32>
      tpu.vector_store_idx %arg12[%iota3A, %broadcast_in_dim3A_540], %add3A_538 : memref<16x16xf32, #tpu.memory_space<vmem>>[vector<16xi32>, vector<16xi32>], vector<16xf32>,
      %add3A_541 = arith.constant 6 : i32
      %add3A_542 = arith.addi %mul3A_140, %add3A_541 : i32
      %get3A_543 = arith.index_cast %add3A_542 : i32 to index
      %get3A_544 = arith.constant 0 : index
      %get3A_545 = tpu.vector_load %arg10[%get3A_543, %get3A_544] {strides = array<i32>} : memref<128x128xf32, #tpu.memory_space<vmem>>, vector<16xf32>,
      %get3A_546 = arith.index_cast %add3A_542 : i32 to index
      %get3A_547 = arith.constant 0 : index
      %get3A_548 = tpu.vector_load %arg11[%get3A_546, %get3A_547] {strides = array<i32>} : memref<128x128xf32, #tpu.memory_space<vmem>>, vector<16xf32>,
      %mul3A_549 = arith.mulf %get3A_545, %get3A_548 : vector<16xf32>
      %get3A_550 = arith.index_cast %add3A_542 : i32 to index
      %get3A_551 = arith.constant 16 : index
      %get3A_552 = tpu.vector_load %arg10[%get3A_550, %get3A_551] {strides = array<i32>} : memref<128x128xf32, #tpu.memory_space<vmem>>, vector<16xf32>,
      %get3A_553 = arith.index_cast %add3A_542 : i32 to index
      %get3A_554 = arith.constant 16 : index
      %get3A_555 = tpu.vector_load %arg11[%get3A_553, %get3A_554] {strides = array<i32>} : memref<128x128xf32, #tpu.memory_space<vmem>>, vector<16xf32>,
      %mul3A_556 = arith.mulf %get3A_552, %get3A_555 : vector<16xf32>
      %add3A_557 = arith.addf %mul3A_549, %mul3A_556 : vector<16xf32>
      %get3A_558 = arith.index_cast %add3A_542 : i32 to index
      %get3A_559 = arith.constant 32 : index
      %get3A_560 = tpu.vector_load %arg10[%get3A_558, %get3A_559] {strides = array<i32>} : memref<128x128xf32, #tpu.memory_space<vmem>>, vector<16xf32>,
      %get3A_561 = arith.index_cast %add3A_542 : i32 to index
      %get3A_562 = arith.constant 32 : index
      %get3A_563 = tpu.vector_load %arg11[%get3A_561, %get3A_562] {strides = array<i32>} : memref<128x128xf32, #tpu.memory_space<vmem>>, vector<16xf32>,
      %mul3A_564 = arith.mulf %get3A_560, %get3A_563 : vector<16xf32>
      %add3A_565 = arith.addf %add3A_557, %mul3A_564 : vector<16xf32>
      %get3A_566 = arith.index_cast %add3A_542 : i32 to index
      %get3A_567 = arith.constant 48 : index
      %get3A_568 = tpu.vector_load %arg10[%get3A_566, %get3A_567] {strides = array<i32>} : memref<128x128xf32, #tpu.memory_space<vmem>>, vector<16xf32>,
      %get3A_569 = arith.index_cast %add3A_542 : i32 to index
      %get3A_570 = arith.constant 48 : index
      %get3A_571 = tpu.vector_load %arg11[%get3A_569, %get3A_570] {strides = array<i32>} : memref<128x128xf32, #tpu.memory_space<vmem>>, vector<16xf32>,
      %mul3A_572 = arith.mulf %get3A_568, %get3A_571 : vector<16xf32>
      %add3A_573 = arith.addf %add3A_565, %mul3A_572 : vector<16xf32>
      %get3A_574 = arith.index_cast %add3A_542 : i32 to index
      %get3A_575 = arith.constant 64 : index
      %get3A_576 = tpu.vector_load %arg10[%get3A_574, %get3A_575] {strides = array<i32>} : memref<128x128xf32, #tpu.memory_space<vmem>>, vector<16xf32>,
      %get3A_577 = arith.index_cast %add3A_542 : i32 to index
      %get3A_578 = arith.constant 64 : index
      %get3A_579 = tpu.vector_load %arg11[%get3A_577, %get3A_578] {strides = array<i32>} : memref<128x128xf32, #tpu.memory_space<vmem>>, vector<16xf32>,
      %mul3A_580 = arith.mulf %get3A_576, %get3A_579 : vector<16xf32>
      %add3A_581 = arith.addf %add3A_573, %mul3A_580 : vector<16xf32>
      %get3A_582 = arith.index_cast %add3A_542 : i32 to index
      %get3A_583 = arith.constant 80 : index
      %get3A_584 = tpu.vector_load %arg10[%get3A_582, %get3A_583] {strides = array<i32>} : memref<128x128xf32, #tpu.memory_space<vmem>>, vector<16xf32>,
      %get3A_585 = arith.index_cast %add3A_542 : i32 to index
      %get3A_586 = arith.constant 80 : index
      %get3A_587 = tpu.vector_load %arg11[%get3A_585, %get3A_586] {strides = array<i32>} : memref<128x128xf32, #tpu.memory_space<vmem>>, vector<16xf32>,
      %mul3A_588 = arith.mulf %get3A_584, %get3A_587 : vector<16xf32>
      %add3A_589 = arith.addf %add3A_581, %mul3A_588 : vector<16xf32>
      %get3A_590 = arith.index_cast %add3A_542 : i32 to index
      %get3A_591 = arith.constant 96 : index
      %get3A_592 = tpu.vector_load %arg10[%get3A_590, %get3A_591] {strides = array<i32>} : memref<128x128xf32, #tpu.memory_space<vmem>>, vector<16xf32>,
      %get3A_593 = arith.index_cast %add3A_542 : i32 to index
      %get3A_594 = arith.constant 96 : index
      %get3A_595 = tpu.vector_load %arg11[%get3A_593, %get3A_594] {strides = array<i32>} : memref<128x128xf32, #tpu.memory_space<vmem>>, vector<16xf32>,
      %mul3A_596 = arith.mulf %get3A_592, %get3A_595 : vector<16xf32>
      %add3A_597 = arith.addf %add3A_589, %mul3A_596 : vector<16xf32>
      %get3A_598 = arith.index_cast %add3A_542 : i32 to index
      %get3A_599 = arith.constant 112 : index
      %get3A_600 = tpu.vector_load %arg10[%get3A_598, %get3A_599] {strides = array<i32>} : memref<128x128xf32, #tpu.memory_space<vmem>>, vector<16xf32>,
      %get3A_601 = arith.index_cast %add3A_542 : i32 to index
      %get3A_602 = arith.constant 112 : index
      %get3A_603 = tpu.vector_load %arg11[%get3A_601, %get3A_602] {strides = array<i32>} : memref<128x128xf32, #tpu.memory_space<vmem>>, vector<16xf32>,
      %mul3A_604 = arith.mulf %get3A_600, %get3A_603 : vector<16xf32>
      %add3A_605 = arith.addf %add3A_597, %mul3A_604 : vector<16xf32>
      %broadcast_in_dim3A_606 = arith.constant 6 : i32
      %broadcast_in_dim3A_607 = vector.broadcast %broadcast_in_dim3A_606 : i32 to vector<16xi32>
      tpu.vector_store_idx %arg12[%iota3A, %broadcast_in_dim3A_607], %add3A_605 : memref<16x16xf32, #tpu.memory_space<vmem>>[vector<16xi32>, vector<16xi32>], vector<16xf32>,
      %add3A_608 = arith.constant 7 : i32
      %add3A_609 = arith.addi %mul3A_140, %add3A_608 : i32
      %get3A_610 = arith.index_cast %add3A_609 : i32 to index
      %get3A_611 = arith.constant 0 : index
      %get3A_612 = tpu.vector_load %arg10[%get3A_610, %get3A_611] {strides = array<i32>} : memref<128x128xf32, #tpu.memory_space<vmem>>, vector<16xf32>,
      %get3A_613 = arith.index_cast %add3A_609 : i32 to index
      %get3A_614 = arith.constant 0 : index
      %get3A_615 = tpu.vector_load %arg11[%get3A_613, %get3A_614] {strides = array<i32>} : memref<128x128xf32, #tpu.memory_space<vmem>>, vector<16xf32>,
      %mul3A_616 = arith.mulf %get3A_612, %get3A_615 : vector<16xf32>
      %get3A_617 = arith.index_cast %add3A_609 : i32 to index
      %get3A_618 = arith.constant 16 : index
      %get3A_619 = tpu.vector_load %arg10[%get3A_617, %get3A_618] {strides = array<i32>} : memref<128x128xf32, #tpu.memory_space<vmem>>, vector<16xf32>,
      %get3A_620 = arith.index_cast %add3A_609 : i32 to index
      %get3A_621 = arith.constant 16 : index
      %get3A_622 = tpu.vector_load %arg11[%get3A_620, %get3A_621] {strides = array<i32>} : memref<128x128xf32, #tpu.memory_space<vmem>>, vector<16xf32>,
      %mul3A_623 = arith.mulf %get3A_619, %get3A_622 : vector<16xf32>
      %add3A_624 = arith.addf %mul3A_616, %mul3A_623 : vector<16xf32>
      %get3A_625 = arith.index_cast %add3A_609 : i32 to index
      %get3A_626 = arith.constant 32 : index
      %get3A_627 = tpu.vector_load %arg10[%get3A_625, %get3A_626] {strides = array<i32>} : memref<128x128xf32, #tpu.memory_space<vmem>>, vector<16xf32>,
      %get3A_628 = arith.index_cast %add3A_609 : i32 to index
      %get3A_629 = arith.constant 32 : index
      %get3A_630 = tpu.vector_load %arg11[%get3A_628, %get3A_629] {strides = array<i32>} : memref<128x128xf32, #tpu.memory_space<vmem>>, vector<16xf32>,
      %mul3A_631 = arith.mulf %get3A_627, %get3A_630 : vector<16xf32>
      %add3A_632 = arith.addf %add3A_624, %mul3A_631 : vector<16xf32>
      %get3A_633 = arith.index_cast %add3A_609 : i32 to index
      %get3A_634 = arith.constant 48 : index
      %get3A_635 = tpu.vector_load %arg10[%get3A_633, %get3A_634] {strides = array<i32>} : memref<128x128xf32, #tpu.memory_space<vmem>>, vector<16xf32>,
      %get3A_636 = arith.index_cast %add3A_609 : i32 to index
      %get3A_637 = arith.constant 48 : index
      %get3A_638 = tpu.vector_load %arg11[%get3A_636, %get3A_637] {strides = array<i32>} : memref<128x128xf32, #tpu.memory_space<vmem>>, vector<16xf32>,
      %mul3A_639 = arith.mulf %get3A_635, %get3A_638 : vector<16xf32>
      %add3A_640 = arith.addf %add3A_632, %mul3A_639 : vector<16xf32>
      %get3A_641 = arith.index_cast %add3A_609 : i32 to index
      %get3A_642 = arith.constant 64 : index
      %get3A_643 = tpu.vector_load %arg10[%get3A_641, %get3A_642] {strides = array<i32>} : memref<128x128xf32, #tpu.memory_space<vmem>>, vector<16xf32>,
      %get3A_644 = arith.index_cast %add3A_609 : i32 to index
      %get3A_645 = arith.constant 64 : index
      %get3A_646 = tpu.vector_load %arg11[%get3A_644, %get3A_645] {strides = array<i32>} : memref<128x128xf32, #tpu.memory_space<vmem>>, vector<16xf32>,
      %mul3A_647 = arith.mulf %get3A_643, %get3A_646 : vector<16xf32>
      %add3A_648 = arith.addf %add3A_640, %mul3A_647 : vector<16xf32>
      %get3A_649 = arith.index_cast %add3A_609 : i32 to index
      %get3A_650 = arith.constant 80 : index
      %get3A_651 = tpu.vector_load %arg10[%get3A_649, %get3A_650] {strides = array<i32>} : memref<128x128xf32, #tpu.memory_space<vmem>>, vector<16xf32>,
      %get3A_652 = arith.index_cast %add3A_609 : i32 to index
      %get3A_653 = arith.constant 80 : index
      %get3A_654 = tpu.vector_load %arg11[%get3A_652, %get3A_653] {strides = array<i32>} : memref<128x128xf32, #tpu.memory_space<vmem>>, vector<16xf32>,
      %mul3A_655 = arith.mulf %get3A_651, %get3A_654 : vector<16xf32>
      %add3A_656 = arith.addf %add3A_648, %mul3A_655 : vector<16xf32>
      %get3A_657 = arith.index_cast %add3A_609 : i32 to index
      %get3A_658 = arith.constant 96 : index
      %get3A_659 = tpu.vector_load %arg10[%get3A_657, %get3A_658] {strides = array<i32>} : memref<128x128xf32, #tpu.memory_space<vmem>>, vector<16xf32>,
      %get3A_660 = arith.index_cast %add3A_609 : i32 to index
      %get3A_661 = arith.constant 96 : index
      %get3A_662 = tpu.vector_load %arg11[%get3A_660, %get3A_661] {strides = array<i32>} : memref<128x128xf32, #tpu.memory_space<vmem>>, vector<16xf32>,
      %mul3A_663 = arith.mulf %get3A_659, %get3A_662 : vector<16xf32>
      %add3A_664 = arith.addf %add3A_656, %mul3A_663 : vector<16xf32>
      %get3A_665 = arith.index_cast %add3A_609 : i32 to index
      %get3A_666 = arith.constant 112 : index
      %get3A_667 = tpu.vector_load %arg10[%get3A_665, %get3A_666] {strides = array<i32>} : memref<128x128xf32, #tpu.memory_space<vmem>>, vector<16xf32>,
      %get3A_668 = arith.index_cast %add3A_609 : i32 to index
      %get3A_669 = arith.constant 112 : index
      %get3A_670 = tpu.vector_load %arg11[%get3A_668, %get3A_669] {strides = array<i32>} : memref<128x128xf32, #tpu.memory_space<vmem>>, vector<16xf32>,
      %mul3A_671 = arith.mulf %get3A_667, %get3A_670 : vector<16xf32>
      %add3A_672 = arith.addf %add3A_664, %mul3A_671 : vector<16xf32>
      %broadcast_in_dim3A_673 = arith.constant 7 : i32
      %broadcast_in_dim3A_674 = vector.broadcast %broadcast_in_dim3A_673 : i32 to vector<16xi32>
      tpu.vector_store_idx %arg12[%iota3A, %broadcast_in_dim3A_674], %add3A_672 : memref<16x16xf32, #tpu.memory_space<vmem>>[vector<16xi32>, vector<16xi32>], vector<16xf32>,
      %add3A_675 = arith.constant 8 : i32
      %add3A_676 = arith.addi %mul3A_140, %add3A_675 : i32
      %get3A_677 = arith.index_cast %add3A_676 : i32 to index
      %get3A_678 = arith.constant 0 : index
      %get3A_679 = tpu.vector_load %arg10[%get3A_677, %get3A_678] {strides = array<i32>} : memref<128x128xf32, #tpu.memory_space<vmem>>, vector<16xf32>,
      %get3A_680 = arith.index_cast %add3A_676 : i32 to index
      %get3A_681 = arith.constant 0 : index
      %get3A_682 = tpu.vector_load %arg11[%get3A_680, %get3A_681] {strides = array<i32>} : memref<128x128xf32, #tpu.memory_space<vmem>>, vector<16xf32>,
      %mul3A_683 = arith.mulf %get3A_679, %get3A_682 : vector<16xf32>
      %get3A_684 = arith.index_cast %add3A_676 : i32 to index
      %get3A_685 = arith.constant 16 : index
      %get3A_686 = tpu.vector_load %arg10[%get3A_684, %get3A_685] {strides = array<i32>} : memref<128x128xf32, #tpu.memory_space<vmem>>, vector<16xf32>,
      %get3A_687 = arith.index_cast %add3A_676 : i32 to index
      %get3A_688 = arith.constant 16 : index
      %get3A_689 = tpu.vector_load %arg11[%get3A_687, %get3A_688] {strides = array<i32>} : memref<128x128xf32, #tpu.memory_space<vmem>>, vector<16xf32>,
      %mul3A_690 = arith.mulf %get3A_686, %get3A_689 : vector<16xf32>
      %add3A_691 = arith.addf %mul3A_683, %mul3A_690 : vector<16xf32>
      %get3A_692 = arith.index_cast %add3A_676 : i32 to index
      %get3A_693 = arith.constant 32 : index
      %get3A_694 = tpu.vector_load %arg10[%get3A_692, %get3A_693] {strides = array<i32>} : memref<128x128xf32, #tpu.memory_space<vmem>>, vector<16xf32>,
      %get3A_695 = arith.index_cast %add3A_676 : i32 to index
      %get3A_696 = arith.constant 32 : index
      %get3A_697 = tpu.vector_load %arg11[%get3A_695, %get3A_696] {strides = array<i32>} : memref<128x128xf32, #tpu.memory_space<vmem>>, vector<16xf32>,
      %mul3A_698 = arith.mulf %get3A_694, %get3A_697 : vector<16xf32>
      %add3A_699 = arith.addf %add3A_691, %mul3A_698 : vector<16xf32>
      %get3A_700 = arith.index_cast %add3A_676 : i32 to index
      %get3A_701 = arith.constant 48 : index
      %get3A_702 = tpu.vector_load %arg10[%get3A_700, %get3A_701] {strides = array<i32>} : memref<128x128xf32, #tpu.memory_space<vmem>>, vector<16xf32>,
      %get3A_703 = arith.index_cast %add3A_676 : i32 to index
      %get3A_704 = arith.constant 48 : index
      %get3A_705 = tpu.vector_load %arg11[%get3A_703, %get3A_704] {strides = array<i32>} : memref<128x128xf32, #tpu.memory_space<vmem>>, vector<16xf32>,
      %mul3A_706 = arith.mulf %get3A_702, %get3A_705 : vector<16xf32>
      %add3A_707 = arith.addf %add3A_699, %mul3A_706 : vector<16xf32>
      %get3A_708 = arith.index_cast %add3A_676 : i32 to index
      %get3A_709 = arith.constant 64 : index
      %get3A_710 = tpu.vector_load %arg10[%get3A_708, %get3A_709] {strides = array<i32>} : memref<128x128xf32, #tpu.memory_space<vmem>>, vector<16xf32>,
      %get3A_711 = arith.index_cast %add3A_676 : i32 to index
      %get3A_712 = arith.constant 64 : index
      %get3A_713 = tpu.vector_load %arg11[%get3A_711, %get3A_712] {strides = array<i32>} : memref<128x128xf32, #tpu.memory_space<vmem>>, vector<16xf32>,
      %mul3A_714 = arith.mulf %get3A_710, %get3A_713 : vector<16xf32>
      %add3A_715 = arith.addf %add3A_707, %mul3A_714 : vector<16xf32>
      %get3A_716 = arith.index_cast %add3A_676 : i32 to index
      %get3A_717 = arith.constant 80 : index
      %get3A_718 = tpu.vector_load %arg10[%get3A_716, %get3A_717] {strides = array<i32>} : memref<128x128xf32, #tpu.memory_space<vmem>>, vector<16xf32>,
      %get3A_719 = arith.index_cast %add3A_676 : i32 to index
      %get3A_720 = arith.constant 80 : index
      %get3A_721 = tpu.vector_load %arg11[%get3A_719, %get3A_720] {strides = array<i32>} : memref<128x128xf32, #tpu.memory_space<vmem>>, vector<16xf32>,
      %mul3A_722 = arith.mulf %get3A_718, %get3A_721 : vector<16xf32>
      %add3A_723 = arith.addf %add3A_715, %mul3A_722 : vector<16xf32>
      %get3A_724 = arith.index_cast %add3A_676 : i32 to index
      %get3A_725 = arith.constant 96 : index
      %get3A_726 = tpu.vector_load %arg10[%get3A_724, %get3A_725] {strides = array<i32>} : memref<128x128xf32, #tpu.memory_space<vmem>>, vector<16xf32>,
      %get3A_727 = arith.index_cast %add3A_676 : i32 to index
      %get3A_728 = arith.constant 96 : index
      %get3A_729 = tpu.vector_load %arg11[%get3A_727, %get3A_728] {strides = array<i32>} : memref<128x128xf32, #tpu.memory_space<vmem>>, vector<16xf32>,
      %mul3A_730 = arith.mulf %get3A_726, %get3A_729 : vector<16xf32>
      %add3A_731 = arith.addf %add3A_723, %mul3A_730 : vector<16xf32>
      %get3A_732 = arith.index_cast %add3A_676 : i32 to index
      %get3A_733 = arith.constant 112 : index
      %get3A_734 = tpu.vector_load %arg10[%get3A_732, %get3A_733] {strides = array<i32>} : memref<128x128xf32, #tpu.memory_space<vmem>>, vector<16xf32>,
      %get3A_735 = arith.index_cast %add3A_676 : i32 to index
      %get3A_736 = arith.constant 112 : index
      %get3A_737 = tpu.vector_load %arg11[%get3A_735, %get3A_736] {strides = array<i32>} : memref<128x128xf32, #tpu.memory_space<vmem>>, vector<16xf32>,
      %mul3A_738 = arith.mulf %get3A_734, %get3A_737 : vector<16xf32>
      %add3A_739 = arith.addf %add3A_731, %mul3A_738 : vector<16xf32>
      %broadcast_in_dim3A_740 = arith.constant 8 : i32
      %broadcast_in_dim3A_741 = vector.broadcast %broadcast_in_dim3A_740 : i32 to vector<16xi32>
      tpu.vector_store_idx %arg12[%iota3A, %broadcast_in_dim3A_741], %add3A_739 : memref<16x16xf32, #tpu.memory_space<vmem>>[vector<16xi32>, vector<16xi32>], vector<16xf32>,
      %add3A_742 = arith.constant 9 : i32
      %add3A_743 = arith.addi %mul3A_140, %add3A_742 : i32
      %get3A_744 = arith.index_cast %add3A_743 : i32 to index
      %get3A_745 = arith.constant 0 : index
      %get3A_746 = tpu.vector_load %arg10[%get3A_744, %get3A_745] {strides = array<i32>} : memref<128x128xf32, #tpu.memory_space<vmem>>, vector<16xf32>,
      %get3A_747 = arith.index_cast %add3A_743 : i32 to index
      %get3A_748 = arith.constant 0 : index
      %get3A_749 = tpu.vector_load %arg11[%get3A_747, %get3A_748] {strides = array<i32>} : memref<128x128xf32, #tpu.memory_space<vmem>>, vector<16xf32>,
      %mul3A_750 = arith.mulf %get3A_746, %get3A_749 : vector<16xf32>
      %get3A_751 = arith.index_cast %add3A_743 : i32 to index
      %get3A_752 = arith.constant 16 : index
      %get3A_753 = tpu.vector_load %arg10[%get3A_751, %get3A_752] {strides = array<i32>} : memref<128x128xf32, #tpu.memory_space<vmem>>, vector<16xf32>,
      %get3A_754 = arith.index_cast %add3A_743 : i32 to index
      %get3A_755 = arith.constant 16 : index
      %get3A_756 = tpu.vector_load %arg11[%get3A_754, %get3A_755] {strides = array<i32>} : memref<128x128xf32, #tpu.memory_space<vmem>>, vector<16xf32>,
      %mul3A_757 = arith.mulf %get3A_753, %get3A_756 : vector<16xf32>
      %add3A_758 = arith.addf %mul3A_750, %mul3A_757 : vector<16xf32>
      %get3A_759 = arith.index_cast %add3A_743 : i32 to index
      %get3A_760 = arith.constant 32 : index
      %get3A_761 = tpu.vector_load %arg10[%get3A_759, %get3A_760] {strides = array<i32>} : memref<128x128xf32, #tpu.memory_space<vmem>>, vector<16xf32>,
      %get3A_762 = arith.index_cast %add3A_743 : i32 to index
      %get3A_763 = arith.constant 32 : index
      %get3A_764 = tpu.vector_load %arg11[%get3A_762, %get3A_763] {strides = array<i32>} : memref<128x128xf32, #tpu.memory_space<vmem>>, vector<16xf32>,
      %mul3A_765 = arith.mulf %get3A_761, %get3A_764 : vector<16xf32>
      %add3A_766 = arith.addf %add3A_758, %mul3A_765 : vector<16xf32>
      %get3A_767 = arith.index_cast %add3A_743 : i32 to index
      %get3A_768 = arith.constant 48 : index
      %get3A_769 = tpu.vector_load %arg10[%get3A_767, %get3A_768] {strides = array<i32>} : memref<128x128xf32, #tpu.memory_space<vmem>>, vector<16xf32>,
      %get3A_770 = arith.index_cast %add3A_743 : i32 to index
      %get3A_771 = arith.constant 48 : index
      %get3A_772 = tpu.vector_load %arg11[%get3A_770, %get3A_771] {strides = array<i32>} : memref<128x128xf32, #tpu.memory_space<vmem>>, vector<16xf32>,
      %mul3A_773 = arith.mulf %get3A_769, %get3A_772 : vector<16xf32>
      %add3A_774 = arith.addf %add3A_766, %mul3A_773 : vector<16xf32>
      %get3A_775 = arith.index_cast %add3A_743 : i32 to index
      %get3A_776 = arith.constant 64 : index
      %get3A_777 = tpu.vector_load %arg10[%get3A_775, %get3A_776] {strides = array<i32>} : memref<128x128xf32, #tpu.memory_space<vmem>>, vector<16xf32>,
      %get3A_778 = arith.index_cast %add3A_743 : i32 to index
      %get3A_779 = arith.constant 64 : index
      %get3A_780 = tpu.vector_load %arg11[%get3A_778, %get3A_779] {strides = array<i32>} : memref<128x128xf32, #tpu.memory_space<vmem>>, vector<16xf32>,
      %mul3A_781 = arith.mulf %get3A_777, %get3A_780 : vector<16xf32>
      %add3A_782 = arith.addf %add3A_774, %mul3A_781 : vector<16xf32>
      %get3A_783 = arith.index_cast %add3A_743 : i32 to index
      %get3A_784 = arith.constant 80 : index
      %get3A_785 = tpu.vector_load %arg10[%get3A_783, %get3A_784] {strides = array<i32>} : memref<128x128xf32, #tpu.memory_space<vmem>>, vector<16xf32>,
      %get3A_786 = arith.index_cast %add3A_743 : i32 to index
      %get3A_787 = arith.constant 80 : index
      %get3A_788 = tpu.vector_load %arg11[%get3A_786, %get3A_787] {strides = array<i32>} : memref<128x128xf32, #tpu.memory_space<vmem>>, vector<16xf32>,
      %mul3A_789 = arith.mulf %get3A_785, %get3A_788 : vector<16xf32>
      %add3A_790 = arith.addf %add3A_782, %mul3A_789 : vector<16xf32>
      %get3A_791 = arith.index_cast %add3A_743 : i32 to index
      %get3A_792 = arith.constant 96 : index
      %get3A_793 = tpu.vector_load %arg10[%get3A_791, %get3A_792] {strides = array<i32>} : memref<128x128xf32, #tpu.memory_space<vmem>>, vector<16xf32>,
      %get3A_794 = arith.index_cast %add3A_743 : i32 to index
      %get3A_795 = arith.constant 96 : index
      %get3A_796 = tpu.vector_load %arg11[%get3A_794, %get3A_795] {strides = array<i32>} : memref<128x128xf32, #tpu.memory_space<vmem>>, vector<16xf32>,
      %mul3A_797 = arith.mulf %get3A_793, %get3A_796 : vector<16xf32>
      %add3A_798 = arith.addf %add3A_790, %mul3A_797 : vector<16xf32>
      %get3A_799 = arith.index_cast %add3A_743 : i32 to index
      %get3A_800 = arith.constant 112 : index
      %get3A_801 = tpu.vector_load %arg10[%get3A_799, %get3A_800] {strides = array<i32>} : memref<128x128xf32, #tpu.memory_space<vmem>>, vector<16xf32>,
      %get3A_802 = arith.index_cast %add3A_743 : i32 to index
      %get3A_803 = arith.constant 112 : index
      %get3A_804 = tpu.vector_load %arg11[%get3A_802, %get3A_803] {strides = array<i32>} : memref<128x128xf32, #tpu.memory_space<vmem>>, vector<16xf32>,
      %mul3A_805 = arith.mulf %get3A_801, %get3A_804 : vector<16xf32>
      %add3A_806 = arith.addf %add3A_798, %mul3A_805 : vector<16xf32>
      %broadcast_in_dim3A_807 = arith.constant 9 : i32
      %broadcast_in_dim3A_808 = vector.broadcast %broadcast_in_dim3A_807 : i32 to vector<16xi32>
      tpu.vector_store_idx %arg12[%iota3A, %broadcast_in_dim3A_808], %add3A_806 : memref<16x16xf32, #tpu.memory_space<vmem>>[vector<16xi32>, vector<16xi32>], vector<16xf32>,
      %add3A_809 = arith.constant 10 : i32
      %add3A_810 = arith.addi %mul3A_140, %add3A_809 : i32
      %get3A_811 = arith.index_cast %add3A_810 : i32 to index
      %get3A_812 = arith.constant 0 : index
      %get3A_813 = tpu.vector_load %arg10[%get3A_811, %get3A_812] {strides = array<i32>} : memref<128x128xf32, #tpu.memory_space<vmem>>, vector<16xf32>,
      %get3A_814 = arith.index_cast %add3A_810 : i32 to index
      %get3A_815 = arith.constant 0 : index
      %get3A_816 = tpu.vector_load %arg11[%get3A_814, %get3A_815] {strides = array<i32>} : memref<128x128xf32, #tpu.memory_space<vmem>>, vector<16xf32>,
      %mul3A_817 = arith.mulf %get3A_813, %get3A_816 : vector<16xf32>
      %get3A_818 = arith.index_cast %add3A_810 : i32 to index
      %get3A_819 = arith.constant 16 : index
      %get3A_820 = tpu.vector_load %arg10[%get3A_818, %get3A_819] {strides = array<i32>} : memref<128x128xf32, #tpu.memory_space<vmem>>, vector<16xf32>,
      %get3A_821 = arith.index_cast %add3A_810 : i32 to index
      %get3A_822 = arith.constant 16 : index
      %get3A_823 = tpu.vector_load %arg11[%get3A_821, %get3A_822] {strides = array<i32>} : memref<128x128xf32, #tpu.memory_space<vmem>>, vector<16xf32>,
      %mul3A_824 = arith.mulf %get3A_820, %get3A_823 : vector<16xf32>
      %add3A_825 = arith.addf %mul3A_817, %mul3A_824 : vector<16xf32>
      %get3A_826 = arith.index_cast %add3A_810 : i32 to index
      %get3A_827 = arith.constant 32 : index
      %get3A_828 = tpu.vector_load %arg10[%get3A_826, %get3A_827] {strides = array<i32>} : memref<128x128xf32, #tpu.memory_space<vmem>>, vector<16xf32>,
      %get3A_829 = arith.index_cast %add3A_810 : i32 to index
      %get3A_830 = arith.constant 32 : index
      %get3A_831 = tpu.vector_load %arg11[%get3A_829, %get3A_830] {strides = array<i32>} : memref<128x128xf32, #tpu.memory_space<vmem>>, vector<16xf32>,
      %mul3A_832 = arith.mulf %get3A_828, %get3A_831 : vector<16xf32>
      %add3A_833 = arith.addf %add3A_825, %mul3A_832 : vector<16xf32>
      %get3A_834 = arith.index_cast %add3A_810 : i32 to index
      %get3A_835 = arith.constant 48 : index
      %get3A_836 = tpu.vector_load %arg10[%get3A_834, %get3A_835] {strides = array<i32>} : memref<128x128xf32, #tpu.memory_space<vmem>>, vector<16xf32>,
      %get3A_837 = arith.index_cast %add3A_810 : i32 to index
      %get3A_838 = arith.constant 48 : index
      %get3A_839 = tpu.vector_load %arg11[%get3A_837, %get3A_838] {strides = array<i32>} : memref<128x128xf32, #tpu.memory_space<vmem>>, vector<16xf32>,
      %mul3A_840 = arith.mulf %get3A_836, %get3A_839 : vector<16xf32>
      %add3A_841 = arith.addf %add3A_833, %mul3A_840 : vector<16xf32>
      %get3A_842 = arith.index_cast %add3A_810 : i32 to index
      %get3A_843 = arith.constant 64 : index
      %get3A_844 = tpu.vector_load %arg10[%get3A_842, %get3A_843] {strides = array<i32>} : memref<128x128xf32, #tpu.memory_space<vmem>>, vector<16xf32>,
      %get3A_845 = arith.index_cast %add3A_810 : i32 to index
      %get3A_846 = arith.constant 64 : index
      %get3A_847 = tpu.vector_load %arg11[%get3A_845, %get3A_846] {strides = array<i32>} : memref<128x128xf32, #tpu.memory_space<vmem>>, vector<16xf32>,
      %mul3A_848 = arith.mulf %get3A_844, %get3A_847 : vector<16xf32>
      %add3A_849 = arith.addf %add3A_841, %mul3A_848 : vector<16xf32>
      %get3A_850 = arith.index_cast %add3A_810 : i32 to index
      %get3A_851 = arith.constant 80 : index
      %get3A_852 = tpu.vector_load %arg10[%get3A_850, %get3A_851] {strides = array<i32>} : memref<128x128xf32, #tpu.memory_space<vmem>>, vector<16xf32>,
      %get3A_853 = arith.index_cast %add3A_810 : i32 to index
      %get3A_854 = arith.constant 80 : index
      %get3A_855 = tpu.vector_load %arg11[%get3A_853, %get3A_854] {strides = array<i32>} : memref<128x128xf32, #tpu.memory_space<vmem>>, vector<16xf32>,
      %mul3A_856 = arith.mulf %get3A_852, %get3A_855 : vector<16xf32>
      %add3A_857 = arith.addf %add3A_849, %mul3A_856 : vector<16xf32>
      %get3A_858 = arith.index_cast %add3A_810 : i32 to index
      %get3A_859 = arith.constant 96 : index
      %get3A_860 = tpu.vector_load %arg10[%get3A_858, %get3A_859] {strides = array<i32>} : memref<128x128xf32, #tpu.memory_space<vmem>>, vector<16xf32>,
      %get3A_861 = arith.index_cast %add3A_810 : i32 to index
      %get3A_862 = arith.constant 96 : index
      %get3A_863 = tpu.vector_load %arg11[%get3A_861, %get3A_862] {strides = array<i32>} : memref<128x128xf32, #tpu.memory_space<vmem>>, vector<16xf32>,
      %mul3A_864 = arith.mulf %get3A_860, %get3A_863 : vector<16xf32>
      %add3A_865 = arith.addf %add3A_857, %mul3A_864 : vector<16xf32>
      %get3A_866 = arith.index_cast %add3A_810 : i32 to index
      %get3A_867 = arith.constant 112 : index
      %get3A_868 = tpu.vector_load %arg10[%get3A_866, %get3A_867] {strides = array<i32>} : memref<128x128xf32, #tpu.memory_space<vmem>>, vector<16xf32>,
      %get3A_869 = arith.index_cast %add3A_810 : i32 to index
      %get3A_870 = arith.constant 112 : index
      %get3A_871 = tpu.vector_load %arg11[%get3A_869, %get3A_870] {strides = array<i32>} : memref<128x128xf32, #tpu.memory_space<vmem>>, vector<16xf32>,
      %mul3A_872 = arith.mulf %get3A_868, %get3A_871 : vector<16xf32>
      %add3A_873 = arith.addf %add3A_865, %mul3A_872 : vector<16xf32>
      %broadcast_in_dim3A_874 = arith.constant 10 : i32
      %broadcast_in_dim3A_875 = vector.broadcast %broadcast_in_dim3A_874 : i32 to vector<16xi32>
      tpu.vector_store_idx %arg12[%iota3A, %broadcast_in_dim3A_875], %add3A_873 : memref<16x16xf32, #tpu.memory_space<vmem>>[vector<16xi32>, vector<16xi32>], vector<16xf32>,
      %add3A_876 = arith.constant 11 : i32
      %add3A_877 = arith.addi %mul3A_140, %add3A_876 : i32
      %get3A_878 = arith.index_cast %add3A_877 : i32 to index
      %get3A_879 = arith.constant 0 : index
      %get3A_880 = tpu.vector_load %arg10[%get3A_878, %get3A_879] {strides = array<i32>} : memref<128x128xf32, #tpu.memory_space<vmem>>, vector<16xf32>,
      %get3A_881 = arith.index_cast %add3A_877 : i32 to index
      %get3A_882 = arith.constant 0 : index
      %get3A_883 = tpu.vector_load %arg11[%get3A_881, %get3A_882] {strides = array<i32>} : memref<128x128xf32, #tpu.memory_space<vmem>>, vector<16xf32>,
      %mul3A_884 = arith.mulf %get3A_880, %get3A_883 : vector<16xf32>
      %get3A_885 = arith.index_cast %add3A_877 : i32 to index
      %get3A_886 = arith.constant 16 : index
      %get3A_887 = tpu.vector_load %arg10[%get3A_885, %get3A_886] {strides = array<i32>} : memref<128x128xf32, #tpu.memory_space<vmem>>, vector<16xf32>,
      %get3A_888 = arith.index_cast %add3A_877 : i32 to index
      %get3A_889 = arith.constant 16 : index
      %get3A_890 = tpu.vector_load %arg11[%get3A_888, %get3A_889] {strides = array<i32>} : memref<128x128xf32, #tpu.memory_space<vmem>>, vector<16xf32>,
      %mul3A_891 = arith.mulf %get3A_887, %get3A_890 : vector<16xf32>
      %add3A_892 = arith.addf %mul3A_884, %mul3A_891 : vector<16xf32>
      %get3A_893 = arith.index_cast %add3A_877 : i32 to index
      %get3A_894 = arith.constant 32 : index
      %get3A_895 = tpu.vector_load %arg10[%get3A_893, %get3A_894] {strides = array<i32>} : memref<128x128xf32, #tpu.memory_space<vmem>>, vector<16xf32>,
      %get3A_896 = arith.index_cast %add3A_877 : i32 to index
      %get3A_897 = arith.constant 32 : index
      %get3A_898 = tpu.vector_load %arg11[%get3A_896, %get3A_897] {strides = array<i32>} : memref<128x128xf32, #tpu.memory_space<vmem>>, vector<16xf32>,
      %mul3A_899 = arith.mulf %get3A_895, %get3A_898 : vector<16xf32>
      %add3A_900 = arith.addf %add3A_892, %mul3A_899 : vector<16xf32>
      %get3A_901 = arith.index_cast %add3A_877 : i32 to index
      %get3A_902 = arith.constant 48 : index
      %get3A_903 = tpu.vector_load %arg10[%get3A_901, %get3A_902] {strides = array<i32>} : memref<128x128xf32, #tpu.memory_space<vmem>>, vector<16xf32>,
      %get3A_904 = arith.index_cast %add3A_877 : i32 to index
      %get3A_905 = arith.constant 48 : index
      %get3A_906 = tpu.vector_load %arg11[%get3A_904, %get3A_905] {strides = array<i32>} : memref<128x128xf32, #tpu.memory_space<vmem>>, vector<16xf32>,
      %mul3A_907 = arith.mulf %get3A_903, %get3A_906 : vector<16xf32>
      %add3A_908 = arith.addf %add3A_900, %mul3A_907 : vector<16xf32>
      %get3A_909 = arith.index_cast %add3A_877 : i32 to index
      %get3A_910 = arith.constant 64 : index
      %get3A_911 = tpu.vector_load %arg10[%get3A_909, %get3A_910] {strides = array<i32>} : memref<128x128xf32, #tpu.memory_space<vmem>>, vector<16xf32>,
      %get3A_912 = arith.index_cast %add3A_877 : i32 to index
      %get3A_913 = arith.constant 64 : index
      %get3A_914 = tpu.vector_load %arg11[%get3A_912, %get3A_913] {strides = array<i32>} : memref<128x128xf32, #tpu.memory_space<vmem>>, vector<16xf32>,
      %mul3A_915 = arith.mulf %get3A_911, %get3A_914 : vector<16xf32>
      %add3A_916 = arith.addf %add3A_908, %mul3A_915 : vector<16xf32>
      %get3A_917 = arith.index_cast %add3A_877 : i32 to index
      %get3A_918 = arith.constant 80 : index
      %get3A_919 = tpu.vector_load %arg10[%get3A_917, %get3A_918] {strides = array<i32>} : memref<128x128xf32, #tpu.memory_space<vmem>>, vector<16xf32>,
      %get3A_920 = arith.index_cast %add3A_877 : i32 to index
      %get3A_921 = arith.constant 80 : index
      %get3A_922 = tpu.vector_load %arg11[%get3A_920, %get3A_921] {strides = array<i32>} : memref<128x128xf32, #tpu.memory_space<vmem>>, vector<16xf32>,
      %mul3A_923 = arith.mulf %get3A_919, %get3A_922 : vector<16xf32>
      %add3A_924 = arith.addf %add3A_916, %mul3A_923 : vector<16xf32>
      %get3A_925 = arith.index_cast %add3A_877 : i32 to index
      %get3A_926 = arith.constant 96 : index
      %get3A_927 = tpu.vector_load %arg10[%get3A_925, %get3A_926] {strides = array<i32>} : memref<128x128xf32, #tpu.memory_space<vmem>>, vector<16xf32>,
      %get3A_928 = arith.index_cast %add3A_877 : i32 to index
      %get3A_929 = arith.constant 96 : index
      %get3A_930 = tpu.vector_load %arg11[%get3A_928, %get3A_929] {strides = array<i32>} : memref<128x128xf32, #tpu.memory_space<vmem>>, vector<16xf32>,
      %mul3A_931 = arith.mulf %get3A_927, %get3A_930 : vector<16xf32>
      %add3A_932 = arith.addf %add3A_924, %mul3A_931 : vector<16xf32>
      %get3A_933 = arith.index_cast %add3A_877 : i32 to index
      %get3A_934 = arith.constant 112 : index
      %get3A_935 = tpu.vector_load %arg10[%get3A_933, %get3A_934] {strides = array<i32>} : memref<128x128xf32, #tpu.memory_space<vmem>>, vector<16xf32>,
      %get3A_936 = arith.index_cast %add3A_877 : i32 to index
      %get3A_937 = arith.constant 112 : index
      %get3A_938 = tpu.vector_load %arg11[%get3A_936, %get3A_937] {strides = array<i32>} : memref<128x128xf32, #tpu.memory_space<vmem>>, vector<16xf32>,
      %mul3A_939 = arith.mulf %get3A_935, %get3A_938 : vector<16xf32>
      %add3A_940 = arith.addf %add3A_932, %mul3A_939 : vector<16xf32>
      %broadcast_in_dim3A_941 = arith.constant 11 : i32
      %broadcast_in_dim3A_942 = vector.broadcast %broadcast_in_dim3A_941 : i32 to vector<16xi32>
      tpu.vector_store_idx %arg12[%iota3A, %broadcast_in_dim3A_942], %add3A_940 : memref<16x16xf32, #tpu.memory_space<vmem>>[vector<16xi32>, vector<16xi32>], vector<16xf32>,
      %add3A_943 = arith.constant 12 : i32
      %add3A_944 = arith.addi %mul3A_140, %add3A_943 : i32
      %get3A_945 = arith.index_cast %add3A_944 : i32 to index
      %get3A_946 = arith.constant 0 : index
      %get3A_947 = tpu.vector_load %arg10[%get3A_945, %get3A_946] {strides = array<i32>} : memref<128x128xf32, #tpu.memory_space<vmem>>, vector<16xf32>,
      %get3A_948 = arith.index_cast %add3A_944 : i32 to index
      %get3A_949 = arith.constant 0 : index
      %get3A_950 = tpu.vector_load %arg11[%get3A_948, %get3A_949] {strides = array<i32>} : memref<128x128xf32, #tpu.memory_space<vmem>>, vector<16xf32>,
      %mul3A_951 = arith.mulf %get3A_947, %get3A_950 : vector<16xf32>
      %get3A_952 = arith.index_cast %add3A_944 : i32 to index
      %get3A_953 = arith.constant 16 : index
      %get3A_954 = tpu.vector_load %arg10[%get3A_952, %get3A_953] {strides = array<i32>} : memref<128x128xf32, #tpu.memory_space<vmem>>, vector<16xf32>,
      %get3A_955 = arith.index_cast %add3A_944 : i32 to index
      %get3A_956 = arith.constant 16 : index
      %get3A_957 = tpu.vector_load %arg11[%get3A_955, %get3A_956] {strides = array<i32>} : memref<128x128xf32, #tpu.memory_space<vmem>>, vector<16xf32>,
      %mul3A_958 = arith.mulf %get3A_954, %get3A_957 : vector<16xf32>
      %add3A_959 = arith.addf %mul3A_951, %mul3A_958 : vector<16xf32>
      %get3A_960 = arith.index_cast %add3A_944 : i32 to index
      %get3A_961 = arith.constant 32 : index
      %get3A_962 = tpu.vector_load %arg10[%get3A_960, %get3A_961] {strides = array<i32>} : memref<128x128xf32, #tpu.memory_space<vmem>>, vector<16xf32>,
      %get3A_963 = arith.index_cast %add3A_944 : i32 to index
      %get3A_964 = arith.constant 32 : index
      %get3A_965 = tpu.vector_load %arg11[%get3A_963, %get3A_964] {strides = array<i32>} : memref<128x128xf32, #tpu.memory_space<vmem>>, vector<16xf32>,
      %mul3A_966 = arith.mulf %get3A_962, %get3A_965 : vector<16xf32>
      %add3A_967 = arith.addf %add3A_959, %mul3A_966 : vector<16xf32>
      %get3A_968 = arith.index_cast %add3A_944 : i32 to index
      %get3A_969 = arith.constant 48 : index
      %get3A_970 = tpu.vector_load %arg10[%get3A_968, %get3A_969] {strides = array<i32>} : memref<128x128xf32, #tpu.memory_space<vmem>>, vector<16xf32>,
      %get3A_971 = arith.index_cast %add3A_944 : i32 to index
      %get3A_972 = arith.constant 48 : index
      %get3A_973 = tpu.vector_load %arg11[%get3A_971, %get3A_972] {strides = array<i32>} : memref<128x128xf32, #tpu.memory_space<vmem>>, vector<16xf32>,
      %mul3A_974 = arith.mulf %get3A_970, %get3A_973 : vector<16xf32>
      %add3A_975 = arith.addf %add3A_967, %mul3A_974 : vector<16xf32>
      %get3A_976 = arith.index_cast %add3A_944 : i32 to index
      %get3A_977 = arith.constant 64 : index
      %get3A_978 = tpu.vector_load %arg10[%get3A_976, %get3A_977] {strides = array<i32>} : memref<128x128xf32, #tpu.memory_space<vmem>>, vector<16xf32>,
      %get3A_979 = arith.index_cast %add3A_944 : i32 to index
      %get3A_980 = arith.constant 64 : index
      %get3A_981 = tpu.vector_load %arg11[%get3A_979, %get3A_980] {strides = array<i32>} : memref<128x128xf32, #tpu.memory_space<vmem>>, vector<16xf32>,
      %mul3A_982 = arith.mulf %get3A_978, %get3A_981 : vector<16xf32>
      %add3A_983 = arith.addf %add3A_975, %mul3A_982 : vector<16xf32>
      %get3A_984 = arith.index_cast %add3A_944 : i32 to index
      %get3A_985 = arith.constant 80 : index
      %get3A_986 = tpu.vector_load %arg10[%get3A_984, %get3A_985] {strides = array<i32>} : memref<128x128xf32, #tpu.memory_space<vmem>>, vector<16xf32>,
      %get3A_987 = arith.index_cast %add3A_944 : i32 to index
      %get3A_988 = arith.constant 80 : index
      %get3A_989 = tpu.vector_load %arg11[%get3A_987, %get3A_988] {strides = array<i32>} : memref<128x128xf32, #tpu.memory_space<vmem>>, vector<16xf32>,
      %mul3A_990 = arith.mulf %get3A_986, %get3A_989 : vector<16xf32>
      %add3A_991 = arith.addf %add3A_983, %mul3A_990 : vector<16xf32>
      %get3A_992 = arith.index_cast %add3A_944 : i32 to index
      %get3A_993 = arith.constant 96 : index
      %get3A_994 = tpu.vector_load %arg10[%get3A_992, %get3A_993] {strides = array<i32>} : memref<128x128xf32, #tpu.memory_space<vmem>>, vector<16xf32>,
      %get3A_995 = arith.index_cast %add3A_944 : i32 to index
      %get3A_996 = arith.constant 96 : index
      %get3A_997 = tpu.vector_load %arg11[%get3A_995, %get3A_996] {strides = array<i32>} : memref<128x128xf32, #tpu.memory_space<vmem>>, vector<16xf32>,
      %mul3A_998 = arith.mulf %get3A_994, %get3A_997 : vector<16xf32>
      %add3A_999 = arith.addf %add3A_991, %mul3A_998 : vector<16xf32>
      %get3A_1000 = arith.index_cast %add3A_944 : i32 to index
      %get3A_1001 = arith.constant 112 : index
      %get3A_1002 = tpu.vector_load %arg10[%get3A_1000, %get3A_1001] {strides = array<i32>} : memref<128x128xf32, #tpu.memory_space<vmem>>, vector<16xf32>,
      %get3A_1003 = arith.index_cast %add3A_944 : i32 to index
      %get3A_1004 = arith.constant 112 : index
      %get3A_1005 = tpu.vector_load %arg11[%get3A_1003, %get3A_1004] {strides = array<i32>} : memref<128x128xf32, #tpu.memory_space<vmem>>, vector<16xf32>,
      %mul3A_1006 = arith.mulf %get3A_1002, %get3A_1005 : vector<16xf32>
      %add3A_1007 = arith.addf %add3A_999, %mul3A_1006 : vector<16xf32>
      %broadcast_in_dim3A_1008 = arith.constant 12 : i32
      %broadcast_in_dim3A_1009 = vector.broadcast %broadcast_in_dim3A_1008 : i32 to vector<16xi32>
      tpu.vector_store_idx %arg12[%iota3A, %broadcast_in_dim3A_1009], %add3A_1007 : memref<16x16xf32, #tpu.memory_space<vmem>>[vector<16xi32>, vector<16xi32>], vector<16xf32>,
      %add3A_1010 = arith.constant 13 : i32
      %add3A_1011 = arith.addi %mul3A_140, %add3A_1010 : i32
      %get3A_1012 = arith.index_cast %add3A_1011 : i32 to index
      %get3A_1013 = arith.constant 0 : index
      %get3A_1014 = tpu.vector_load %arg10[%get3A_1012, %get3A_1013] {strides = array<i32>} : memref<128x128xf32, #tpu.memory_space<vmem>>, vector<16xf32>,
      %get3A_1015 = arith.index_cast %add3A_1011 : i32 to index
      %get3A_1016 = arith.constant 0 : index
      %get3A_1017 = tpu.vector_load %arg11[%get3A_1015, %get3A_1016] {strides = array<i32>} : memref<128x128xf32, #tpu.memory_space<vmem>>, vector<16xf32>,
      %mul3A_1018 = arith.mulf %get3A_1014, %get3A_1017 : vector<16xf32>
      %get3A_1019 = arith.index_cast %add3A_1011 : i32 to index
      %get3A_1020 = arith.constant 16 : index
      %get3A_1021 = tpu.vector_load %arg10[%get3A_1019, %get3A_1020] {strides = array<i32>} : memref<128x128xf32, #tpu.memory_space<vmem>>, vector<16xf32>,
      %get3A_1022 = arith.index_cast %add3A_1011 : i32 to index
      %get3A_1023 = arith.constant 16 : index
      %get3A_1024 = tpu.vector_load %arg11[%get3A_1022, %get3A_1023] {strides = array<i32>} : memref<128x128xf32, #tpu.memory_space<vmem>>, vector<16xf32>,
      %mul3A_1025 = arith.mulf %get3A_1021, %get3A_1024 : vector<16xf32>
      %add3A_1026 = arith.addf %mul3A_1018, %mul3A_1025 : vector<16xf32>
      %get3A_1027 = arith.index_cast %add3A_1011 : i32 to index
      %get3A_1028 = arith.constant 32 : index
      %get3A_1029 = tpu.vector_load %arg10[%get3A_1027, %get3A_1028] {strides = array<i32>} : memref<128x128xf32, #tpu.memory_space<vmem>>, vector<16xf32>,
      %get3A_1030 = arith.index_cast %add3A_1011 : i32 to index
      %get3A_1031 = arith.constant 32 : index
      %get3A_1032 = tpu.vector_load %arg11[%get3A_1030, %get3A_1031] {strides = array<i32>} : memref<128x128xf32, #tpu.memory_space<vmem>>, vector<16xf32>,
      %mul3A_1033 = arith.mulf %get3A_1029, %get3A_1032 : vector<16xf32>
      %add3A_1034 = arith.addf %add3A_1026, %mul3A_1033 : vector<16xf32>
      %get3A_1035 = arith.index_cast %add3A_1011 : i32 to index
      %get3A_1036 = arith.constant 48 : index
      %get3A_1037 = tpu.vector_load %arg10[%get3A_1035, %get3A_1036] {strides = array<i32>} : memref<128x128xf32, #tpu.memory_space<vmem>>, vector<16xf32>,
      %get3A_1038 = arith.index_cast %add3A_1011 : i32 to index
      %get3A_1039 = arith.constant 48 : index
      %get3A_1040 = tpu.vector_load %arg11[%get3A_1038, %get3A_1039] {strides = array<i32>} : memref<128x128xf32, #tpu.memory_space<vmem>>, vector<16xf32>,
      %mul3A_1041 = arith.mulf %get3A_1037, %get3A_1040 : vector<16xf32>
      %add3A_1042 = arith.addf %add3A_1034, %mul3A_1041 : vector<16xf32>
      %get3A_1043 = arith.index_cast %add3A_1011 : i32 to index
      %get3A_1044 = arith.constant 64 : index
      %get3A_1045 = tpu.vector_load %arg10[%get3A_1043, %get3A_1044] {strides = array<i32>} : memref<128x128xf32, #tpu.memory_space<vmem>>, vector<16xf32>,
      %get3A_1046 = arith.index_cast %add3A_1011 : i32 to index
      %get3A_1047 = arith.constant 64 : index
      %get3A_1048 = tpu.vector_load %arg11[%get3A_1046, %get3A_1047] {strides = array<i32>} : memref<128x128xf32, #tpu.memory_space<vmem>>, vector<16xf32>,
      %mul3A_1049 = arith.mulf %get3A_1045, %get3A_1048 : vector<16xf32>
      %add3A_1050 = arith.addf %add3A_1042, %mul3A_1049 : vector<16xf32>
      %get3A_1051 = arith.index_cast %add3A_1011 : i32 to index
      %get3A_1052 = arith.constant 80 : index
      %get3A_1053 = tpu.vector_load %arg10[%get3A_1051, %get3A_1052] {strides = array<i32>} : memref<128x128xf32, #tpu.memory_space<vmem>>, vector<16xf32>,
      %get3A_1054 = arith.index_cast %add3A_1011 : i32 to index
      %get3A_1055 = arith.constant 80 : index
      %get3A_1056 = tpu.vector_load %arg11[%get3A_1054, %get3A_1055] {strides = array<i32>} : memref<128x128xf32, #tpu.memory_space<vmem>>, vector<16xf32>,
      %mul3A_1057 = arith.mulf %get3A_1053, %get3A_1056 : vector<16xf32>
      %add3A_1058 = arith.addf %add3A_1050, %mul3A_1057 : vector<16xf32>
      %get3A_1059 = arith.index_cast %add3A_1011 : i32 to index
      %get3A_1060 = arith.constant 96 : index
      %get3A_1061 = tpu.vector_load %arg10[%get3A_1059, %get3A_1060] {strides = array<i32>} : memref<128x128xf32, #tpu.memory_space<vmem>>, vector<16xf32>,
      %get3A_1062 = arith.index_cast %add3A_1011 : i32 to index
      %get3A_1063 = arith.constant 96 : index
      %get3A_1064 = tpu.vector_load %arg11[%get3A_1062, %get3A_1063] {strides = array<i32>} : memref<128x128xf32, #tpu.memory_space<vmem>>, vector<16xf32>,
      %mul3A_1065 = arith.mulf %get3A_1061, %get3A_1064 : vector<16xf32>
      %add3A_1066 = arith.addf %add3A_1058, %mul3A_1065 : vector<16xf32>
      %get3A_1067 = arith.index_cast %add3A_1011 : i32 to index
      %get3A_1068 = arith.constant 112 : index
      %get3A_1069 = tpu.vector_load %arg10[%get3A_1067, %get3A_1068] {strides = array<i32>} : memref<128x128xf32, #tpu.memory_space<vmem>>, vector<16xf32>,
      %get3A_1070 = arith.index_cast %add3A_1011 : i32 to index
      %get3A_1071 = arith.constant 112 : index
      %get3A_1072 = tpu.vector_load %arg11[%get3A_1070, %get3A_1071] {strides = array<i32>} : memref<128x128xf32, #tpu.memory_space<vmem>>, vector<16xf32>,
      %mul3A_1073 = arith.mulf %get3A_1069, %get3A_1072 : vector<16xf32>
      %add3A_1074 = arith.addf %add3A_1066, %mul3A_1073 : vector<16xf32>
      %broadcast_in_dim3A_1075 = arith.constant 13 : i32
      %broadcast_in_dim3A_1076 = vector.broadcast %broadcast_in_dim3A_1075 : i32 to vector<16xi32>
      tpu.vector_store_idx %arg12[%iota3A, %broadcast_in_dim3A_1076], %add3A_1074 : memref<16x16xf32, #tpu.memory_space<vmem>>[vector<16xi32>, vector<16xi32>], vector<16xf32>,
      %add3A_1077 = arith.constant 14 : i32
      %add3A_1078 = arith.addi %mul3A_140, %add3A_1077 : i32
      %get3A_1079 = arith.index_cast %add3A_1078 : i32 to index
      %get3A_1080 = arith.constant 0 : index
      %get3A_1081 = tpu.vector_load %arg10[%get3A_1079, %get3A_1080] {strides = array<i32>} : memref<128x128xf32, #tpu.memory_space<vmem>>, vector<16xf32>,
      %get3A_1082 = arith.index_cast %add3A_1078 : i32 to index
      %get3A_1083 = arith.constant 0 : index
      %get3A_1084 = tpu.vector_load %arg11[%get3A_1082, %get3A_1083] {strides = array<i32>} : memref<128x128xf32, #tpu.memory_space<vmem>>, vector<16xf32>,
      %mul3A_1085 = arith.mulf %get3A_1081, %get3A_1084 : vector<16xf32>
      %get3A_1086 = arith.index_cast %add3A_1078 : i32 to index
      %get3A_1087 = arith.constant 16 : index
      %get3A_1088 = tpu.vector_load %arg10[%get3A_1086, %get3A_1087] {strides = array<i32>} : memref<128x128xf32, #tpu.memory_space<vmem>>, vector<16xf32>,
      %get3A_1089 = arith.index_cast %add3A_1078 : i32 to index
      %get3A_1090 = arith.constant 16 : index
      %get3A_1091 = tpu.vector_load %arg11[%get3A_1089, %get3A_1090] {strides = array<i32>} : memref<128x128xf32, #tpu.memory_space<vmem>>, vector<16xf32>,
      %mul3A_1092 = arith.mulf %get3A_1088, %get3A_1091 : vector<16xf32>
      %add3A_1093 = arith.addf %mul3A_1085, %mul3A_1092 : vector<16xf32>
      %get3A_1094 = arith.index_cast %add3A_1078 : i32 to index
      %get3A_1095 = arith.constant 32 : index
      %get3A_1096 = tpu.vector_load %arg10[%get3A_1094, %get3A_1095] {strides = array<i32>} : memref<128x128xf32, #tpu.memory_space<vmem>>, vector<16xf32>,
      %get3A_1097 = arith.index_cast %add3A_1078 : i32 to index
      %get3A_1098 = arith.constant 32 : index
      %get3A_1099 = tpu.vector_load %arg11[%get3A_1097, %get3A_1098] {strides = array<i32>} : memref<128x128xf32, #tpu.memory_space<vmem>>, vector<16xf32>,
      %mul3A_1100 = arith.mulf %get3A_1096, %get3A_1099 : vector<16xf32>
      %add3A_1101 = arith.addf %add3A_1093, %mul3A_1100 : vector<16xf32>
      %get3A_1102 = arith.index_cast %add3A_1078 : i32 to index
      %get3A_1103 = arith.constant 48 : index
      %get3A_1104 = tpu.vector_load %arg10[%get3A_1102, %get3A_1103] {strides = array<i32>} : memref<128x128xf32, #tpu.memory_space<vmem>>, vector<16xf32>,
      %get3A_1105 = arith.index_cast %add3A_1078 : i32 to index
      %get3A_1106 = arith.constant 48 : index
      %get3A_1107 = tpu.vector_load %arg11[%get3A_1105, %get3A_1106] {strides = array<i32>} : memref<128x128xf32, #tpu.memory_space<vmem>>, vector<16xf32>,
      %mul3A_1108 = arith.mulf %get3A_1104, %get3A_1107 : vector<16xf32>
      %add3A_1109 = arith.addf %add3A_1101, %mul3A_1108 : vector<16xf32>
      %get3A_1110 = arith.index_cast %add3A_1078 : i32 to index
      %get3A_1111 = arith.constant 64 : index
      %get3A_1112 = tpu.vector_load %arg10[%get3A_1110, %get3A_1111] {strides = array<i32>} : memref<128x128xf32, #tpu.memory_space<vmem>>, vector<16xf32>,
      %get3A_1113 = arith.index_cast %add3A_1078 : i32 to index
      %get3A_1114 = arith.constant 64 : index
      %get3A_1115 = tpu.vector_load %arg11[%get3A_1113, %get3A_1114] {strides = array<i32>} : memref<128x128xf32, #tpu.memory_space<vmem>>, vector<16xf32>,
      %mul3A_1116 = arith.mulf %get3A_1112, %get3A_1115 : vector<16xf32>
      %add3A_1117 = arith.addf %add3A_1109, %mul3A_1116 : vector<16xf32>
      %get3A_1118 = arith.index_cast %add3A_1078 : i32 to index
      %get3A_1119 = arith.constant 80 : index
      %get3A_1120 = tpu.vector_load %arg10[%get3A_1118, %get3A_1119] {strides = array<i32>} : memref<128x128xf32, #tpu.memory_space<vmem>>, vector<16xf32>,
      %get3A_1121 = arith.index_cast %add3A_1078 : i32 to index
      %get3A_1122 = arith.constant 80 : index
      %get3A_1123 = tpu.vector_load %arg11[%get3A_1121, %get3A_1122] {strides = array<i32>} : memref<128x128xf32, #tpu.memory_space<vmem>>, vector<16xf32>,
      %mul3A_1124 = arith.mulf %get3A_1120, %get3A_1123 : vector<16xf32>
      %add3A_1125 = arith.addf %add3A_1117, %mul3A_1124 : vector<16xf32>
      %get3A_1126 = arith.index_cast %add3A_1078 : i32 to index
      %get3A_1127 = arith.constant 96 : index
      %get3A_1128 = tpu.vector_load %arg10[%get3A_1126, %get3A_1127] {strides = array<i32>} : memref<128x128xf32, #tpu.memory_space<vmem>>, vector<16xf32>,
      %get3A_1129 = arith.index_cast %add3A_1078 : i32 to index
      %get3A_1130 = arith.constant 96 : index
      %get3A_1131 = tpu.vector_load %arg11[%get3A_1129, %get3A_1130] {strides = array<i32>} : memref<128x128xf32, #tpu.memory_space<vmem>>, vector<16xf32>,
      %mul3A_1132 = arith.mulf %get3A_1128, %get3A_1131 : vector<16xf32>
      %add3A_1133 = arith.addf %add3A_1125, %mul3A_1132 : vector<16xf32>
      %get3A_1134 = arith.index_cast %add3A_1078 : i32 to index
      %get3A_1135 = arith.constant 112 : index
      %get3A_1136 = tpu.vector_load %arg10[%get3A_1134, %get3A_1135] {strides = array<i32>} : memref<128x128xf32, #tpu.memory_space<vmem>>, vector<16xf32>,
      %get3A_1137 = arith.index_cast %add3A_1078 : i32 to index
      %get3A_1138 = arith.constant 112 : index
      %get3A_1139 = tpu.vector_load %arg11[%get3A_1137, %get3A_1138] {strides = array<i32>} : memref<128x128xf32, #tpu.memory_space<vmem>>, vector<16xf32>,
      %mul3A_1140 = arith.mulf %get3A_1136, %get3A_1139 : vector<16xf32>
      %add3A_1141 = arith.addf %add3A_1133, %mul3A_1140 : vector<16xf32>
      %broadcast_in_dim3A_1142 = arith.constant 14 : i32
      %broadcast_in_dim3A_1143 = vector.broadcast %broadcast_in_dim3A_1142 : i32 to vector<16xi32>
      tpu.vector_store_idx %arg12[%iota3A, %broadcast_in_dim3A_1143], %add3A_1141 : memref<16x16xf32, #tpu.memory_space<vmem>>[vector<16xi32>, vector<16xi32>], vector<16xf32>,
      %add3A_1144 = arith.constant 15 : i32
      %add3A_1145 = arith.addi %mul3A_140, %add3A_1144 : i32
      %get3A_1146 = arith.index_cast %add3A_1145 : i32 to index
      %get3A_1147 = arith.constant 0 : index
      %get3A_1148 = tpu.vector_load %arg10[%get3A_1146, %get3A_1147] {strides = array<i32>} : memref<128x128xf32, #tpu.memory_space<vmem>>, vector<16xf32>,
      %get3A_1149 = arith.index_cast %add3A_1145 : i32 to index
      %get3A_1150 = arith.constant 0 : index
      %get3A_1151 = tpu.vector_load %arg11[%get3A_1149, %get3A_1150] {strides = array<i32>} : memref<128x128xf32, #tpu.memory_space<vmem>>, vector<16xf32>,
      %mul3A_1152 = arith.mulf %get3A_1148, %get3A_1151 : vector<16xf32>
      %get3A_1153 = arith.index_cast %add3A_1145 : i32 to index
      %get3A_1154 = arith.constant 16 : index
      %get3A_1155 = tpu.vector_load %arg10[%get3A_1153, %get3A_1154] {strides = array<i32>} : memref<128x128xf32, #tpu.memory_space<vmem>>, vector<16xf32>,
      %get3A_1156 = arith.index_cast %add3A_1145 : i32 to index
      %get3A_1157 = arith.constant 16 : index
      %get3A_1158 = tpu.vector_load %arg11[%get3A_1156, %get3A_1157] {strides = array<i32>} : memref<128x128xf32, #tpu.memory_space<vmem>>, vector<16xf32>,
      %mul3A_1159 = arith.mulf %get3A_1155, %get3A_1158 : vector<16xf32>
      %add3A_1160 = arith.addf %mul3A_1152, %mul3A_1159 : vector<16xf32>
      %get3A_1161 = arith.index_cast %add3A_1145 : i32 to index
      %get3A_1162 = arith.constant 32 : index
      %get3A_1163 = tpu.vector_load %arg10[%get3A_1161, %get3A_1162] {strides = array<i32>} : memref<128x128xf32, #tpu.memory_space<vmem>>, vector<16xf32>,
      %get3A_1164 = arith.index_cast %add3A_1145 : i32 to index
      %get3A_1165 = arith.constant 32 : index
      %get3A_1166 = tpu.vector_load %arg11[%get3A_1164, %get3A_1165] {strides = array<i32>} : memref<128x128xf32, #tpu.memory_space<vmem>>, vector<16xf32>,
      %mul3A_1167 = arith.mulf %get3A_1163, %get3A_1166 : vector<16xf32>
      %add3A_1168 = arith.addf %add3A_1160, %mul3A_1167 : vector<16xf32>
      %get3A_1169 = arith.index_cast %add3A_1145 : i32 to index
      %get3A_1170 = arith.constant 48 : index
      %get3A_1171 = tpu.vector_load %arg10[%get3A_1169, %get3A_1170] {strides = array<i32>} : memref<128x128xf32, #tpu.memory_space<vmem>>, vector<16xf32>,
      %get3A_1172 = arith.index_cast %add3A_1145 : i32 to index
      %get3A_1173 = arith.constant 48 : index
      %get3A_1174 = tpu.vector_load %arg11[%get3A_1172, %get3A_1173] {strides = array<i32>} : memref<128x128xf32, #tpu.memory_space<vmem>>, vector<16xf32>,
      %mul3A_1175 = arith.mulf %get3A_1171, %get3A_1174 : vector<16xf32>
      %add3A_1176 = arith.addf %add3A_1168, %mul3A_1175 : vector<16xf32>
      %get3A_1177 = arith.index_cast %add3A_1145 : i32 to index
      %get3A_1178 = arith.constant 64 : index
      %get3A_1179 = tpu.vector_load %arg10[%get3A_1177, %get3A_1178] {strides = array<i32>} : memref<128x128xf32, #tpu.memory_space<vmem>>, vector<16xf32>,
      %get3A_1180 = arith.index_cast %add3A_1145 : i32 to index
      %get3A_1181 = arith.constant 64 : index
      %get3A_1182 = tpu.vector_load %arg11[%get3A_1180, %get3A_1181] {strides = array<i32>} : memref<128x128xf32, #tpu.memory_space<vmem>>, vector<16xf32>,
      %mul3A_1183 = arith.mulf %get3A_1179, %get3A_1182 : vector<16xf32>
      %add3A_1184 = arith.addf %add3A_1176, %mul3A_1183 : vector<16xf32>
      %get3A_1185 = arith.index_cast %add3A_1145 : i32 to index
      %get3A_1186 = arith.constant 80 : index
      %get3A_1187 = tpu.vector_load %arg10[%get3A_1185, %get3A_1186] {strides = array<i32>} : memref<128x128xf32, #tpu.memory_space<vmem>>, vector<16xf32>,
      %get3A_1188 = arith.index_cast %add3A_1145 : i32 to index
      %get3A_1189 = arith.constant 80 : index
      %get3A_1190 = tpu.vector_load %arg11[%get3A_1188, %get3A_1189] {strides = array<i32>} : memref<128x128xf32, #tpu.memory_space<vmem>>, vector<16xf32>,
      %mul3A_1191 = arith.mulf %get3A_1187, %get3A_1190 : vector<16xf32>
      %add3A_1192 = arith.addf %add3A_1184, %mul3A_1191 : vector<16xf32>
      %get3A_1193 = arith.index_cast %add3A_1145 : i32 to index
      %get3A_1194 = arith.constant 96 : index
      %get3A_1195 = tpu.vector_load %arg10[%get3A_1193, %get3A_1194] {strides = array<i32>} : memref<128x128xf32, #tpu.memory_space<vmem>>, vector<16xf32>,
      %get3A_1196 = arith.index_cast %add3A_1145 : i32 to index
      %get3A_1197 = arith.constant 96 : index
      %get3A_1198 = tpu.vector_load %arg11[%get3A_1196, %get3A_1197] {strides = array<i32>} : memref<128x128xf32, #tpu.memory_space<vmem>>, vector<16xf32>,
      %mul3A_1199 = arith.mulf %get3A_1195, %get3A_1198 : vector<16xf32>
      %add3A_1200 = arith.addf %add3A_1192, %mul3A_1199 : vector<16xf32>
      %get3A_1201 = arith.index_cast %add3A_1145 : i32 to index
      %get3A_1202 = arith.constant 112 : index
      %get3A_1203 = tpu.vector_load %arg10[%get3A_1201, %get3A_1202] {strides = array<i32>} : memref<128x128xf32, #tpu.memory_space<vmem>>, vector<16xf32>,
      %get3A_1204 = arith.index_cast %add3A_1145 : i32 to index
      %get3A_1205 = arith.constant 112 : index
      %get3A_1206 = tpu.vector_load %arg11[%get3A_1204, %get3A_1205] {strides = array<i32>} : memref<128x128xf32, #tpu.memory_space<vmem>>, vector<16xf32>,
      %mul3A_1207 = arith.mulf %get3A_1203, %get3A_1206 : vector<16xf32>
      %add3A_1208 = arith.addf %add3A_1200, %mul3A_1207 : vector<16xf32>
      %broadcast_in_dim3A_1209 = arith.constant 15 : i32
      %broadcast_in_dim3A_1210 = vector.broadcast %broadcast_in_dim3A_1209 : i32 to vector<16xi32>
      tpu.vector_store_idx %arg12[%iota3A, %broadcast_in_dim3A_1210], %add3A_1208 : memref<16x16xf32, #tpu.memory_space<vmem>>[vector<16xi32>, vector<16xi32>], vector<16xf32>,
      %get3A_1211 = arith.constant 0 : i32
      %get3A_1212 = arith.index_cast %get3A_1211 : i32 to index
      %get3A_1213 = arith.constant 0 : index
      %get3A_1214 = tpu.vector_load %arg12[%get3A_1212, %get3A_1213] {strides = array<i32>} : memref<16x16xf32, #tpu.memory_space<vmem>>, vector<16xf32>,
      %get3A_1215 = arith.constant 1 : i32
      %get3A_1216 = arith.index_cast %get3A_1215 : i32 to index
      %get3A_1217 = arith.constant 0 : index
      %get3A_1218 = tpu.vector_load %arg12[%get3A_1216, %get3A_1217] {strides = array<i32>} : memref<16x16xf32, #tpu.memory_space<vmem>>, vector<16xf32>,
      %add3A_1219 = arith.addf %get3A_1214, %get3A_1218 : vector<16xf32>
      %get3A_1220 = arith.constant 2 : i32
      %get3A_1221 = arith.index_cast %get3A_1220 : i32 to index
      %get3A_1222 = arith.constant 0 : index
      %get3A_1223 = tpu.vector_load %arg12[%get3A_1221, %get3A_1222] {strides = array<i32>} : memref<16x16xf32, #tpu.memory_space<vmem>>, vector<16xf32>,
      %add3A_1224 = arith.addf %add3A_1219, %get3A_1223 : vector<16xf32>
      %get3A_1225 = arith.constant 3 : i32
      %get3A_1226 = arith.index_cast %get3A_1225 : i32 to index
      %get3A_1227 = arith.constant 0 : index
      %get3A_1228 = tpu.vector_load %arg12[%get3A_1226, %get3A_1227] {strides = array<i32>} : memref<16x16xf32, #tpu.memory_space<vmem>>, vector<16xf32>,
      %add3A_1229 = arith.addf %add3A_1224, %get3A_1228 : vector<16xf32>
      %get3A_1230 = arith.constant 4 : i32
      %get3A_1231 = arith.index_cast %get3A_1230 : i32 to index
      %get3A_1232 = arith.constant 0 : index
      %get3A_1233 = tpu.vector_load %arg12[%get3A_1231, %get3A_1232] {strides = array<i32>} : memref<16x16xf32, #tpu.memory_space<vmem>>, vector<16xf32>,
      %add3A_1234 = arith.addf %add3A_1229, %get3A_1233 : vector<16xf32>
      %get3A_1235 = arith.constant 5 : i32
      %get3A_1236 = arith.index_cast %get3A_1235 : i32 to index
      %get3A_1237 = arith.constant 0 : index
      %get3A_1238 = tpu.vector_load %arg12[%get3A_1236, %get3A_1237] {strides = array<i32>} : memref<16x16xf32, #tpu.memory_space<vmem>>, vector<16xf32>,
      %add3A_1239 = arith.addf %add3A_1234, %get3A_1238 : vector<16xf32>
      %get3A_1240 = arith.constant 6 : i32
      %get3A_1241 = arith.index_cast %get3A_1240 : i32 to index
      %get3A_1242 = arith.constant 0 : index
      %get3A_1243 = tpu.vector_load %arg12[%get3A_1241, %get3A_1242] {strides = array<i32>} : memref<16x16xf32, #tpu.memory_space<vmem>>, vector<16xf32>,
      %add3A_1244 = arith.addf %add3A_1239, %get3A_1243 : vector<16xf32>
      %get3A_1245 = arith.constant 7 : i32
      %get3A_1246 = arith.index_cast %get3A_1245 : i32 to index
      %get3A_1247 = arith.constant 0 : index
      %get3A_1248 = tpu.vector_load %arg12[%get3A_1246, %get3A_1247] {strides = array<i32>} : memref<16x16xf32, #tpu.memory_space<vmem>>, vector<16xf32>,
      %add3A_1249 = arith.addf %add3A_1244, %get3A_1248 : vector<16xf32>
      %get3A_1250 = arith.constant 8 : i32
      %get3A_1251 = arith.index_cast %get3A_1250 : i32 to index
      %get3A_1252 = arith.constant 0 : index
      %get3A_1253 = tpu.vector_load %arg12[%get3A_1251, %get3A_1252] {strides = array<i32>} : memref<16x16xf32, #tpu.memory_space<vmem>>, vector<16xf32>,
      %add3A_1254 = arith.addf %add3A_1249, %get3A_1253 : vector<16xf32>
      %get3A_1255 = arith.constant 9 : i32
      %get3A_1256 = arith.index_cast %get3A_1255 : i32 to index
      %get3A_1257 = arith.constant 0 : index
      %get3A_1258 = tpu.vector_load %arg12[%get3A_1256, %get3A_1257] {strides = array<i32>} : memref<16x16xf32, #tpu.memory_space<vmem>>, vector<16xf32>,
      %add3A_1259 = arith.addf %add3A_1254, %get3A_1258 : vector<16xf32>
      %get3A_1260 = arith.constant 10 : i32
      %get3A_1261 = arith.index_cast %get3A_1260 : i32 to index
      %get3A_1262 = arith.constant 0 : index
      %get3A_1263 = tpu.vector_load %arg12[%get3A_1261, %get3A_1262] {strides = array<i32>} : memref<16x16xf32, #tpu.memory_space<vmem>>, vector<16xf32>,
      %add3A_1264 = arith.addf %add3A_1259, %get3A_1263 : vector<16xf32>
      %get3A_1265 = arith.constant 11 : i32
      %get3A_1266 = arith.index_cast %get3A_1265 : i32 to index
      %get3A_1267 = arith.constant 0 : index
      %get3A_1268 = tpu.vector_load %arg12[%get3A_1266, %get3A_1267] {strides = array<i32>} : memref<16x16xf32, #tpu.memory_space<vmem>>, vector<16xf32>,
      %add3A_1269 = arith.addf %add3A_1264, %get3A_1268 : vector<16xf32>
      %get3A_1270 = arith.constant 12 : i32
      %get3A_1271 = arith.index_cast %get3A_1270 : i32 to index
      %get3A_1272 = arith.constant 0 : index
      %get3A_1273 = tpu.vector_load %arg12[%get3A_1271, %get3A_1272] {strides = array<i32>} : memref<16x16xf32, #tpu.memory_space<vmem>>, vector<16xf32>,
      %add3A_1274 = arith.addf %add3A_1269, %get3A_1273 : vector<16xf32>
      %get3A_1275 = arith.constant 13 : i32
      %get3A_1276 = arith.index_cast %get3A_1275 : i32 to index
      %get3A_1277 = arith.constant 0 : index
      %get3A_1278 = tpu.vector_load %arg12[%get3A_1276, %get3A_1277] {strides = array<i32>} : memref<16x16xf32, #tpu.memory_space<vmem>>, vector<16xf32>,
      %add3A_1279 = arith.addf %add3A_1274, %get3A_1278 : vector<16xf32>
      %get3A_1280 = arith.constant 14 : i32
      %get3A_1281 = arith.index_cast %get3A_1280 : i32 to index
      %get3A_1282 = arith.constant 0 : index
      %get3A_1283 = tpu.vector_load %arg12[%get3A_1281, %get3A_1282] {strides = array<i32>} : memref<16x16xf32, #tpu.memory_space<vmem>>, vector<16xf32>,
      %add3A_1284 = arith.addf %add3A_1279, %get3A_1283 : vector<16xf32>
      %get3A_1285 = arith.constant 15 : i32
      %get3A_1286 = arith.index_cast %get3A_1285 : i32 to index
      %get3A_1287 = arith.constant 0 : index
      %get3A_1288 = tpu.vector_load %arg12[%get3A_1286, %get3A_1287] {strides = array<i32>} : memref<16x16xf32, #tpu.memory_space<vmem>>, vector<16xf32>,
      %add3A_1289 = arith.addf %add3A_1284, %get3A_1288 : vector<16xf32>
      %add3A_1290 = arith.constant 128 : i32
      %add3A_1291 = arith.addi %add3A_1290, %mul3A_140 : i32
      %swap3A = arith.index_cast %add3A_1291 : i32 to index
      %swap3A_1292 = tpu.vector_load %arg13[%swap3A] {strides = array<i32>} : memref<512xf32, #tpu.memory_space<vmem>>, vector<16xf32>,
      tpu.vector_store %arg13[%swap3A], %add3A_1289 {strides = array<i32>} : memref<512xf32, #tpu.memory_space<vmem>>, vector<16xf32>,
    }
    %scan3A_79 = arith.constant 8 : i32
    %dma_start3A_80 = arith.constant 3 : i32
    %dma_start3A_81 = arith.constant 0 : i32
    %dma_start3A_82 = tpu.memref_slice %arg6[%dma_start3A_80, %dma_start3A_81] : memref<4x128xi32, #tpu.memory_space<vmem>> -> memref<1x128xi32, #tpu.memory_space<vmem>>
    %dma_start3A_83 = tpu.memref_squeeze %dma_start3A_82 : memref<1x128xi32, #tpu.memory_space<vmem>> -> memref<128xi32, #tpu.memory_space<vmem>>
    %dma_start3A_84 = arith.constant 0 : i32
    %dma_start3A_85 = arith.constant 0 : i32
    %dma_start3A_86 = tpu.memref_slice %arg4[%dma_start3A_84, %dma_start3A_85] : memref<100000x128xf32, #tpu.memory_space<hbm>> -> memref<100000x128xf32, #tpu.memory_space<hbm>>
    tpu.enqueue_indirect_dma source(%dma_start3A_86 : memref<100000x128xf32, #tpu.memory_space<hbm>>) target(%arg10 : memref<128x128xf32, #tpu.memory_space<vmem>>) offsets(%dma_start3A_83 : memref<128xi32, #tpu.memory_space<vmem>>) semaphore(%arg15 : memref<!tpu.dma_semaphore, #tpu.memory_space<semaphore_mem>>)
    %dma_start3A_87 = arith.constant 3 : i32
    %dma_start3A_88 = arith.constant 0 : i32
    %dma_start3A_89 = tpu.memref_slice %arg7[%dma_start3A_87, %dma_start3A_88] : memref<4x128xi32, #tpu.memory_space<vmem>> -> memref<1x128xi32, #tpu.memory_space<vmem>>
    %dma_start3A_90 = tpu.memref_squeeze %dma_start3A_89 : memref<1x128xi32, #tpu.memory_space<vmem>> -> memref<128xi32, #tpu.memory_space<vmem>>
    %dma_start3A_91 = arith.constant 0 : i32
    %dma_start3A_92 = arith.constant 0 : i32
    %dma_start3A_93 = tpu.memref_slice %arg4[%dma_start3A_91, %dma_start3A_92] : memref<100000x128xf32, #tpu.memory_space<hbm>> -> memref<100000x128xf32, #tpu.memory_space<hbm>>
    tpu.enqueue_indirect_dma source(%dma_start3A_93 : memref<100000x128xf32, #tpu.memory_space<hbm>>) target(%arg11 : memref<128x128xf32, #tpu.memory_space<vmem>>) offsets(%dma_start3A_90 : memref<128xi32, #tpu.memory_space<vmem>>) semaphore(%arg15 : memref<!tpu.dma_semaphore, #tpu.memory_space<semaphore_mem>>)
    %dma_wait3A_94 = arith.constant 2 : i32
    %dma_wait3A_95 = arith.constant 0 : i32
    %dma_wait3A_96 = tpu.memref_slice %arg6[%dma_wait3A_94, %dma_wait3A_95] : memref<4x128xi32, #tpu.memory_space<vmem>> -> memref<1x128xi32, #tpu.memory_space<vmem>>
    %dma_wait3A_97 = tpu.memref_squeeze %dma_wait3A_96 : memref<1x128xi32, #tpu.memory_space<vmem>> -> memref<128xi32, #tpu.memory_space<vmem>>
    %dma_wait3A_98 = arith.constant 0 : i32
    %dma_wait3A_99 = arith.constant 0 : i32
    %dma_wait3A_100 = tpu.memref_slice %arg4[%dma_wait3A_98, %dma_wait3A_99] : memref<100000x128xf32, #tpu.memory_space<hbm>> -> memref<100000x128xf32, #tpu.memory_space<hbm>>
    tpu.wait_indirect_dma semaphore(%arg14 : memref<!tpu.dma_semaphore, #tpu.memory_space<semaphore_mem>>) src(%dma_wait3A_100 : memref<100000x128xf32, #tpu.memory_space<hbm>>) dst(%arg8 : memref<128x128xf32, #tpu.memory_space<vmem>>)
    %dma_wait3A_101 = arith.constant 2 : i32
    %dma_wait3A_102 = arith.constant 0 : i32
    %dma_wait3A_103 = tpu.memref_slice %arg7[%dma_wait3A_101, %dma_wait3A_102] : memref<4x128xi32, #tpu.memory_space<vmem>> -> memref<1x128xi32, #tpu.memory_space<vmem>>
    %dma_wait3A_104 = tpu.memref_squeeze %dma_wait3A_103 : memref<1x128xi32, #tpu.memory_space<vmem>> -> memref<128xi32, #tpu.memory_space<vmem>>
    %dma_wait3A_105 = arith.constant 0 : i32
    %dma_wait3A_106 = arith.constant 0 : i32
    %dma_wait3A_107 = tpu.memref_slice %arg4[%dma_wait3A_105, %dma_wait3A_106] : memref<100000x128xf32, #tpu.memory_space<hbm>> -> memref<100000x128xf32, #tpu.memory_space<hbm>>
    tpu.wait_indirect_dma semaphore(%arg14 : memref<!tpu.dma_semaphore, #tpu.memory_space<semaphore_mem>>) src(%dma_wait3A_107 : memref<100000x128xf32, #tpu.memory_space<hbm>>) dst(%arg9 : memref<128x128xf32, #tpu.memory_space<vmem>>)
    %scan3A_108 = arith.constant 0 : i32
    %scan3A_109 = arith.constant 8 : i32
    %scan3A_110 = arith.addi %scan3A_108, %scan3A_109 : i32
    %scan3A_111 = arith.constant 1 : i32
    scf.for %scan3A_134 = %scan3A_108 to %scan3A_110 step %scan3A_111  : i32 {
      %mul3A_135 = arith.constant 1 : i32
      %mul3A_136 = arith.muli %scan3A_134, %mul3A_135 : i32
      %add3A_137 = arith.constant 0 : i32
      %add3A_138 = arith.addi %add3A_137, %mul3A_136 : i32
      %mul3A_139 = arith.constant 16 : i32
      %mul3A_140 = arith.muli %add3A_138, %mul3A_139 : i32
      %add3A_141 = arith.constant 0 : i32
      %add3A_142 = arith.addi %mul3A_140, %add3A_141 : i32
      %get3A = arith.index_cast %add3A_142 : i32 to index
      %get3A_143 = arith.constant 0 : index
      %get3A_144 = tpu.vector_load %arg8[%get3A, %get3A_143] {strides = array<i32>} : memref<128x128xf32, #tpu.memory_space<vmem>>, vector<16xf32>,
      %get3A_145 = arith.index_cast %add3A_142 : i32 to index
      %get3A_146 = arith.constant 0 : index
      %get3A_147 = tpu.vector_load %arg9[%get3A_145, %get3A_146] {strides = array<i32>} : memref<128x128xf32, #tpu.memory_space<vmem>>, vector<16xf32>,
      %mul3A_148 = arith.mulf %get3A_144, %get3A_147 : vector<16xf32>
      %get3A_149 = arith.index_cast %add3A_142 : i32 to index
      %get3A_150 = arith.constant 16 : index
      %get3A_151 = tpu.vector_load %arg8[%get3A_149, %get3A_150] {strides = array<i32>} : memref<128x128xf32, #tpu.memory_space<vmem>>, vector<16xf32>,
      %get3A_152 = arith.index_cast %add3A_142 : i32 to index
      %get3A_153 = arith.constant 16 : index
      %get3A_154 = tpu.vector_load %arg9[%get3A_152, %get3A_153] {strides = array<i32>} : memref<128x128xf32, #tpu.memory_space<vmem>>, vector<16xf32>,
      %mul3A_155 = arith.mulf %get3A_151, %get3A_154 : vector<16xf32>
      %add3A_156 = arith.addf %mul3A_148, %mul3A_155 : vector<16xf32>
      %get3A_157 = arith.index_cast %add3A_142 : i32 to index
      %get3A_158 = arith.constant 32 : index
      %get3A_159 = tpu.vector_load %arg8[%get3A_157, %get3A_158] {strides = array<i32>} : memref<128x128xf32, #tpu.memory_space<vmem>>, vector<16xf32>,
      %get3A_160 = arith.index_cast %add3A_142 : i32 to index
      %get3A_161 = arith.constant 32 : index
      %get3A_162 = tpu.vector_load %arg9[%get3A_160, %get3A_161] {strides = array<i32>} : memref<128x128xf32, #tpu.memory_space<vmem>>, vector<16xf32>,
      %mul3A_163 = arith.mulf %get3A_159, %get3A_162 : vector<16xf32>
      %add3A_164 = arith.addf %add3A_156, %mul3A_163 : vector<16xf32>
      %get3A_165 = arith.index_cast %add3A_142 : i32 to index
      %get3A_166 = arith.constant 48 : index
      %get3A_167 = tpu.vector_load %arg8[%get3A_165, %get3A_166] {strides = array<i32>} : memref<128x128xf32, #tpu.memory_space<vmem>>, vector<16xf32>,
      %get3A_168 = arith.index_cast %add3A_142 : i32 to index
      %get3A_169 = arith.constant 48 : index
      %get3A_170 = tpu.vector_load %arg9[%get3A_168, %get3A_169] {strides = array<i32>} : memref<128x128xf32, #tpu.memory_space<vmem>>, vector<16xf32>,
      %mul3A_171 = arith.mulf %get3A_167, %get3A_170 : vector<16xf32>
      %add3A_172 = arith.addf %add3A_164, %mul3A_171 : vector<16xf32>
      %get3A_173 = arith.index_cast %add3A_142 : i32 to index
      %get3A_174 = arith.constant 64 : index
      %get3A_175 = tpu.vector_load %arg8[%get3A_173, %get3A_174] {strides = array<i32>} : memref<128x128xf32, #tpu.memory_space<vmem>>, vector<16xf32>,
      %get3A_176 = arith.index_cast %add3A_142 : i32 to index
      %get3A_177 = arith.constant 64 : index
      %get3A_178 = tpu.vector_load %arg9[%get3A_176, %get3A_177] {strides = array<i32>} : memref<128x128xf32, #tpu.memory_space<vmem>>, vector<16xf32>,
      %mul3A_179 = arith.mulf %get3A_175, %get3A_178 : vector<16xf32>
      %add3A_180 = arith.addf %add3A_172, %mul3A_179 : vector<16xf32>
      %get3A_181 = arith.index_cast %add3A_142 : i32 to index
      %get3A_182 = arith.constant 80 : index
      %get3A_183 = tpu.vector_load %arg8[%get3A_181, %get3A_182] {strides = array<i32>} : memref<128x128xf32, #tpu.memory_space<vmem>>, vector<16xf32>,
      %get3A_184 = arith.index_cast %add3A_142 : i32 to index
      %get3A_185 = arith.constant 80 : index
      %get3A_186 = tpu.vector_load %arg9[%get3A_184, %get3A_185] {strides = array<i32>} : memref<128x128xf32, #tpu.memory_space<vmem>>, vector<16xf32>,
      %mul3A_187 = arith.mulf %get3A_183, %get3A_186 : vector<16xf32>
      %add3A_188 = arith.addf %add3A_180, %mul3A_187 : vector<16xf32>
      %get3A_189 = arith.index_cast %add3A_142 : i32 to index
      %get3A_190 = arith.constant 96 : index
      %get3A_191 = tpu.vector_load %arg8[%get3A_189, %get3A_190] {strides = array<i32>} : memref<128x128xf32, #tpu.memory_space<vmem>>, vector<16xf32>,
      %get3A_192 = arith.index_cast %add3A_142 : i32 to index
      %get3A_193 = arith.constant 96 : index
      %get3A_194 = tpu.vector_load %arg9[%get3A_192, %get3A_193] {strides = array<i32>} : memref<128x128xf32, #tpu.memory_space<vmem>>, vector<16xf32>,
      %mul3A_195 = arith.mulf %get3A_191, %get3A_194 : vector<16xf32>
      %add3A_196 = arith.addf %add3A_188, %mul3A_195 : vector<16xf32>
      %get3A_197 = arith.index_cast %add3A_142 : i32 to index
      %get3A_198 = arith.constant 112 : index
      %get3A_199 = tpu.vector_load %arg8[%get3A_197, %get3A_198] {strides = array<i32>} : memref<128x128xf32, #tpu.memory_space<vmem>>, vector<16xf32>,
      %get3A_200 = arith.index_cast %add3A_142 : i32 to index
      %get3A_201 = arith.constant 112 : index
      %get3A_202 = tpu.vector_load %arg9[%get3A_200, %get3A_201] {strides = array<i32>} : memref<128x128xf32, #tpu.memory_space<vmem>>, vector<16xf32>,
      %mul3A_203 = arith.mulf %get3A_199, %get3A_202 : vector<16xf32>
      %add3A_204 = arith.addf %add3A_196, %mul3A_203 : vector<16xf32>
      %broadcast_in_dim3A = arith.constant 0 : i32
      %broadcast_in_dim3A_205 = vector.broadcast %broadcast_in_dim3A : i32 to vector<16xi32>
      tpu.vector_store_idx %arg12[%iota3A, %broadcast_in_dim3A_205], %add3A_204 : memref<16x16xf32, #tpu.memory_space<vmem>>[vector<16xi32>, vector<16xi32>], vector<16xf32>,
      %add3A_206 = arith.constant 1 : i32
      %add3A_207 = arith.addi %mul3A_140, %add3A_206 : i32
      %get3A_208 = arith.index_cast %add3A_207 : i32 to index
      %get3A_209 = arith.constant 0 : index
      %get3A_210 = tpu.vector_load %arg8[%get3A_208, %get3A_209] {strides = array<i32>} : memref<128x128xf32, #tpu.memory_space<vmem>>, vector<16xf32>,
      %get3A_211 = arith.index_cast %add3A_207 : i32 to index
      %get3A_212 = arith.constant 0 : index
      %get3A_213 = tpu.vector_load %arg9[%get3A_211, %get3A_212] {strides = array<i32>} : memref<128x128xf32, #tpu.memory_space<vmem>>, vector<16xf32>,
      %mul3A_214 = arith.mulf %get3A_210, %get3A_213 : vector<16xf32>
      %get3A_215 = arith.index_cast %add3A_207 : i32 to index
      %get3A_216 = arith.constant 16 : index
      %get3A_217 = tpu.vector_load %arg8[%get3A_215, %get3A_216] {strides = array<i32>} : memref<128x128xf32, #tpu.memory_space<vmem>>, vector<16xf32>,
      %get3A_218 = arith.index_cast %add3A_207 : i32 to index
      %get3A_219 = arith.constant 16 : index
      %get3A_220 = tpu.vector_load %arg9[%get3A_218, %get3A_219] {strides = array<i32>} : memref<128x128xf32, #tpu.memory_space<vmem>>, vector<16xf32>,
      %mul3A_221 = arith.mulf %get3A_217, %get3A_220 : vector<16xf32>
      %add3A_222 = arith.addf %mul3A_214, %mul3A_221 : vector<16xf32>
      %get3A_223 = arith.index_cast %add3A_207 : i32 to index
      %get3A_224 = arith.constant 32 : index
      %get3A_225 = tpu.vector_load %arg8[%get3A_223, %get3A_224] {strides = array<i32>} : memref<128x128xf32, #tpu.memory_space<vmem>>, vector<16xf32>,
      %get3A_226 = arith.index_cast %add3A_207 : i32 to index
      %get3A_227 = arith.constant 32 : index
      %get3A_228 = tpu.vector_load %arg9[%get3A_226, %get3A_227] {strides = array<i32>} : memref<128x128xf32, #tpu.memory_space<vmem>>, vector<16xf32>,
      %mul3A_229 = arith.mulf %get3A_225, %get3A_228 : vector<16xf32>
      %add3A_230 = arith.addf %add3A_222, %mul3A_229 : vector<16xf32>
      %get3A_231 = arith.index_cast %add3A_207 : i32 to index
      %get3A_232 = arith.constant 48 : index
      %get3A_233 = tpu.vector_load %arg8[%get3A_231, %get3A_232] {strides = array<i32>} : memref<128x128xf32, #tpu.memory_space<vmem>>, vector<16xf32>,
      %get3A_234 = arith.index_cast %add3A_207 : i32 to index
      %get3A_235 = arith.constant 48 : index
      %get3A_236 = tpu.vector_load %arg9[%get3A_234, %get3A_235] {strides = array<i32>} : memref<128x128xf32, #tpu.memory_space<vmem>>, vector<16xf32>,
      %mul3A_237 = arith.mulf %get3A_233, %get3A_236 : vector<16xf32>
      %add3A_238 = arith.addf %add3A_230, %mul3A_237 : vector<16xf32>
      %get3A_239 = arith.index_cast %add3A_207 : i32 to index
      %get3A_240 = arith.constant 64 : index
      %get3A_241 = tpu.vector_load %arg8[%get3A_239, %get3A_240] {strides = array<i32>} : memref<128x128xf32, #tpu.memory_space<vmem>>, vector<16xf32>,
      %get3A_242 = arith.index_cast %add3A_207 : i32 to index
      %get3A_243 = arith.constant 64 : index
      %get3A_244 = tpu.vector_load %arg9[%get3A_242, %get3A_243] {strides = array<i32>} : memref<128x128xf32, #tpu.memory_space<vmem>>, vector<16xf32>,
      %mul3A_245 = arith.mulf %get3A_241, %get3A_244 : vector<16xf32>
      %add3A_246 = arith.addf %add3A_238, %mul3A_245 : vector<16xf32>
      %get3A_247 = arith.index_cast %add3A_207 : i32 to index
      %get3A_248 = arith.constant 80 : index
      %get3A_249 = tpu.vector_load %arg8[%get3A_247, %get3A_248] {strides = array<i32>} : memref<128x128xf32, #tpu.memory_space<vmem>>, vector<16xf32>,
      %get3A_250 = arith.index_cast %add3A_207 : i32 to index
      %get3A_251 = arith.constant 80 : index
      %get3A_252 = tpu.vector_load %arg9[%get3A_250, %get3A_251] {strides = array<i32>} : memref<128x128xf32, #tpu.memory_space<vmem>>, vector<16xf32>,
      %mul3A_253 = arith.mulf %get3A_249, %get3A_252 : vector<16xf32>
      %add3A_254 = arith.addf %add3A_246, %mul3A_253 : vector<16xf32>
      %get3A_255 = arith.index_cast %add3A_207 : i32 to index
      %get3A_256 = arith.constant 96 : index
      %get3A_257 = tpu.vector_load %arg8[%get3A_255, %get3A_256] {strides = array<i32>} : memref<128x128xf32, #tpu.memory_space<vmem>>, vector<16xf32>,
      %get3A_258 = arith.index_cast %add3A_207 : i32 to index
      %get3A_259 = arith.constant 96 : index
      %get3A_260 = tpu.vector_load %arg9[%get3A_258, %get3A_259] {strides = array<i32>} : memref<128x128xf32, #tpu.memory_space<vmem>>, vector<16xf32>,
      %mul3A_261 = arith.mulf %get3A_257, %get3A_260 : vector<16xf32>
      %add3A_262 = arith.addf %add3A_254, %mul3A_261 : vector<16xf32>
      %get3A_263 = arith.index_cast %add3A_207 : i32 to index
      %get3A_264 = arith.constant 112 : index
      %get3A_265 = tpu.vector_load %arg8[%get3A_263, %get3A_264] {strides = array<i32>} : memref<128x128xf32, #tpu.memory_space<vmem>>, vector<16xf32>,
      %get3A_266 = arith.index_cast %add3A_207 : i32 to index
      %get3A_267 = arith.constant 112 : index
      %get3A_268 = tpu.vector_load %arg9[%get3A_266, %get3A_267] {strides = array<i32>} : memref<128x128xf32, #tpu.memory_space<vmem>>, vector<16xf32>,
      %mul3A_269 = arith.mulf %get3A_265, %get3A_268 : vector<16xf32>
      %add3A_270 = arith.addf %add3A_262, %mul3A_269 : vector<16xf32>
      %broadcast_in_dim3A_271 = arith.constant 1 : i32
      %broadcast_in_dim3A_272 = vector.broadcast %broadcast_in_dim3A_271 : i32 to vector<16xi32>
      tpu.vector_store_idx %arg12[%iota3A, %broadcast_in_dim3A_272], %add3A_270 : memref<16x16xf32, #tpu.memory_space<vmem>>[vector<16xi32>, vector<16xi32>], vector<16xf32>,
      %add3A_273 = arith.constant 2 : i32
      %add3A_274 = arith.addi %mul3A_140, %add3A_273 : i32
      %get3A_275 = arith.index_cast %add3A_274 : i32 to index
      %get3A_276 = arith.constant 0 : index
      %get3A_277 = tpu.vector_load %arg8[%get3A_275, %get3A_276] {strides = array<i32>} : memref<128x128xf32, #tpu.memory_space<vmem>>, vector<16xf32>,
      %get3A_278 = arith.index_cast %add3A_274 : i32 to index
      %get3A_279 = arith.constant 0 : index
      %get3A_280 = tpu.vector_load %arg9[%get3A_278, %get3A_279] {strides = array<i32>} : memref<128x128xf32, #tpu.memory_space<vmem>>, vector<16xf32>,
      %mul3A_281 = arith.mulf %get3A_277, %get3A_280 : vector<16xf32>
      %get3A_282 = arith.index_cast %add3A_274 : i32 to index
      %get3A_283 = arith.constant 16 : index
      %get3A_284 = tpu.vector_load %arg8[%get3A_282, %get3A_283] {strides = array<i32>} : memref<128x128xf32, #tpu.memory_space<vmem>>, vector<16xf32>,
      %get3A_285 = arith.index_cast %add3A_274 : i32 to index
      %get3A_286 = arith.constant 16 : index
      %get3A_287 = tpu.vector_load %arg9[%get3A_285, %get3A_286] {strides = array<i32>} : memref<128x128xf32, #tpu.memory_space<vmem>>, vector<16xf32>,
      %mul3A_288 = arith.mulf %get3A_284, %get3A_287 : vector<16xf32>
      %add3A_289 = arith.addf %mul3A_281, %mul3A_288 : vector<16xf32>
      %get3A_290 = arith.index_cast %add3A_274 : i32 to index
      %get3A_291 = arith.constant 32 : index
      %get3A_292 = tpu.vector_load %arg8[%get3A_290, %get3A_291] {strides = array<i32>} : memref<128x128xf32, #tpu.memory_space<vmem>>, vector<16xf32>,
      %get3A_293 = arith.index_cast %add3A_274 : i32 to index
      %get3A_294 = arith.constant 32 : index
      %get3A_295 = tpu.vector_load %arg9[%get3A_293, %get3A_294] {strides = array<i32>} : memref<128x128xf32, #tpu.memory_space<vmem>>, vector<16xf32>,
      %mul3A_296 = arith.mulf %get3A_292, %get3A_295 : vector<16xf32>
      %add3A_297 = arith.addf %add3A_289, %mul3A_296 : vector<16xf32>
      %get3A_298 = arith.index_cast %add3A_274 : i32 to index
      %get3A_299 = arith.constant 48 : index
      %get3A_300 = tpu.vector_load %arg8[%get3A_298, %get3A_299] {strides = array<i32>} : memref<128x128xf32, #tpu.memory_space<vmem>>, vector<16xf32>,
      %get3A_301 = arith.index_cast %add3A_274 : i32 to index
      %get3A_302 = arith.constant 48 : index
      %get3A_303 = tpu.vector_load %arg9[%get3A_301, %get3A_302] {strides = array<i32>} : memref<128x128xf32, #tpu.memory_space<vmem>>, vector<16xf32>,
      %mul3A_304 = arith.mulf %get3A_300, %get3A_303 : vector<16xf32>
      %add3A_305 = arith.addf %add3A_297, %mul3A_304 : vector<16xf32>
      %get3A_306 = arith.index_cast %add3A_274 : i32 to index
      %get3A_307 = arith.constant 64 : index
      %get3A_308 = tpu.vector_load %arg8[%get3A_306, %get3A_307] {strides = array<i32>} : memref<128x128xf32, #tpu.memory_space<vmem>>, vector<16xf32>,
      %get3A_309 = arith.index_cast %add3A_274 : i32 to index
      %get3A_310 = arith.constant 64 : index
      %get3A_311 = tpu.vector_load %arg9[%get3A_309, %get3A_310] {strides = array<i32>} : memref<128x128xf32, #tpu.memory_space<vmem>>, vector<16xf32>,
      %mul3A_312 = arith.mulf %get3A_308, %get3A_311 : vector<16xf32>
      %add3A_313 = arith.addf %add3A_305, %mul3A_312 : vector<16xf32>
      %get3A_314 = arith.index_cast %add3A_274 : i32 to index
      %get3A_315 = arith.constant 80 : index
      %get3A_316 = tpu.vector_load %arg8[%get3A_314, %get3A_315] {strides = array<i32>} : memref<128x128xf32, #tpu.memory_space<vmem>>, vector<16xf32>,
      %get3A_317 = arith.index_cast %add3A_274 : i32 to index
      %get3A_318 = arith.constant 80 : index
      %get3A_319 = tpu.vector_load %arg9[%get3A_317, %get3A_318] {strides = array<i32>} : memref<128x128xf32, #tpu.memory_space<vmem>>, vector<16xf32>,
      %mul3A_320 = arith.mulf %get3A_316, %get3A_319 : vector<16xf32>
      %add3A_321 = arith.addf %add3A_313, %mul3A_320 : vector<16xf32>
      %get3A_322 = arith.index_cast %add3A_274 : i32 to index
      %get3A_323 = arith.constant 96 : index
      %get3A_324 = tpu.vector_load %arg8[%get3A_322, %get3A_323] {strides = array<i32>} : memref<128x128xf32, #tpu.memory_space<vmem>>, vector<16xf32>,
      %get3A_325 = arith.index_cast %add3A_274 : i32 to index
      %get3A_326 = arith.constant 96 : index
      %get3A_327 = tpu.vector_load %arg9[%get3A_325, %get3A_326] {strides = array<i32>} : memref<128x128xf32, #tpu.memory_space<vmem>>, vector<16xf32>,
      %mul3A_328 = arith.mulf %get3A_324, %get3A_327 : vector<16xf32>
      %add3A_329 = arith.addf %add3A_321, %mul3A_328 : vector<16xf32>
      %get3A_330 = arith.index_cast %add3A_274 : i32 to index
      %get3A_331 = arith.constant 112 : index
      %get3A_332 = tpu.vector_load %arg8[%get3A_330, %get3A_331] {strides = array<i32>} : memref<128x128xf32, #tpu.memory_space<vmem>>, vector<16xf32>,
      %get3A_333 = arith.index_cast %add3A_274 : i32 to index
      %get3A_334 = arith.constant 112 : index
      %get3A_335 = tpu.vector_load %arg9[%get3A_333, %get3A_334] {strides = array<i32>} : memref<128x128xf32, #tpu.memory_space<vmem>>, vector<16xf32>,
      %mul3A_336 = arith.mulf %get3A_332, %get3A_335 : vector<16xf32>
      %add3A_337 = arith.addf %add3A_329, %mul3A_336 : vector<16xf32>
      %broadcast_in_dim3A_338 = arith.constant 2 : i32
      %broadcast_in_dim3A_339 = vector.broadcast %broadcast_in_dim3A_338 : i32 to vector<16xi32>
      tpu.vector_store_idx %arg12[%iota3A, %broadcast_in_dim3A_339], %add3A_337 : memref<16x16xf32, #tpu.memory_space<vmem>>[vector<16xi32>, vector<16xi32>], vector<16xf32>,
      %add3A_340 = arith.constant 3 : i32
      %add3A_341 = arith.addi %mul3A_140, %add3A_340 : i32
      %get3A_342 = arith.index_cast %add3A_341 : i32 to index
      %get3A_343 = arith.constant 0 : index
      %get3A_344 = tpu.vector_load %arg8[%get3A_342, %get3A_343] {strides = array<i32>} : memref<128x128xf32, #tpu.memory_space<vmem>>, vector<16xf32>,
      %get3A_345 = arith.index_cast %add3A_341 : i32 to index
      %get3A_346 = arith.constant 0 : index
      %get3A_347 = tpu.vector_load %arg9[%get3A_345, %get3A_346] {strides = array<i32>} : memref<128x128xf32, #tpu.memory_space<vmem>>, vector<16xf32>,
      %mul3A_348 = arith.mulf %get3A_344, %get3A_347 : vector<16xf32>
      %get3A_349 = arith.index_cast %add3A_341 : i32 to index
      %get3A_350 = arith.constant 16 : index
      %get3A_351 = tpu.vector_load %arg8[%get3A_349, %get3A_350] {strides = array<i32>} : memref<128x128xf32, #tpu.memory_space<vmem>>, vector<16xf32>,
      %get3A_352 = arith.index_cast %add3A_341 : i32 to index
      %get3A_353 = arith.constant 16 : index
      %get3A_354 = tpu.vector_load %arg9[%get3A_352, %get3A_353] {strides = array<i32>} : memref<128x128xf32, #tpu.memory_space<vmem>>, vector<16xf32>,
      %mul3A_355 = arith.mulf %get3A_351, %get3A_354 : vector<16xf32>
      %add3A_356 = arith.addf %mul3A_348, %mul3A_355 : vector<16xf32>
      %get3A_357 = arith.index_cast %add3A_341 : i32 to index
      %get3A_358 = arith.constant 32 : index
      %get3A_359 = tpu.vector_load %arg8[%get3A_357, %get3A_358] {strides = array<i32>} : memref<128x128xf32, #tpu.memory_space<vmem>>, vector<16xf32>,
      %get3A_360 = arith.index_cast %add3A_341 : i32 to index
      %get3A_361 = arith.constant 32 : index
      %get3A_362 = tpu.vector_load %arg9[%get3A_360, %get3A_361] {strides = array<i32>} : memref<128x128xf32, #tpu.memory_space<vmem>>, vector<16xf32>,
      %mul3A_363 = arith.mulf %get3A_359, %get3A_362 : vector<16xf32>
      %add3A_364 = arith.addf %add3A_356, %mul3A_363 : vector<16xf32>
      %get3A_365 = arith.index_cast %add3A_341 : i32 to index
      %get3A_366 = arith.constant 48 : index
      %get3A_367 = tpu.vector_load %arg8[%get3A_365, %get3A_366] {strides = array<i32>} : memref<128x128xf32, #tpu.memory_space<vmem>>, vector<16xf32>,
      %get3A_368 = arith.index_cast %add3A_341 : i32 to index
      %get3A_369 = arith.constant 48 : index
      %get3A_370 = tpu.vector_load %arg9[%get3A_368, %get3A_369] {strides = array<i32>} : memref<128x128xf32, #tpu.memory_space<vmem>>, vector<16xf32>,
      %mul3A_371 = arith.mulf %get3A_367, %get3A_370 : vector<16xf32>
      %add3A_372 = arith.addf %add3A_364, %mul3A_371 : vector<16xf32>
      %get3A_373 = arith.index_cast %add3A_341 : i32 to index
      %get3A_374 = arith.constant 64 : index
      %get3A_375 = tpu.vector_load %arg8[%get3A_373, %get3A_374] {strides = array<i32>} : memref<128x128xf32, #tpu.memory_space<vmem>>, vector<16xf32>,
      %get3A_376 = arith.index_cast %add3A_341 : i32 to index
      %get3A_377 = arith.constant 64 : index
      %get3A_378 = tpu.vector_load %arg9[%get3A_376, %get3A_377] {strides = array<i32>} : memref<128x128xf32, #tpu.memory_space<vmem>>, vector<16xf32>,
      %mul3A_379 = arith.mulf %get3A_375, %get3A_378 : vector<16xf32>
      %add3A_380 = arith.addf %add3A_372, %mul3A_379 : vector<16xf32>
      %get3A_381 = arith.index_cast %add3A_341 : i32 to index
      %get3A_382 = arith.constant 80 : index
      %get3A_383 = tpu.vector_load %arg8[%get3A_381, %get3A_382] {strides = array<i32>} : memref<128x128xf32, #tpu.memory_space<vmem>>, vector<16xf32>,
      %get3A_384 = arith.index_cast %add3A_341 : i32 to index
      %get3A_385 = arith.constant 80 : index
      %get3A_386 = tpu.vector_load %arg9[%get3A_384, %get3A_385] {strides = array<i32>} : memref<128x128xf32, #tpu.memory_space<vmem>>, vector<16xf32>,
      %mul3A_387 = arith.mulf %get3A_383, %get3A_386 : vector<16xf32>
      %add3A_388 = arith.addf %add3A_380, %mul3A_387 : vector<16xf32>
      %get3A_389 = arith.index_cast %add3A_341 : i32 to index
      %get3A_390 = arith.constant 96 : index
      %get3A_391 = tpu.vector_load %arg8[%get3A_389, %get3A_390] {strides = array<i32>} : memref<128x128xf32, #tpu.memory_space<vmem>>, vector<16xf32>,
      %get3A_392 = arith.index_cast %add3A_341 : i32 to index
      %get3A_393 = arith.constant 96 : index
      %get3A_394 = tpu.vector_load %arg9[%get3A_392, %get3A_393] {strides = array<i32>} : memref<128x128xf32, #tpu.memory_space<vmem>>, vector<16xf32>,
      %mul3A_395 = arith.mulf %get3A_391, %get3A_394 : vector<16xf32>
      %add3A_396 = arith.addf %add3A_388, %mul3A_395 : vector<16xf32>
      %get3A_397 = arith.index_cast %add3A_341 : i32 to index
      %get3A_398 = arith.constant 112 : index
      %get3A_399 = tpu.vector_load %arg8[%get3A_397, %get3A_398] {strides = array<i32>} : memref<128x128xf32, #tpu.memory_space<vmem>>, vector<16xf32>,
      %get3A_400 = arith.index_cast %add3A_341 : i32 to index
      %get3A_401 = arith.constant 112 : index
      %get3A_402 = tpu.vector_load %arg9[%get3A_400, %get3A_401] {strides = array<i32>} : memref<128x128xf32, #tpu.memory_space<vmem>>, vector<16xf32>,
      %mul3A_403 = arith.mulf %get3A_399, %get3A_402 : vector<16xf32>
      %add3A_404 = arith.addf %add3A_396, %mul3A_403 : vector<16xf32>
      %broadcast_in_dim3A_405 = arith.constant 3 : i32
      %broadcast_in_dim3A_406 = vector.broadcast %broadcast_in_dim3A_405 : i32 to vector<16xi32>
      tpu.vector_store_idx %arg12[%iota3A, %broadcast_in_dim3A_406], %add3A_404 : memref<16x16xf32, #tpu.memory_space<vmem>>[vector<16xi32>, vector<16xi32>], vector<16xf32>,
      %add3A_407 = arith.constant 4 : i32
      %add3A_408 = arith.addi %mul3A_140, %add3A_407 : i32
      %get3A_409 = arith.index_cast %add3A_408 : i32 to index
      %get3A_410 = arith.constant 0 : index
      %get3A_411 = tpu.vector_load %arg8[%get3A_409, %get3A_410] {strides = array<i32>} : memref<128x128xf32, #tpu.memory_space<vmem>>, vector<16xf32>,
      %get3A_412 = arith.index_cast %add3A_408 : i32 to index
      %get3A_413 = arith.constant 0 : index
      %get3A_414 = tpu.vector_load %arg9[%get3A_412, %get3A_413] {strides = array<i32>} : memref<128x128xf32, #tpu.memory_space<vmem>>, vector<16xf32>,
      %mul3A_415 = arith.mulf %get3A_411, %get3A_414 : vector<16xf32>
      %get3A_416 = arith.index_cast %add3A_408 : i32 to index
      %get3A_417 = arith.constant 16 : index
      %get3A_418 = tpu.vector_load %arg8[%get3A_416, %get3A_417] {strides = array<i32>} : memref<128x128xf32, #tpu.memory_space<vmem>>, vector<16xf32>,
      %get3A_419 = arith.index_cast %add3A_408 : i32 to index
      %get3A_420 = arith.constant 16 : index
      %get3A_421 = tpu.vector_load %arg9[%get3A_419, %get3A_420] {strides = array<i32>} : memref<128x128xf32, #tpu.memory_space<vmem>>, vector<16xf32>,
      %mul3A_422 = arith.mulf %get3A_418, %get3A_421 : vector<16xf32>
      %add3A_423 = arith.addf %mul3A_415, %mul3A_422 : vector<16xf32>
      %get3A_424 = arith.index_cast %add3A_408 : i32 to index
      %get3A_425 = arith.constant 32 : index
      %get3A_426 = tpu.vector_load %arg8[%get3A_424, %get3A_425] {strides = array<i32>} : memref<128x128xf32, #tpu.memory_space<vmem>>, vector<16xf32>,
      %get3A_427 = arith.index_cast %add3A_408 : i32 to index
      %get3A_428 = arith.constant 32 : index
      %get3A_429 = tpu.vector_load %arg9[%get3A_427, %get3A_428] {strides = array<i32>} : memref<128x128xf32, #tpu.memory_space<vmem>>, vector<16xf32>,
      %mul3A_430 = arith.mulf %get3A_426, %get3A_429 : vector<16xf32>
      %add3A_431 = arith.addf %add3A_423, %mul3A_430 : vector<16xf32>
      %get3A_432 = arith.index_cast %add3A_408 : i32 to index
      %get3A_433 = arith.constant 48 : index
      %get3A_434 = tpu.vector_load %arg8[%get3A_432, %get3A_433] {strides = array<i32>} : memref<128x128xf32, #tpu.memory_space<vmem>>, vector<16xf32>,
      %get3A_435 = arith.index_cast %add3A_408 : i32 to index
      %get3A_436 = arith.constant 48 : index
      %get3A_437 = tpu.vector_load %arg9[%get3A_435, %get3A_436] {strides = array<i32>} : memref<128x128xf32, #tpu.memory_space<vmem>>, vector<16xf32>,
      %mul3A_438 = arith.mulf %get3A_434, %get3A_437 : vector<16xf32>
      %add3A_439 = arith.addf %add3A_431, %mul3A_438 : vector<16xf32>
      %get3A_440 = arith.index_cast %add3A_408 : i32 to index
      %get3A_441 = arith.constant 64 : index
      %get3A_442 = tpu.vector_load %arg8[%get3A_440, %get3A_441] {strides = array<i32>} : memref<128x128xf32, #tpu.memory_space<vmem>>, vector<16xf32>,
      %get3A_443 = arith.index_cast %add3A_408 : i32 to index
      %get3A_444 = arith.constant 64 : index
      %get3A_445 = tpu.vector_load %arg9[%get3A_443, %get3A_444] {strides = array<i32>} : memref<128x128xf32, #tpu.memory_space<vmem>>, vector<16xf32>,
      %mul3A_446 = arith.mulf %get3A_442, %get3A_445 : vector<16xf32>
      %add3A_447 = arith.addf %add3A_439, %mul3A_446 : vector<16xf32>
      %get3A_448 = arith.index_cast %add3A_408 : i32 to index
      %get3A_449 = arith.constant 80 : index
      %get3A_450 = tpu.vector_load %arg8[%get3A_448, %get3A_449] {strides = array<i32>} : memref<128x128xf32, #tpu.memory_space<vmem>>, vector<16xf32>,
      %get3A_451 = arith.index_cast %add3A_408 : i32 to index
      %get3A_452 = arith.constant 80 : index
      %get3A_453 = tpu.vector_load %arg9[%get3A_451, %get3A_452] {strides = array<i32>} : memref<128x128xf32, #tpu.memory_space<vmem>>, vector<16xf32>,
      %mul3A_454 = arith.mulf %get3A_450, %get3A_453 : vector<16xf32>
      %add3A_455 = arith.addf %add3A_447, %mul3A_454 : vector<16xf32>
      %get3A_456 = arith.index_cast %add3A_408 : i32 to index
      %get3A_457 = arith.constant 96 : index
      %get3A_458 = tpu.vector_load %arg8[%get3A_456, %get3A_457] {strides = array<i32>} : memref<128x128xf32, #tpu.memory_space<vmem>>, vector<16xf32>,
      %get3A_459 = arith.index_cast %add3A_408 : i32 to index
      %get3A_460 = arith.constant 96 : index
      %get3A_461 = tpu.vector_load %arg9[%get3A_459, %get3A_460] {strides = array<i32>} : memref<128x128xf32, #tpu.memory_space<vmem>>, vector<16xf32>,
      %mul3A_462 = arith.mulf %get3A_458, %get3A_461 : vector<16xf32>
      %add3A_463 = arith.addf %add3A_455, %mul3A_462 : vector<16xf32>
      %get3A_464 = arith.index_cast %add3A_408 : i32 to index
      %get3A_465 = arith.constant 112 : index
      %get3A_466 = tpu.vector_load %arg8[%get3A_464, %get3A_465] {strides = array<i32>} : memref<128x128xf32, #tpu.memory_space<vmem>>, vector<16xf32>,
      %get3A_467 = arith.index_cast %add3A_408 : i32 to index
      %get3A_468 = arith.constant 112 : index
      %get3A_469 = tpu.vector_load %arg9[%get3A_467, %get3A_468] {strides = array<i32>} : memref<128x128xf32, #tpu.memory_space<vmem>>, vector<16xf32>,
      %mul3A_470 = arith.mulf %get3A_466, %get3A_469 : vector<16xf32>
      %add3A_471 = arith.addf %add3A_463, %mul3A_470 : vector<16xf32>
      %broadcast_in_dim3A_472 = arith.constant 4 : i32
      %broadcast_in_dim3A_473 = vector.broadcast %broadcast_in_dim3A_472 : i32 to vector<16xi32>
      tpu.vector_store_idx %arg12[%iota3A, %broadcast_in_dim3A_473], %add3A_471 : memref<16x16xf32, #tpu.memory_space<vmem>>[vector<16xi32>, vector<16xi32>], vector<16xf32>,
      %add3A_474 = arith.constant 5 : i32
      %add3A_475 = arith.addi %mul3A_140, %add3A_474 : i32
      %get3A_476 = arith.index_cast %add3A_475 : i32 to index
      %get3A_477 = arith.constant 0 : index
      %get3A_478 = tpu.vector_load %arg8[%get3A_476, %get3A_477] {strides = array<i32>} : memref<128x128xf32, #tpu.memory_space<vmem>>, vector<16xf32>,
      %get3A_479 = arith.index_cast %add3A_475 : i32 to index
      %get3A_480 = arith.constant 0 : index
      %get3A_481 = tpu.vector_load %arg9[%get3A_479, %get3A_480] {strides = array<i32>} : memref<128x128xf32, #tpu.memory_space<vmem>>, vector<16xf32>,
      %mul3A_482 = arith.mulf %get3A_478, %get3A_481 : vector<16xf32>
      %get3A_483 = arith.index_cast %add3A_475 : i32 to index
      %get3A_484 = arith.constant 16 : index
      %get3A_485 = tpu.vector_load %arg8[%get3A_483, %get3A_484] {strides = array<i32>} : memref<128x128xf32, #tpu.memory_space<vmem>>, vector<16xf32>,
      %get3A_486 = arith.index_cast %add3A_475 : i32 to index
      %get3A_487 = arith.constant 16 : index
      %get3A_488 = tpu.vector_load %arg9[%get3A_486, %get3A_487] {strides = array<i32>} : memref<128x128xf32, #tpu.memory_space<vmem>>, vector<16xf32>,
      %mul3A_489 = arith.mulf %get3A_485, %get3A_488 : vector<16xf32>
      %add3A_490 = arith.addf %mul3A_482, %mul3A_489 : vector<16xf32>
      %get3A_491 = arith.index_cast %add3A_475 : i32 to index
      %get3A_492 = arith.constant 32 : index
      %get3A_493 = tpu.vector_load %arg8[%get3A_491, %get3A_492] {strides = array<i32>} : memref<128x128xf32, #tpu.memory_space<vmem>>, vector<16xf32>,
      %get3A_494 = arith.index_cast %add3A_475 : i32 to index
      %get3A_495 = arith.constant 32 : index
      %get3A_496 = tpu.vector_load %arg9[%get3A_494, %get3A_495] {strides = array<i32>} : memref<128x128xf32, #tpu.memory_space<vmem>>, vector<16xf32>,
      %mul3A_497 = arith.mulf %get3A_493, %get3A_496 : vector<16xf32>
      %add3A_498 = arith.addf %add3A_490, %mul3A_497 : vector<16xf32>
      %get3A_499 = arith.index_cast %add3A_475 : i32 to index
      %get3A_500 = arith.constant 48 : index
      %get3A_501 = tpu.vector_load %arg8[%get3A_499, %get3A_500] {strides = array<i32>} : memref<128x128xf32, #tpu.memory_space<vmem>>, vector<16xf32>,
      %get3A_502 = arith.index_cast %add3A_475 : i32 to index
      %get3A_503 = arith.constant 48 : index
      %get3A_504 = tpu.vector_load %arg9[%get3A_502, %get3A_503] {strides = array<i32>} : memref<128x128xf32, #tpu.memory_space<vmem>>, vector<16xf32>,
      %mul3A_505 = arith.mulf %get3A_501, %get3A_504 : vector<16xf32>
      %add3A_506 = arith.addf %add3A_498, %mul3A_505 : vector<16xf32>
      %get3A_507 = arith.index_cast %add3A_475 : i32 to index
      %get3A_508 = arith.constant 64 : index
      %get3A_509 = tpu.vector_load %arg8[%get3A_507, %get3A_508] {strides = array<i32>} : memref<128x128xf32, #tpu.memory_space<vmem>>, vector<16xf32>,
      %get3A_510 = arith.index_cast %add3A_475 : i32 to index
      %get3A_511 = arith.constant 64 : index
      %get3A_512 = tpu.vector_load %arg9[%get3A_510, %get3A_511] {strides = array<i32>} : memref<128x128xf32, #tpu.memory_space<vmem>>, vector<16xf32>,
      %mul3A_513 = arith.mulf %get3A_509, %get3A_512 : vector<16xf32>
      %add3A_514 = arith.addf %add3A_506, %mul3A_513 : vector<16xf32>
      %get3A_515 = arith.index_cast %add3A_475 : i32 to index
      %get3A_516 = arith.constant 80 : index
      %get3A_517 = tpu.vector_load %arg8[%get3A_515, %get3A_516] {strides = array<i32>} : memref<128x128xf32, #tpu.memory_space<vmem>>, vector<16xf32>,
      %get3A_518 = arith.index_cast %add3A_475 : i32 to index
      %get3A_519 = arith.constant 80 : index
      %get3A_520 = tpu.vector_load %arg9[%get3A_518, %get3A_519] {strides = array<i32>} : memref<128x128xf32, #tpu.memory_space<vmem>>, vector<16xf32>,
      %mul3A_521 = arith.mulf %get3A_517, %get3A_520 : vector<16xf32>
      %add3A_522 = arith.addf %add3A_514, %mul3A_521 : vector<16xf32>
      %get3A_523 = arith.index_cast %add3A_475 : i32 to index
      %get3A_524 = arith.constant 96 : index
      %get3A_525 = tpu.vector_load %arg8[%get3A_523, %get3A_524] {strides = array<i32>} : memref<128x128xf32, #tpu.memory_space<vmem>>, vector<16xf32>,
      %get3A_526 = arith.index_cast %add3A_475 : i32 to index
      %get3A_527 = arith.constant 96 : index
      %get3A_528 = tpu.vector_load %arg9[%get3A_526, %get3A_527] {strides = array<i32>} : memref<128x128xf32, #tpu.memory_space<vmem>>, vector<16xf32>,
      %mul3A_529 = arith.mulf %get3A_525, %get3A_528 : vector<16xf32>
      %add3A_530 = arith.addf %add3A_522, %mul3A_529 : vector<16xf32>
      %get3A_531 = arith.index_cast %add3A_475 : i32 to index
      %get3A_532 = arith.constant 112 : index
      %get3A_533 = tpu.vector_load %arg8[%get3A_531, %get3A_532] {strides = array<i32>} : memref<128x128xf32, #tpu.memory_space<vmem>>, vector<16xf32>,
      %get3A_534 = arith.index_cast %add3A_475 : i32 to index
      %get3A_535 = arith.constant 112 : index
      %get3A_536 = tpu.vector_load %arg9[%get3A_534, %get3A_535] {strides = array<i32>} : memref<128x128xf32, #tpu.memory_space<vmem>>, vector<16xf32>,
      %mul3A_537 = arith.mulf %get3A_533, %get3A_536 : vector<16xf32>
      %add3A_538 = arith.addf %add3A_530, %mul3A_537 : vector<16xf32>
      %broadcast_in_dim3A_539 = arith.constant 5 : i32
      %broadcast_in_dim3A_540 = vector.broadcast %broadcast_in_dim3A_539 : i32 to vector<16xi32>
      tpu.vector_store_idx %arg12[%iota3A, %broadcast_in_dim3A_540], %add3A_538 : memref<16x16xf32, #tpu.memory_space<vmem>>[vector<16xi32>, vector<16xi32>], vector<16xf32>,
      %add3A_541 = arith.constant 6 : i32
      %add3A_542 = arith.addi %mul3A_140, %add3A_541 : i32
      %get3A_543 = arith.index_cast %add3A_542 : i32 to index
      %get3A_544 = arith.constant 0 : index
      %get3A_545 = tpu.vector_load %arg8[%get3A_543, %get3A_544] {strides = array<i32>} : memref<128x128xf32, #tpu.memory_space<vmem>>, vector<16xf32>,
      %get3A_546 = arith.index_cast %add3A_542 : i32 to index
      %get3A_547 = arith.constant 0 : index
      %get3A_548 = tpu.vector_load %arg9[%get3A_546, %get3A_547] {strides = array<i32>} : memref<128x128xf32, #tpu.memory_space<vmem>>, vector<16xf32>,
      %mul3A_549 = arith.mulf %get3A_545, %get3A_548 : vector<16xf32>
      %get3A_550 = arith.index_cast %add3A_542 : i32 to index
      %get3A_551 = arith.constant 16 : index
      %get3A_552 = tpu.vector_load %arg8[%get3A_550, %get3A_551] {strides = array<i32>} : memref<128x128xf32, #tpu.memory_space<vmem>>, vector<16xf32>,
      %get3A_553 = arith.index_cast %add3A_542 : i32 to index
      %get3A_554 = arith.constant 16 : index
      %get3A_555 = tpu.vector_load %arg9[%get3A_553, %get3A_554] {strides = array<i32>} : memref<128x128xf32, #tpu.memory_space<vmem>>, vector<16xf32>,
      %mul3A_556 = arith.mulf %get3A_552, %get3A_555 : vector<16xf32>
      %add3A_557 = arith.addf %mul3A_549, %mul3A_556 : vector<16xf32>
      %get3A_558 = arith.index_cast %add3A_542 : i32 to index
      %get3A_559 = arith.constant 32 : index
      %get3A_560 = tpu.vector_load %arg8[%get3A_558, %get3A_559] {strides = array<i32>} : memref<128x128xf32, #tpu.memory_space<vmem>>, vector<16xf32>,
      %get3A_561 = arith.index_cast %add3A_542 : i32 to index
      %get3A_562 = arith.constant 32 : index
      %get3A_563 = tpu.vector_load %arg9[%get3A_561, %get3A_562] {strides = array<i32>} : memref<128x128xf32, #tpu.memory_space<vmem>>, vector<16xf32>,
      %mul3A_564 = arith.mulf %get3A_560, %get3A_563 : vector<16xf32>
      %add3A_565 = arith.addf %add3A_557, %mul3A_564 : vector<16xf32>
      %get3A_566 = arith.index_cast %add3A_542 : i32 to index
      %get3A_567 = arith.constant 48 : index
      %get3A_568 = tpu.vector_load %arg8[%get3A_566, %get3A_567] {strides = array<i32>} : memref<128x128xf32, #tpu.memory_space<vmem>>, vector<16xf32>,
      %get3A_569 = arith.index_cast %add3A_542 : i32 to index
      %get3A_570 = arith.constant 48 : index
      %get3A_571 = tpu.vector_load %arg9[%get3A_569, %get3A_570] {strides = array<i32>} : memref<128x128xf32, #tpu.memory_space<vmem>>, vector<16xf32>,
      %mul3A_572 = arith.mulf %get3A_568, %get3A_571 : vector<16xf32>
      %add3A_573 = arith.addf %add3A_565, %mul3A_572 : vector<16xf32>
      %get3A_574 = arith.index_cast %add3A_542 : i32 to index
      %get3A_575 = arith.constant 64 : index
      %get3A_576 = tpu.vector_load %arg8[%get3A_574, %get3A_575] {strides = array<i32>} : memref<128x128xf32, #tpu.memory_space<vmem>>, vector<16xf32>,
      %get3A_577 = arith.index_cast %add3A_542 : i32 to index
      %get3A_578 = arith.constant 64 : index
      %get3A_579 = tpu.vector_load %arg9[%get3A_577, %get3A_578] {strides = array<i32>} : memref<128x128xf32, #tpu.memory_space<vmem>>, vector<16xf32>,
      %mul3A_580 = arith.mulf %get3A_576, %get3A_579 : vector<16xf32>
      %add3A_581 = arith.addf %add3A_573, %mul3A_580 : vector<16xf32>
      %get3A_582 = arith.index_cast %add3A_542 : i32 to index
      %get3A_583 = arith.constant 80 : index
      %get3A_584 = tpu.vector_load %arg8[%get3A_582, %get3A_583] {strides = array<i32>} : memref<128x128xf32, #tpu.memory_space<vmem>>, vector<16xf32>,
      %get3A_585 = arith.index_cast %add3A_542 : i32 to index
      %get3A_586 = arith.constant 80 : index
      %get3A_587 = tpu.vector_load %arg9[%get3A_585, %get3A_586] {strides = array<i32>} : memref<128x128xf32, #tpu.memory_space<vmem>>, vector<16xf32>,
      %mul3A_588 = arith.mulf %get3A_584, %get3A_587 : vector<16xf32>
      %add3A_589 = arith.addf %add3A_581, %mul3A_588 : vector<16xf32>
      %get3A_590 = arith.index_cast %add3A_542 : i32 to index
      %get3A_591 = arith.constant 96 : index
      %get3A_592 = tpu.vector_load %arg8[%get3A_590, %get3A_591] {strides = array<i32>} : memref<128x128xf32, #tpu.memory_space<vmem>>, vector<16xf32>,
      %get3A_593 = arith.index_cast %add3A_542 : i32 to index
      %get3A_594 = arith.constant 96 : index
      %get3A_595 = tpu.vector_load %arg9[%get3A_593, %get3A_594] {strides = array<i32>} : memref<128x128xf32, #tpu.memory_space<vmem>>, vector<16xf32>,
      %mul3A_596 = arith.mulf %get3A_592, %get3A_595 : vector<16xf32>
      %add3A_597 = arith.addf %add3A_589, %mul3A_596 : vector<16xf32>
      %get3A_598 = arith.index_cast %add3A_542 : i32 to index
      %get3A_599 = arith.constant 112 : index
      %get3A_600 = tpu.vector_load %arg8[%get3A_598, %get3A_599] {strides = array<i32>} : memref<128x128xf32, #tpu.memory_space<vmem>>, vector<16xf32>,
      %get3A_601 = arith.index_cast %add3A_542 : i32 to index
      %get3A_602 = arith.constant 112 : index
      %get3A_603 = tpu.vector_load %arg9[%get3A_601, %get3A_602] {strides = array<i32>} : memref<128x128xf32, #tpu.memory_space<vmem>>, vector<16xf32>,
      %mul3A_604 = arith.mulf %get3A_600, %get3A_603 : vector<16xf32>
      %add3A_605 = arith.addf %add3A_597, %mul3A_604 : vector<16xf32>
      %broadcast_in_dim3A_606 = arith.constant 6 : i32
      %broadcast_in_dim3A_607 = vector.broadcast %broadcast_in_dim3A_606 : i32 to vector<16xi32>
      tpu.vector_store_idx %arg12[%iota3A, %broadcast_in_dim3A_607], %add3A_605 : memref<16x16xf32, #tpu.memory_space<vmem>>[vector<16xi32>, vector<16xi32>], vector<16xf32>,
      %add3A_608 = arith.constant 7 : i32
      %add3A_609 = arith.addi %mul3A_140, %add3A_608 : i32
      %get3A_610 = arith.index_cast %add3A_609 : i32 to index
      %get3A_611 = arith.constant 0 : index
      %get3A_612 = tpu.vector_load %arg8[%get3A_610, %get3A_611] {strides = array<i32>} : memref<128x128xf32, #tpu.memory_space<vmem>>, vector<16xf32>,
      %get3A_613 = arith.index_cast %add3A_609 : i32 to index
      %get3A_614 = arith.constant 0 : index
      %get3A_615 = tpu.vector_load %arg9[%get3A_613, %get3A_614] {strides = array<i32>} : memref<128x128xf32, #tpu.memory_space<vmem>>, vector<16xf32>,
      %mul3A_616 = arith.mulf %get3A_612, %get3A_615 : vector<16xf32>
      %get3A_617 = arith.index_cast %add3A_609 : i32 to index
      %get3A_618 = arith.constant 16 : index
      %get3A_619 = tpu.vector_load %arg8[%get3A_617, %get3A_618] {strides = array<i32>} : memref<128x128xf32, #tpu.memory_space<vmem>>, vector<16xf32>,
      %get3A_620 = arith.index_cast %add3A_609 : i32 to index
      %get3A_621 = arith.constant 16 : index
      %get3A_622 = tpu.vector_load %arg9[%get3A_620, %get3A_621] {strides = array<i32>} : memref<128x128xf32, #tpu.memory_space<vmem>>, vector<16xf32>,
      %mul3A_623 = arith.mulf %get3A_619, %get3A_622 : vector<16xf32>
      %add3A_624 = arith.addf %mul3A_616, %mul3A_623 : vector<16xf32>
      %get3A_625 = arith.index_cast %add3A_609 : i32 to index
      %get3A_626 = arith.constant 32 : index
      %get3A_627 = tpu.vector_load %arg8[%get3A_625, %get3A_626] {strides = array<i32>} : memref<128x128xf32, #tpu.memory_space<vmem>>, vector<16xf32>,
      %get3A_628 = arith.index_cast %add3A_609 : i32 to index
      %get3A_629 = arith.constant 32 : index
      %get3A_630 = tpu.vector_load %arg9[%get3A_628, %get3A_629] {strides = array<i32>} : memref<128x128xf32, #tpu.memory_space<vmem>>, vector<16xf32>,
      %mul3A_631 = arith.mulf %get3A_627, %get3A_630 : vector<16xf32>
      %add3A_632 = arith.addf %add3A_624, %mul3A_631 : vector<16xf32>
      %get3A_633 = arith.index_cast %add3A_609 : i32 to index
      %get3A_634 = arith.constant 48 : index
      %get3A_635 = tpu.vector_load %arg8[%get3A_633, %get3A_634] {strides = array<i32>} : memref<128x128xf32, #tpu.memory_space<vmem>>, vector<16xf32>,
      %get3A_636 = arith.index_cast %add3A_609 : i32 to index
      %get3A_637 = arith.constant 48 : index
      %get3A_638 = tpu.vector_load %arg9[%get3A_636, %get3A_637] {strides = array<i32>} : memref<128x128xf32, #tpu.memory_space<vmem>>, vector<16xf32>,
      %mul3A_639 = arith.mulf %get3A_635, %get3A_638 : vector<16xf32>
      %add3A_640 = arith.addf %add3A_632, %mul3A_639 : vector<16xf32>
      %get3A_641 = arith.index_cast %add3A_609 : i32 to index
      %get3A_642 = arith.constant 64 : index
      %get3A_643 = tpu.vector_load %arg8[%get3A_641, %get3A_642] {strides = array<i32>} : memref<128x128xf32, #tpu.memory_space<vmem>>, vector<16xf32>,
      %get3A_644 = arith.index_cast %add3A_609 : i32 to index
      %get3A_645 = arith.constant 64 : index
      %get3A_646 = tpu.vector_load %arg9[%get3A_644, %get3A_645] {strides = array<i32>} : memref<128x128xf32, #tpu.memory_space<vmem>>, vector<16xf32>,
      %mul3A_647 = arith.mulf %get3A_643, %get3A_646 : vector<16xf32>
      %add3A_648 = arith.addf %add3A_640, %mul3A_647 : vector<16xf32>
      %get3A_649 = arith.index_cast %add3A_609 : i32 to index
      %get3A_650 = arith.constant 80 : index
      %get3A_651 = tpu.vector_load %arg8[%get3A_649, %get3A_650] {strides = array<i32>} : memref<128x128xf32, #tpu.memory_space<vmem>>, vector<16xf32>,
      %get3A_652 = arith.index_cast %add3A_609 : i32 to index
      %get3A_653 = arith.constant 80 : index
      %get3A_654 = tpu.vector_load %arg9[%get3A_652, %get3A_653] {strides = array<i32>} : memref<128x128xf32, #tpu.memory_space<vmem>>, vector<16xf32>,
      %mul3A_655 = arith.mulf %get3A_651, %get3A_654 : vector<16xf32>
      %add3A_656 = arith.addf %add3A_648, %mul3A_655 : vector<16xf32>
      %get3A_657 = arith.index_cast %add3A_609 : i32 to index
      %get3A_658 = arith.constant 96 : index
      %get3A_659 = tpu.vector_load %arg8[%get3A_657, %get3A_658] {strides = array<i32>} : memref<128x128xf32, #tpu.memory_space<vmem>>, vector<16xf32>,
      %get3A_660 = arith.index_cast %add3A_609 : i32 to index
      %get3A_661 = arith.constant 96 : index
      %get3A_662 = tpu.vector_load %arg9[%get3A_660, %get3A_661] {strides = array<i32>} : memref<128x128xf32, #tpu.memory_space<vmem>>, vector<16xf32>,
      %mul3A_663 = arith.mulf %get3A_659, %get3A_662 : vector<16xf32>
      %add3A_664 = arith.addf %add3A_656, %mul3A_663 : vector<16xf32>
      %get3A_665 = arith.index_cast %add3A_609 : i32 to index
      %get3A_666 = arith.constant 112 : index
      %get3A_667 = tpu.vector_load %arg8[%get3A_665, %get3A_666] {strides = array<i32>} : memref<128x128xf32, #tpu.memory_space<vmem>>, vector<16xf32>,
      %get3A_668 = arith.index_cast %add3A_609 : i32 to index
      %get3A_669 = arith.constant 112 : index
      %get3A_670 = tpu.vector_load %arg9[%get3A_668, %get3A_669] {strides = array<i32>} : memref<128x128xf32, #tpu.memory_space<vmem>>, vector<16xf32>,
      %mul3A_671 = arith.mulf %get3A_667, %get3A_670 : vector<16xf32>
      %add3A_672 = arith.addf %add3A_664, %mul3A_671 : vector<16xf32>
      %broadcast_in_dim3A_673 = arith.constant 7 : i32
      %broadcast_in_dim3A_674 = vector.broadcast %broadcast_in_dim3A_673 : i32 to vector<16xi32>
      tpu.vector_store_idx %arg12[%iota3A, %broadcast_in_dim3A_674], %add3A_672 : memref<16x16xf32, #tpu.memory_space<vmem>>[vector<16xi32>, vector<16xi32>], vector<16xf32>,
      %add3A_675 = arith.constant 8 : i32
      %add3A_676 = arith.addi %mul3A_140, %add3A_675 : i32
      %get3A_677 = arith.index_cast %add3A_676 : i32 to index
      %get3A_678 = arith.constant 0 : index
      %get3A_679 = tpu.vector_load %arg8[%get3A_677, %get3A_678] {strides = array<i32>} : memref<128x128xf32, #tpu.memory_space<vmem>>, vector<16xf32>,
      %get3A_680 = arith.index_cast %add3A_676 : i32 to index
      %get3A_681 = arith.constant 0 : index
      %get3A_682 = tpu.vector_load %arg9[%get3A_680, %get3A_681] {strides = array<i32>} : memref<128x128xf32, #tpu.memory_space<vmem>>, vector<16xf32>,
      %mul3A_683 = arith.mulf %get3A_679, %get3A_682 : vector<16xf32>
      %get3A_684 = arith.index_cast %add3A_676 : i32 to index
      %get3A_685 = arith.constant 16 : index
      %get3A_686 = tpu.vector_load %arg8[%get3A_684, %get3A_685] {strides = array<i32>} : memref<128x128xf32, #tpu.memory_space<vmem>>, vector<16xf32>,
      %get3A_687 = arith.index_cast %add3A_676 : i32 to index
      %get3A_688 = arith.constant 16 : index
      %get3A_689 = tpu.vector_load %arg9[%get3A_687, %get3A_688] {strides = array<i32>} : memref<128x128xf32, #tpu.memory_space<vmem>>, vector<16xf32>,
      %mul3A_690 = arith.mulf %get3A_686, %get3A_689 : vector<16xf32>
      %add3A_691 = arith.addf %mul3A_683, %mul3A_690 : vector<16xf32>
      %get3A_692 = arith.index_cast %add3A_676 : i32 to index
      %get3A_693 = arith.constant 32 : index
      %get3A_694 = tpu.vector_load %arg8[%get3A_692, %get3A_693] {strides = array<i32>} : memref<128x128xf32, #tpu.memory_space<vmem>>, vector<16xf32>,
      %get3A_695 = arith.index_cast %add3A_676 : i32 to index
      %get3A_696 = arith.constant 32 : index
      %get3A_697 = tpu.vector_load %arg9[%get3A_695, %get3A_696] {strides = array<i32>} : memref<128x128xf32, #tpu.memory_space<vmem>>, vector<16xf32>,
      %mul3A_698 = arith.mulf %get3A_694, %get3A_697 : vector<16xf32>
      %add3A_699 = arith.addf %add3A_691, %mul3A_698 : vector<16xf32>
      %get3A_700 = arith.index_cast %add3A_676 : i32 to index
      %get3A_701 = arith.constant 48 : index
      %get3A_702 = tpu.vector_load %arg8[%get3A_700, %get3A_701] {strides = array<i32>} : memref<128x128xf32, #tpu.memory_space<vmem>>, vector<16xf32>,
      %get3A_703 = arith.index_cast %add3A_676 : i32 to index
      %get3A_704 = arith.constant 48 : index
      %get3A_705 = tpu.vector_load %arg9[%get3A_703, %get3A_704] {strides = array<i32>} : memref<128x128xf32, #tpu.memory_space<vmem>>, vector<16xf32>,
      %mul3A_706 = arith.mulf %get3A_702, %get3A_705 : vector<16xf32>
      %add3A_707 = arith.addf %add3A_699, %mul3A_706 : vector<16xf32>
      %get3A_708 = arith.index_cast %add3A_676 : i32 to index
      %get3A_709 = arith.constant 64 : index
      %get3A_710 = tpu.vector_load %arg8[%get3A_708, %get3A_709] {strides = array<i32>} : memref<128x128xf32, #tpu.memory_space<vmem>>, vector<16xf32>,
      %get3A_711 = arith.index_cast %add3A_676 : i32 to index
      %get3A_712 = arith.constant 64 : index
      %get3A_713 = tpu.vector_load %arg9[%get3A_711, %get3A_712] {strides = array<i32>} : memref<128x128xf32, #tpu.memory_space<vmem>>, vector<16xf32>,
      %mul3A_714 = arith.mulf %get3A_710, %get3A_713 : vector<16xf32>
      %add3A_715 = arith.addf %add3A_707, %mul3A_714 : vector<16xf32>
      %get3A_716 = arith.index_cast %add3A_676 : i32 to index
      %get3A_717 = arith.constant 80 : index
      %get3A_718 = tpu.vector_load %arg8[%get3A_716, %get3A_717] {strides = array<i32>} : memref<128x128xf32, #tpu.memory_space<vmem>>, vector<16xf32>,
      %get3A_719 = arith.index_cast %add3A_676 : i32 to index
      %get3A_720 = arith.constant 80 : index
      %get3A_721 = tpu.vector_load %arg9[%get3A_719, %get3A_720] {strides = array<i32>} : memref<128x128xf32, #tpu.memory_space<vmem>>, vector<16xf32>,
      %mul3A_722 = arith.mulf %get3A_718, %get3A_721 : vector<16xf32>
      %add3A_723 = arith.addf %add3A_715, %mul3A_722 : vector<16xf32>
      %get3A_724 = arith.index_cast %add3A_676 : i32 to index
      %get3A_725 = arith.constant 96 : index
      %get3A_726 = tpu.vector_load %arg8[%get3A_724, %get3A_725] {strides = array<i32>} : memref<128x128xf32, #tpu.memory_space<vmem>>, vector<16xf32>,
      %get3A_727 = arith.index_cast %add3A_676 : i32 to index
      %get3A_728 = arith.constant 96 : index
      %get3A_729 = tpu.vector_load %arg9[%get3A_727, %get3A_728] {strides = array<i32>} : memref<128x128xf32, #tpu.memory_space<vmem>>, vector<16xf32>,
      %mul3A_730 = arith.mulf %get3A_726, %get3A_729 : vector<16xf32>
      %add3A_731 = arith.addf %add3A_723, %mul3A_730 : vector<16xf32>
      %get3A_732 = arith.index_cast %add3A_676 : i32 to index
      %get3A_733 = arith.constant 112 : index
      %get3A_734 = tpu.vector_load %arg8[%get3A_732, %get3A_733] {strides = array<i32>} : memref<128x128xf32, #tpu.memory_space<vmem>>, vector<16xf32>,
      %get3A_735 = arith.index_cast %add3A_676 : i32 to index
      %get3A_736 = arith.constant 112 : index
      %get3A_737 = tpu.vector_load %arg9[%get3A_735, %get3A_736] {strides = array<i32>} : memref<128x128xf32, #tpu.memory_space<vmem>>, vector<16xf32>,
      %mul3A_738 = arith.mulf %get3A_734, %get3A_737 : vector<16xf32>
      %add3A_739 = arith.addf %add3A_731, %mul3A_738 : vector<16xf32>
      %broadcast_in_dim3A_740 = arith.constant 8 : i32
      %broadcast_in_dim3A_741 = vector.broadcast %broadcast_in_dim3A_740 : i32 to vector<16xi32>
      tpu.vector_store_idx %arg12[%iota3A, %broadcast_in_dim3A_741], %add3A_739 : memref<16x16xf32, #tpu.memory_space<vmem>>[vector<16xi32>, vector<16xi32>], vector<16xf32>,
      %add3A_742 = arith.constant 9 : i32
      %add3A_743 = arith.addi %mul3A_140, %add3A_742 : i32
      %get3A_744 = arith.index_cast %add3A_743 : i32 to index
      %get3A_745 = arith.constant 0 : index
      %get3A_746 = tpu.vector_load %arg8[%get3A_744, %get3A_745] {strides = array<i32>} : memref<128x128xf32, #tpu.memory_space<vmem>>, vector<16xf32>,
      %get3A_747 = arith.index_cast %add3A_743 : i32 to index
      %get3A_748 = arith.constant 0 : index
      %get3A_749 = tpu.vector_load %arg9[%get3A_747, %get3A_748] {strides = array<i32>} : memref<128x128xf32, #tpu.memory_space<vmem>>, vector<16xf32>,
      %mul3A_750 = arith.mulf %get3A_746, %get3A_749 : vector<16xf32>
      %get3A_751 = arith.index_cast %add3A_743 : i32 to index
      %get3A_752 = arith.constant 16 : index
      %get3A_753 = tpu.vector_load %arg8[%get3A_751, %get3A_752] {strides = array<i32>} : memref<128x128xf32, #tpu.memory_space<vmem>>, vector<16xf32>,
      %get3A_754 = arith.index_cast %add3A_743 : i32 to index
      %get3A_755 = arith.constant 16 : index
      %get3A_756 = tpu.vector_load %arg9[%get3A_754, %get3A_755] {strides = array<i32>} : memref<128x128xf32, #tpu.memory_space<vmem>>, vector<16xf32>,
      %mul3A_757 = arith.mulf %get3A_753, %get3A_756 : vector<16xf32>
      %add3A_758 = arith.addf %mul3A_750, %mul3A_757 : vector<16xf32>
      %get3A_759 = arith.index_cast %add3A_743 : i32 to index
      %get3A_760 = arith.constant 32 : index
      %get3A_761 = tpu.vector_load %arg8[%get3A_759, %get3A_760] {strides = array<i32>} : memref<128x128xf32, #tpu.memory_space<vmem>>, vector<16xf32>,
      %get3A_762 = arith.index_cast %add3A_743 : i32 to index
      %get3A_763 = arith.constant 32 : index
      %get3A_764 = tpu.vector_load %arg9[%get3A_762, %get3A_763] {strides = array<i32>} : memref<128x128xf32, #tpu.memory_space<vmem>>, vector<16xf32>,
      %mul3A_765 = arith.mulf %get3A_761, %get3A_764 : vector<16xf32>
      %add3A_766 = arith.addf %add3A_758, %mul3A_765 : vector<16xf32>
      %get3A_767 = arith.index_cast %add3A_743 : i32 to index
      %get3A_768 = arith.constant 48 : index
      %get3A_769 = tpu.vector_load %arg8[%get3A_767, %get3A_768] {strides = array<i32>} : memref<128x128xf32, #tpu.memory_space<vmem>>, vector<16xf32>,
      %get3A_770 = arith.index_cast %add3A_743 : i32 to index
      %get3A_771 = arith.constant 48 : index
      %get3A_772 = tpu.vector_load %arg9[%get3A_770, %get3A_771] {strides = array<i32>} : memref<128x128xf32, #tpu.memory_space<vmem>>, vector<16xf32>,
      %mul3A_773 = arith.mulf %get3A_769, %get3A_772 : vector<16xf32>
      %add3A_774 = arith.addf %add3A_766, %mul3A_773 : vector<16xf32>
      %get3A_775 = arith.index_cast %add3A_743 : i32 to index
      %get3A_776 = arith.constant 64 : index
      %get3A_777 = tpu.vector_load %arg8[%get3A_775, %get3A_776] {strides = array<i32>} : memref<128x128xf32, #tpu.memory_space<vmem>>, vector<16xf32>,
      %get3A_778 = arith.index_cast %add3A_743 : i32 to index
      %get3A_779 = arith.constant 64 : index
      %get3A_780 = tpu.vector_load %arg9[%get3A_778, %get3A_779] {strides = array<i32>} : memref<128x128xf32, #tpu.memory_space<vmem>>, vector<16xf32>,
      %mul3A_781 = arith.mulf %get3A_777, %get3A_780 : vector<16xf32>
      %add3A_782 = arith.addf %add3A_774, %mul3A_781 : vector<16xf32>
      %get3A_783 = arith.index_cast %add3A_743 : i32 to index
      %get3A_784 = arith.constant 80 : index
      %get3A_785 = tpu.vector_load %arg8[%get3A_783, %get3A_784] {strides = array<i32>} : memref<128x128xf32, #tpu.memory_space<vmem>>, vector<16xf32>,
      %get3A_786 = arith.index_cast %add3A_743 : i32 to index
      %get3A_787 = arith.constant 80 : index
      %get3A_788 = tpu.vector_load %arg9[%get3A_786, %get3A_787] {strides = array<i32>} : memref<128x128xf32, #tpu.memory_space<vmem>>, vector<16xf32>,
      %mul3A_789 = arith.mulf %get3A_785, %get3A_788 : vector<16xf32>
      %add3A_790 = arith.addf %add3A_782, %mul3A_789 : vector<16xf32>
      %get3A_791 = arith.index_cast %add3A_743 : i32 to index
      %get3A_792 = arith.constant 96 : index
      %get3A_793 = tpu.vector_load %arg8[%get3A_791, %get3A_792] {strides = array<i32>} : memref<128x128xf32, #tpu.memory_space<vmem>>, vector<16xf32>,
      %get3A_794 = arith.index_cast %add3A_743 : i32 to index
      %get3A_795 = arith.constant 96 : index
      %get3A_796 = tpu.vector_load %arg9[%get3A_794, %get3A_795] {strides = array<i32>} : memref<128x128xf32, #tpu.memory_space<vmem>>, vector<16xf32>,
      %mul3A_797 = arith.mulf %get3A_793, %get3A_796 : vector<16xf32>
      %add3A_798 = arith.addf %add3A_790, %mul3A_797 : vector<16xf32>
      %get3A_799 = arith.index_cast %add3A_743 : i32 to index
      %get3A_800 = arith.constant 112 : index
      %get3A_801 = tpu.vector_load %arg8[%get3A_799, %get3A_800] {strides = array<i32>} : memref<128x128xf32, #tpu.memory_space<vmem>>, vector<16xf32>,
      %get3A_802 = arith.index_cast %add3A_743 : i32 to index
      %get3A_803 = arith.constant 112 : index
      %get3A_804 = tpu.vector_load %arg9[%get3A_802, %get3A_803] {strides = array<i32>} : memref<128x128xf32, #tpu.memory_space<vmem>>, vector<16xf32>,
      %mul3A_805 = arith.mulf %get3A_801, %get3A_804 : vector<16xf32>
      %add3A_806 = arith.addf %add3A_798, %mul3A_805 : vector<16xf32>
      %broadcast_in_dim3A_807 = arith.constant 9 : i32
      %broadcast_in_dim3A_808 = vector.broadcast %broadcast_in_dim3A_807 : i32 to vector<16xi32>
      tpu.vector_store_idx %arg12[%iota3A, %broadcast_in_dim3A_808], %add3A_806 : memref<16x16xf32, #tpu.memory_space<vmem>>[vector<16xi32>, vector<16xi32>], vector<16xf32>,
      %add3A_809 = arith.constant 10 : i32
      %add3A_810 = arith.addi %mul3A_140, %add3A_809 : i32
      %get3A_811 = arith.index_cast %add3A_810 : i32 to index
      %get3A_812 = arith.constant 0 : index
      %get3A_813 = tpu.vector_load %arg8[%get3A_811, %get3A_812] {strides = array<i32>} : memref<128x128xf32, #tpu.memory_space<vmem>>, vector<16xf32>,
      %get3A_814 = arith.index_cast %add3A_810 : i32 to index
      %get3A_815 = arith.constant 0 : index
      %get3A_816 = tpu.vector_load %arg9[%get3A_814, %get3A_815] {strides = array<i32>} : memref<128x128xf32, #tpu.memory_space<vmem>>, vector<16xf32>,
      %mul3A_817 = arith.mulf %get3A_813, %get3A_816 : vector<16xf32>
      %get3A_818 = arith.index_cast %add3A_810 : i32 to index
      %get3A_819 = arith.constant 16 : index
      %get3A_820 = tpu.vector_load %arg8[%get3A_818, %get3A_819] {strides = array<i32>} : memref<128x128xf32, #tpu.memory_space<vmem>>, vector<16xf32>,
      %get3A_821 = arith.index_cast %add3A_810 : i32 to index
      %get3A_822 = arith.constant 16 : index
      %get3A_823 = tpu.vector_load %arg9[%get3A_821, %get3A_822] {strides = array<i32>} : memref<128x128xf32, #tpu.memory_space<vmem>>, vector<16xf32>,
      %mul3A_824 = arith.mulf %get3A_820, %get3A_823 : vector<16xf32>
      %add3A_825 = arith.addf %mul3A_817, %mul3A_824 : vector<16xf32>
      %get3A_826 = arith.index_cast %add3A_810 : i32 to index
      %get3A_827 = arith.constant 32 : index
      %get3A_828 = tpu.vector_load %arg8[%get3A_826, %get3A_827] {strides = array<i32>} : memref<128x128xf32, #tpu.memory_space<vmem>>, vector<16xf32>,
      %get3A_829 = arith.index_cast %add3A_810 : i32 to index
      %get3A_830 = arith.constant 32 : index
      %get3A_831 = tpu.vector_load %arg9[%get3A_829, %get3A_830] {strides = array<i32>} : memref<128x128xf32, #tpu.memory_space<vmem>>, vector<16xf32>,
      %mul3A_832 = arith.mulf %get3A_828, %get3A_831 : vector<16xf32>
      %add3A_833 = arith.addf %add3A_825, %mul3A_832 : vector<16xf32>
      %get3A_834 = arith.index_cast %add3A_810 : i32 to index
      %get3A_835 = arith.constant 48 : index
      %get3A_836 = tpu.vector_load %arg8[%get3A_834, %get3A_835] {strides = array<i32>} : memref<128x128xf32, #tpu.memory_space<vmem>>, vector<16xf32>,
      %get3A_837 = arith.index_cast %add3A_810 : i32 to index
      %get3A_838 = arith.constant 48 : index
      %get3A_839 = tpu.vector_load %arg9[%get3A_837, %get3A_838] {strides = array<i32>} : memref<128x128xf32, #tpu.memory_space<vmem>>, vector<16xf32>,
      %mul3A_840 = arith.mulf %get3A_836, %get3A_839 : vector<16xf32>
      %add3A_841 = arith.addf %add3A_833, %mul3A_840 : vector<16xf32>
      %get3A_842 = arith.index_cast %add3A_810 : i32 to index
      %get3A_843 = arith.constant 64 : index
      %get3A_844 = tpu.vector_load %arg8[%get3A_842, %get3A_843] {strides = array<i32>} : memref<128x128xf32, #tpu.memory_space<vmem>>, vector<16xf32>,
      %get3A_845 = arith.index_cast %add3A_810 : i32 to index
      %get3A_846 = arith.constant 64 : index
      %get3A_847 = tpu.vector_load %arg9[%get3A_845, %get3A_846] {strides = array<i32>} : memref<128x128xf32, #tpu.memory_space<vmem>>, vector<16xf32>,
      %mul3A_848 = arith.mulf %get3A_844, %get3A_847 : vector<16xf32>
      %add3A_849 = arith.addf %add3A_841, %mul3A_848 : vector<16xf32>
      %get3A_850 = arith.index_cast %add3A_810 : i32 to index
      %get3A_851 = arith.constant 80 : index
      %get3A_852 = tpu.vector_load %arg8[%get3A_850, %get3A_851] {strides = array<i32>} : memref<128x128xf32, #tpu.memory_space<vmem>>, vector<16xf32>,
      %get3A_853 = arith.index_cast %add3A_810 : i32 to index
      %get3A_854 = arith.constant 80 : index
      %get3A_855 = tpu.vector_load %arg9[%get3A_853, %get3A_854] {strides = array<i32>} : memref<128x128xf32, #tpu.memory_space<vmem>>, vector<16xf32>,
      %mul3A_856 = arith.mulf %get3A_852, %get3A_855 : vector<16xf32>
      %add3A_857 = arith.addf %add3A_849, %mul3A_856 : vector<16xf32>
      %get3A_858 = arith.index_cast %add3A_810 : i32 to index
      %get3A_859 = arith.constant 96 : index
      %get3A_860 = tpu.vector_load %arg8[%get3A_858, %get3A_859] {strides = array<i32>} : memref<128x128xf32, #tpu.memory_space<vmem>>, vector<16xf32>,
      %get3A_861 = arith.index_cast %add3A_810 : i32 to index
      %get3A_862 = arith.constant 96 : index
      %get3A_863 = tpu.vector_load %arg9[%get3A_861, %get3A_862] {strides = array<i32>} : memref<128x128xf32, #tpu.memory_space<vmem>>, vector<16xf32>,
      %mul3A_864 = arith.mulf %get3A_860, %get3A_863 : vector<16xf32>
      %add3A_865 = arith.addf %add3A_857, %mul3A_864 : vector<16xf32>
      %get3A_866 = arith.index_cast %add3A_810 : i32 to index
      %get3A_867 = arith.constant 112 : index
      %get3A_868 = tpu.vector_load %arg8[%get3A_866, %get3A_867] {strides = array<i32>} : memref<128x128xf32, #tpu.memory_space<vmem>>, vector<16xf32>,
      %get3A_869 = arith.index_cast %add3A_810 : i32 to index
      %get3A_870 = arith.constant 112 : index
      %get3A_871 = tpu.vector_load %arg9[%get3A_869, %get3A_870] {strides = array<i32>} : memref<128x128xf32, #tpu.memory_space<vmem>>, vector<16xf32>,
      %mul3A_872 = arith.mulf %get3A_868, %get3A_871 : vector<16xf32>
      %add3A_873 = arith.addf %add3A_865, %mul3A_872 : vector<16xf32>
      %broadcast_in_dim3A_874 = arith.constant 10 : i32
      %broadcast_in_dim3A_875 = vector.broadcast %broadcast_in_dim3A_874 : i32 to vector<16xi32>
      tpu.vector_store_idx %arg12[%iota3A, %broadcast_in_dim3A_875], %add3A_873 : memref<16x16xf32, #tpu.memory_space<vmem>>[vector<16xi32>, vector<16xi32>], vector<16xf32>,
      %add3A_876 = arith.constant 11 : i32
      %add3A_877 = arith.addi %mul3A_140, %add3A_876 : i32
      %get3A_878 = arith.index_cast %add3A_877 : i32 to index
      %get3A_879 = arith.constant 0 : index
      %get3A_880 = tpu.vector_load %arg8[%get3A_878, %get3A_879] {strides = array<i32>} : memref<128x128xf32, #tpu.memory_space<vmem>>, vector<16xf32>,
      %get3A_881 = arith.index_cast %add3A_877 : i32 to index
      %get3A_882 = arith.constant 0 : index
      %get3A_883 = tpu.vector_load %arg9[%get3A_881, %get3A_882] {strides = array<i32>} : memref<128x128xf32, #tpu.memory_space<vmem>>, vector<16xf32>,
      %mul3A_884 = arith.mulf %get3A_880, %get3A_883 : vector<16xf32>
      %get3A_885 = arith.index_cast %add3A_877 : i32 to index
      %get3A_886 = arith.constant 16 : index
      %get3A_887 = tpu.vector_load %arg8[%get3A_885, %get3A_886] {strides = array<i32>} : memref<128x128xf32, #tpu.memory_space<vmem>>, vector<16xf32>,
      %get3A_888 = arith.index_cast %add3A_877 : i32 to index
      %get3A_889 = arith.constant 16 : index
      %get3A_890 = tpu.vector_load %arg9[%get3A_888, %get3A_889] {strides = array<i32>} : memref<128x128xf32, #tpu.memory_space<vmem>>, vector<16xf32>,
      %mul3A_891 = arith.mulf %get3A_887, %get3A_890 : vector<16xf32>
      %add3A_892 = arith.addf %mul3A_884, %mul3A_891 : vector<16xf32>
      %get3A_893 = arith.index_cast %add3A_877 : i32 to index
      %get3A_894 = arith.constant 32 : index
      %get3A_895 = tpu.vector_load %arg8[%get3A_893, %get3A_894] {strides = array<i32>} : memref<128x128xf32, #tpu.memory_space<vmem>>, vector<16xf32>,
      %get3A_896 = arith.index_cast %add3A_877 : i32 to index
      %get3A_897 = arith.constant 32 : index
      %get3A_898 = tpu.vector_load %arg9[%get3A_896, %get3A_897] {strides = array<i32>} : memref<128x128xf32, #tpu.memory_space<vmem>>, vector<16xf32>,
      %mul3A_899 = arith.mulf %get3A_895, %get3A_898 : vector<16xf32>
      %add3A_900 = arith.addf %add3A_892, %mul3A_899 : vector<16xf32>
      %get3A_901 = arith.index_cast %add3A_877 : i32 to index
      %get3A_902 = arith.constant 48 : index
      %get3A_903 = tpu.vector_load %arg8[%get3A_901, %get3A_902] {strides = array<i32>} : memref<128x128xf32, #tpu.memory_space<vmem>>, vector<16xf32>,
      %get3A_904 = arith.index_cast %add3A_877 : i32 to index
      %get3A_905 = arith.constant 48 : index
      %get3A_906 = tpu.vector_load %arg9[%get3A_904, %get3A_905] {strides = array<i32>} : memref<128x128xf32, #tpu.memory_space<vmem>>, vector<16xf32>,
      %mul3A_907 = arith.mulf %get3A_903, %get3A_906 : vector<16xf32>
      %add3A_908 = arith.addf %add3A_900, %mul3A_907 : vector<16xf32>
      %get3A_909 = arith.index_cast %add3A_877 : i32 to index
      %get3A_910 = arith.constant 64 : index
      %get3A_911 = tpu.vector_load %arg8[%get3A_909, %get3A_910] {strides = array<i32>} : memref<128x128xf32, #tpu.memory_space<vmem>>, vector<16xf32>,
      %get3A_912 = arith.index_cast %add3A_877 : i32 to index
      %get3A_913 = arith.constant 64 : index
      %get3A_914 = tpu.vector_load %arg9[%get3A_912, %get3A_913] {strides = array<i32>} : memref<128x128xf32, #tpu.memory_space<vmem>>, vector<16xf32>,
      %mul3A_915 = arith.mulf %get3A_911, %get3A_914 : vector<16xf32>
      %add3A_916 = arith.addf %add3A_908, %mul3A_915 : vector<16xf32>
      %get3A_917 = arith.index_cast %add3A_877 : i32 to index
      %get3A_918 = arith.constant 80 : index
      %get3A_919 = tpu.vector_load %arg8[%get3A_917, %get3A_918] {strides = array<i32>} : memref<128x128xf32, #tpu.memory_space<vmem>>, vector<16xf32>,
      %get3A_920 = arith.index_cast %add3A_877 : i32 to index
      %get3A_921 = arith.constant 80 : index
      %get3A_922 = tpu.vector_load %arg9[%get3A_920, %get3A_921] {strides = array<i32>} : memref<128x128xf32, #tpu.memory_space<vmem>>, vector<16xf32>,
      %mul3A_923 = arith.mulf %get3A_919, %get3A_922 : vector<16xf32>
      %add3A_924 = arith.addf %add3A_916, %mul3A_923 : vector<16xf32>
      %get3A_925 = arith.index_cast %add3A_877 : i32 to index
      %get3A_926 = arith.constant 96 : index
      %get3A_927 = tpu.vector_load %arg8[%get3A_925, %get3A_926] {strides = array<i32>} : memref<128x128xf32, #tpu.memory_space<vmem>>, vector<16xf32>,
      %get3A_928 = arith.index_cast %add3A_877 : i32 to index
      %get3A_929 = arith.constant 96 : index
      %get3A_930 = tpu.vector_load %arg9[%get3A_928, %get3A_929] {strides = array<i32>} : memref<128x128xf32, #tpu.memory_space<vmem>>, vector<16xf32>,
      %mul3A_931 = arith.mulf %get3A_927, %get3A_930 : vector<16xf32>
      %add3A_932 = arith.addf %add3A_924, %mul3A_931 : vector<16xf32>
      %get3A_933 = arith.index_cast %add3A_877 : i32 to index
      %get3A_934 = arith.constant 112 : index
      %get3A_935 = tpu.vector_load %arg8[%get3A_933, %get3A_934] {strides = array<i32>} : memref<128x128xf32, #tpu.memory_space<vmem>>, vector<16xf32>,
      %get3A_936 = arith.index_cast %add3A_877 : i32 to index
      %get3A_937 = arith.constant 112 : index
      %get3A_938 = tpu.vector_load %arg9[%get3A_936, %get3A_937] {strides = array<i32>} : memref<128x128xf32, #tpu.memory_space<vmem>>, vector<16xf32>,
      %mul3A_939 = arith.mulf %get3A_935, %get3A_938 : vector<16xf32>
      %add3A_940 = arith.addf %add3A_932, %mul3A_939 : vector<16xf32>
      %broadcast_in_dim3A_941 = arith.constant 11 : i32
      %broadcast_in_dim3A_942 = vector.broadcast %broadcast_in_dim3A_941 : i32 to vector<16xi32>
      tpu.vector_store_idx %arg12[%iota3A, %broadcast_in_dim3A_942], %add3A_940 : memref<16x16xf32, #tpu.memory_space<vmem>>[vector<16xi32>, vector<16xi32>], vector<16xf32>,
      %add3A_943 = arith.constant 12 : i32
      %add3A_944 = arith.addi %mul3A_140, %add3A_943 : i32
      %get3A_945 = arith.index_cast %add3A_944 : i32 to index
      %get3A_946 = arith.constant 0 : index
      %get3A_947 = tpu.vector_load %arg8[%get3A_945, %get3A_946] {strides = array<i32>} : memref<128x128xf32, #tpu.memory_space<vmem>>, vector<16xf32>,
      %get3A_948 = arith.index_cast %add3A_944 : i32 to index
      %get3A_949 = arith.constant 0 : index
      %get3A_950 = tpu.vector_load %arg9[%get3A_948, %get3A_949] {strides = array<i32>} : memref<128x128xf32, #tpu.memory_space<vmem>>, vector<16xf32>,
      %mul3A_951 = arith.mulf %get3A_947, %get3A_950 : vector<16xf32>
      %get3A_952 = arith.index_cast %add3A_944 : i32 to index
      %get3A_953 = arith.constant 16 : index
      %get3A_954 = tpu.vector_load %arg8[%get3A_952, %get3A_953] {strides = array<i32>} : memref<128x128xf32, #tpu.memory_space<vmem>>, vector<16xf32>,
      %get3A_955 = arith.index_cast %add3A_944 : i32 to index
      %get3A_956 = arith.constant 16 : index
      %get3A_957 = tpu.vector_load %arg9[%get3A_955, %get3A_956] {strides = array<i32>} : memref<128x128xf32, #tpu.memory_space<vmem>>, vector<16xf32>,
      %mul3A_958 = arith.mulf %get3A_954, %get3A_957 : vector<16xf32>
      %add3A_959 = arith.addf %mul3A_951, %mul3A_958 : vector<16xf32>
      %get3A_960 = arith.index_cast %add3A_944 : i32 to index
      %get3A_961 = arith.constant 32 : index
      %get3A_962 = tpu.vector_load %arg8[%get3A_960, %get3A_961] {strides = array<i32>} : memref<128x128xf32, #tpu.memory_space<vmem>>, vector<16xf32>,
      %get3A_963 = arith.index_cast %add3A_944 : i32 to index
      %get3A_964 = arith.constant 32 : index
      %get3A_965 = tpu.vector_load %arg9[%get3A_963, %get3A_964] {strides = array<i32>} : memref<128x128xf32, #tpu.memory_space<vmem>>, vector<16xf32>,
      %mul3A_966 = arith.mulf %get3A_962, %get3A_965 : vector<16xf32>
      %add3A_967 = arith.addf %add3A_959, %mul3A_966 : vector<16xf32>
      %get3A_968 = arith.index_cast %add3A_944 : i32 to index
      %get3A_969 = arith.constant 48 : index
      %get3A_970 = tpu.vector_load %arg8[%get3A_968, %get3A_969] {strides = array<i32>} : memref<128x128xf32, #tpu.memory_space<vmem>>, vector<16xf32>,
      %get3A_971 = arith.index_cast %add3A_944 : i32 to index
      %get3A_972 = arith.constant 48 : index
      %get3A_973 = tpu.vector_load %arg9[%get3A_971, %get3A_972] {strides = array<i32>} : memref<128x128xf32, #tpu.memory_space<vmem>>, vector<16xf32>,
      %mul3A_974 = arith.mulf %get3A_970, %get3A_973 : vector<16xf32>
      %add3A_975 = arith.addf %add3A_967, %mul3A_974 : vector<16xf32>
      %get3A_976 = arith.index_cast %add3A_944 : i32 to index
      %get3A_977 = arith.constant 64 : index
      %get3A_978 = tpu.vector_load %arg8[%get3A_976, %get3A_977] {strides = array<i32>} : memref<128x128xf32, #tpu.memory_space<vmem>>, vector<16xf32>,
      %get3A_979 = arith.index_cast %add3A_944 : i32 to index
      %get3A_980 = arith.constant 64 : index
      %get3A_981 = tpu.vector_load %arg9[%get3A_979, %get3A_980] {strides = array<i32>} : memref<128x128xf32, #tpu.memory_space<vmem>>, vector<16xf32>,
      %mul3A_982 = arith.mulf %get3A_978, %get3A_981 : vector<16xf32>
      %add3A_983 = arith.addf %add3A_975, %mul3A_982 : vector<16xf32>
      %get3A_984 = arith.index_cast %add3A_944 : i32 to index
      %get3A_985 = arith.constant 80 : index
      %get3A_986 = tpu.vector_load %arg8[%get3A_984, %get3A_985] {strides = array<i32>} : memref<128x128xf32, #tpu.memory_space<vmem>>, vector<16xf32>,
      %get3A_987 = arith.index_cast %add3A_944 : i32 to index
      %get3A_988 = arith.constant 80 : index
      %get3A_989 = tpu.vector_load %arg9[%get3A_987, %get3A_988] {strides = array<i32>} : memref<128x128xf32, #tpu.memory_space<vmem>>, vector<16xf32>,
      %mul3A_990 = arith.mulf %get3A_986, %get3A_989 : vector<16xf32>
      %add3A_991 = arith.addf %add3A_983, %mul3A_990 : vector<16xf32>
      %get3A_992 = arith.index_cast %add3A_944 : i32 to index
      %get3A_993 = arith.constant 96 : index
      %get3A_994 = tpu.vector_load %arg8[%get3A_992, %get3A_993] {strides = array<i32>} : memref<128x128xf32, #tpu.memory_space<vmem>>, vector<16xf32>,
      %get3A_995 = arith.index_cast %add3A_944 : i32 to index
      %get3A_996 = arith.constant 96 : index
      %get3A_997 = tpu.vector_load %arg9[%get3A_995, %get3A_996] {strides = array<i32>} : memref<128x128xf32, #tpu.memory_space<vmem>>, vector<16xf32>,
      %mul3A_998 = arith.mulf %get3A_994, %get3A_997 : vector<16xf32>
      %add3A_999 = arith.addf %add3A_991, %mul3A_998 : vector<16xf32>
      %get3A_1000 = arith.index_cast %add3A_944 : i32 to index
      %get3A_1001 = arith.constant 112 : index
      %get3A_1002 = tpu.vector_load %arg8[%get3A_1000, %get3A_1001] {strides = array<i32>} : memref<128x128xf32, #tpu.memory_space<vmem>>, vector<16xf32>,
      %get3A_1003 = arith.index_cast %add3A_944 : i32 to index
      %get3A_1004 = arith.constant 112 : index
      %get3A_1005 = tpu.vector_load %arg9[%get3A_1003, %get3A_1004] {strides = array<i32>} : memref<128x128xf32, #tpu.memory_space<vmem>>, vector<16xf32>,
      %mul3A_1006 = arith.mulf %get3A_1002, %get3A_1005 : vector<16xf32>
      %add3A_1007 = arith.addf %add3A_999, %mul3A_1006 : vector<16xf32>
      %broadcast_in_dim3A_1008 = arith.constant 12 : i32
      %broadcast_in_dim3A_1009 = vector.broadcast %broadcast_in_dim3A_1008 : i32 to vector<16xi32>
      tpu.vector_store_idx %arg12[%iota3A, %broadcast_in_dim3A_1009], %add3A_1007 : memref<16x16xf32, #tpu.memory_space<vmem>>[vector<16xi32>, vector<16xi32>], vector<16xf32>,
      %add3A_1010 = arith.constant 13 : i32
      %add3A_1011 = arith.addi %mul3A_140, %add3A_1010 : i32
      %get3A_1012 = arith.index_cast %add3A_1011 : i32 to index
      %get3A_1013 = arith.constant 0 : index
      %get3A_1014 = tpu.vector_load %arg8[%get3A_1012, %get3A_1013] {strides = array<i32>} : memref<128x128xf32, #tpu.memory_space<vmem>>, vector<16xf32>,
      %get3A_1015 = arith.index_cast %add3A_1011 : i32 to index
      %get3A_1016 = arith.constant 0 : index
      %get3A_1017 = tpu.vector_load %arg9[%get3A_1015, %get3A_1016] {strides = array<i32>} : memref<128x128xf32, #tpu.memory_space<vmem>>, vector<16xf32>,
      %mul3A_1018 = arith.mulf %get3A_1014, %get3A_1017 : vector<16xf32>
      %get3A_1019 = arith.index_cast %add3A_1011 : i32 to index
      %get3A_1020 = arith.constant 16 : index
      %get3A_1021 = tpu.vector_load %arg8[%get3A_1019, %get3A_1020] {strides = array<i32>} : memref<128x128xf32, #tpu.memory_space<vmem>>, vector<16xf32>,
      %get3A_1022 = arith.index_cast %add3A_1011 : i32 to index
      %get3A_1023 = arith.constant 16 : index
      %get3A_1024 = tpu.vector_load %arg9[%get3A_1022, %get3A_1023] {strides = array<i32>} : memref<128x128xf32, #tpu.memory_space<vmem>>, vector<16xf32>,
      %mul3A_1025 = arith.mulf %get3A_1021, %get3A_1024 : vector<16xf32>
      %add3A_1026 = arith.addf %mul3A_1018, %mul3A_1025 : vector<16xf32>
      %get3A_1027 = arith.index_cast %add3A_1011 : i32 to index
      %get3A_1028 = arith.constant 32 : index
      %get3A_1029 = tpu.vector_load %arg8[%get3A_1027, %get3A_1028] {strides = array<i32>} : memref<128x128xf32, #tpu.memory_space<vmem>>, vector<16xf32>,
      %get3A_1030 = arith.index_cast %add3A_1011 : i32 to index
      %get3A_1031 = arith.constant 32 : index
      %get3A_1032 = tpu.vector_load %arg9[%get3A_1030, %get3A_1031] {strides = array<i32>} : memref<128x128xf32, #tpu.memory_space<vmem>>, vector<16xf32>,
      %mul3A_1033 = arith.mulf %get3A_1029, %get3A_1032 : vector<16xf32>
      %add3A_1034 = arith.addf %add3A_1026, %mul3A_1033 : vector<16xf32>
      %get3A_1035 = arith.index_cast %add3A_1011 : i32 to index
      %get3A_1036 = arith.constant 48 : index
      %get3A_1037 = tpu.vector_load %arg8[%get3A_1035, %get3A_1036] {strides = array<i32>} : memref<128x128xf32, #tpu.memory_space<vmem>>, vector<16xf32>,
      %get3A_1038 = arith.index_cast %add3A_1011 : i32 to index
      %get3A_1039 = arith.constant 48 : index
      %get3A_1040 = tpu.vector_load %arg9[%get3A_1038, %get3A_1039] {strides = array<i32>} : memref<128x128xf32, #tpu.memory_space<vmem>>, vector<16xf32>,
      %mul3A_1041 = arith.mulf %get3A_1037, %get3A_1040 : vector<16xf32>
      %add3A_1042 = arith.addf %add3A_1034, %mul3A_1041 : vector<16xf32>
      %get3A_1043 = arith.index_cast %add3A_1011 : i32 to index
      %get3A_1044 = arith.constant 64 : index
      %get3A_1045 = tpu.vector_load %arg8[%get3A_1043, %get3A_1044] {strides = array<i32>} : memref<128x128xf32, #tpu.memory_space<vmem>>, vector<16xf32>,
      %get3A_1046 = arith.index_cast %add3A_1011 : i32 to index
      %get3A_1047 = arith.constant 64 : index
      %get3A_1048 = tpu.vector_load %arg9[%get3A_1046, %get3A_1047] {strides = array<i32>} : memref<128x128xf32, #tpu.memory_space<vmem>>, vector<16xf32>,
      %mul3A_1049 = arith.mulf %get3A_1045, %get3A_1048 : vector<16xf32>
      %add3A_1050 = arith.addf %add3A_1042, %mul3A_1049 : vector<16xf32>
      %get3A_1051 = arith.index_cast %add3A_1011 : i32 to index
      %get3A_1052 = arith.constant 80 : index
      %get3A_1053 = tpu.vector_load %arg8[%get3A_1051, %get3A_1052] {strides = array<i32>} : memref<128x128xf32, #tpu.memory_space<vmem>>, vector<16xf32>,
      %get3A_1054 = arith.index_cast %add3A_1011 : i32 to index
      %get3A_1055 = arith.constant 80 : index
      %get3A_1056 = tpu.vector_load %arg9[%get3A_1054, %get3A_1055] {strides = array<i32>} : memref<128x128xf32, #tpu.memory_space<vmem>>, vector<16xf32>,
      %mul3A_1057 = arith.mulf %get3A_1053, %get3A_1056 : vector<16xf32>
      %add3A_1058 = arith.addf %add3A_1050, %mul3A_1057 : vector<16xf32>
      %get3A_1059 = arith.index_cast %add3A_1011 : i32 to index
      %get3A_1060 = arith.constant 96 : index
      %get3A_1061 = tpu.vector_load %arg8[%get3A_1059, %get3A_1060] {strides = array<i32>} : memref<128x128xf32, #tpu.memory_space<vmem>>, vector<16xf32>,
      %get3A_1062 = arith.index_cast %add3A_1011 : i32 to index
      %get3A_1063 = arith.constant 96 : index
      %get3A_1064 = tpu.vector_load %arg9[%get3A_1062, %get3A_1063] {strides = array<i32>} : memref<128x128xf32, #tpu.memory_space<vmem>>, vector<16xf32>,
      %mul3A_1065 = arith.mulf %get3A_1061, %get3A_1064 : vector<16xf32>
      %add3A_1066 = arith.addf %add3A_1058, %mul3A_1065 : vector<16xf32>
      %get3A_1067 = arith.index_cast %add3A_1011 : i32 to index
      %get3A_1068 = arith.constant 112 : index
      %get3A_1069 = tpu.vector_load %arg8[%get3A_1067, %get3A_1068] {strides = array<i32>} : memref<128x128xf32, #tpu.memory_space<vmem>>, vector<16xf32>,
      %get3A_1070 = arith.index_cast %add3A_1011 : i32 to index
      %get3A_1071 = arith.constant 112 : index
      %get3A_1072 = tpu.vector_load %arg9[%get3A_1070, %get3A_1071] {strides = array<i32>} : memref<128x128xf32, #tpu.memory_space<vmem>>, vector<16xf32>,
      %mul3A_1073 = arith.mulf %get3A_1069, %get3A_1072 : vector<16xf32>
      %add3A_1074 = arith.addf %add3A_1066, %mul3A_1073 : vector<16xf32>
      %broadcast_in_dim3A_1075 = arith.constant 13 : i32
      %broadcast_in_dim3A_1076 = vector.broadcast %broadcast_in_dim3A_1075 : i32 to vector<16xi32>
      tpu.vector_store_idx %arg12[%iota3A, %broadcast_in_dim3A_1076], %add3A_1074 : memref<16x16xf32, #tpu.memory_space<vmem>>[vector<16xi32>, vector<16xi32>], vector<16xf32>,
      %add3A_1077 = arith.constant 14 : i32
      %add3A_1078 = arith.addi %mul3A_140, %add3A_1077 : i32
      %get3A_1079 = arith.index_cast %add3A_1078 : i32 to index
      %get3A_1080 = arith.constant 0 : index
      %get3A_1081 = tpu.vector_load %arg8[%get3A_1079, %get3A_1080] {strides = array<i32>} : memref<128x128xf32, #tpu.memory_space<vmem>>, vector<16xf32>,
      %get3A_1082 = arith.index_cast %add3A_1078 : i32 to index
      %get3A_1083 = arith.constant 0 : index
      %get3A_1084 = tpu.vector_load %arg9[%get3A_1082, %get3A_1083] {strides = array<i32>} : memref<128x128xf32, #tpu.memory_space<vmem>>, vector<16xf32>,
      %mul3A_1085 = arith.mulf %get3A_1081, %get3A_1084 : vector<16xf32>
      %get3A_1086 = arith.index_cast %add3A_1078 : i32 to index
      %get3A_1087 = arith.constant 16 : index
      %get3A_1088 = tpu.vector_load %arg8[%get3A_1086, %get3A_1087] {strides = array<i32>} : memref<128x128xf32, #tpu.memory_space<vmem>>, vector<16xf32>,
      %get3A_1089 = arith.index_cast %add3A_1078 : i32 to index
      %get3A_1090 = arith.constant 16 : index
      %get3A_1091 = tpu.vector_load %arg9[%get3A_1089, %get3A_1090] {strides = array<i32>} : memref<128x128xf32, #tpu.memory_space<vmem>>, vector<16xf32>,
      %mul3A_1092 = arith.mulf %get3A_1088, %get3A_1091 : vector<16xf32>
      %add3A_1093 = arith.addf %mul3A_1085, %mul3A_1092 : vector<16xf32>
      %get3A_1094 = arith.index_cast %add3A_1078 : i32 to index
      %get3A_1095 = arith.constant 32 : index
      %get3A_1096 = tpu.vector_load %arg8[%get3A_1094, %get3A_1095] {strides = array<i32>} : memref<128x128xf32, #tpu.memory_space<vmem>>, vector<16xf32>,
      %get3A_1097 = arith.index_cast %add3A_1078 : i32 to index
      %get3A_1098 = arith.constant 32 : index
      %get3A_1099 = tpu.vector_load %arg9[%get3A_1097, %get3A_1098] {strides = array<i32>} : memref<128x128xf32, #tpu.memory_space<vmem>>, vector<16xf32>,
      %mul3A_1100 = arith.mulf %get3A_1096, %get3A_1099 : vector<16xf32>
      %add3A_1101 = arith.addf %add3A_1093, %mul3A_1100 : vector<16xf32>
      %get3A_1102 = arith.index_cast %add3A_1078 : i32 to index
      %get3A_1103 = arith.constant 48 : index
      %get3A_1104 = tpu.vector_load %arg8[%get3A_1102, %get3A_1103] {strides = array<i32>} : memref<128x128xf32, #tpu.memory_space<vmem>>, vector<16xf32>,
      %get3A_1105 = arith.index_cast %add3A_1078 : i32 to index
      %get3A_1106 = arith.constant 48 : index
      %get3A_1107 = tpu.vector_load %arg9[%get3A_1105, %get3A_1106] {strides = array<i32>} : memref<128x128xf32, #tpu.memory_space<vmem>>, vector<16xf32>,
      %mul3A_1108 = arith.mulf %get3A_1104, %get3A_1107 : vector<16xf32>
      %add3A_1109 = arith.addf %add3A_1101, %mul3A_1108 : vector<16xf32>
      %get3A_1110 = arith.index_cast %add3A_1078 : i32 to index
      %get3A_1111 = arith.constant 64 : index
      %get3A_1112 = tpu.vector_load %arg8[%get3A_1110, %get3A_1111] {strides = array<i32>} : memref<128x128xf32, #tpu.memory_space<vmem>>, vector<16xf32>,
      %get3A_1113 = arith.index_cast %add3A_1078 : i32 to index
      %get3A_1114 = arith.constant 64 : index
      %get3A_1115 = tpu.vector_load %arg9[%get3A_1113, %get3A_1114] {strides = array<i32>} : memref<128x128xf32, #tpu.memory_space<vmem>>, vector<16xf32>,
      %mul3A_1116 = arith.mulf %get3A_1112, %get3A_1115 : vector<16xf32>
      %add3A_1117 = arith.addf %add3A_1109, %mul3A_1116 : vector<16xf32>
      %get3A_1118 = arith.index_cast %add3A_1078 : i32 to index
      %get3A_1119 = arith.constant 80 : index
      %get3A_1120 = tpu.vector_load %arg8[%get3A_1118, %get3A_1119] {strides = array<i32>} : memref<128x128xf32, #tpu.memory_space<vmem>>, vector<16xf32>,
      %get3A_1121 = arith.index_cast %add3A_1078 : i32 to index
      %get3A_1122 = arith.constant 80 : index
      %get3A_1123 = tpu.vector_load %arg9[%get3A_1121, %get3A_1122] {strides = array<i32>} : memref<128x128xf32, #tpu.memory_space<vmem>>, vector<16xf32>,
      %mul3A_1124 = arith.mulf %get3A_1120, %get3A_1123 : vector<16xf32>
      %add3A_1125 = arith.addf %add3A_1117, %mul3A_1124 : vector<16xf32>
      %get3A_1126 = arith.index_cast %add3A_1078 : i32 to index
      %get3A_1127 = arith.constant 96 : index
      %get3A_1128 = tpu.vector_load %arg8[%get3A_1126, %get3A_1127] {strides = array<i32>} : memref<128x128xf32, #tpu.memory_space<vmem>>, vector<16xf32>,
      %get3A_1129 = arith.index_cast %add3A_1078 : i32 to index
      %get3A_1130 = arith.constant 96 : index
      %get3A_1131 = tpu.vector_load %arg9[%get3A_1129, %get3A_1130] {strides = array<i32>} : memref<128x128xf32, #tpu.memory_space<vmem>>, vector<16xf32>,
      %mul3A_1132 = arith.mulf %get3A_1128, %get3A_1131 : vector<16xf32>
      %add3A_1133 = arith.addf %add3A_1125, %mul3A_1132 : vector<16xf32>
      %get3A_1134 = arith.index_cast %add3A_1078 : i32 to index
      %get3A_1135 = arith.constant 112 : index
      %get3A_1136 = tpu.vector_load %arg8[%get3A_1134, %get3A_1135] {strides = array<i32>} : memref<128x128xf32, #tpu.memory_space<vmem>>, vector<16xf32>,
      %get3A_1137 = arith.index_cast %add3A_1078 : i32 to index
      %get3A_1138 = arith.constant 112 : index
      %get3A_1139 = tpu.vector_load %arg9[%get3A_1137, %get3A_1138] {strides = array<i32>} : memref<128x128xf32, #tpu.memory_space<vmem>>, vector<16xf32>,
      %mul3A_1140 = arith.mulf %get3A_1136, %get3A_1139 : vector<16xf32>
      %add3A_1141 = arith.addf %add3A_1133, %mul3A_1140 : vector<16xf32>
      %broadcast_in_dim3A_1142 = arith.constant 14 : i32
      %broadcast_in_dim3A_1143 = vector.broadcast %broadcast_in_dim3A_1142 : i32 to vector<16xi32>
      tpu.vector_store_idx %arg12[%iota3A, %broadcast_in_dim3A_1143], %add3A_1141 : memref<16x16xf32, #tpu.memory_space<vmem>>[vector<16xi32>, vector<16xi32>], vector<16xf32>,
      %add3A_1144 = arith.constant 15 : i32
      %add3A_1145 = arith.addi %mul3A_140, %add3A_1144 : i32
      %get3A_1146 = arith.index_cast %add3A_1145 : i32 to index
      %get3A_1147 = arith.constant 0 : index
      %get3A_1148 = tpu.vector_load %arg8[%get3A_1146, %get3A_1147] {strides = array<i32>} : memref<128x128xf32, #tpu.memory_space<vmem>>, vector<16xf32>,
      %get3A_1149 = arith.index_cast %add3A_1145 : i32 to index
      %get3A_1150 = arith.constant 0 : index
      %get3A_1151 = tpu.vector_load %arg9[%get3A_1149, %get3A_1150] {strides = array<i32>} : memref<128x128xf32, #tpu.memory_space<vmem>>, vector<16xf32>,
      %mul3A_1152 = arith.mulf %get3A_1148, %get3A_1151 : vector<16xf32>
      %get3A_1153 = arith.index_cast %add3A_1145 : i32 to index
      %get3A_1154 = arith.constant 16 : index
      %get3A_1155 = tpu.vector_load %arg8[%get3A_1153, %get3A_1154] {strides = array<i32>} : memref<128x128xf32, #tpu.memory_space<vmem>>, vector<16xf32>,
      %get3A_1156 = arith.index_cast %add3A_1145 : i32 to index
      %get3A_1157 = arith.constant 16 : index
      %get3A_1158 = tpu.vector_load %arg9[%get3A_1156, %get3A_1157] {strides = array<i32>} : memref<128x128xf32, #tpu.memory_space<vmem>>, vector<16xf32>,
      %mul3A_1159 = arith.mulf %get3A_1155, %get3A_1158 : vector<16xf32>
      %add3A_1160 = arith.addf %mul3A_1152, %mul3A_1159 : vector<16xf32>
      %get3A_1161 = arith.index_cast %add3A_1145 : i32 to index
      %get3A_1162 = arith.constant 32 : index
      %get3A_1163 = tpu.vector_load %arg8[%get3A_1161, %get3A_1162] {strides = array<i32>} : memref<128x128xf32, #tpu.memory_space<vmem>>, vector<16xf32>,
      %get3A_1164 = arith.index_cast %add3A_1145 : i32 to index
      %get3A_1165 = arith.constant 32 : index
      %get3A_1166 = tpu.vector_load %arg9[%get3A_1164, %get3A_1165] {strides = array<i32>} : memref<128x128xf32, #tpu.memory_space<vmem>>, vector<16xf32>,
      %mul3A_1167 = arith.mulf %get3A_1163, %get3A_1166 : vector<16xf32>
      %add3A_1168 = arith.addf %add3A_1160, %mul3A_1167 : vector<16xf32>
      %get3A_1169 = arith.index_cast %add3A_1145 : i32 to index
      %get3A_1170 = arith.constant 48 : index
      %get3A_1171 = tpu.vector_load %arg8[%get3A_1169, %get3A_1170] {strides = array<i32>} : memref<128x128xf32, #tpu.memory_space<vmem>>, vector<16xf32>,
      %get3A_1172 = arith.index_cast %add3A_1145 : i32 to index
      %get3A_1173 = arith.constant 48 : index
      %get3A_1174 = tpu.vector_load %arg9[%get3A_1172, %get3A_1173] {strides = array<i32>} : memref<128x128xf32, #tpu.memory_space<vmem>>, vector<16xf32>,
      %mul3A_1175 = arith.mulf %get3A_1171, %get3A_1174 : vector<16xf32>
      %add3A_1176 = arith.addf %add3A_1168, %mul3A_1175 : vector<16xf32>
      %get3A_1177 = arith.index_cast %add3A_1145 : i32 to index
      %get3A_1178 = arith.constant 64 : index
      %get3A_1179 = tpu.vector_load %arg8[%get3A_1177, %get3A_1178] {strides = array<i32>} : memref<128x128xf32, #tpu.memory_space<vmem>>, vector<16xf32>,
      %get3A_1180 = arith.index_cast %add3A_1145 : i32 to index
      %get3A_1181 = arith.constant 64 : index
      %get3A_1182 = tpu.vector_load %arg9[%get3A_1180, %get3A_1181] {strides = array<i32>} : memref<128x128xf32, #tpu.memory_space<vmem>>, vector<16xf32>,
      %mul3A_1183 = arith.mulf %get3A_1179, %get3A_1182 : vector<16xf32>
      %add3A_1184 = arith.addf %add3A_1176, %mul3A_1183 : vector<16xf32>
      %get3A_1185 = arith.index_cast %add3A_1145 : i32 to index
      %get3A_1186 = arith.constant 80 : index
      %get3A_1187 = tpu.vector_load %arg8[%get3A_1185, %get3A_1186] {strides = array<i32>} : memref<128x128xf32, #tpu.memory_space<vmem>>, vector<16xf32>,
      %get3A_1188 = arith.index_cast %add3A_1145 : i32 to index
      %get3A_1189 = arith.constant 80 : index
      %get3A_1190 = tpu.vector_load %arg9[%get3A_1188, %get3A_1189] {strides = array<i32>} : memref<128x128xf32, #tpu.memory_space<vmem>>, vector<16xf32>,
      %mul3A_1191 = arith.mulf %get3A_1187, %get3A_1190 : vector<16xf32>
      %add3A_1192 = arith.addf %add3A_1184, %mul3A_1191 : vector<16xf32>
      %get3A_1193 = arith.index_cast %add3A_1145 : i32 to index
      %get3A_1194 = arith.constant 96 : index
      %get3A_1195 = tpu.vector_load %arg8[%get3A_1193, %get3A_1194] {strides = array<i32>} : memref<128x128xf32, #tpu.memory_space<vmem>>, vector<16xf32>,
      %get3A_1196 = arith.index_cast %add3A_1145 : i32 to index
      %get3A_1197 = arith.constant 96 : index
      %get3A_1198 = tpu.vector_load %arg9[%get3A_1196, %get3A_1197] {strides = array<i32>} : memref<128x128xf32, #tpu.memory_space<vmem>>, vector<16xf32>,
      %mul3A_1199 = arith.mulf %get3A_1195, %get3A_1198 : vector<16xf32>
      %add3A_1200 = arith.addf %add3A_1192, %mul3A_1199 : vector<16xf32>
      %get3A_1201 = arith.index_cast %add3A_1145 : i32 to index
      %get3A_1202 = arith.constant 112 : index
      %get3A_1203 = tpu.vector_load %arg8[%get3A_1201, %get3A_1202] {strides = array<i32>} : memref<128x128xf32, #tpu.memory_space<vmem>>, vector<16xf32>,
      %get3A_1204 = arith.index_cast %add3A_1145 : i32 to index
      %get3A_1205 = arith.constant 112 : index
      %get3A_1206 = tpu.vector_load %arg9[%get3A_1204, %get3A_1205] {strides = array<i32>} : memref<128x128xf32, #tpu.memory_space<vmem>>, vector<16xf32>,
      %mul3A_1207 = arith.mulf %get3A_1203, %get3A_1206 : vector<16xf32>
      %add3A_1208 = arith.addf %add3A_1200, %mul3A_1207 : vector<16xf32>
      %broadcast_in_dim3A_1209 = arith.constant 15 : i32
      %broadcast_in_dim3A_1210 = vector.broadcast %broadcast_in_dim3A_1209 : i32 to vector<16xi32>
      tpu.vector_store_idx %arg12[%iota3A, %broadcast_in_dim3A_1210], %add3A_1208 : memref<16x16xf32, #tpu.memory_space<vmem>>[vector<16xi32>, vector<16xi32>], vector<16xf32>,
      %get3A_1211 = arith.constant 0 : i32
      %get3A_1212 = arith.index_cast %get3A_1211 : i32 to index
      %get3A_1213 = arith.constant 0 : index
      %get3A_1214 = tpu.vector_load %arg12[%get3A_1212, %get3A_1213] {strides = array<i32>} : memref<16x16xf32, #tpu.memory_space<vmem>>, vector<16xf32>,
      %get3A_1215 = arith.constant 1 : i32
      %get3A_1216 = arith.index_cast %get3A_1215 : i32 to index
      %get3A_1217 = arith.constant 0 : index
      %get3A_1218 = tpu.vector_load %arg12[%get3A_1216, %get3A_1217] {strides = array<i32>} : memref<16x16xf32, #tpu.memory_space<vmem>>, vector<16xf32>,
      %add3A_1219 = arith.addf %get3A_1214, %get3A_1218 : vector<16xf32>
      %get3A_1220 = arith.constant 2 : i32
      %get3A_1221 = arith.index_cast %get3A_1220 : i32 to index
      %get3A_1222 = arith.constant 0 : index
      %get3A_1223 = tpu.vector_load %arg12[%get3A_1221, %get3A_1222] {strides = array<i32>} : memref<16x16xf32, #tpu.memory_space<vmem>>, vector<16xf32>,
      %add3A_1224 = arith.addf %add3A_1219, %get3A_1223 : vector<16xf32>
      %get3A_1225 = arith.constant 3 : i32
      %get3A_1226 = arith.index_cast %get3A_1225 : i32 to index
      %get3A_1227 = arith.constant 0 : index
      %get3A_1228 = tpu.vector_load %arg12[%get3A_1226, %get3A_1227] {strides = array<i32>} : memref<16x16xf32, #tpu.memory_space<vmem>>, vector<16xf32>,
      %add3A_1229 = arith.addf %add3A_1224, %get3A_1228 : vector<16xf32>
      %get3A_1230 = arith.constant 4 : i32
      %get3A_1231 = arith.index_cast %get3A_1230 : i32 to index
      %get3A_1232 = arith.constant 0 : index
      %get3A_1233 = tpu.vector_load %arg12[%get3A_1231, %get3A_1232] {strides = array<i32>} : memref<16x16xf32, #tpu.memory_space<vmem>>, vector<16xf32>,
      %add3A_1234 = arith.addf %add3A_1229, %get3A_1233 : vector<16xf32>
      %get3A_1235 = arith.constant 5 : i32
      %get3A_1236 = arith.index_cast %get3A_1235 : i32 to index
      %get3A_1237 = arith.constant 0 : index
      %get3A_1238 = tpu.vector_load %arg12[%get3A_1236, %get3A_1237] {strides = array<i32>} : memref<16x16xf32, #tpu.memory_space<vmem>>, vector<16xf32>,
      %add3A_1239 = arith.addf %add3A_1234, %get3A_1238 : vector<16xf32>
      %get3A_1240 = arith.constant 6 : i32
      %get3A_1241 = arith.index_cast %get3A_1240 : i32 to index
      %get3A_1242 = arith.constant 0 : index
      %get3A_1243 = tpu.vector_load %arg12[%get3A_1241, %get3A_1242] {strides = array<i32>} : memref<16x16xf32, #tpu.memory_space<vmem>>, vector<16xf32>,
      %add3A_1244 = arith.addf %add3A_1239, %get3A_1243 : vector<16xf32>
      %get3A_1245 = arith.constant 7 : i32
      %get3A_1246 = arith.index_cast %get3A_1245 : i32 to index
      %get3A_1247 = arith.constant 0 : index
      %get3A_1248 = tpu.vector_load %arg12[%get3A_1246, %get3A_1247] {strides = array<i32>} : memref<16x16xf32, #tpu.memory_space<vmem>>, vector<16xf32>,
      %add3A_1249 = arith.addf %add3A_1244, %get3A_1248 : vector<16xf32>
      %get3A_1250 = arith.constant 8 : i32
      %get3A_1251 = arith.index_cast %get3A_1250 : i32 to index
      %get3A_1252 = arith.constant 0 : index
      %get3A_1253 = tpu.vector_load %arg12[%get3A_1251, %get3A_1252] {strides = array<i32>} : memref<16x16xf32, #tpu.memory_space<vmem>>, vector<16xf32>,
      %add3A_1254 = arith.addf %add3A_1249, %get3A_1253 : vector<16xf32>
      %get3A_1255 = arith.constant 9 : i32
      %get3A_1256 = arith.index_cast %get3A_1255 : i32 to index
      %get3A_1257 = arith.constant 0 : index
      %get3A_1258 = tpu.vector_load %arg12[%get3A_1256, %get3A_1257] {strides = array<i32>} : memref<16x16xf32, #tpu.memory_space<vmem>>, vector<16xf32>,
      %add3A_1259 = arith.addf %add3A_1254, %get3A_1258 : vector<16xf32>
      %get3A_1260 = arith.constant 10 : i32
      %get3A_1261 = arith.index_cast %get3A_1260 : i32 to index
      %get3A_1262 = arith.constant 0 : index
      %get3A_1263 = tpu.vector_load %arg12[%get3A_1261, %get3A_1262] {strides = array<i32>} : memref<16x16xf32, #tpu.memory_space<vmem>>, vector<16xf32>,
      %add3A_1264 = arith.addf %add3A_1259, %get3A_1263 : vector<16xf32>
      %get3A_1265 = arith.constant 11 : i32
      %get3A_1266 = arith.index_cast %get3A_1265 : i32 to index
      %get3A_1267 = arith.constant 0 : index
      %get3A_1268 = tpu.vector_load %arg12[%get3A_1266, %get3A_1267] {strides = array<i32>} : memref<16x16xf32, #tpu.memory_space<vmem>>, vector<16xf32>,
      %add3A_1269 = arith.addf %add3A_1264, %get3A_1268 : vector<16xf32>
      %get3A_1270 = arith.constant 12 : i32
      %get3A_1271 = arith.index_cast %get3A_1270 : i32 to index
      %get3A_1272 = arith.constant 0 : index
      %get3A_1273 = tpu.vector_load %arg12[%get3A_1271, %get3A_1272] {strides = array<i32>} : memref<16x16xf32, #tpu.memory_space<vmem>>, vector<16xf32>,
      %add3A_1274 = arith.addf %add3A_1269, %get3A_1273 : vector<16xf32>
      %get3A_1275 = arith.constant 13 : i32
      %get3A_1276 = arith.index_cast %get3A_1275 : i32 to index
      %get3A_1277 = arith.constant 0 : index
      %get3A_1278 = tpu.vector_load %arg12[%get3A_1276, %get3A_1277] {strides = array<i32>} : memref<16x16xf32, #tpu.memory_space<vmem>>, vector<16xf32>,
      %add3A_1279 = arith.addf %add3A_1274, %get3A_1278 : vector<16xf32>
      %get3A_1280 = arith.constant 14 : i32
      %get3A_1281 = arith.index_cast %get3A_1280 : i32 to index
      %get3A_1282 = arith.constant 0 : index
      %get3A_1283 = tpu.vector_load %arg12[%get3A_1281, %get3A_1282] {strides = array<i32>} : memref<16x16xf32, #tpu.memory_space<vmem>>, vector<16xf32>,
      %add3A_1284 = arith.addf %add3A_1279, %get3A_1283 : vector<16xf32>
      %get3A_1285 = arith.constant 15 : i32
      %get3A_1286 = arith.index_cast %get3A_1285 : i32 to index
      %get3A_1287 = arith.constant 0 : index
      %get3A_1288 = tpu.vector_load %arg12[%get3A_1286, %get3A_1287] {strides = array<i32>} : memref<16x16xf32, #tpu.memory_space<vmem>>, vector<16xf32>,
      %add3A_1289 = arith.addf %add3A_1284, %get3A_1288 : vector<16xf32>
      %add3A_1290 = arith.constant 256 : i32
      %add3A_1291 = arith.addi %add3A_1290, %mul3A_140 : i32
      %swap3A = arith.index_cast %add3A_1291 : i32 to index
      %swap3A_1292 = tpu.vector_load %arg13[%swap3A] {strides = array<i32>} : memref<512xf32, #tpu.memory_space<vmem>>, vector<16xf32>,
      tpu.vector_store %arg13[%swap3A], %add3A_1289 {strides = array<i32>} : memref<512xf32, #tpu.memory_space<vmem>>, vector<16xf32>,
    }
    %scan3A_112 = arith.constant 8 : i32
    %dma_wait3A_113 = arith.constant 3 : i32
    %dma_wait3A_114 = arith.constant 0 : i32
    %dma_wait3A_115 = tpu.memref_slice %arg6[%dma_wait3A_113, %dma_wait3A_114] : memref<4x128xi32, #tpu.memory_space<vmem>> -> memref<1x128xi32, #tpu.memory_space<vmem>>
    %dma_wait3A_116 = tpu.memref_squeeze %dma_wait3A_115 : memref<1x128xi32, #tpu.memory_space<vmem>> -> memref<128xi32, #tpu.memory_space<vmem>>
    %dma_wait3A_117 = arith.constant 0 : i32
    %dma_wait3A_118 = arith.constant 0 : i32
    %dma_wait3A_119 = tpu.memref_slice %arg4[%dma_wait3A_117, %dma_wait3A_118] : memref<100000x128xf32, #tpu.memory_space<hbm>> -> memref<100000x128xf32, #tpu.memory_space<hbm>>
    tpu.wait_indirect_dma semaphore(%arg15 : memref<!tpu.dma_semaphore, #tpu.memory_space<semaphore_mem>>) src(%dma_wait3A_119 : memref<100000x128xf32, #tpu.memory_space<hbm>>) dst(%arg10 : memref<128x128xf32, #tpu.memory_space<vmem>>)
    %dma_wait3A_120 = arith.constant 3 : i32
    %dma_wait3A_121 = arith.constant 0 : i32
    %dma_wait3A_122 = tpu.memref_slice %arg7[%dma_wait3A_120, %dma_wait3A_121] : memref<4x128xi32, #tpu.memory_space<vmem>> -> memref<1x128xi32, #tpu.memory_space<vmem>>
    %dma_wait3A_123 = tpu.memref_squeeze %dma_wait3A_122 : memref<1x128xi32, #tpu.memory_space<vmem>> -> memref<128xi32, #tpu.memory_space<vmem>>
    %dma_wait3A_124 = arith.constant 0 : i32
    %dma_wait3A_125 = arith.constant 0 : i32
    %dma_wait3A_126 = tpu.memref_slice %arg4[%dma_wait3A_124, %dma_wait3A_125] : memref<100000x128xf32, #tpu.memory_space<hbm>> -> memref<100000x128xf32, #tpu.memory_space<hbm>>
    tpu.wait_indirect_dma semaphore(%arg15 : memref<!tpu.dma_semaphore, #tpu.memory_space<semaphore_mem>>) src(%dma_wait3A_126 : memref<100000x128xf32, #tpu.memory_space<hbm>>) dst(%arg11 : memref<128x128xf32, #tpu.memory_space<vmem>>)
    %scan3A_127 = arith.constant 0 : i32
    %scan3A_128 = arith.constant 8 : i32
    %scan3A_129 = arith.addi %scan3A_127, %scan3A_128 : i32
    %scan3A_130 = arith.constant 1 : i32
    scf.for %scan3A_134 = %scan3A_127 to %scan3A_129 step %scan3A_130  : i32 {
      %mul3A_135 = arith.constant 1 : i32
      %mul3A_136 = arith.muli %scan3A_134, %mul3A_135 : i32
      %add3A_137 = arith.constant 0 : i32
      %add3A_138 = arith.addi %add3A_137, %mul3A_136 : i32
      %mul3A_139 = arith.constant 16 : i32
      %mul3A_140 = arith.muli %add3A_138, %mul3A_139 : i32
      %add3A_141 = arith.constant 0 : i32
      %add3A_142 = arith.addi %mul3A_140, %add3A_141 : i32
      %get3A = arith.index_cast %add3A_142 : i32 to index
      %get3A_143 = arith.constant 0 : index
      %get3A_144 = tpu.vector_load %arg10[%get3A, %get3A_143] {strides = array<i32>} : memref<128x128xf32, #tpu.memory_space<vmem>>, vector<16xf32>,
      %get3A_145 = arith.index_cast %add3A_142 : i32 to index
      %get3A_146 = arith.constant 0 : index
      %get3A_147 = tpu.vector_load %arg11[%get3A_145, %get3A_146] {strides = array<i32>} : memref<128x128xf32, #tpu.memory_space<vmem>>, vector<16xf32>,
      %mul3A_148 = arith.mulf %get3A_144, %get3A_147 : vector<16xf32>
      %get3A_149 = arith.index_cast %add3A_142 : i32 to index
      %get3A_150 = arith.constant 16 : index
      %get3A_151 = tpu.vector_load %arg10[%get3A_149, %get3A_150] {strides = array<i32>} : memref<128x128xf32, #tpu.memory_space<vmem>>, vector<16xf32>,
      %get3A_152 = arith.index_cast %add3A_142 : i32 to index
      %get3A_153 = arith.constant 16 : index
      %get3A_154 = tpu.vector_load %arg11[%get3A_152, %get3A_153] {strides = array<i32>} : memref<128x128xf32, #tpu.memory_space<vmem>>, vector<16xf32>,
      %mul3A_155 = arith.mulf %get3A_151, %get3A_154 : vector<16xf32>
      %add3A_156 = arith.addf %mul3A_148, %mul3A_155 : vector<16xf32>
      %get3A_157 = arith.index_cast %add3A_142 : i32 to index
      %get3A_158 = arith.constant 32 : index
      %get3A_159 = tpu.vector_load %arg10[%get3A_157, %get3A_158] {strides = array<i32>} : memref<128x128xf32, #tpu.memory_space<vmem>>, vector<16xf32>,
      %get3A_160 = arith.index_cast %add3A_142 : i32 to index
      %get3A_161 = arith.constant 32 : index
      %get3A_162 = tpu.vector_load %arg11[%get3A_160, %get3A_161] {strides = array<i32>} : memref<128x128xf32, #tpu.memory_space<vmem>>, vector<16xf32>,
      %mul3A_163 = arith.mulf %get3A_159, %get3A_162 : vector<16xf32>
      %add3A_164 = arith.addf %add3A_156, %mul3A_163 : vector<16xf32>
      %get3A_165 = arith.index_cast %add3A_142 : i32 to index
      %get3A_166 = arith.constant 48 : index
      %get3A_167 = tpu.vector_load %arg10[%get3A_165, %get3A_166] {strides = array<i32>} : memref<128x128xf32, #tpu.memory_space<vmem>>, vector<16xf32>,
      %get3A_168 = arith.index_cast %add3A_142 : i32 to index
      %get3A_169 = arith.constant 48 : index
      %get3A_170 = tpu.vector_load %arg11[%get3A_168, %get3A_169] {strides = array<i32>} : memref<128x128xf32, #tpu.memory_space<vmem>>, vector<16xf32>,
      %mul3A_171 = arith.mulf %get3A_167, %get3A_170 : vector<16xf32>
      %add3A_172 = arith.addf %add3A_164, %mul3A_171 : vector<16xf32>
      %get3A_173 = arith.index_cast %add3A_142 : i32 to index
      %get3A_174 = arith.constant 64 : index
      %get3A_175 = tpu.vector_load %arg10[%get3A_173, %get3A_174] {strides = array<i32>} : memref<128x128xf32, #tpu.memory_space<vmem>>, vector<16xf32>,
      %get3A_176 = arith.index_cast %add3A_142 : i32 to index
      %get3A_177 = arith.constant 64 : index
      %get3A_178 = tpu.vector_load %arg11[%get3A_176, %get3A_177] {strides = array<i32>} : memref<128x128xf32, #tpu.memory_space<vmem>>, vector<16xf32>,
      %mul3A_179 = arith.mulf %get3A_175, %get3A_178 : vector<16xf32>
      %add3A_180 = arith.addf %add3A_172, %mul3A_179 : vector<16xf32>
      %get3A_181 = arith.index_cast %add3A_142 : i32 to index
      %get3A_182 = arith.constant 80 : index
      %get3A_183 = tpu.vector_load %arg10[%get3A_181, %get3A_182] {strides = array<i32>} : memref<128x128xf32, #tpu.memory_space<vmem>>, vector<16xf32>,
      %get3A_184 = arith.index_cast %add3A_142 : i32 to index
      %get3A_185 = arith.constant 80 : index
      %get3A_186 = tpu.vector_load %arg11[%get3A_184, %get3A_185] {strides = array<i32>} : memref<128x128xf32, #tpu.memory_space<vmem>>, vector<16xf32>,
      %mul3A_187 = arith.mulf %get3A_183, %get3A_186 : vector<16xf32>
      %add3A_188 = arith.addf %add3A_180, %mul3A_187 : vector<16xf32>
      %get3A_189 = arith.index_cast %add3A_142 : i32 to index
      %get3A_190 = arith.constant 96 : index
      %get3A_191 = tpu.vector_load %arg10[%get3A_189, %get3A_190] {strides = array<i32>} : memref<128x128xf32, #tpu.memory_space<vmem>>, vector<16xf32>,
      %get3A_192 = arith.index_cast %add3A_142 : i32 to index
      %get3A_193 = arith.constant 96 : index
      %get3A_194 = tpu.vector_load %arg11[%get3A_192, %get3A_193] {strides = array<i32>} : memref<128x128xf32, #tpu.memory_space<vmem>>, vector<16xf32>,
      %mul3A_195 = arith.mulf %get3A_191, %get3A_194 : vector<16xf32>
      %add3A_196 = arith.addf %add3A_188, %mul3A_195 : vector<16xf32>
      %get3A_197 = arith.index_cast %add3A_142 : i32 to index
      %get3A_198 = arith.constant 112 : index
      %get3A_199 = tpu.vector_load %arg10[%get3A_197, %get3A_198] {strides = array<i32>} : memref<128x128xf32, #tpu.memory_space<vmem>>, vector<16xf32>,
      %get3A_200 = arith.index_cast %add3A_142 : i32 to index
      %get3A_201 = arith.constant 112 : index
      %get3A_202 = tpu.vector_load %arg11[%get3A_200, %get3A_201] {strides = array<i32>} : memref<128x128xf32, #tpu.memory_space<vmem>>, vector<16xf32>,
      %mul3A_203 = arith.mulf %get3A_199, %get3A_202 : vector<16xf32>
      %add3A_204 = arith.addf %add3A_196, %mul3A_203 : vector<16xf32>
      %broadcast_in_dim3A = arith.constant 0 : i32
      %broadcast_in_dim3A_205 = vector.broadcast %broadcast_in_dim3A : i32 to vector<16xi32>
      tpu.vector_store_idx %arg12[%iota3A, %broadcast_in_dim3A_205], %add3A_204 : memref<16x16xf32, #tpu.memory_space<vmem>>[vector<16xi32>, vector<16xi32>], vector<16xf32>,
      %add3A_206 = arith.constant 1 : i32
      %add3A_207 = arith.addi %mul3A_140, %add3A_206 : i32
      %get3A_208 = arith.index_cast %add3A_207 : i32 to index
      %get3A_209 = arith.constant 0 : index
      %get3A_210 = tpu.vector_load %arg10[%get3A_208, %get3A_209] {strides = array<i32>} : memref<128x128xf32, #tpu.memory_space<vmem>>, vector<16xf32>,
      %get3A_211 = arith.index_cast %add3A_207 : i32 to index
      %get3A_212 = arith.constant 0 : index
      %get3A_213 = tpu.vector_load %arg11[%get3A_211, %get3A_212] {strides = array<i32>} : memref<128x128xf32, #tpu.memory_space<vmem>>, vector<16xf32>,
      %mul3A_214 = arith.mulf %get3A_210, %get3A_213 : vector<16xf32>
      %get3A_215 = arith.index_cast %add3A_207 : i32 to index
      %get3A_216 = arith.constant 16 : index
      %get3A_217 = tpu.vector_load %arg10[%get3A_215, %get3A_216] {strides = array<i32>} : memref<128x128xf32, #tpu.memory_space<vmem>>, vector<16xf32>,
      %get3A_218 = arith.index_cast %add3A_207 : i32 to index
      %get3A_219 = arith.constant 16 : index
      %get3A_220 = tpu.vector_load %arg11[%get3A_218, %get3A_219] {strides = array<i32>} : memref<128x128xf32, #tpu.memory_space<vmem>>, vector<16xf32>,
      %mul3A_221 = arith.mulf %get3A_217, %get3A_220 : vector<16xf32>
      %add3A_222 = arith.addf %mul3A_214, %mul3A_221 : vector<16xf32>
      %get3A_223 = arith.index_cast %add3A_207 : i32 to index
      %get3A_224 = arith.constant 32 : index
      %get3A_225 = tpu.vector_load %arg10[%get3A_223, %get3A_224] {strides = array<i32>} : memref<128x128xf32, #tpu.memory_space<vmem>>, vector<16xf32>,
      %get3A_226 = arith.index_cast %add3A_207 : i32 to index
      %get3A_227 = arith.constant 32 : index
      %get3A_228 = tpu.vector_load %arg11[%get3A_226, %get3A_227] {strides = array<i32>} : memref<128x128xf32, #tpu.memory_space<vmem>>, vector<16xf32>,
      %mul3A_229 = arith.mulf %get3A_225, %get3A_228 : vector<16xf32>
      %add3A_230 = arith.addf %add3A_222, %mul3A_229 : vector<16xf32>
      %get3A_231 = arith.index_cast %add3A_207 : i32 to index
      %get3A_232 = arith.constant 48 : index
      %get3A_233 = tpu.vector_load %arg10[%get3A_231, %get3A_232] {strides = array<i32>} : memref<128x128xf32, #tpu.memory_space<vmem>>, vector<16xf32>,
      %get3A_234 = arith.index_cast %add3A_207 : i32 to index
      %get3A_235 = arith.constant 48 : index
      %get3A_236 = tpu.vector_load %arg11[%get3A_234, %get3A_235] {strides = array<i32>} : memref<128x128xf32, #tpu.memory_space<vmem>>, vector<16xf32>,
      %mul3A_237 = arith.mulf %get3A_233, %get3A_236 : vector<16xf32>
      %add3A_238 = arith.addf %add3A_230, %mul3A_237 : vector<16xf32>
      %get3A_239 = arith.index_cast %add3A_207 : i32 to index
      %get3A_240 = arith.constant 64 : index
      %get3A_241 = tpu.vector_load %arg10[%get3A_239, %get3A_240] {strides = array<i32>} : memref<128x128xf32, #tpu.memory_space<vmem>>, vector<16xf32>,
      %get3A_242 = arith.index_cast %add3A_207 : i32 to index
      %get3A_243 = arith.constant 64 : index
      %get3A_244 = tpu.vector_load %arg11[%get3A_242, %get3A_243] {strides = array<i32>} : memref<128x128xf32, #tpu.memory_space<vmem>>, vector<16xf32>,
      %mul3A_245 = arith.mulf %get3A_241, %get3A_244 : vector<16xf32>
      %add3A_246 = arith.addf %add3A_238, %mul3A_245 : vector<16xf32>
      %get3A_247 = arith.index_cast %add3A_207 : i32 to index
      %get3A_248 = arith.constant 80 : index
      %get3A_249 = tpu.vector_load %arg10[%get3A_247, %get3A_248] {strides = array<i32>} : memref<128x128xf32, #tpu.memory_space<vmem>>, vector<16xf32>,
      %get3A_250 = arith.index_cast %add3A_207 : i32 to index
      %get3A_251 = arith.constant 80 : index
      %get3A_252 = tpu.vector_load %arg11[%get3A_250, %get3A_251] {strides = array<i32>} : memref<128x128xf32, #tpu.memory_space<vmem>>, vector<16xf32>,
      %mul3A_253 = arith.mulf %get3A_249, %get3A_252 : vector<16xf32>
      %add3A_254 = arith.addf %add3A_246, %mul3A_253 : vector<16xf32>
      %get3A_255 = arith.index_cast %add3A_207 : i32 to index
      %get3A_256 = arith.constant 96 : index
      %get3A_257 = tpu.vector_load %arg10[%get3A_255, %get3A_256] {strides = array<i32>} : memref<128x128xf32, #tpu.memory_space<vmem>>, vector<16xf32>,
      %get3A_258 = arith.index_cast %add3A_207 : i32 to index
      %get3A_259 = arith.constant 96 : index
      %get3A_260 = tpu.vector_load %arg11[%get3A_258, %get3A_259] {strides = array<i32>} : memref<128x128xf32, #tpu.memory_space<vmem>>, vector<16xf32>,
      %mul3A_261 = arith.mulf %get3A_257, %get3A_260 : vector<16xf32>
      %add3A_262 = arith.addf %add3A_254, %mul3A_261 : vector<16xf32>
      %get3A_263 = arith.index_cast %add3A_207 : i32 to index
      %get3A_264 = arith.constant 112 : index
      %get3A_265 = tpu.vector_load %arg10[%get3A_263, %get3A_264] {strides = array<i32>} : memref<128x128xf32, #tpu.memory_space<vmem>>, vector<16xf32>,
      %get3A_266 = arith.index_cast %add3A_207 : i32 to index
      %get3A_267 = arith.constant 112 : index
      %get3A_268 = tpu.vector_load %arg11[%get3A_266, %get3A_267] {strides = array<i32>} : memref<128x128xf32, #tpu.memory_space<vmem>>, vector<16xf32>,
      %mul3A_269 = arith.mulf %get3A_265, %get3A_268 : vector<16xf32>
      %add3A_270 = arith.addf %add3A_262, %mul3A_269 : vector<16xf32>
      %broadcast_in_dim3A_271 = arith.constant 1 : i32
      %broadcast_in_dim3A_272 = vector.broadcast %broadcast_in_dim3A_271 : i32 to vector<16xi32>
      tpu.vector_store_idx %arg12[%iota3A, %broadcast_in_dim3A_272], %add3A_270 : memref<16x16xf32, #tpu.memory_space<vmem>>[vector<16xi32>, vector<16xi32>], vector<16xf32>,
      %add3A_273 = arith.constant 2 : i32
      %add3A_274 = arith.addi %mul3A_140, %add3A_273 : i32
      %get3A_275 = arith.index_cast %add3A_274 : i32 to index
      %get3A_276 = arith.constant 0 : index
      %get3A_277 = tpu.vector_load %arg10[%get3A_275, %get3A_276] {strides = array<i32>} : memref<128x128xf32, #tpu.memory_space<vmem>>, vector<16xf32>,
      %get3A_278 = arith.index_cast %add3A_274 : i32 to index
      %get3A_279 = arith.constant 0 : index
      %get3A_280 = tpu.vector_load %arg11[%get3A_278, %get3A_279] {strides = array<i32>} : memref<128x128xf32, #tpu.memory_space<vmem>>, vector<16xf32>,
      %mul3A_281 = arith.mulf %get3A_277, %get3A_280 : vector<16xf32>
      %get3A_282 = arith.index_cast %add3A_274 : i32 to index
      %get3A_283 = arith.constant 16 : index
      %get3A_284 = tpu.vector_load %arg10[%get3A_282, %get3A_283] {strides = array<i32>} : memref<128x128xf32, #tpu.memory_space<vmem>>, vector<16xf32>,
      %get3A_285 = arith.index_cast %add3A_274 : i32 to index
      %get3A_286 = arith.constant 16 : index
      %get3A_287 = tpu.vector_load %arg11[%get3A_285, %get3A_286] {strides = array<i32>} : memref<128x128xf32, #tpu.memory_space<vmem>>, vector<16xf32>,
      %mul3A_288 = arith.mulf %get3A_284, %get3A_287 : vector<16xf32>
      %add3A_289 = arith.addf %mul3A_281, %mul3A_288 : vector<16xf32>
      %get3A_290 = arith.index_cast %add3A_274 : i32 to index
      %get3A_291 = arith.constant 32 : index
      %get3A_292 = tpu.vector_load %arg10[%get3A_290, %get3A_291] {strides = array<i32>} : memref<128x128xf32, #tpu.memory_space<vmem>>, vector<16xf32>,
      %get3A_293 = arith.index_cast %add3A_274 : i32 to index
      %get3A_294 = arith.constant 32 : index
      %get3A_295 = tpu.vector_load %arg11[%get3A_293, %get3A_294] {strides = array<i32>} : memref<128x128xf32, #tpu.memory_space<vmem>>, vector<16xf32>,
      %mul3A_296 = arith.mulf %get3A_292, %get3A_295 : vector<16xf32>
      %add3A_297 = arith.addf %add3A_289, %mul3A_296 : vector<16xf32>
      %get3A_298 = arith.index_cast %add3A_274 : i32 to index
      %get3A_299 = arith.constant 48 : index
      %get3A_300 = tpu.vector_load %arg10[%get3A_298, %get3A_299] {strides = array<i32>} : memref<128x128xf32, #tpu.memory_space<vmem>>, vector<16xf32>,
      %get3A_301 = arith.index_cast %add3A_274 : i32 to index
      %get3A_302 = arith.constant 48 : index
      %get3A_303 = tpu.vector_load %arg11[%get3A_301, %get3A_302] {strides = array<i32>} : memref<128x128xf32, #tpu.memory_space<vmem>>, vector<16xf32>,
      %mul3A_304 = arith.mulf %get3A_300, %get3A_303 : vector<16xf32>
      %add3A_305 = arith.addf %add3A_297, %mul3A_304 : vector<16xf32>
      %get3A_306 = arith.index_cast %add3A_274 : i32 to index
      %get3A_307 = arith.constant 64 : index
      %get3A_308 = tpu.vector_load %arg10[%get3A_306, %get3A_307] {strides = array<i32>} : memref<128x128xf32, #tpu.memory_space<vmem>>, vector<16xf32>,
      %get3A_309 = arith.index_cast %add3A_274 : i32 to index
      %get3A_310 = arith.constant 64 : index
      %get3A_311 = tpu.vector_load %arg11[%get3A_309, %get3A_310] {strides = array<i32>} : memref<128x128xf32, #tpu.memory_space<vmem>>, vector<16xf32>,
      %mul3A_312 = arith.mulf %get3A_308, %get3A_311 : vector<16xf32>
      %add3A_313 = arith.addf %add3A_305, %mul3A_312 : vector<16xf32>
      %get3A_314 = arith.index_cast %add3A_274 : i32 to index
      %get3A_315 = arith.constant 80 : index
      %get3A_316 = tpu.vector_load %arg10[%get3A_314, %get3A_315] {strides = array<i32>} : memref<128x128xf32, #tpu.memory_space<vmem>>, vector<16xf32>,
      %get3A_317 = arith.index_cast %add3A_274 : i32 to index
      %get3A_318 = arith.constant 80 : index
      %get3A_319 = tpu.vector_load %arg11[%get3A_317, %get3A_318] {strides = array<i32>} : memref<128x128xf32, #tpu.memory_space<vmem>>, vector<16xf32>,
      %mul3A_320 = arith.mulf %get3A_316, %get3A_319 : vector<16xf32>
      %add3A_321 = arith.addf %add3A_313, %mul3A_320 : vector<16xf32>
      %get3A_322 = arith.index_cast %add3A_274 : i32 to index
      %get3A_323 = arith.constant 96 : index
      %get3A_324 = tpu.vector_load %arg10[%get3A_322, %get3A_323] {strides = array<i32>} : memref<128x128xf32, #tpu.memory_space<vmem>>, vector<16xf32>,
      %get3A_325 = arith.index_cast %add3A_274 : i32 to index
      %get3A_326 = arith.constant 96 : index
      %get3A_327 = tpu.vector_load %arg11[%get3A_325, %get3A_326] {strides = array<i32>} : memref<128x128xf32, #tpu.memory_space<vmem>>, vector<16xf32>,
      %mul3A_328 = arith.mulf %get3A_324, %get3A_327 : vector<16xf32>
      %add3A_329 = arith.addf %add3A_321, %mul3A_328 : vector<16xf32>
      %get3A_330 = arith.index_cast %add3A_274 : i32 to index
      %get3A_331 = arith.constant 112 : index
      %get3A_332 = tpu.vector_load %arg10[%get3A_330, %get3A_331] {strides = array<i32>} : memref<128x128xf32, #tpu.memory_space<vmem>>, vector<16xf32>,
      %get3A_333 = arith.index_cast %add3A_274 : i32 to index
      %get3A_334 = arith.constant 112 : index
      %get3A_335 = tpu.vector_load %arg11[%get3A_333, %get3A_334] {strides = array<i32>} : memref<128x128xf32, #tpu.memory_space<vmem>>, vector<16xf32>,
      %mul3A_336 = arith.mulf %get3A_332, %get3A_335 : vector<16xf32>
      %add3A_337 = arith.addf %add3A_329, %mul3A_336 : vector<16xf32>
      %broadcast_in_dim3A_338 = arith.constant 2 : i32
      %broadcast_in_dim3A_339 = vector.broadcast %broadcast_in_dim3A_338 : i32 to vector<16xi32>
      tpu.vector_store_idx %arg12[%iota3A, %broadcast_in_dim3A_339], %add3A_337 : memref<16x16xf32, #tpu.memory_space<vmem>>[vector<16xi32>, vector<16xi32>], vector<16xf32>,
      %add3A_340 = arith.constant 3 : i32
      %add3A_341 = arith.addi %mul3A_140, %add3A_340 : i32
      %get3A_342 = arith.index_cast %add3A_341 : i32 to index
      %get3A_343 = arith.constant 0 : index
      %get3A_344 = tpu.vector_load %arg10[%get3A_342, %get3A_343] {strides = array<i32>} : memref<128x128xf32, #tpu.memory_space<vmem>>, vector<16xf32>,
      %get3A_345 = arith.index_cast %add3A_341 : i32 to index
      %get3A_346 = arith.constant 0 : index
      %get3A_347 = tpu.vector_load %arg11[%get3A_345, %get3A_346] {strides = array<i32>} : memref<128x128xf32, #tpu.memory_space<vmem>>, vector<16xf32>,
      %mul3A_348 = arith.mulf %get3A_344, %get3A_347 : vector<16xf32>
      %get3A_349 = arith.index_cast %add3A_341 : i32 to index
      %get3A_350 = arith.constant 16 : index
      %get3A_351 = tpu.vector_load %arg10[%get3A_349, %get3A_350] {strides = array<i32>} : memref<128x128xf32, #tpu.memory_space<vmem>>, vector<16xf32>,
      %get3A_352 = arith.index_cast %add3A_341 : i32 to index
      %get3A_353 = arith.constant 16 : index
      %get3A_354 = tpu.vector_load %arg11[%get3A_352, %get3A_353] {strides = array<i32>} : memref<128x128xf32, #tpu.memory_space<vmem>>, vector<16xf32>,
      %mul3A_355 = arith.mulf %get3A_351, %get3A_354 : vector<16xf32>
      %add3A_356 = arith.addf %mul3A_348, %mul3A_355 : vector<16xf32>
      %get3A_357 = arith.index_cast %add3A_341 : i32 to index
      %get3A_358 = arith.constant 32 : index
      %get3A_359 = tpu.vector_load %arg10[%get3A_357, %get3A_358] {strides = array<i32>} : memref<128x128xf32, #tpu.memory_space<vmem>>, vector<16xf32>,
      %get3A_360 = arith.index_cast %add3A_341 : i32 to index
      %get3A_361 = arith.constant 32 : index
      %get3A_362 = tpu.vector_load %arg11[%get3A_360, %get3A_361] {strides = array<i32>} : memref<128x128xf32, #tpu.memory_space<vmem>>, vector<16xf32>,
      %mul3A_363 = arith.mulf %get3A_359, %get3A_362 : vector<16xf32>
      %add3A_364 = arith.addf %add3A_356, %mul3A_363 : vector<16xf32>
      %get3A_365 = arith.index_cast %add3A_341 : i32 to index
      %get3A_366 = arith.constant 48 : index
      %get3A_367 = tpu.vector_load %arg10[%get3A_365, %get3A_366] {strides = array<i32>} : memref<128x128xf32, #tpu.memory_space<vmem>>, vector<16xf32>,
      %get3A_368 = arith.index_cast %add3A_341 : i32 to index
      %get3A_369 = arith.constant 48 : index
      %get3A_370 = tpu.vector_load %arg11[%get3A_368, %get3A_369] {strides = array<i32>} : memref<128x128xf32, #tpu.memory_space<vmem>>, vector<16xf32>,
      %mul3A_371 = arith.mulf %get3A_367, %get3A_370 : vector<16xf32>
      %add3A_372 = arith.addf %add3A_364, %mul3A_371 : vector<16xf32>
      %get3A_373 = arith.index_cast %add3A_341 : i32 to index
      %get3A_374 = arith.constant 64 : index
      %get3A_375 = tpu.vector_load %arg10[%get3A_373, %get3A_374] {strides = array<i32>} : memref<128x128xf32, #tpu.memory_space<vmem>>, vector<16xf32>,
      %get3A_376 = arith.index_cast %add3A_341 : i32 to index
      %get3A_377 = arith.constant 64 : index
      %get3A_378 = tpu.vector_load %arg11[%get3A_376, %get3A_377] {strides = array<i32>} : memref<128x128xf32, #tpu.memory_space<vmem>>, vector<16xf32>,
      %mul3A_379 = arith.mulf %get3A_375, %get3A_378 : vector<16xf32>
      %add3A_380 = arith.addf %add3A_372, %mul3A_379 : vector<16xf32>
      %get3A_381 = arith.index_cast %add3A_341 : i32 to index
      %get3A_382 = arith.constant 80 : index
      %get3A_383 = tpu.vector_load %arg10[%get3A_381, %get3A_382] {strides = array<i32>} : memref<128x128xf32, #tpu.memory_space<vmem>>, vector<16xf32>,
      %get3A_384 = arith.index_cast %add3A_341 : i32 to index
      %get3A_385 = arith.constant 80 : index
      %get3A_386 = tpu.vector_load %arg11[%get3A_384, %get3A_385] {strides = array<i32>} : memref<128x128xf32, #tpu.memory_space<vmem>>, vector<16xf32>,
      %mul3A_387 = arith.mulf %get3A_383, %get3A_386 : vector<16xf32>
      %add3A_388 = arith.addf %add3A_380, %mul3A_387 : vector<16xf32>
      %get3A_389 = arith.index_cast %add3A_341 : i32 to index
      %get3A_390 = arith.constant 96 : index
      %get3A_391 = tpu.vector_load %arg10[%get3A_389, %get3A_390] {strides = array<i32>} : memref<128x128xf32, #tpu.memory_space<vmem>>, vector<16xf32>,
      %get3A_392 = arith.index_cast %add3A_341 : i32 to index
      %get3A_393 = arith.constant 96 : index
      %get3A_394 = tpu.vector_load %arg11[%get3A_392, %get3A_393] {strides = array<i32>} : memref<128x128xf32, #tpu.memory_space<vmem>>, vector<16xf32>,
      %mul3A_395 = arith.mulf %get3A_391, %get3A_394 : vector<16xf32>
      %add3A_396 = arith.addf %add3A_388, %mul3A_395 : vector<16xf32>
      %get3A_397 = arith.index_cast %add3A_341 : i32 to index
      %get3A_398 = arith.constant 112 : index
      %get3A_399 = tpu.vector_load %arg10[%get3A_397, %get3A_398] {strides = array<i32>} : memref<128x128xf32, #tpu.memory_space<vmem>>, vector<16xf32>,
      %get3A_400 = arith.index_cast %add3A_341 : i32 to index
      %get3A_401 = arith.constant 112 : index
      %get3A_402 = tpu.vector_load %arg11[%get3A_400, %get3A_401] {strides = array<i32>} : memref<128x128xf32, #tpu.memory_space<vmem>>, vector<16xf32>,
      %mul3A_403 = arith.mulf %get3A_399, %get3A_402 : vector<16xf32>
      %add3A_404 = arith.addf %add3A_396, %mul3A_403 : vector<16xf32>
      %broadcast_in_dim3A_405 = arith.constant 3 : i32
      %broadcast_in_dim3A_406 = vector.broadcast %broadcast_in_dim3A_405 : i32 to vector<16xi32>
      tpu.vector_store_idx %arg12[%iota3A, %broadcast_in_dim3A_406], %add3A_404 : memref<16x16xf32, #tpu.memory_space<vmem>>[vector<16xi32>, vector<16xi32>], vector<16xf32>,
      %add3A_407 = arith.constant 4 : i32
      %add3A_408 = arith.addi %mul3A_140, %add3A_407 : i32
      %get3A_409 = arith.index_cast %add3A_408 : i32 to index
      %get3A_410 = arith.constant 0 : index
      %get3A_411 = tpu.vector_load %arg10[%get3A_409, %get3A_410] {strides = array<i32>} : memref<128x128xf32, #tpu.memory_space<vmem>>, vector<16xf32>,
      %get3A_412 = arith.index_cast %add3A_408 : i32 to index
      %get3A_413 = arith.constant 0 : index
      %get3A_414 = tpu.vector_load %arg11[%get3A_412, %get3A_413] {strides = array<i32>} : memref<128x128xf32, #tpu.memory_space<vmem>>, vector<16xf32>,
      %mul3A_415 = arith.mulf %get3A_411, %get3A_414 : vector<16xf32>
      %get3A_416 = arith.index_cast %add3A_408 : i32 to index
      %get3A_417 = arith.constant 16 : index
      %get3A_418 = tpu.vector_load %arg10[%get3A_416, %get3A_417] {strides = array<i32>} : memref<128x128xf32, #tpu.memory_space<vmem>>, vector<16xf32>,
      %get3A_419 = arith.index_cast %add3A_408 : i32 to index
      %get3A_420 = arith.constant 16 : index
      %get3A_421 = tpu.vector_load %arg11[%get3A_419, %get3A_420] {strides = array<i32>} : memref<128x128xf32, #tpu.memory_space<vmem>>, vector<16xf32>,
      %mul3A_422 = arith.mulf %get3A_418, %get3A_421 : vector<16xf32>
      %add3A_423 = arith.addf %mul3A_415, %mul3A_422 : vector<16xf32>
      %get3A_424 = arith.index_cast %add3A_408 : i32 to index
      %get3A_425 = arith.constant 32 : index
      %get3A_426 = tpu.vector_load %arg10[%get3A_424, %get3A_425] {strides = array<i32>} : memref<128x128xf32, #tpu.memory_space<vmem>>, vector<16xf32>,
      %get3A_427 = arith.index_cast %add3A_408 : i32 to index
      %get3A_428 = arith.constant 32 : index
      %get3A_429 = tpu.vector_load %arg11[%get3A_427, %get3A_428] {strides = array<i32>} : memref<128x128xf32, #tpu.memory_space<vmem>>, vector<16xf32>,
      %mul3A_430 = arith.mulf %get3A_426, %get3A_429 : vector<16xf32>
      %add3A_431 = arith.addf %add3A_423, %mul3A_430 : vector<16xf32>
      %get3A_432 = arith.index_cast %add3A_408 : i32 to index
      %get3A_433 = arith.constant 48 : index
      %get3A_434 = tpu.vector_load %arg10[%get3A_432, %get3A_433] {strides = array<i32>} : memref<128x128xf32, #tpu.memory_space<vmem>>, vector<16xf32>,
      %get3A_435 = arith.index_cast %add3A_408 : i32 to index
      %get3A_436 = arith.constant 48 : index
      %get3A_437 = tpu.vector_load %arg11[%get3A_435, %get3A_436] {strides = array<i32>} : memref<128x128xf32, #tpu.memory_space<vmem>>, vector<16xf32>,
      %mul3A_438 = arith.mulf %get3A_434, %get3A_437 : vector<16xf32>
      %add3A_439 = arith.addf %add3A_431, %mul3A_438 : vector<16xf32>
      %get3A_440 = arith.index_cast %add3A_408 : i32 to index
      %get3A_441 = arith.constant 64 : index
      %get3A_442 = tpu.vector_load %arg10[%get3A_440, %get3A_441] {strides = array<i32>} : memref<128x128xf32, #tpu.memory_space<vmem>>, vector<16xf32>,
      %get3A_443 = arith.index_cast %add3A_408 : i32 to index
      %get3A_444 = arith.constant 64 : index
      %get3A_445 = tpu.vector_load %arg11[%get3A_443, %get3A_444] {strides = array<i32>} : memref<128x128xf32, #tpu.memory_space<vmem>>, vector<16xf32>,
      %mul3A_446 = arith.mulf %get3A_442, %get3A_445 : vector<16xf32>
      %add3A_447 = arith.addf %add3A_439, %mul3A_446 : vector<16xf32>
      %get3A_448 = arith.index_cast %add3A_408 : i32 to index
      %get3A_449 = arith.constant 80 : index
      %get3A_450 = tpu.vector_load %arg10[%get3A_448, %get3A_449] {strides = array<i32>} : memref<128x128xf32, #tpu.memory_space<vmem>>, vector<16xf32>,
      %get3A_451 = arith.index_cast %add3A_408 : i32 to index
      %get3A_452 = arith.constant 80 : index
      %get3A_453 = tpu.vector_load %arg11[%get3A_451, %get3A_452] {strides = array<i32>} : memref<128x128xf32, #tpu.memory_space<vmem>>, vector<16xf32>,
      %mul3A_454 = arith.mulf %get3A_450, %get3A_453 : vector<16xf32>
      %add3A_455 = arith.addf %add3A_447, %mul3A_454 : vector<16xf32>
      %get3A_456 = arith.index_cast %add3A_408 : i32 to index
      %get3A_457 = arith.constant 96 : index
      %get3A_458 = tpu.vector_load %arg10[%get3A_456, %get3A_457] {strides = array<i32>} : memref<128x128xf32, #tpu.memory_space<vmem>>, vector<16xf32>,
      %get3A_459 = arith.index_cast %add3A_408 : i32 to index
      %get3A_460 = arith.constant 96 : index
      %get3A_461 = tpu.vector_load %arg11[%get3A_459, %get3A_460] {strides = array<i32>} : memref<128x128xf32, #tpu.memory_space<vmem>>, vector<16xf32>,
      %mul3A_462 = arith.mulf %get3A_458, %get3A_461 : vector<16xf32>
      %add3A_463 = arith.addf %add3A_455, %mul3A_462 : vector<16xf32>
      %get3A_464 = arith.index_cast %add3A_408 : i32 to index
      %get3A_465 = arith.constant 112 : index
      %get3A_466 = tpu.vector_load %arg10[%get3A_464, %get3A_465] {strides = array<i32>} : memref<128x128xf32, #tpu.memory_space<vmem>>, vector<16xf32>,
      %get3A_467 = arith.index_cast %add3A_408 : i32 to index
      %get3A_468 = arith.constant 112 : index
      %get3A_469 = tpu.vector_load %arg11[%get3A_467, %get3A_468] {strides = array<i32>} : memref<128x128xf32, #tpu.memory_space<vmem>>, vector<16xf32>,
      %mul3A_470 = arith.mulf %get3A_466, %get3A_469 : vector<16xf32>
      %add3A_471 = arith.addf %add3A_463, %mul3A_470 : vector<16xf32>
      %broadcast_in_dim3A_472 = arith.constant 4 : i32
      %broadcast_in_dim3A_473 = vector.broadcast %broadcast_in_dim3A_472 : i32 to vector<16xi32>
      tpu.vector_store_idx %arg12[%iota3A, %broadcast_in_dim3A_473], %add3A_471 : memref<16x16xf32, #tpu.memory_space<vmem>>[vector<16xi32>, vector<16xi32>], vector<16xf32>,
      %add3A_474 = arith.constant 5 : i32
      %add3A_475 = arith.addi %mul3A_140, %add3A_474 : i32
      %get3A_476 = arith.index_cast %add3A_475 : i32 to index
      %get3A_477 = arith.constant 0 : index
      %get3A_478 = tpu.vector_load %arg10[%get3A_476, %get3A_477] {strides = array<i32>} : memref<128x128xf32, #tpu.memory_space<vmem>>, vector<16xf32>,
      %get3A_479 = arith.index_cast %add3A_475 : i32 to index
      %get3A_480 = arith.constant 0 : index
      %get3A_481 = tpu.vector_load %arg11[%get3A_479, %get3A_480] {strides = array<i32>} : memref<128x128xf32, #tpu.memory_space<vmem>>, vector<16xf32>,
      %mul3A_482 = arith.mulf %get3A_478, %get3A_481 : vector<16xf32>
      %get3A_483 = arith.index_cast %add3A_475 : i32 to index
      %get3A_484 = arith.constant 16 : index
      %get3A_485 = tpu.vector_load %arg10[%get3A_483, %get3A_484] {strides = array<i32>} : memref<128x128xf32, #tpu.memory_space<vmem>>, vector<16xf32>,
      %get3A_486 = arith.index_cast %add3A_475 : i32 to index
      %get3A_487 = arith.constant 16 : index
      %get3A_488 = tpu.vector_load %arg11[%get3A_486, %get3A_487] {strides = array<i32>} : memref<128x128xf32, #tpu.memory_space<vmem>>, vector<16xf32>,
      %mul3A_489 = arith.mulf %get3A_485, %get3A_488 : vector<16xf32>
      %add3A_490 = arith.addf %mul3A_482, %mul3A_489 : vector<16xf32>
      %get3A_491 = arith.index_cast %add3A_475 : i32 to index
      %get3A_492 = arith.constant 32 : index
      %get3A_493 = tpu.vector_load %arg10[%get3A_491, %get3A_492] {strides = array<i32>} : memref<128x128xf32, #tpu.memory_space<vmem>>, vector<16xf32>,
      %get3A_494 = arith.index_cast %add3A_475 : i32 to index
      %get3A_495 = arith.constant 32 : index
      %get3A_496 = tpu.vector_load %arg11[%get3A_494, %get3A_495] {strides = array<i32>} : memref<128x128xf32, #tpu.memory_space<vmem>>, vector<16xf32>,
      %mul3A_497 = arith.mulf %get3A_493, %get3A_496 : vector<16xf32>
      %add3A_498 = arith.addf %add3A_490, %mul3A_497 : vector<16xf32>
      %get3A_499 = arith.index_cast %add3A_475 : i32 to index
      %get3A_500 = arith.constant 48 : index
      %get3A_501 = tpu.vector_load %arg10[%get3A_499, %get3A_500] {strides = array<i32>} : memref<128x128xf32, #tpu.memory_space<vmem>>, vector<16xf32>,
      %get3A_502 = arith.index_cast %add3A_475 : i32 to index
      %get3A_503 = arith.constant 48 : index
      %get3A_504 = tpu.vector_load %arg11[%get3A_502, %get3A_503] {strides = array<i32>} : memref<128x128xf32, #tpu.memory_space<vmem>>, vector<16xf32>,
      %mul3A_505 = arith.mulf %get3A_501, %get3A_504 : vector<16xf32>
      %add3A_506 = arith.addf %add3A_498, %mul3A_505 : vector<16xf32>
      %get3A_507 = arith.index_cast %add3A_475 : i32 to index
      %get3A_508 = arith.constant 64 : index
      %get3A_509 = tpu.vector_load %arg10[%get3A_507, %get3A_508] {strides = array<i32>} : memref<128x128xf32, #tpu.memory_space<vmem>>, vector<16xf32>,
      %get3A_510 = arith.index_cast %add3A_475 : i32 to index
      %get3A_511 = arith.constant 64 : index
      %get3A_512 = tpu.vector_load %arg11[%get3A_510, %get3A_511] {strides = array<i32>} : memref<128x128xf32, #tpu.memory_space<vmem>>, vector<16xf32>,
      %mul3A_513 = arith.mulf %get3A_509, %get3A_512 : vector<16xf32>
      %add3A_514 = arith.addf %add3A_506, %mul3A_513 : vector<16xf32>
      %get3A_515 = arith.index_cast %add3A_475 : i32 to index
      %get3A_516 = arith.constant 80 : index
      %get3A_517 = tpu.vector_load %arg10[%get3A_515, %get3A_516] {strides = array<i32>} : memref<128x128xf32, #tpu.memory_space<vmem>>, vector<16xf32>,
      %get3A_518 = arith.index_cast %add3A_475 : i32 to index
      %get3A_519 = arith.constant 80 : index
      %get3A_520 = tpu.vector_load %arg11[%get3A_518, %get3A_519] {strides = array<i32>} : memref<128x128xf32, #tpu.memory_space<vmem>>, vector<16xf32>,
      %mul3A_521 = arith.mulf %get3A_517, %get3A_520 : vector<16xf32>
      %add3A_522 = arith.addf %add3A_514, %mul3A_521 : vector<16xf32>
      %get3A_523 = arith.index_cast %add3A_475 : i32 to index
      %get3A_524 = arith.constant 96 : index
      %get3A_525 = tpu.vector_load %arg10[%get3A_523, %get3A_524] {strides = array<i32>} : memref<128x128xf32, #tpu.memory_space<vmem>>, vector<16xf32>,
      %get3A_526 = arith.index_cast %add3A_475 : i32 to index
      %get3A_527 = arith.constant 96 : index
      %get3A_528 = tpu.vector_load %arg11[%get3A_526, %get3A_527] {strides = array<i32>} : memref<128x128xf32, #tpu.memory_space<vmem>>, vector<16xf32>,
      %mul3A_529 = arith.mulf %get3A_525, %get3A_528 : vector<16xf32>
      %add3A_530 = arith.addf %add3A_522, %mul3A_529 : vector<16xf32>
      %get3A_531 = arith.index_cast %add3A_475 : i32 to index
      %get3A_532 = arith.constant 112 : index
      %get3A_533 = tpu.vector_load %arg10[%get3A_531, %get3A_532] {strides = array<i32>} : memref<128x128xf32, #tpu.memory_space<vmem>>, vector<16xf32>,
      %get3A_534 = arith.index_cast %add3A_475 : i32 to index
      %get3A_535 = arith.constant 112 : index
      %get3A_536 = tpu.vector_load %arg11[%get3A_534, %get3A_535] {strides = array<i32>} : memref<128x128xf32, #tpu.memory_space<vmem>>, vector<16xf32>,
      %mul3A_537 = arith.mulf %get3A_533, %get3A_536 : vector<16xf32>
      %add3A_538 = arith.addf %add3A_530, %mul3A_537 : vector<16xf32>
      %broadcast_in_dim3A_539 = arith.constant 5 : i32
      %broadcast_in_dim3A_540 = vector.broadcast %broadcast_in_dim3A_539 : i32 to vector<16xi32>
      tpu.vector_store_idx %arg12[%iota3A, %broadcast_in_dim3A_540], %add3A_538 : memref<16x16xf32, #tpu.memory_space<vmem>>[vector<16xi32>, vector<16xi32>], vector<16xf32>,
      %add3A_541 = arith.constant 6 : i32
      %add3A_542 = arith.addi %mul3A_140, %add3A_541 : i32
      %get3A_543 = arith.index_cast %add3A_542 : i32 to index
      %get3A_544 = arith.constant 0 : index
      %get3A_545 = tpu.vector_load %arg10[%get3A_543, %get3A_544] {strides = array<i32>} : memref<128x128xf32, #tpu.memory_space<vmem>>, vector<16xf32>,
      %get3A_546 = arith.index_cast %add3A_542 : i32 to index
      %get3A_547 = arith.constant 0 : index
      %get3A_548 = tpu.vector_load %arg11[%get3A_546, %get3A_547] {strides = array<i32>} : memref<128x128xf32, #tpu.memory_space<vmem>>, vector<16xf32>,
      %mul3A_549 = arith.mulf %get3A_545, %get3A_548 : vector<16xf32>
      %get3A_550 = arith.index_cast %add3A_542 : i32 to index
      %get3A_551 = arith.constant 16 : index
      %get3A_552 = tpu.vector_load %arg10[%get3A_550, %get3A_551] {strides = array<i32>} : memref<128x128xf32, #tpu.memory_space<vmem>>, vector<16xf32>,
      %get3A_553 = arith.index_cast %add3A_542 : i32 to index
      %get3A_554 = arith.constant 16 : index
      %get3A_555 = tpu.vector_load %arg11[%get3A_553, %get3A_554] {strides = array<i32>} : memref<128x128xf32, #tpu.memory_space<vmem>>, vector<16xf32>,
      %mul3A_556 = arith.mulf %get3A_552, %get3A_555 : vector<16xf32>
      %add3A_557 = arith.addf %mul3A_549, %mul3A_556 : vector<16xf32>
      %get3A_558 = arith.index_cast %add3A_542 : i32 to index
      %get3A_559 = arith.constant 32 : index
      %get3A_560 = tpu.vector_load %arg10[%get3A_558, %get3A_559] {strides = array<i32>} : memref<128x128xf32, #tpu.memory_space<vmem>>, vector<16xf32>,
      %get3A_561 = arith.index_cast %add3A_542 : i32 to index
      %get3A_562 = arith.constant 32 : index
      %get3A_563 = tpu.vector_load %arg11[%get3A_561, %get3A_562] {strides = array<i32>} : memref<128x128xf32, #tpu.memory_space<vmem>>, vector<16xf32>,
      %mul3A_564 = arith.mulf %get3A_560, %get3A_563 : vector<16xf32>
      %add3A_565 = arith.addf %add3A_557, %mul3A_564 : vector<16xf32>
      %get3A_566 = arith.index_cast %add3A_542 : i32 to index
      %get3A_567 = arith.constant 48 : index
      %get3A_568 = tpu.vector_load %arg10[%get3A_566, %get3A_567] {strides = array<i32>} : memref<128x128xf32, #tpu.memory_space<vmem>>, vector<16xf32>,
      %get3A_569 = arith.index_cast %add3A_542 : i32 to index
      %get3A_570 = arith.constant 48 : index
      %get3A_571 = tpu.vector_load %arg11[%get3A_569, %get3A_570] {strides = array<i32>} : memref<128x128xf32, #tpu.memory_space<vmem>>, vector<16xf32>,
      %mul3A_572 = arith.mulf %get3A_568, %get3A_571 : vector<16xf32>
      %add3A_573 = arith.addf %add3A_565, %mul3A_572 : vector<16xf32>
      %get3A_574 = arith.index_cast %add3A_542 : i32 to index
      %get3A_575 = arith.constant 64 : index
      %get3A_576 = tpu.vector_load %arg10[%get3A_574, %get3A_575] {strides = array<i32>} : memref<128x128xf32, #tpu.memory_space<vmem>>, vector<16xf32>,
      %get3A_577 = arith.index_cast %add3A_542 : i32 to index
      %get3A_578 = arith.constant 64 : index
      %get3A_579 = tpu.vector_load %arg11[%get3A_577, %get3A_578] {strides = array<i32>} : memref<128x128xf32, #tpu.memory_space<vmem>>, vector<16xf32>,
      %mul3A_580 = arith.mulf %get3A_576, %get3A_579 : vector<16xf32>
      %add3A_581 = arith.addf %add3A_573, %mul3A_580 : vector<16xf32>
      %get3A_582 = arith.index_cast %add3A_542 : i32 to index
      %get3A_583 = arith.constant 80 : index
      %get3A_584 = tpu.vector_load %arg10[%get3A_582, %get3A_583] {strides = array<i32>} : memref<128x128xf32, #tpu.memory_space<vmem>>, vector<16xf32>,
      %get3A_585 = arith.index_cast %add3A_542 : i32 to index
      %get3A_586 = arith.constant 80 : index
      %get3A_587 = tpu.vector_load %arg11[%get3A_585, %get3A_586] {strides = array<i32>} : memref<128x128xf32, #tpu.memory_space<vmem>>, vector<16xf32>,
      %mul3A_588 = arith.mulf %get3A_584, %get3A_587 : vector<16xf32>
      %add3A_589 = arith.addf %add3A_581, %mul3A_588 : vector<16xf32>
      %get3A_590 = arith.index_cast %add3A_542 : i32 to index
      %get3A_591 = arith.constant 96 : index
      %get3A_592 = tpu.vector_load %arg10[%get3A_590, %get3A_591] {strides = array<i32>} : memref<128x128xf32, #tpu.memory_space<vmem>>, vector<16xf32>,
      %get3A_593 = arith.index_cast %add3A_542 : i32 to index
      %get3A_594 = arith.constant 96 : index
      %get3A_595 = tpu.vector_load %arg11[%get3A_593, %get3A_594] {strides = array<i32>} : memref<128x128xf32, #tpu.memory_space<vmem>>, vector<16xf32>,
      %mul3A_596 = arith.mulf %get3A_592, %get3A_595 : vector<16xf32>
      %add3A_597 = arith.addf %add3A_589, %mul3A_596 : vector<16xf32>
      %get3A_598 = arith.index_cast %add3A_542 : i32 to index
      %get3A_599 = arith.constant 112 : index
      %get3A_600 = tpu.vector_load %arg10[%get3A_598, %get3A_599] {strides = array<i32>} : memref<128x128xf32, #tpu.memory_space<vmem>>, vector<16xf32>,
      %get3A_601 = arith.index_cast %add3A_542 : i32 to index
      %get3A_602 = arith.constant 112 : index
      %get3A_603 = tpu.vector_load %arg11[%get3A_601, %get3A_602] {strides = array<i32>} : memref<128x128xf32, #tpu.memory_space<vmem>>, vector<16xf32>,
      %mul3A_604 = arith.mulf %get3A_600, %get3A_603 : vector<16xf32>
      %add3A_605 = arith.addf %add3A_597, %mul3A_604 : vector<16xf32>
      %broadcast_in_dim3A_606 = arith.constant 6 : i32
      %broadcast_in_dim3A_607 = vector.broadcast %broadcast_in_dim3A_606 : i32 to vector<16xi32>
      tpu.vector_store_idx %arg12[%iota3A, %broadcast_in_dim3A_607], %add3A_605 : memref<16x16xf32, #tpu.memory_space<vmem>>[vector<16xi32>, vector<16xi32>], vector<16xf32>,
      %add3A_608 = arith.constant 7 : i32
      %add3A_609 = arith.addi %mul3A_140, %add3A_608 : i32
      %get3A_610 = arith.index_cast %add3A_609 : i32 to index
      %get3A_611 = arith.constant 0 : index
      %get3A_612 = tpu.vector_load %arg10[%get3A_610, %get3A_611] {strides = array<i32>} : memref<128x128xf32, #tpu.memory_space<vmem>>, vector<16xf32>,
      %get3A_613 = arith.index_cast %add3A_609 : i32 to index
      %get3A_614 = arith.constant 0 : index
      %get3A_615 = tpu.vector_load %arg11[%get3A_613, %get3A_614] {strides = array<i32>} : memref<128x128xf32, #tpu.memory_space<vmem>>, vector<16xf32>,
      %mul3A_616 = arith.mulf %get3A_612, %get3A_615 : vector<16xf32>
      %get3A_617 = arith.index_cast %add3A_609 : i32 to index
      %get3A_618 = arith.constant 16 : index
      %get3A_619 = tpu.vector_load %arg10[%get3A_617, %get3A_618] {strides = array<i32>} : memref<128x128xf32, #tpu.memory_space<vmem>>, vector<16xf32>,
      %get3A_620 = arith.index_cast %add3A_609 : i32 to index
      %get3A_621 = arith.constant 16 : index
      %get3A_622 = tpu.vector_load %arg11[%get3A_620, %get3A_621] {strides = array<i32>} : memref<128x128xf32, #tpu.memory_space<vmem>>, vector<16xf32>,
      %mul3A_623 = arith.mulf %get3A_619, %get3A_622 : vector<16xf32>
      %add3A_624 = arith.addf %mul3A_616, %mul3A_623 : vector<16xf32>
      %get3A_625 = arith.index_cast %add3A_609 : i32 to index
      %get3A_626 = arith.constant 32 : index
      %get3A_627 = tpu.vector_load %arg10[%get3A_625, %get3A_626] {strides = array<i32>} : memref<128x128xf32, #tpu.memory_space<vmem>>, vector<16xf32>,
      %get3A_628 = arith.index_cast %add3A_609 : i32 to index
      %get3A_629 = arith.constant 32 : index
      %get3A_630 = tpu.vector_load %arg11[%get3A_628, %get3A_629] {strides = array<i32>} : memref<128x128xf32, #tpu.memory_space<vmem>>, vector<16xf32>,
      %mul3A_631 = arith.mulf %get3A_627, %get3A_630 : vector<16xf32>
      %add3A_632 = arith.addf %add3A_624, %mul3A_631 : vector<16xf32>
      %get3A_633 = arith.index_cast %add3A_609 : i32 to index
      %get3A_634 = arith.constant 48 : index
      %get3A_635 = tpu.vector_load %arg10[%get3A_633, %get3A_634] {strides = array<i32>} : memref<128x128xf32, #tpu.memory_space<vmem>>, vector<16xf32>,
      %get3A_636 = arith.index_cast %add3A_609 : i32 to index
      %get3A_637 = arith.constant 48 : index
      %get3A_638 = tpu.vector_load %arg11[%get3A_636, %get3A_637] {strides = array<i32>} : memref<128x128xf32, #tpu.memory_space<vmem>>, vector<16xf32>,
      %mul3A_639 = arith.mulf %get3A_635, %get3A_638 : vector<16xf32>
      %add3A_640 = arith.addf %add3A_632, %mul3A_639 : vector<16xf32>
      %get3A_641 = arith.index_cast %add3A_609 : i32 to index
      %get3A_642 = arith.constant 64 : index
      %get3A_643 = tpu.vector_load %arg10[%get3A_641, %get3A_642] {strides = array<i32>} : memref<128x128xf32, #tpu.memory_space<vmem>>, vector<16xf32>,
      %get3A_644 = arith.index_cast %add3A_609 : i32 to index
      %get3A_645 = arith.constant 64 : index
      %get3A_646 = tpu.vector_load %arg11[%get3A_644, %get3A_645] {strides = array<i32>} : memref<128x128xf32, #tpu.memory_space<vmem>>, vector<16xf32>,
      %mul3A_647 = arith.mulf %get3A_643, %get3A_646 : vector<16xf32>
      %add3A_648 = arith.addf %add3A_640, %mul3A_647 : vector<16xf32>
      %get3A_649 = arith.index_cast %add3A_609 : i32 to index
      %get3A_650 = arith.constant 80 : index
      %get3A_651 = tpu.vector_load %arg10[%get3A_649, %get3A_650] {strides = array<i32>} : memref<128x128xf32, #tpu.memory_space<vmem>>, vector<16xf32>,
      %get3A_652 = arith.index_cast %add3A_609 : i32 to index
      %get3A_653 = arith.constant 80 : index
      %get3A_654 = tpu.vector_load %arg11[%get3A_652, %get3A_653] {strides = array<i32>} : memref<128x128xf32, #tpu.memory_space<vmem>>, vector<16xf32>,
      %mul3A_655 = arith.mulf %get3A_651, %get3A_654 : vector<16xf32>
      %add3A_656 = arith.addf %add3A_648, %mul3A_655 : vector<16xf32>
      %get3A_657 = arith.index_cast %add3A_609 : i32 to index
      %get3A_658 = arith.constant 96 : index
      %get3A_659 = tpu.vector_load %arg10[%get3A_657, %get3A_658] {strides = array<i32>} : memref<128x128xf32, #tpu.memory_space<vmem>>, vector<16xf32>,
      %get3A_660 = arith.index_cast %add3A_609 : i32 to index
      %get3A_661 = arith.constant 96 : index
      %get3A_662 = tpu.vector_load %arg11[%get3A_660, %get3A_661] {strides = array<i32>} : memref<128x128xf32, #tpu.memory_space<vmem>>, vector<16xf32>,
      %mul3A_663 = arith.mulf %get3A_659, %get3A_662 : vector<16xf32>
      %add3A_664 = arith.addf %add3A_656, %mul3A_663 : vector<16xf32>
      %get3A_665 = arith.index_cast %add3A_609 : i32 to index
      %get3A_666 = arith.constant 112 : index
      %get3A_667 = tpu.vector_load %arg10[%get3A_665, %get3A_666] {strides = array<i32>} : memref<128x128xf32, #tpu.memory_space<vmem>>, vector<16xf32>,
      %get3A_668 = arith.index_cast %add3A_609 : i32 to index
      %get3A_669 = arith.constant 112 : index
      %get3A_670 = tpu.vector_load %arg11[%get3A_668, %get3A_669] {strides = array<i32>} : memref<128x128xf32, #tpu.memory_space<vmem>>, vector<16xf32>,
      %mul3A_671 = arith.mulf %get3A_667, %get3A_670 : vector<16xf32>
      %add3A_672 = arith.addf %add3A_664, %mul3A_671 : vector<16xf32>
      %broadcast_in_dim3A_673 = arith.constant 7 : i32
      %broadcast_in_dim3A_674 = vector.broadcast %broadcast_in_dim3A_673 : i32 to vector<16xi32>
      tpu.vector_store_idx %arg12[%iota3A, %broadcast_in_dim3A_674], %add3A_672 : memref<16x16xf32, #tpu.memory_space<vmem>>[vector<16xi32>, vector<16xi32>], vector<16xf32>,
      %add3A_675 = arith.constant 8 : i32
      %add3A_676 = arith.addi %mul3A_140, %add3A_675 : i32
      %get3A_677 = arith.index_cast %add3A_676 : i32 to index
      %get3A_678 = arith.constant 0 : index
      %get3A_679 = tpu.vector_load %arg10[%get3A_677, %get3A_678] {strides = array<i32>} : memref<128x128xf32, #tpu.memory_space<vmem>>, vector<16xf32>,
      %get3A_680 = arith.index_cast %add3A_676 : i32 to index
      %get3A_681 = arith.constant 0 : index
      %get3A_682 = tpu.vector_load %arg11[%get3A_680, %get3A_681] {strides = array<i32>} : memref<128x128xf32, #tpu.memory_space<vmem>>, vector<16xf32>,
      %mul3A_683 = arith.mulf %get3A_679, %get3A_682 : vector<16xf32>
      %get3A_684 = arith.index_cast %add3A_676 : i32 to index
      %get3A_685 = arith.constant 16 : index
      %get3A_686 = tpu.vector_load %arg10[%get3A_684, %get3A_685] {strides = array<i32>} : memref<128x128xf32, #tpu.memory_space<vmem>>, vector<16xf32>,
      %get3A_687 = arith.index_cast %add3A_676 : i32 to index
      %get3A_688 = arith.constant 16 : index
      %get3A_689 = tpu.vector_load %arg11[%get3A_687, %get3A_688] {strides = array<i32>} : memref<128x128xf32, #tpu.memory_space<vmem>>, vector<16xf32>,
      %mul3A_690 = arith.mulf %get3A_686, %get3A_689 : vector<16xf32>
      %add3A_691 = arith.addf %mul3A_683, %mul3A_690 : vector<16xf32>
      %get3A_692 = arith.index_cast %add3A_676 : i32 to index
      %get3A_693 = arith.constant 32 : index
      %get3A_694 = tpu.vector_load %arg10[%get3A_692, %get3A_693] {strides = array<i32>} : memref<128x128xf32, #tpu.memory_space<vmem>>, vector<16xf32>,
      %get3A_695 = arith.index_cast %add3A_676 : i32 to index
      %get3A_696 = arith.constant 32 : index
      %get3A_697 = tpu.vector_load %arg11[%get3A_695, %get3A_696] {strides = array<i32>} : memref<128x128xf32, #tpu.memory_space<vmem>>, vector<16xf32>,
      %mul3A_698 = arith.mulf %get3A_694, %get3A_697 : vector<16xf32>
      %add3A_699 = arith.addf %add3A_691, %mul3A_698 : vector<16xf32>
      %get3A_700 = arith.index_cast %add3A_676 : i32 to index
      %get3A_701 = arith.constant 48 : index
      %get3A_702 = tpu.vector_load %arg10[%get3A_700, %get3A_701] {strides = array<i32>} : memref<128x128xf32, #tpu.memory_space<vmem>>, vector<16xf32>,
      %get3A_703 = arith.index_cast %add3A_676 : i32 to index
      %get3A_704 = arith.constant 48 : index
      %get3A_705 = tpu.vector_load %arg11[%get3A_703, %get3A_704] {strides = array<i32>} : memref<128x128xf32, #tpu.memory_space<vmem>>, vector<16xf32>,
      %mul3A_706 = arith.mulf %get3A_702, %get3A_705 : vector<16xf32>
      %add3A_707 = arith.addf %add3A_699, %mul3A_706 : vector<16xf32>
      %get3A_708 = arith.index_cast %add3A_676 : i32 to index
      %get3A_709 = arith.constant 64 : index
      %get3A_710 = tpu.vector_load %arg10[%get3A_708, %get3A_709] {strides = array<i32>} : memref<128x128xf32, #tpu.memory_space<vmem>>, vector<16xf32>,
      %get3A_711 = arith.index_cast %add3A_676 : i32 to index
      %get3A_712 = arith.constant 64 : index
      %get3A_713 = tpu.vector_load %arg11[%get3A_711, %get3A_712] {strides = array<i32>} : memref<128x128xf32, #tpu.memory_space<vmem>>, vector<16xf32>,
      %mul3A_714 = arith.mulf %get3A_710, %get3A_713 : vector<16xf32>
      %add3A_715 = arith.addf %add3A_707, %mul3A_714 : vector<16xf32>
      %get3A_716 = arith.index_cast %add3A_676 : i32 to index
      %get3A_717 = arith.constant 80 : index
      %get3A_718 = tpu.vector_load %arg10[%get3A_716, %get3A_717] {strides = array<i32>} : memref<128x128xf32, #tpu.memory_space<vmem>>, vector<16xf32>,
      %get3A_719 = arith.index_cast %add3A_676 : i32 to index
      %get3A_720 = arith.constant 80 : index
      %get3A_721 = tpu.vector_load %arg11[%get3A_719, %get3A_720] {strides = array<i32>} : memref<128x128xf32, #tpu.memory_space<vmem>>, vector<16xf32>,
      %mul3A_722 = arith.mulf %get3A_718, %get3A_721 : vector<16xf32>
      %add3A_723 = arith.addf %add3A_715, %mul3A_722 : vector<16xf32>
      %get3A_724 = arith.index_cast %add3A_676 : i32 to index
      %get3A_725 = arith.constant 96 : index
      %get3A_726 = tpu.vector_load %arg10[%get3A_724, %get3A_725] {strides = array<i32>} : memref<128x128xf32, #tpu.memory_space<vmem>>, vector<16xf32>,
      %get3A_727 = arith.index_cast %add3A_676 : i32 to index
      %get3A_728 = arith.constant 96 : index
      %get3A_729 = tpu.vector_load %arg11[%get3A_727, %get3A_728] {strides = array<i32>} : memref<128x128xf32, #tpu.memory_space<vmem>>, vector<16xf32>,
      %mul3A_730 = arith.mulf %get3A_726, %get3A_729 : vector<16xf32>
      %add3A_731 = arith.addf %add3A_723, %mul3A_730 : vector<16xf32>
      %get3A_732 = arith.index_cast %add3A_676 : i32 to index
      %get3A_733 = arith.constant 112 : index
      %get3A_734 = tpu.vector_load %arg10[%get3A_732, %get3A_733] {strides = array<i32>} : memref<128x128xf32, #tpu.memory_space<vmem>>, vector<16xf32>,
      %get3A_735 = arith.index_cast %add3A_676 : i32 to index
      %get3A_736 = arith.constant 112 : index
      %get3A_737 = tpu.vector_load %arg11[%get3A_735, %get3A_736] {strides = array<i32>} : memref<128x128xf32, #tpu.memory_space<vmem>>, vector<16xf32>,
      %mul3A_738 = arith.mulf %get3A_734, %get3A_737 : vector<16xf32>
      %add3A_739 = arith.addf %add3A_731, %mul3A_738 : vector<16xf32>
      %broadcast_in_dim3A_740 = arith.constant 8 : i32
      %broadcast_in_dim3A_741 = vector.broadcast %broadcast_in_dim3A_740 : i32 to vector<16xi32>
      tpu.vector_store_idx %arg12[%iota3A, %broadcast_in_dim3A_741], %add3A_739 : memref<16x16xf32, #tpu.memory_space<vmem>>[vector<16xi32>, vector<16xi32>], vector<16xf32>,
      %add3A_742 = arith.constant 9 : i32
      %add3A_743 = arith.addi %mul3A_140, %add3A_742 : i32
      %get3A_744 = arith.index_cast %add3A_743 : i32 to index
      %get3A_745 = arith.constant 0 : index
      %get3A_746 = tpu.vector_load %arg10[%get3A_744, %get3A_745] {strides = array<i32>} : memref<128x128xf32, #tpu.memory_space<vmem>>, vector<16xf32>,
      %get3A_747 = arith.index_cast %add3A_743 : i32 to index
      %get3A_748 = arith.constant 0 : index
      %get3A_749 = tpu.vector_load %arg11[%get3A_747, %get3A_748] {strides = array<i32>} : memref<128x128xf32, #tpu.memory_space<vmem>>, vector<16xf32>,
      %mul3A_750 = arith.mulf %get3A_746, %get3A_749 : vector<16xf32>
      %get3A_751 = arith.index_cast %add3A_743 : i32 to index
      %get3A_752 = arith.constant 16 : index
      %get3A_753 = tpu.vector_load %arg10[%get3A_751, %get3A_752] {strides = array<i32>} : memref<128x128xf32, #tpu.memory_space<vmem>>, vector<16xf32>,
      %get3A_754 = arith.index_cast %add3A_743 : i32 to index
      %get3A_755 = arith.constant 16 : index
      %get3A_756 = tpu.vector_load %arg11[%get3A_754, %get3A_755] {strides = array<i32>} : memref<128x128xf32, #tpu.memory_space<vmem>>, vector<16xf32>,
      %mul3A_757 = arith.mulf %get3A_753, %get3A_756 : vector<16xf32>
      %add3A_758 = arith.addf %mul3A_750, %mul3A_757 : vector<16xf32>
      %get3A_759 = arith.index_cast %add3A_743 : i32 to index
      %get3A_760 = arith.constant 32 : index
      %get3A_761 = tpu.vector_load %arg10[%get3A_759, %get3A_760] {strides = array<i32>} : memref<128x128xf32, #tpu.memory_space<vmem>>, vector<16xf32>,
      %get3A_762 = arith.index_cast %add3A_743 : i32 to index
      %get3A_763 = arith.constant 32 : index
      %get3A_764 = tpu.vector_load %arg11[%get3A_762, %get3A_763] {strides = array<i32>} : memref<128x128xf32, #tpu.memory_space<vmem>>, vector<16xf32>,
      %mul3A_765 = arith.mulf %get3A_761, %get3A_764 : vector<16xf32>
      %add3A_766 = arith.addf %add3A_758, %mul3A_765 : vector<16xf32>
      %get3A_767 = arith.index_cast %add3A_743 : i32 to index
      %get3A_768 = arith.constant 48 : index
      %get3A_769 = tpu.vector_load %arg10[%get3A_767, %get3A_768] {strides = array<i32>} : memref<128x128xf32, #tpu.memory_space<vmem>>, vector<16xf32>,
      %get3A_770 = arith.index_cast %add3A_743 : i32 to index
      %get3A_771 = arith.constant 48 : index
      %get3A_772 = tpu.vector_load %arg11[%get3A_770, %get3A_771] {strides = array<i32>} : memref<128x128xf32, #tpu.memory_space<vmem>>, vector<16xf32>,
      %mul3A_773 = arith.mulf %get3A_769, %get3A_772 : vector<16xf32>
      %add3A_774 = arith.addf %add3A_766, %mul3A_773 : vector<16xf32>
      %get3A_775 = arith.index_cast %add3A_743 : i32 to index
      %get3A_776 = arith.constant 64 : index
      %get3A_777 = tpu.vector_load %arg10[%get3A_775, %get3A_776] {strides = array<i32>} : memref<128x128xf32, #tpu.memory_space<vmem>>, vector<16xf32>,
      %get3A_778 = arith.index_cast %add3A_743 : i32 to index
      %get3A_779 = arith.constant 64 : index
      %get3A_780 = tpu.vector_load %arg11[%get3A_778, %get3A_779] {strides = array<i32>} : memref<128x128xf32, #tpu.memory_space<vmem>>, vector<16xf32>,
      %mul3A_781 = arith.mulf %get3A_777, %get3A_780 : vector<16xf32>
      %add3A_782 = arith.addf %add3A_774, %mul3A_781 : vector<16xf32>
      %get3A_783 = arith.index_cast %add3A_743 : i32 to index
      %get3A_784 = arith.constant 80 : index
      %get3A_785 = tpu.vector_load %arg10[%get3A_783, %get3A_784] {strides = array<i32>} : memref<128x128xf32, #tpu.memory_space<vmem>>, vector<16xf32>,
      %get3A_786 = arith.index_cast %add3A_743 : i32 to index
      %get3A_787 = arith.constant 80 : index
      %get3A_788 = tpu.vector_load %arg11[%get3A_786, %get3A_787] {strides = array<i32>} : memref<128x128xf32, #tpu.memory_space<vmem>>, vector<16xf32>,
      %mul3A_789 = arith.mulf %get3A_785, %get3A_788 : vector<16xf32>
      %add3A_790 = arith.addf %add3A_782, %mul3A_789 : vector<16xf32>
      %get3A_791 = arith.index_cast %add3A_743 : i32 to index
      %get3A_792 = arith.constant 96 : index
      %get3A_793 = tpu.vector_load %arg10[%get3A_791, %get3A_792] {strides = array<i32>} : memref<128x128xf32, #tpu.memory_space<vmem>>, vector<16xf32>,
      %get3A_794 = arith.index_cast %add3A_743 : i32 to index
      %get3A_795 = arith.constant 96 : index
      %get3A_796 = tpu.vector_load %arg11[%get3A_794, %get3A_795] {strides = array<i32>} : memref<128x128xf32, #tpu.memory_space<vmem>>, vector<16xf32>,
      %mul3A_797 = arith.mulf %get3A_793, %get3A_796 : vector<16xf32>
      %add3A_798 = arith.addf %add3A_790, %mul3A_797 : vector<16xf32>
      %get3A_799 = arith.index_cast %add3A_743 : i32 to index
      %get3A_800 = arith.constant 112 : index
      %get3A_801 = tpu.vector_load %arg10[%get3A_799, %get3A_800] {strides = array<i32>} : memref<128x128xf32, #tpu.memory_space<vmem>>, vector<16xf32>,
      %get3A_802 = arith.index_cast %add3A_743 : i32 to index
      %get3A_803 = arith.constant 112 : index
      %get3A_804 = tpu.vector_load %arg11[%get3A_802, %get3A_803] {strides = array<i32>} : memref<128x128xf32, #tpu.memory_space<vmem>>, vector<16xf32>,
      %mul3A_805 = arith.mulf %get3A_801, %get3A_804 : vector<16xf32>
      %add3A_806 = arith.addf %add3A_798, %mul3A_805 : vector<16xf32>
      %broadcast_in_dim3A_807 = arith.constant 9 : i32
      %broadcast_in_dim3A_808 = vector.broadcast %broadcast_in_dim3A_807 : i32 to vector<16xi32>
      tpu.vector_store_idx %arg12[%iota3A, %broadcast_in_dim3A_808], %add3A_806 : memref<16x16xf32, #tpu.memory_space<vmem>>[vector<16xi32>, vector<16xi32>], vector<16xf32>,
      %add3A_809 = arith.constant 10 : i32
      %add3A_810 = arith.addi %mul3A_140, %add3A_809 : i32
      %get3A_811 = arith.index_cast %add3A_810 : i32 to index
      %get3A_812 = arith.constant 0 : index
      %get3A_813 = tpu.vector_load %arg10[%get3A_811, %get3A_812] {strides = array<i32>} : memref<128x128xf32, #tpu.memory_space<vmem>>, vector<16xf32>,
      %get3A_814 = arith.index_cast %add3A_810 : i32 to index
      %get3A_815 = arith.constant 0 : index
      %get3A_816 = tpu.vector_load %arg11[%get3A_814, %get3A_815] {strides = array<i32>} : memref<128x128xf32, #tpu.memory_space<vmem>>, vector<16xf32>,
      %mul3A_817 = arith.mulf %get3A_813, %get3A_816 : vector<16xf32>
      %get3A_818 = arith.index_cast %add3A_810 : i32 to index
      %get3A_819 = arith.constant 16 : index
      %get3A_820 = tpu.vector_load %arg10[%get3A_818, %get3A_819] {strides = array<i32>} : memref<128x128xf32, #tpu.memory_space<vmem>>, vector<16xf32>,
      %get3A_821 = arith.index_cast %add3A_810 : i32 to index
      %get3A_822 = arith.constant 16 : index
      %get3A_823 = tpu.vector_load %arg11[%get3A_821, %get3A_822] {strides = array<i32>} : memref<128x128xf32, #tpu.memory_space<vmem>>, vector<16xf32>,
      %mul3A_824 = arith.mulf %get3A_820, %get3A_823 : vector<16xf32>
      %add3A_825 = arith.addf %mul3A_817, %mul3A_824 : vector<16xf32>
      %get3A_826 = arith.index_cast %add3A_810 : i32 to index
      %get3A_827 = arith.constant 32 : index
      %get3A_828 = tpu.vector_load %arg10[%get3A_826, %get3A_827] {strides = array<i32>} : memref<128x128xf32, #tpu.memory_space<vmem>>, vector<16xf32>,
      %get3A_829 = arith.index_cast %add3A_810 : i32 to index
      %get3A_830 = arith.constant 32 : index
      %get3A_831 = tpu.vector_load %arg11[%get3A_829, %get3A_830] {strides = array<i32>} : memref<128x128xf32, #tpu.memory_space<vmem>>, vector<16xf32>,
      %mul3A_832 = arith.mulf %get3A_828, %get3A_831 : vector<16xf32>
      %add3A_833 = arith.addf %add3A_825, %mul3A_832 : vector<16xf32>
      %get3A_834 = arith.index_cast %add3A_810 : i32 to index
      %get3A_835 = arith.constant 48 : index
      %get3A_836 = tpu.vector_load %arg10[%get3A_834, %get3A_835] {strides = array<i32>} : memref<128x128xf32, #tpu.memory_space<vmem>>, vector<16xf32>,
      %get3A_837 = arith.index_cast %add3A_810 : i32 to index
      %get3A_838 = arith.constant 48 : index
      %get3A_839 = tpu.vector_load %arg11[%get3A_837, %get3A_838] {strides = array<i32>} : memref<128x128xf32, #tpu.memory_space<vmem>>, vector<16xf32>,
      %mul3A_840 = arith.mulf %get3A_836, %get3A_839 : vector<16xf32>
      %add3A_841 = arith.addf %add3A_833, %mul3A_840 : vector<16xf32>
      %get3A_842 = arith.index_cast %add3A_810 : i32 to index
      %get3A_843 = arith.constant 64 : index
      %get3A_844 = tpu.vector_load %arg10[%get3A_842, %get3A_843] {strides = array<i32>} : memref<128x128xf32, #tpu.memory_space<vmem>>, vector<16xf32>,
      %get3A_845 = arith.index_cast %add3A_810 : i32 to index
      %get3A_846 = arith.constant 64 : index
      %get3A_847 = tpu.vector_load %arg11[%get3A_845, %get3A_846] {strides = array<i32>} : memref<128x128xf32, #tpu.memory_space<vmem>>, vector<16xf32>,
      %mul3A_848 = arith.mulf %get3A_844, %get3A_847 : vector<16xf32>
      %add3A_849 = arith.addf %add3A_841, %mul3A_848 : vector<16xf32>
      %get3A_850 = arith.index_cast %add3A_810 : i32 to index
      %get3A_851 = arith.constant 80 : index
      %get3A_852 = tpu.vector_load %arg10[%get3A_850, %get3A_851] {strides = array<i32>} : memref<128x128xf32, #tpu.memory_space<vmem>>, vector<16xf32>,
      %get3A_853 = arith.index_cast %add3A_810 : i32 to index
      %get3A_854 = arith.constant 80 : index
      %get3A_855 = tpu.vector_load %arg11[%get3A_853, %get3A_854] {strides = array<i32>} : memref<128x128xf32, #tpu.memory_space<vmem>>, vector<16xf32>,
      %mul3A_856 = arith.mulf %get3A_852, %get3A_855 : vector<16xf32>
      %add3A_857 = arith.addf %add3A_849, %mul3A_856 : vector<16xf32>
      %get3A_858 = arith.index_cast %add3A_810 : i32 to index
      %get3A_859 = arith.constant 96 : index
      %get3A_860 = tpu.vector_load %arg10[%get3A_858, %get3A_859] {strides = array<i32>} : memref<128x128xf32, #tpu.memory_space<vmem>>, vector<16xf32>,
      %get3A_861 = arith.index_cast %add3A_810 : i32 to index
      %get3A_862 = arith.constant 96 : index
      %get3A_863 = tpu.vector_load %arg11[%get3A_861, %get3A_862] {strides = array<i32>} : memref<128x128xf32, #tpu.memory_space<vmem>>, vector<16xf32>,
      %mul3A_864 = arith.mulf %get3A_860, %get3A_863 : vector<16xf32>
      %add3A_865 = arith.addf %add3A_857, %mul3A_864 : vector<16xf32>
      %get3A_866 = arith.index_cast %add3A_810 : i32 to index
      %get3A_867 = arith.constant 112 : index
      %get3A_868 = tpu.vector_load %arg10[%get3A_866, %get3A_867] {strides = array<i32>} : memref<128x128xf32, #tpu.memory_space<vmem>>, vector<16xf32>,
      %get3A_869 = arith.index_cast %add3A_810 : i32 to index
      %get3A_870 = arith.constant 112 : index
      %get3A_871 = tpu.vector_load %arg11[%get3A_869, %get3A_870] {strides = array<i32>} : memref<128x128xf32, #tpu.memory_space<vmem>>, vector<16xf32>,
      %mul3A_872 = arith.mulf %get3A_868, %get3A_871 : vector<16xf32>
      %add3A_873 = arith.addf %add3A_865, %mul3A_872 : vector<16xf32>
      %broadcast_in_dim3A_874 = arith.constant 10 : i32
      %broadcast_in_dim3A_875 = vector.broadcast %broadcast_in_dim3A_874 : i32 to vector<16xi32>
      tpu.vector_store_idx %arg12[%iota3A, %broadcast_in_dim3A_875], %add3A_873 : memref<16x16xf32, #tpu.memory_space<vmem>>[vector<16xi32>, vector<16xi32>], vector<16xf32>,
      %add3A_876 = arith.constant 11 : i32
      %add3A_877 = arith.addi %mul3A_140, %add3A_876 : i32
      %get3A_878 = arith.index_cast %add3A_877 : i32 to index
      %get3A_879 = arith.constant 0 : index
      %get3A_880 = tpu.vector_load %arg10[%get3A_878, %get3A_879] {strides = array<i32>} : memref<128x128xf32, #tpu.memory_space<vmem>>, vector<16xf32>,
      %get3A_881 = arith.index_cast %add3A_877 : i32 to index
      %get3A_882 = arith.constant 0 : index
      %get3A_883 = tpu.vector_load %arg11[%get3A_881, %get3A_882] {strides = array<i32>} : memref<128x128xf32, #tpu.memory_space<vmem>>, vector<16xf32>,
      %mul3A_884 = arith.mulf %get3A_880, %get3A_883 : vector<16xf32>
      %get3A_885 = arith.index_cast %add3A_877 : i32 to index
      %get3A_886 = arith.constant 16 : index
      %get3A_887 = tpu.vector_load %arg10[%get3A_885, %get3A_886] {strides = array<i32>} : memref<128x128xf32, #tpu.memory_space<vmem>>, vector<16xf32>,
      %get3A_888 = arith.index_cast %add3A_877 : i32 to index
      %get3A_889 = arith.constant 16 : index
      %get3A_890 = tpu.vector_load %arg11[%get3A_888, %get3A_889] {strides = array<i32>} : memref<128x128xf32, #tpu.memory_space<vmem>>, vector<16xf32>,
      %mul3A_891 = arith.mulf %get3A_887, %get3A_890 : vector<16xf32>
      %add3A_892 = arith.addf %mul3A_884, %mul3A_891 : vector<16xf32>
      %get3A_893 = arith.index_cast %add3A_877 : i32 to index
      %get3A_894 = arith.constant 32 : index
      %get3A_895 = tpu.vector_load %arg10[%get3A_893, %get3A_894] {strides = array<i32>} : memref<128x128xf32, #tpu.memory_space<vmem>>, vector<16xf32>,
      %get3A_896 = arith.index_cast %add3A_877 : i32 to index
      %get3A_897 = arith.constant 32 : index
      %get3A_898 = tpu.vector_load %arg11[%get3A_896, %get3A_897] {strides = array<i32>} : memref<128x128xf32, #tpu.memory_space<vmem>>, vector<16xf32>,
      %mul3A_899 = arith.mulf %get3A_895, %get3A_898 : vector<16xf32>
      %add3A_900 = arith.addf %add3A_892, %mul3A_899 : vector<16xf32>
      %get3A_901 = arith.index_cast %add3A_877 : i32 to index
      %get3A_902 = arith.constant 48 : index
      %get3A_903 = tpu.vector_load %arg10[%get3A_901, %get3A_902] {strides = array<i32>} : memref<128x128xf32, #tpu.memory_space<vmem>>, vector<16xf32>,
      %get3A_904 = arith.index_cast %add3A_877 : i32 to index
      %get3A_905 = arith.constant 48 : index
      %get3A_906 = tpu.vector_load %arg11[%get3A_904, %get3A_905] {strides = array<i32>} : memref<128x128xf32, #tpu.memory_space<vmem>>, vector<16xf32>,
      %mul3A_907 = arith.mulf %get3A_903, %get3A_906 : vector<16xf32>
      %add3A_908 = arith.addf %add3A_900, %mul3A_907 : vector<16xf32>
      %get3A_909 = arith.index_cast %add3A_877 : i32 to index
      %get3A_910 = arith.constant 64 : index
      %get3A_911 = tpu.vector_load %arg10[%get3A_909, %get3A_910] {strides = array<i32>} : memref<128x128xf32, #tpu.memory_space<vmem>>, vector<16xf32>,
      %get3A_912 = arith.index_cast %add3A_877 : i32 to index
      %get3A_913 = arith.constant 64 : index
      %get3A_914 = tpu.vector_load %arg11[%get3A_912, %get3A_913] {strides = array<i32>} : memref<128x128xf32, #tpu.memory_space<vmem>>, vector<16xf32>,
      %mul3A_915 = arith.mulf %get3A_911, %get3A_914 : vector<16xf32>
      %add3A_916 = arith.addf %add3A_908, %mul3A_915 : vector<16xf32>
      %get3A_917 = arith.index_cast %add3A_877 : i32 to index
      %get3A_918 = arith.constant 80 : index
      %get3A_919 = tpu.vector_load %arg10[%get3A_917, %get3A_918] {strides = array<i32>} : memref<128x128xf32, #tpu.memory_space<vmem>>, vector<16xf32>,
      %get3A_920 = arith.index_cast %add3A_877 : i32 to index
      %get3A_921 = arith.constant 80 : index
      %get3A_922 = tpu.vector_load %arg11[%get3A_920, %get3A_921] {strides = array<i32>} : memref<128x128xf32, #tpu.memory_space<vmem>>, vector<16xf32>,
      %mul3A_923 = arith.mulf %get3A_919, %get3A_922 : vector<16xf32>
      %add3A_924 = arith.addf %add3A_916, %mul3A_923 : vector<16xf32>
      %get3A_925 = arith.index_cast %add3A_877 : i32 to index
      %get3A_926 = arith.constant 96 : index
      %get3A_927 = tpu.vector_load %arg10[%get3A_925, %get3A_926] {strides = array<i32>} : memref<128x128xf32, #tpu.memory_space<vmem>>, vector<16xf32>,
      %get3A_928 = arith.index_cast %add3A_877 : i32 to index
      %get3A_929 = arith.constant 96 : index
      %get3A_930 = tpu.vector_load %arg11[%get3A_928, %get3A_929] {strides = array<i32>} : memref<128x128xf32, #tpu.memory_space<vmem>>, vector<16xf32>,
      %mul3A_931 = arith.mulf %get3A_927, %get3A_930 : vector<16xf32>
      %add3A_932 = arith.addf %add3A_924, %mul3A_931 : vector<16xf32>
      %get3A_933 = arith.index_cast %add3A_877 : i32 to index
      %get3A_934 = arith.constant 112 : index
      %get3A_935 = tpu.vector_load %arg10[%get3A_933, %get3A_934] {strides = array<i32>} : memref<128x128xf32, #tpu.memory_space<vmem>>, vector<16xf32>,
      %get3A_936 = arith.index_cast %add3A_877 : i32 to index
      %get3A_937 = arith.constant 112 : index
      %get3A_938 = tpu.vector_load %arg11[%get3A_936, %get3A_937] {strides = array<i32>} : memref<128x128xf32, #tpu.memory_space<vmem>>, vector<16xf32>,
      %mul3A_939 = arith.mulf %get3A_935, %get3A_938 : vector<16xf32>
      %add3A_940 = arith.addf %add3A_932, %mul3A_939 : vector<16xf32>
      %broadcast_in_dim3A_941 = arith.constant 11 : i32
      %broadcast_in_dim3A_942 = vector.broadcast %broadcast_in_dim3A_941 : i32 to vector<16xi32>
      tpu.vector_store_idx %arg12[%iota3A, %broadcast_in_dim3A_942], %add3A_940 : memref<16x16xf32, #tpu.memory_space<vmem>>[vector<16xi32>, vector<16xi32>], vector<16xf32>,
      %add3A_943 = arith.constant 12 : i32
      %add3A_944 = arith.addi %mul3A_140, %add3A_943 : i32
      %get3A_945 = arith.index_cast %add3A_944 : i32 to index
      %get3A_946 = arith.constant 0 : index
      %get3A_947 = tpu.vector_load %arg10[%get3A_945, %get3A_946] {strides = array<i32>} : memref<128x128xf32, #tpu.memory_space<vmem>>, vector<16xf32>,
      %get3A_948 = arith.index_cast %add3A_944 : i32 to index
      %get3A_949 = arith.constant 0 : index
      %get3A_950 = tpu.vector_load %arg11[%get3A_948, %get3A_949] {strides = array<i32>} : memref<128x128xf32, #tpu.memory_space<vmem>>, vector<16xf32>,
      %mul3A_951 = arith.mulf %get3A_947, %get3A_950 : vector<16xf32>
      %get3A_952 = arith.index_cast %add3A_944 : i32 to index
      %get3A_953 = arith.constant 16 : index
      %get3A_954 = tpu.vector_load %arg10[%get3A_952, %get3A_953] {strides = array<i32>} : memref<128x128xf32, #tpu.memory_space<vmem>>, vector<16xf32>,
      %get3A_955 = arith.index_cast %add3A_944 : i32 to index
      %get3A_956 = arith.constant 16 : index
      %get3A_957 = tpu.vector_load %arg11[%get3A_955, %get3A_956] {strides = array<i32>} : memref<128x128xf32, #tpu.memory_space<vmem>>, vector<16xf32>,
      %mul3A_958 = arith.mulf %get3A_954, %get3A_957 : vector<16xf32>
      %add3A_959 = arith.addf %mul3A_951, %mul3A_958 : vector<16xf32>
      %get3A_960 = arith.index_cast %add3A_944 : i32 to index
      %get3A_961 = arith.constant 32 : index
      %get3A_962 = tpu.vector_load %arg10[%get3A_960, %get3A_961] {strides = array<i32>} : memref<128x128xf32, #tpu.memory_space<vmem>>, vector<16xf32>,
      %get3A_963 = arith.index_cast %add3A_944 : i32 to index
      %get3A_964 = arith.constant 32 : index
      %get3A_965 = tpu.vector_load %arg11[%get3A_963, %get3A_964] {strides = array<i32>} : memref<128x128xf32, #tpu.memory_space<vmem>>, vector<16xf32>,
      %mul3A_966 = arith.mulf %get3A_962, %get3A_965 : vector<16xf32>
      %add3A_967 = arith.addf %add3A_959, %mul3A_966 : vector<16xf32>
      %get3A_968 = arith.index_cast %add3A_944 : i32 to index
      %get3A_969 = arith.constant 48 : index
      %get3A_970 = tpu.vector_load %arg10[%get3A_968, %get3A_969] {strides = array<i32>} : memref<128x128xf32, #tpu.memory_space<vmem>>, vector<16xf32>,
      %get3A_971 = arith.index_cast %add3A_944 : i32 to index
      %get3A_972 = arith.constant 48 : index
      %get3A_973 = tpu.vector_load %arg11[%get3A_971, %get3A_972] {strides = array<i32>} : memref<128x128xf32, #tpu.memory_space<vmem>>, vector<16xf32>,
      %mul3A_974 = arith.mulf %get3A_970, %get3A_973 : vector<16xf32>
      %add3A_975 = arith.addf %add3A_967, %mul3A_974 : vector<16xf32>
      %get3A_976 = arith.index_cast %add3A_944 : i32 to index
      %get3A_977 = arith.constant 64 : index
      %get3A_978 = tpu.vector_load %arg10[%get3A_976, %get3A_977] {strides = array<i32>} : memref<128x128xf32, #tpu.memory_space<vmem>>, vector<16xf32>,
      %get3A_979 = arith.index_cast %add3A_944 : i32 to index
      %get3A_980 = arith.constant 64 : index
      %get3A_981 = tpu.vector_load %arg11[%get3A_979, %get3A_980] {strides = array<i32>} : memref<128x128xf32, #tpu.memory_space<vmem>>, vector<16xf32>,
      %mul3A_982 = arith.mulf %get3A_978, %get3A_981 : vector<16xf32>
      %add3A_983 = arith.addf %add3A_975, %mul3A_982 : vector<16xf32>
      %get3A_984 = arith.index_cast %add3A_944 : i32 to index
      %get3A_985 = arith.constant 80 : index
      %get3A_986 = tpu.vector_load %arg10[%get3A_984, %get3A_985] {strides = array<i32>} : memref<128x128xf32, #tpu.memory_space<vmem>>, vector<16xf32>,
      %get3A_987 = arith.index_cast %add3A_944 : i32 to index
      %get3A_988 = arith.constant 80 : index
      %get3A_989 = tpu.vector_load %arg11[%get3A_987, %get3A_988] {strides = array<i32>} : memref<128x128xf32, #tpu.memory_space<vmem>>, vector<16xf32>,
      %mul3A_990 = arith.mulf %get3A_986, %get3A_989 : vector<16xf32>
      %add3A_991 = arith.addf %add3A_983, %mul3A_990 : vector<16xf32>
      %get3A_992 = arith.index_cast %add3A_944 : i32 to index
      %get3A_993 = arith.constant 96 : index
      %get3A_994 = tpu.vector_load %arg10[%get3A_992, %get3A_993] {strides = array<i32>} : memref<128x128xf32, #tpu.memory_space<vmem>>, vector<16xf32>,
      %get3A_995 = arith.index_cast %add3A_944 : i32 to index
      %get3A_996 = arith.constant 96 : index
      %get3A_997 = tpu.vector_load %arg11[%get3A_995, %get3A_996] {strides = array<i32>} : memref<128x128xf32, #tpu.memory_space<vmem>>, vector<16xf32>,
      %mul3A_998 = arith.mulf %get3A_994, %get3A_997 : vector<16xf32>
      %add3A_999 = arith.addf %add3A_991, %mul3A_998 : vector<16xf32>
      %get3A_1000 = arith.index_cast %add3A_944 : i32 to index
      %get3A_1001 = arith.constant 112 : index
      %get3A_1002 = tpu.vector_load %arg10[%get3A_1000, %get3A_1001] {strides = array<i32>} : memref<128x128xf32, #tpu.memory_space<vmem>>, vector<16xf32>,
      %get3A_1003 = arith.index_cast %add3A_944 : i32 to index
      %get3A_1004 = arith.constant 112 : index
      %get3A_1005 = tpu.vector_load %arg11[%get3A_1003, %get3A_1004] {strides = array<i32>} : memref<128x128xf32, #tpu.memory_space<vmem>>, vector<16xf32>,
      %mul3A_1006 = arith.mulf %get3A_1002, %get3A_1005 : vector<16xf32>
      %add3A_1007 = arith.addf %add3A_999, %mul3A_1006 : vector<16xf32>
      %broadcast_in_dim3A_1008 = arith.constant 12 : i32
      %broadcast_in_dim3A_1009 = vector.broadcast %broadcast_in_dim3A_1008 : i32 to vector<16xi32>
      tpu.vector_store_idx %arg12[%iota3A, %broadcast_in_dim3A_1009], %add3A_1007 : memref<16x16xf32, #tpu.memory_space<vmem>>[vector<16xi32>, vector<16xi32>], vector<16xf32>,
      %add3A_1010 = arith.constant 13 : i32
      %add3A_1011 = arith.addi %mul3A_140, %add3A_1010 : i32
      %get3A_1012 = arith.index_cast %add3A_1011 : i32 to index
      %get3A_1013 = arith.constant 0 : index
      %get3A_1014 = tpu.vector_load %arg10[%get3A_1012, %get3A_1013] {strides = array<i32>} : memref<128x128xf32, #tpu.memory_space<vmem>>, vector<16xf32>,
      %get3A_1015 = arith.index_cast %add3A_1011 : i32 to index
      %get3A_1016 = arith.constant 0 : index
      %get3A_1017 = tpu.vector_load %arg11[%get3A_1015, %get3A_1016] {strides = array<i32>} : memref<128x128xf32, #tpu.memory_space<vmem>>, vector<16xf32>,
      %mul3A_1018 = arith.mulf %get3A_1014, %get3A_1017 : vector<16xf32>
      %get3A_1019 = arith.index_cast %add3A_1011 : i32 to index
      %get3A_1020 = arith.constant 16 : index
      %get3A_1021 = tpu.vector_load %arg10[%get3A_1019, %get3A_1020] {strides = array<i32>} : memref<128x128xf32, #tpu.memory_space<vmem>>, vector<16xf32>,
      %get3A_1022 = arith.index_cast %add3A_1011 : i32 to index
      %get3A_1023 = arith.constant 16 : index
      %get3A_1024 = tpu.vector_load %arg11[%get3A_1022, %get3A_1023] {strides = array<i32>} : memref<128x128xf32, #tpu.memory_space<vmem>>, vector<16xf32>,
      %mul3A_1025 = arith.mulf %get3A_1021, %get3A_1024 : vector<16xf32>
      %add3A_1026 = arith.addf %mul3A_1018, %mul3A_1025 : vector<16xf32>
      %get3A_1027 = arith.index_cast %add3A_1011 : i32 to index
      %get3A_1028 = arith.constant 32 : index
      %get3A_1029 = tpu.vector_load %arg10[%get3A_1027, %get3A_1028] {strides = array<i32>} : memref<128x128xf32, #tpu.memory_space<vmem>>, vector<16xf32>,
      %get3A_1030 = arith.index_cast %add3A_1011 : i32 to index
      %get3A_1031 = arith.constant 32 : index
      %get3A_1032 = tpu.vector_load %arg11[%get3A_1030, %get3A_1031] {strides = array<i32>} : memref<128x128xf32, #tpu.memory_space<vmem>>, vector<16xf32>,
      %mul3A_1033 = arith.mulf %get3A_1029, %get3A_1032 : vector<16xf32>
      %add3A_1034 = arith.addf %add3A_1026, %mul3A_1033 : vector<16xf32>
      %get3A_1035 = arith.index_cast %add3A_1011 : i32 to index
      %get3A_1036 = arith.constant 48 : index
      %get3A_1037 = tpu.vector_load %arg10[%get3A_1035, %get3A_1036] {strides = array<i32>} : memref<128x128xf32, #tpu.memory_space<vmem>>, vector<16xf32>,
      %get3A_1038 = arith.index_cast %add3A_1011 : i32 to index
      %get3A_1039 = arith.constant 48 : index
      %get3A_1040 = tpu.vector_load %arg11[%get3A_1038, %get3A_1039] {strides = array<i32>} : memref<128x128xf32, #tpu.memory_space<vmem>>, vector<16xf32>,
      %mul3A_1041 = arith.mulf %get3A_1037, %get3A_1040 : vector<16xf32>
      %add3A_1042 = arith.addf %add3A_1034, %mul3A_1041 : vector<16xf32>
      %get3A_1043 = arith.index_cast %add3A_1011 : i32 to index
      %get3A_1044 = arith.constant 64 : index
      %get3A_1045 = tpu.vector_load %arg10[%get3A_1043, %get3A_1044] {strides = array<i32>} : memref<128x128xf32, #tpu.memory_space<vmem>>, vector<16xf32>,
      %get3A_1046 = arith.index_cast %add3A_1011 : i32 to index
      %get3A_1047 = arith.constant 64 : index
      %get3A_1048 = tpu.vector_load %arg11[%get3A_1046, %get3A_1047] {strides = array<i32>} : memref<128x128xf32, #tpu.memory_space<vmem>>, vector<16xf32>,
      %mul3A_1049 = arith.mulf %get3A_1045, %get3A_1048 : vector<16xf32>
      %add3A_1050 = arith.addf %add3A_1042, %mul3A_1049 : vector<16xf32>
      %get3A_1051 = arith.index_cast %add3A_1011 : i32 to index
      %get3A_1052 = arith.constant 80 : index
      %get3A_1053 = tpu.vector_load %arg10[%get3A_1051, %get3A_1052] {strides = array<i32>} : memref<128x128xf32, #tpu.memory_space<vmem>>, vector<16xf32>,
      %get3A_1054 = arith.index_cast %add3A_1011 : i32 to index
      %get3A_1055 = arith.constant 80 : index
      %get3A_1056 = tpu.vector_load %arg11[%get3A_1054, %get3A_1055] {strides = array<i32>} : memref<128x128xf32, #tpu.memory_space<vmem>>, vector<16xf32>,
      %mul3A_1057 = arith.mulf %get3A_1053, %get3A_1056 : vector<16xf32>
      %add3A_1058 = arith.addf %add3A_1050, %mul3A_1057 : vector<16xf32>
      %get3A_1059 = arith.index_cast %add3A_1011 : i32 to index
      %get3A_1060 = arith.constant 96 : index
      %get3A_1061 = tpu.vector_load %arg10[%get3A_1059, %get3A_1060] {strides = array<i32>} : memref<128x128xf32, #tpu.memory_space<vmem>>, vector<16xf32>,
      %get3A_1062 = arith.index_cast %add3A_1011 : i32 to index
      %get3A_1063 = arith.constant 96 : index
      %get3A_1064 = tpu.vector_load %arg11[%get3A_1062, %get3A_1063] {strides = array<i32>} : memref<128x128xf32, #tpu.memory_space<vmem>>, vector<16xf32>,
      %mul3A_1065 = arith.mulf %get3A_1061, %get3A_1064 : vector<16xf32>
      %add3A_1066 = arith.addf %add3A_1058, %mul3A_1065 : vector<16xf32>
      %get3A_1067 = arith.index_cast %add3A_1011 : i32 to index
      %get3A_1068 = arith.constant 112 : index
      %get3A_1069 = tpu.vector_load %arg10[%get3A_1067, %get3A_1068] {strides = array<i32>} : memref<128x128xf32, #tpu.memory_space<vmem>>, vector<16xf32>,
      %get3A_1070 = arith.index_cast %add3A_1011 : i32 to index
      %get3A_1071 = arith.constant 112 : index
      %get3A_1072 = tpu.vector_load %arg11[%get3A_1070, %get3A_1071] {strides = array<i32>} : memref<128x128xf32, #tpu.memory_space<vmem>>, vector<16xf32>,
      %mul3A_1073 = arith.mulf %get3A_1069, %get3A_1072 : vector<16xf32>
      %add3A_1074 = arith.addf %add3A_1066, %mul3A_1073 : vector<16xf32>
      %broadcast_in_dim3A_1075 = arith.constant 13 : i32
      %broadcast_in_dim3A_1076 = vector.broadcast %broadcast_in_dim3A_1075 : i32 to vector<16xi32>
      tpu.vector_store_idx %arg12[%iota3A, %broadcast_in_dim3A_1076], %add3A_1074 : memref<16x16xf32, #tpu.memory_space<vmem>>[vector<16xi32>, vector<16xi32>], vector<16xf32>,
      %add3A_1077 = arith.constant 14 : i32
      %add3A_1078 = arith.addi %mul3A_140, %add3A_1077 : i32
      %get3A_1079 = arith.index_cast %add3A_1078 : i32 to index
      %get3A_1080 = arith.constant 0 : index
      %get3A_1081 = tpu.vector_load %arg10[%get3A_1079, %get3A_1080] {strides = array<i32>} : memref<128x128xf32, #tpu.memory_space<vmem>>, vector<16xf32>,
      %get3A_1082 = arith.index_cast %add3A_1078 : i32 to index
      %get3A_1083 = arith.constant 0 : index
      %get3A_1084 = tpu.vector_load %arg11[%get3A_1082, %get3A_1083] {strides = array<i32>} : memref<128x128xf32, #tpu.memory_space<vmem>>, vector<16xf32>,
      %mul3A_1085 = arith.mulf %get3A_1081, %get3A_1084 : vector<16xf32>
      %get3A_1086 = arith.index_cast %add3A_1078 : i32 to index
      %get3A_1087 = arith.constant 16 : index
      %get3A_1088 = tpu.vector_load %arg10[%get3A_1086, %get3A_1087] {strides = array<i32>} : memref<128x128xf32, #tpu.memory_space<vmem>>, vector<16xf32>,
      %get3A_1089 = arith.index_cast %add3A_1078 : i32 to index
      %get3A_1090 = arith.constant 16 : index
      %get3A_1091 = tpu.vector_load %arg11[%get3A_1089, %get3A_1090] {strides = array<i32>} : memref<128x128xf32, #tpu.memory_space<vmem>>, vector<16xf32>,
      %mul3A_1092 = arith.mulf %get3A_1088, %get3A_1091 : vector<16xf32>
      %add3A_1093 = arith.addf %mul3A_1085, %mul3A_1092 : vector<16xf32>
      %get3A_1094 = arith.index_cast %add3A_1078 : i32 to index
      %get3A_1095 = arith.constant 32 : index
      %get3A_1096 = tpu.vector_load %arg10[%get3A_1094, %get3A_1095] {strides = array<i32>} : memref<128x128xf32, #tpu.memory_space<vmem>>, vector<16xf32>,
      %get3A_1097 = arith.index_cast %add3A_1078 : i32 to index
      %get3A_1098 = arith.constant 32 : index
      %get3A_1099 = tpu.vector_load %arg11[%get3A_1097, %get3A_1098] {strides = array<i32>} : memref<128x128xf32, #tpu.memory_space<vmem>>, vector<16xf32>,
      %mul3A_1100 = arith.mulf %get3A_1096, %get3A_1099 : vector<16xf32>
      %add3A_1101 = arith.addf %add3A_1093, %mul3A_1100 : vector<16xf32>
      %get3A_1102 = arith.index_cast %add3A_1078 : i32 to index
      %get3A_1103 = arith.constant 48 : index
      %get3A_1104 = tpu.vector_load %arg10[%get3A_1102, %get3A_1103] {strides = array<i32>} : memref<128x128xf32, #tpu.memory_space<vmem>>, vector<16xf32>,
      %get3A_1105 = arith.index_cast %add3A_1078 : i32 to index
      %get3A_1106 = arith.constant 48 : index
      %get3A_1107 = tpu.vector_load %arg11[%get3A_1105, %get3A_1106] {strides = array<i32>} : memref<128x128xf32, #tpu.memory_space<vmem>>, vector<16xf32>,
      %mul3A_1108 = arith.mulf %get3A_1104, %get3A_1107 : vector<16xf32>
      %add3A_1109 = arith.addf %add3A_1101, %mul3A_1108 : vector<16xf32>
      %get3A_1110 = arith.index_cast %add3A_1078 : i32 to index
      %get3A_1111 = arith.constant 64 : index
      %get3A_1112 = tpu.vector_load %arg10[%get3A_1110, %get3A_1111] {strides = array<i32>} : memref<128x128xf32, #tpu.memory_space<vmem>>, vector<16xf32>,
      %get3A_1113 = arith.index_cast %add3A_1078 : i32 to index
      %get3A_1114 = arith.constant 64 : index
      %get3A_1115 = tpu.vector_load %arg11[%get3A_1113, %get3A_1114] {strides = array<i32>} : memref<128x128xf32, #tpu.memory_space<vmem>>, vector<16xf32>,
      %mul3A_1116 = arith.mulf %get3A_1112, %get3A_1115 : vector<16xf32>
      %add3A_1117 = arith.addf %add3A_1109, %mul3A_1116 : vector<16xf32>
      %get3A_1118 = arith.index_cast %add3A_1078 : i32 to index
      %get3A_1119 = arith.constant 80 : index
      %get3A_1120 = tpu.vector_load %arg10[%get3A_1118, %get3A_1119] {strides = array<i32>} : memref<128x128xf32, #tpu.memory_space<vmem>>, vector<16xf32>,
      %get3A_1121 = arith.index_cast %add3A_1078 : i32 to index
      %get3A_1122 = arith.constant 80 : index
      %get3A_1123 = tpu.vector_load %arg11[%get3A_1121, %get3A_1122] {strides = array<i32>} : memref<128x128xf32, #tpu.memory_space<vmem>>, vector<16xf32>,
      %mul3A_1124 = arith.mulf %get3A_1120, %get3A_1123 : vector<16xf32>
      %add3A_1125 = arith.addf %add3A_1117, %mul3A_1124 : vector<16xf32>
      %get3A_1126 = arith.index_cast %add3A_1078 : i32 to index
      %get3A_1127 = arith.constant 96 : index
      %get3A_1128 = tpu.vector_load %arg10[%get3A_1126, %get3A_1127] {strides = array<i32>} : memref<128x128xf32, #tpu.memory_space<vmem>>, vector<16xf32>,
      %get3A_1129 = arith.index_cast %add3A_1078 : i32 to index
      %get3A_1130 = arith.constant 96 : index
      %get3A_1131 = tpu.vector_load %arg11[%get3A_1129, %get3A_1130] {strides = array<i32>} : memref<128x128xf32, #tpu.memory_space<vmem>>, vector<16xf32>,
      %mul3A_1132 = arith.mulf %get3A_1128, %get3A_1131 : vector<16xf32>
      %add3A_1133 = arith.addf %add3A_1125, %mul3A_1132 : vector<16xf32>
      %get3A_1134 = arith.index_cast %add3A_1078 : i32 to index
      %get3A_1135 = arith.constant 112 : index
      %get3A_1136 = tpu.vector_load %arg10[%get3A_1134, %get3A_1135] {strides = array<i32>} : memref<128x128xf32, #tpu.memory_space<vmem>>, vector<16xf32>,
      %get3A_1137 = arith.index_cast %add3A_1078 : i32 to index
      %get3A_1138 = arith.constant 112 : index
      %get3A_1139 = tpu.vector_load %arg11[%get3A_1137, %get3A_1138] {strides = array<i32>} : memref<128x128xf32, #tpu.memory_space<vmem>>, vector<16xf32>,
      %mul3A_1140 = arith.mulf %get3A_1136, %get3A_1139 : vector<16xf32>
      %add3A_1141 = arith.addf %add3A_1133, %mul3A_1140 : vector<16xf32>
      %broadcast_in_dim3A_1142 = arith.constant 14 : i32
      %broadcast_in_dim3A_1143 = vector.broadcast %broadcast_in_dim3A_1142 : i32 to vector<16xi32>
      tpu.vector_store_idx %arg12[%iota3A, %broadcast_in_dim3A_1143], %add3A_1141 : memref<16x16xf32, #tpu.memory_space<vmem>>[vector<16xi32>, vector<16xi32>], vector<16xf32>,
      %add3A_1144 = arith.constant 15 : i32
      %add3A_1145 = arith.addi %mul3A_140, %add3A_1144 : i32
      %get3A_1146 = arith.index_cast %add3A_1145 : i32 to index
      %get3A_1147 = arith.constant 0 : index
      %get3A_1148 = tpu.vector_load %arg10[%get3A_1146, %get3A_1147] {strides = array<i32>} : memref<128x128xf32, #tpu.memory_space<vmem>>, vector<16xf32>,
      %get3A_1149 = arith.index_cast %add3A_1145 : i32 to index
      %get3A_1150 = arith.constant 0 : index
      %get3A_1151 = tpu.vector_load %arg11[%get3A_1149, %get3A_1150] {strides = array<i32>} : memref<128x128xf32, #tpu.memory_space<vmem>>, vector<16xf32>,
      %mul3A_1152 = arith.mulf %get3A_1148, %get3A_1151 : vector<16xf32>
      %get3A_1153 = arith.index_cast %add3A_1145 : i32 to index
      %get3A_1154 = arith.constant 16 : index
      %get3A_1155 = tpu.vector_load %arg10[%get3A_1153, %get3A_1154] {strides = array<i32>} : memref<128x128xf32, #tpu.memory_space<vmem>>, vector<16xf32>,
      %get3A_1156 = arith.index_cast %add3A_1145 : i32 to index
      %get3A_1157 = arith.constant 16 : index
      %get3A_1158 = tpu.vector_load %arg11[%get3A_1156, %get3A_1157] {strides = array<i32>} : memref<128x128xf32, #tpu.memory_space<vmem>>, vector<16xf32>,
      %mul3A_1159 = arith.mulf %get3A_1155, %get3A_1158 : vector<16xf32>
      %add3A_1160 = arith.addf %mul3A_1152, %mul3A_1159 : vector<16xf32>
      %get3A_1161 = arith.index_cast %add3A_1145 : i32 to index
      %get3A_1162 = arith.constant 32 : index
      %get3A_1163 = tpu.vector_load %arg10[%get3A_1161, %get3A_1162] {strides = array<i32>} : memref<128x128xf32, #tpu.memory_space<vmem>>, vector<16xf32>,
      %get3A_1164 = arith.index_cast %add3A_1145 : i32 to index
      %get3A_1165 = arith.constant 32 : index
      %get3A_1166 = tpu.vector_load %arg11[%get3A_1164, %get3A_1165] {strides = array<i32>} : memref<128x128xf32, #tpu.memory_space<vmem>>, vector<16xf32>,
      %mul3A_1167 = arith.mulf %get3A_1163, %get3A_1166 : vector<16xf32>
      %add3A_1168 = arith.addf %add3A_1160, %mul3A_1167 : vector<16xf32>
      %get3A_1169 = arith.index_cast %add3A_1145 : i32 to index
      %get3A_1170 = arith.constant 48 : index
      %get3A_1171 = tpu.vector_load %arg10[%get3A_1169, %get3A_1170] {strides = array<i32>} : memref<128x128xf32, #tpu.memory_space<vmem>>, vector<16xf32>,
      %get3A_1172 = arith.index_cast %add3A_1145 : i32 to index
      %get3A_1173 = arith.constant 48 : index
      %get3A_1174 = tpu.vector_load %arg11[%get3A_1172, %get3A_1173] {strides = array<i32>} : memref<128x128xf32, #tpu.memory_space<vmem>>, vector<16xf32>,
      %mul3A_1175 = arith.mulf %get3A_1171, %get3A_1174 : vector<16xf32>
      %add3A_1176 = arith.addf %add3A_1168, %mul3A_1175 : vector<16xf32>
      %get3A_1177 = arith.index_cast %add3A_1145 : i32 to index
      %get3A_1178 = arith.constant 64 : index
      %get3A_1179 = tpu.vector_load %arg10[%get3A_1177, %get3A_1178] {strides = array<i32>} : memref<128x128xf32, #tpu.memory_space<vmem>>, vector<16xf32>,
      %get3A_1180 = arith.index_cast %add3A_1145 : i32 to index
      %get3A_1181 = arith.constant 64 : index
      %get3A_1182 = tpu.vector_load %arg11[%get3A_1180, %get3A_1181] {strides = array<i32>} : memref<128x128xf32, #tpu.memory_space<vmem>>, vector<16xf32>,
      %mul3A_1183 = arith.mulf %get3A_1179, %get3A_1182 : vector<16xf32>
      %add3A_1184 = arith.addf %add3A_1176, %mul3A_1183 : vector<16xf32>
      %get3A_1185 = arith.index_cast %add3A_1145 : i32 to index
      %get3A_1186 = arith.constant 80 : index
      %get3A_1187 = tpu.vector_load %arg10[%get3A_1185, %get3A_1186] {strides = array<i32>} : memref<128x128xf32, #tpu.memory_space<vmem>>, vector<16xf32>,
      %get3A_1188 = arith.index_cast %add3A_1145 : i32 to index
      %get3A_1189 = arith.constant 80 : index
      %get3A_1190 = tpu.vector_load %arg11[%get3A_1188, %get3A_1189] {strides = array<i32>} : memref<128x128xf32, #tpu.memory_space<vmem>>, vector<16xf32>,
      %mul3A_1191 = arith.mulf %get3A_1187, %get3A_1190 : vector<16xf32>
      %add3A_1192 = arith.addf %add3A_1184, %mul3A_1191 : vector<16xf32>
      %get3A_1193 = arith.index_cast %add3A_1145 : i32 to index
      %get3A_1194 = arith.constant 96 : index
      %get3A_1195 = tpu.vector_load %arg10[%get3A_1193, %get3A_1194] {strides = array<i32>} : memref<128x128xf32, #tpu.memory_space<vmem>>, vector<16xf32>,
      %get3A_1196 = arith.index_cast %add3A_1145 : i32 to index
      %get3A_1197 = arith.constant 96 : index
      %get3A_1198 = tpu.vector_load %arg11[%get3A_1196, %get3A_1197] {strides = array<i32>} : memref<128x128xf32, #tpu.memory_space<vmem>>, vector<16xf32>,
      %mul3A_1199 = arith.mulf %get3A_1195, %get3A_1198 : vector<16xf32>
      %add3A_1200 = arith.addf %add3A_1192, %mul3A_1199 : vector<16xf32>
      %get3A_1201 = arith.index_cast %add3A_1145 : i32 to index
      %get3A_1202 = arith.constant 112 : index
      %get3A_1203 = tpu.vector_load %arg10[%get3A_1201, %get3A_1202] {strides = array<i32>} : memref<128x128xf32, #tpu.memory_space<vmem>>, vector<16xf32>,
      %get3A_1204 = arith.index_cast %add3A_1145 : i32 to index
      %get3A_1205 = arith.constant 112 : index
      %get3A_1206 = tpu.vector_load %arg11[%get3A_1204, %get3A_1205] {strides = array<i32>} : memref<128x128xf32, #tpu.memory_space<vmem>>, vector<16xf32>,
      %mul3A_1207 = arith.mulf %get3A_1203, %get3A_1206 : vector<16xf32>
      %add3A_1208 = arith.addf %add3A_1200, %mul3A_1207 : vector<16xf32>
      %broadcast_in_dim3A_1209 = arith.constant 15 : i32
      %broadcast_in_dim3A_1210 = vector.broadcast %broadcast_in_dim3A_1209 : i32 to vector<16xi32>
      tpu.vector_store_idx %arg12[%iota3A, %broadcast_in_dim3A_1210], %add3A_1208 : memref<16x16xf32, #tpu.memory_space<vmem>>[vector<16xi32>, vector<16xi32>], vector<16xf32>,
      %get3A_1211 = arith.constant 0 : i32
      %get3A_1212 = arith.index_cast %get3A_1211 : i32 to index
      %get3A_1213 = arith.constant 0 : index
      %get3A_1214 = tpu.vector_load %arg12[%get3A_1212, %get3A_1213] {strides = array<i32>} : memref<16x16xf32, #tpu.memory_space<vmem>>, vector<16xf32>,
      %get3A_1215 = arith.constant 1 : i32
      %get3A_1216 = arith.index_cast %get3A_1215 : i32 to index
      %get3A_1217 = arith.constant 0 : index
      %get3A_1218 = tpu.vector_load %arg12[%get3A_1216, %get3A_1217] {strides = array<i32>} : memref<16x16xf32, #tpu.memory_space<vmem>>, vector<16xf32>,
      %add3A_1219 = arith.addf %get3A_1214, %get3A_1218 : vector<16xf32>
      %get3A_1220 = arith.constant 2 : i32
      %get3A_1221 = arith.index_cast %get3A_1220 : i32 to index
      %get3A_1222 = arith.constant 0 : index
      %get3A_1223 = tpu.vector_load %arg12[%get3A_1221, %get3A_1222] {strides = array<i32>} : memref<16x16xf32, #tpu.memory_space<vmem>>, vector<16xf32>,
      %add3A_1224 = arith.addf %add3A_1219, %get3A_1223 : vector<16xf32>
      %get3A_1225 = arith.constant 3 : i32
      %get3A_1226 = arith.index_cast %get3A_1225 : i32 to index
      %get3A_1227 = arith.constant 0 : index
      %get3A_1228 = tpu.vector_load %arg12[%get3A_1226, %get3A_1227] {strides = array<i32>} : memref<16x16xf32, #tpu.memory_space<vmem>>, vector<16xf32>,
      %add3A_1229 = arith.addf %add3A_1224, %get3A_1228 : vector<16xf32>
      %get3A_1230 = arith.constant 4 : i32
      %get3A_1231 = arith.index_cast %get3A_1230 : i32 to index
      %get3A_1232 = arith.constant 0 : index
      %get3A_1233 = tpu.vector_load %arg12[%get3A_1231, %get3A_1232] {strides = array<i32>} : memref<16x16xf32, #tpu.memory_space<vmem>>, vector<16xf32>,
      %add3A_1234 = arith.addf %add3A_1229, %get3A_1233 : vector<16xf32>
      %get3A_1235 = arith.constant 5 : i32
      %get3A_1236 = arith.index_cast %get3A_1235 : i32 to index
      %get3A_1237 = arith.constant 0 : index
      %get3A_1238 = tpu.vector_load %arg12[%get3A_1236, %get3A_1237] {strides = array<i32>} : memref<16x16xf32, #tpu.memory_space<vmem>>, vector<16xf32>,
      %add3A_1239 = arith.addf %add3A_1234, %get3A_1238 : vector<16xf32>
      %get3A_1240 = arith.constant 6 : i32
      %get3A_1241 = arith.index_cast %get3A_1240 : i32 to index
      %get3A_1242 = arith.constant 0 : index
      %get3A_1243 = tpu.vector_load %arg12[%get3A_1241, %get3A_1242] {strides = array<i32>} : memref<16x16xf32, #tpu.memory_space<vmem>>, vector<16xf32>,
      %add3A_1244 = arith.addf %add3A_1239, %get3A_1243 : vector<16xf32>
      %get3A_1245 = arith.constant 7 : i32
      %get3A_1246 = arith.index_cast %get3A_1245 : i32 to index
      %get3A_1247 = arith.constant 0 : index
      %get3A_1248 = tpu.vector_load %arg12[%get3A_1246, %get3A_1247] {strides = array<i32>} : memref<16x16xf32, #tpu.memory_space<vmem>>, vector<16xf32>,
      %add3A_1249 = arith.addf %add3A_1244, %get3A_1248 : vector<16xf32>
      %get3A_1250 = arith.constant 8 : i32
      %get3A_1251 = arith.index_cast %get3A_1250 : i32 to index
      %get3A_1252 = arith.constant 0 : index
      %get3A_1253 = tpu.vector_load %arg12[%get3A_1251, %get3A_1252] {strides = array<i32>} : memref<16x16xf32, #tpu.memory_space<vmem>>, vector<16xf32>,
      %add3A_1254 = arith.addf %add3A_1249, %get3A_1253 : vector<16xf32>
      %get3A_1255 = arith.constant 9 : i32
      %get3A_1256 = arith.index_cast %get3A_1255 : i32 to index
      %get3A_1257 = arith.constant 0 : index
      %get3A_1258 = tpu.vector_load %arg12[%get3A_1256, %get3A_1257] {strides = array<i32>} : memref<16x16xf32, #tpu.memory_space<vmem>>, vector<16xf32>,
      %add3A_1259 = arith.addf %add3A_1254, %get3A_1258 : vector<16xf32>
      %get3A_1260 = arith.constant 10 : i32
      %get3A_1261 = arith.index_cast %get3A_1260 : i32 to index
      %get3A_1262 = arith.constant 0 : index
      %get3A_1263 = tpu.vector_load %arg12[%get3A_1261, %get3A_1262] {strides = array<i32>} : memref<16x16xf32, #tpu.memory_space<vmem>>, vector<16xf32>,
      %add3A_1264 = arith.addf %add3A_1259, %get3A_1263 : vector<16xf32>
      %get3A_1265 = arith.constant 11 : i32
      %get3A_1266 = arith.index_cast %get3A_1265 : i32 to index
      %get3A_1267 = arith.constant 0 : index
      %get3A_1268 = tpu.vector_load %arg12[%get3A_1266, %get3A_1267] {strides = array<i32>} : memref<16x16xf32, #tpu.memory_space<vmem>>, vector<16xf32>,
      %add3A_1269 = arith.addf %add3A_1264, %get3A_1268 : vector<16xf32>
      %get3A_1270 = arith.constant 12 : i32
      %get3A_1271 = arith.index_cast %get3A_1270 : i32 to index
      %get3A_1272 = arith.constant 0 : index
      %get3A_1273 = tpu.vector_load %arg12[%get3A_1271, %get3A_1272] {strides = array<i32>} : memref<16x16xf32, #tpu.memory_space<vmem>>, vector<16xf32>,
      %add3A_1274 = arith.addf %add3A_1269, %get3A_1273 : vector<16xf32>
      %get3A_1275 = arith.constant 13 : i32
      %get3A_1276 = arith.index_cast %get3A_1275 : i32 to index
      %get3A_1277 = arith.constant 0 : index
      %get3A_1278 = tpu.vector_load %arg12[%get3A_1276, %get3A_1277] {strides = array<i32>} : memref<16x16xf32, #tpu.memory_space<vmem>>, vector<16xf32>,
      %add3A_1279 = arith.addf %add3A_1274, %get3A_1278 : vector<16xf32>
      %get3A_1280 = arith.constant 14 : i32
      %get3A_1281 = arith.index_cast %get3A_1280 : i32 to index
      %get3A_1282 = arith.constant 0 : index
      %get3A_1283 = tpu.vector_load %arg12[%get3A_1281, %get3A_1282] {strides = array<i32>} : memref<16x16xf32, #tpu.memory_space<vmem>>, vector<16xf32>,
      %add3A_1284 = arith.addf %add3A_1279, %get3A_1283 : vector<16xf32>
      %get3A_1285 = arith.constant 15 : i32
      %get3A_1286 = arith.index_cast %get3A_1285 : i32 to index
      %get3A_1287 = arith.constant 0 : index
      %get3A_1288 = tpu.vector_load %arg12[%get3A_1286, %get3A_1287] {strides = array<i32>} : memref<16x16xf32, #tpu.memory_space<vmem>>, vector<16xf32>,
      %add3A_1289 = arith.addf %add3A_1284, %get3A_1288 : vector<16xf32>
      %add3A_1290 = arith.constant 384 : i32
      %add3A_1291 = arith.addi %add3A_1290, %mul3A_140 : i32
      %swap3A = arith.index_cast %add3A_1291 : i32 to index
      %swap3A_1292 = tpu.vector_load %arg13[%swap3A] {strides = array<i32>} : memref<512xf32, #tpu.memory_space<vmem>>, vector<16xf32>,
      tpu.vector_store %arg13[%swap3A], %add3A_1289 {strides = array<i32>} : memref<512xf32, #tpu.memory_space<vmem>>, vector<16xf32>,
    }
    %scan3A_131 = arith.constant 8 : i32
    %mul3A_132 = arith.constant 512 : i32
    %mul3A_133 = arith.muli %add3A, %mul3A_132 : i32
    "tpu.region"() ({
      %run_scoped3A = tpu.sem_alloc : memref<!tpu.dma_semaphore, #tpu.memory_space<semaphore_mem>>
      %dma_start3A_134 = tpu.memref_slice %arg5[%mul3A_133] : memref<16384xf32, #tpu.memory_space<hbm>> -> memref<512xf32, #tpu.memory_space<hbm>>
      %dma_start3A_135 = tpu.memref_slice %arg5[%mul3A_133] : memref<16384xf32, #tpu.memory_space<hbm>> -> memref<512xf32, #tpu.memory_space<hbm>>
      tpu.enqueue_dma source(%arg13 : memref<512xf32, #tpu.memory_space<vmem>>) target(%dma_start3A_135 : memref<512xf32, #tpu.memory_space<hbm>>) target_semaphore(%run_scoped3A : memref<!tpu.dma_semaphore, #tpu.memory_space<semaphore_mem>>)
      %dma_wait3A_136 = tpu.memref_slice %arg5[%mul3A_133] : memref<16384xf32, #tpu.memory_space<hbm>> -> memref<512xf32, #tpu.memory_space<hbm>>
      %dma_wait3A_137 = tpu.memref_slice %arg5[%mul3A_133] : memref<16384xf32, #tpu.memory_space<hbm>> -> memref<512xf32, #tpu.memory_space<hbm>>
      tpu.wait_dma2 semaphore(%run_scoped3A : memref<!tpu.dma_semaphore, #tpu.memory_space<semaphore_mem>>) src(%arg13 : memref<512xf32, #tpu.memory_space<vmem>>) dst(%dma_wait3A_137 : memref<512xf32, #tpu.memory_space<hbm>>)
      tpu.yield
    }) : () -> ()
    return
  }
}

</mosaic_0001>

<sc_bundles>
// kernel: kernel.3.cloned.1.call-start
scs
__scs_entry_jumppad:
0x0: {  	(pc) =	sbr.rel $0x88, $3  }
0x1: {  	(tag) =	ssettag $0x0;
	lr =	simm.s32 $0x1  }
0x2: {  	[smem:$0x3F9F] =	sst lr;
	_ =	strace $0xD0000000  }
0x3: {  	_ = 	snop  }
0x4: {  	_ = 	snop  }
0x5: {  	_ = 	snop  }
0x6: {  	_ = 	snop  }
0x7: {  	_ = 	snop  }
__scs_overlays_trampoline_lowered:
0x8: {  	[smem:$0x3FAE] =	sst s0  }
0x9: {  	[smem:$0x3FAF] =	sst s1  }
0xa: {  	[smem:$0x3FB0] =	sst s2  }
0xb: {  	[smem:$0x3FB1] =	sst s3  }
0xc: {  	[smem:$0x3FB2] =	sst s4  }
0xd: {  	[smem:$0x3FB3] =	sst s5  }
0xe: {  	[smem:$0x3FB4] =	sst s6  }
0xf: {  	[smem:$0x3FB5] =	sst s7  }
0x10: {  	[smem:$0x3FB6] =	sst s8  }
0x11: {  	[smem:$0x3FB7] =	sst s9;
	s0 =	simm.s32 @!p0 $0x0  }
0x12: {  	s1 =	sld [smem:$0x3F9D];
	s0 =	simm.s32 @p0 $0x1  }
0x13: {  	[smem:$0x3FB8] =	sst s0;
	s0 =	simm.s32 @!p1 $0x0  }
0x14: {  	s2 =	sld [smem:$0x3F9C];
	s0 =	simm.s32 @p1 $0x1  }
0x15: {  	[smem:$0x3FB9] =	sst s0;
	s0 =	simm.s32 @!p2 $0x0  }
0x16: {  	s3 =	sld [smem:$0x3FDB];
	s0 =	simm.s32 @p2 $0x1  }
0x17: {  	s4 =	simm.s32 $0x1BF5;
	[smem:$0x3FBB] =	sst s0  }
0x18: {  	s0 =	sld [smem:$0x3F9E];
	_ =	swait.ge [sflag:s4], $0x0  }
0x19: {  	s7 =	sld [smem:$0x3F9F]  }
0x1a: {  	s8 =	sadd.s32 $0xFFFFE003, lr  }
0x1b: {  	s9 =	sadd.s32 $0xFFFFFEF7, lr;
	s5 =	simm.s32 $0xFFFFFFFF;
	p2 =	slt.u32 s8, $0xFFFFF086  }
0x1c: {  	p1 =	slt.u32 s9, $0xF7A;
	s5 =	simm.s32 @!p2 $0x0  }
0x1d: {  	s5 =	simm.s32 @p1 $0x1;
	p0 =	seq.s32 s7, s2  }
0x1e: {  	s7 =	smul.u32 @!p0 $0xF7A, s2;
	p2 =	seq.s32 @!p0 s5, $0x0  }
0x1f: {  	s9 =	smul.u32 $0xF7A, s1;
	s8 =	simm.s32 @!p0 $0x1BF5;
	p2 =	por !p2, p0  }
0x20: {  	[sflag:s8] =	ssyncset.s32 @!p0 $0xFFFFF086;
	s6 =	sadd.s32 @!p0 s3, s7;
	s7 =	simm.s32 @!p0 $0x108  }
0x21: {  	s3 =	sadd.s32 s3, s9;
	s6 =	sadd.s32 @!p0 $0x88, s6;
	s7 =	simm.s32 @p2 $0x1082  }
0x22: {  	[simem:s7], [sflag:s8] =	dma.local @!p0 [hbm:s6], $0xF7A  }
0x23: {  	s9 =	sor.u32 $0xD0000000, s2;
	s6 =	simm.s32 $0x108;
	_ =	swait.ge @!p0 [sflag:s8], $0x0  }
0x24: {  	s3 =	sadd.s32 $0x88, s3;
	s6 =	simm.s32 @!p1 $0x1082;
	[sflag:s4] =	ssyncset.s32 $0xFFFFF086  }
0x25: {  	[simem:s6], [sflag:s4] =	dma.local [hbm:s3], $0xF7A  }
0x26: {  	[smem:$0x3F9F] =	sst s1;
	(tag) =	ssettag s2;
	_ =	strace s9  }
0x27: {  	s1 =	sld [smem:$0x3FAF]  }
0x28: {  	s2 =	sld [smem:$0x3FB0]  }
0x29: {  	s4 =	sld [smem:$0x3FB2]  }
0x2a: {  	p0 =	seq.s32 s5, $0x0;
	s5 =	sld [smem:$0x3FB3]  }
0x2b: {  	s6 =	sld [smem:$0x3FB4]  }
0x2c: {  	s7 =	sld [smem:$0x3FB5]  }
0x2d: {  	s3 =	simm.s32 $0x108;
	s8 =	sld [smem:$0x3FB6]  }
0x2e: {  	s3 =	simm.s32 @!p0 $0x1082;
	s9 =	sld [smem:$0x3FB7]  }
0x2f: {  	lr =	sadd.s32 s0, s3;
	s0 =	sld [smem:$0x3FAE]  }
0x30: {  	s3 =	sld [smem:$0x3FB1]  }
0x31: {  	[smem:$0x3FBA] =	sst s10  }
0x32: {  	s10 =	sld [smem:$0x3FB8];
	_ =	sdelay $0x3  }
0x33: {  	p0 =	seq.s32 s10, $0x1;
	s10 =	sld [smem:$0x3FBA];
	_ =	sdelay $0x3  }
0x34: {  	[smem:$0x3FBA] =	sst s10  }
0x35: {  	s10 =	sld [smem:$0x3FB9];
	_ =	sdelay $0x3  }
0x36: {  	p1 =	seq.s32 s10, $0x1;
	s10 =	sld [smem:$0x3FBA];
	_ =	sdelay $0x3  }
0x37: {  	[smem:$0x3FBA] =	sst s10  }
0x38: {  	s10 =	sld [smem:$0x3FBB]  }
0x39: {  	_ = 	snop;
	(pc) =	sbr.ind lr, $3  }
0x3a: {  	_ = 	snop  }
0x3b: {  	_ = 	snop  }
0x3c: {  	p2 =	seq.s32 s10, $0x1;
	s10 =	sld [smem:$0x3FBA]  }
0x3d: {  	_ =	shalt  }
0x3e: {  	_ =	shalt  }
0x3f: {  	_ =	shalt  }
0x40: {  	_ =	shalt  }
0x41: {  	_ =	shalt  }
0x42: {  	_ =	shalt  }
0x43: {  	_ =	shalt  }
0x44: {  	_ =	shalt  }
0x45: {  	_ =	shalt  }
0x46: {  	_ =	shalt  }
0x47: {  	_ =	shalt  }
0x48: {  	_ =	shalt  }
0x49: {  	_ =	shalt  }
0x4a: {  	_ =	shalt  }
0x4b: {  	_ =	shalt  }
0x4c: {  	_ =	shalt  }
0x4d: {  	_ =	shalt  }
0x4e: {  	_ =	shalt  }
0x4f: {  	_ =	shalt  }
0x50: {  	_ =	shalt  }
0x51: {  	_ =	shalt  }
0x52: {  	_ =	shalt  }
0x53: {  	_ =	shalt  }
0x54: {  	_ =	shalt  }
0x55: {  	_ =	shalt  }
0x56: {  	_ =	shalt  }
0x57: {  	_ =	shalt  }
0x58: {  	_ =	shalt  }
0x59: {  	_ =	shalt  }
0x5a: {  	_ =	shalt  }
0x5b: {  	_ =	shalt  }
0x5c: {  	_ =	shalt  }
0x5d: {  	_ =	shalt  }
0x5e: {  	_ =	shalt  }
0x5f: {  	_ =	shalt  }
0x60: {  	_ =	shalt  }
0x61: {  	_ =	shalt  }
0x62: {  	_ =	shalt  }
0x63: {  	_ =	shalt  }
0x64: {  	_ =	shalt  }
0x65: {  	_ =	shalt  }
0x66: {  	_ =	shalt  }
0x67: {  	_ =	shalt  }
0x68: {  	_ =	shalt  }
0x69: {  	_ =	shalt  }
0x6a: {  	_ =	shalt  }
0x6b: {  	_ =	shalt  }
0x6c: {  	_ =	shalt  }
0x6d: {  	_ =	shalt  }
0x6e: {  	_ =	shalt  }
0x6f: {  	_ =	shalt  }
0x70: {  	_ =	shalt  }
0x71: {  	_ =	shalt  }
0x72: {  	_ =	shalt  }
0x73: {  	_ =	shalt  }
0x74: {  	_ =	shalt  }
0x75: {  	_ =	shalt  }
0x76: {  	_ =	shalt  }
0x77: {  	_ =	shalt  }
0x78: {  	_ =	shalt  }
0x79: {  	_ =	shalt  }
0x7a: {  	_ =	shalt  }
0x7b: {  	_ =	shalt  }
0x7c: {  	_ =	shalt  }
0x7d: {  	_ =	shalt  }
0x7e: {  	_ =	shalt  }
0x7f: {  	_ =	shalt  }
0x80: {  	_ =	shalt  }
0x81: {  	_ =	shalt  }
0x82: {  	_ =	shalt  }
0x83: {  	_ =	shalt  }
0x84: {  	_ =	shalt  }
0x85: {  	_ =	shalt  }
0x86: {  	_ =	shalt  }
0x87: {  	_ =	shalt  }
.Lfunc_end0:
.L_simem_size_0:
called_computation_lowered:
.L_overlay_start_0:
0x88: {  	s2 =	sld [smem:$0x3FD9]  }
0x89: {  	s3 =	sld [smem:$0x3FFE];
	_ =	sdelay $0x1  }
0x8a: {  	s1 =	srdreg.scid  }
0x8b: {  	s0 =	sand.u32 $0x1, s1  }
0x8c: {  	s17 =	sshll.u32 s0, $0xA;
	s2 =	sadd.s32 s3, s2  }
0x8d: {  	s2 =	sadd.s32 s2, s17  }
0x8e: {  	[smem:$0x3FC6] =	sst s2  }
0x8f: {  	_ = 	snop  }
0x90: {  	s2 =	sld [smem:$0x3FC8]  }
0x91: {  	s18 =	sld [smem:$0x3FD0];
	(tm) =	ssettm $0x1  }
0x92: {  	s4 =	sld [smem:$0x3FFB];
	_ =	sdelay $0x3  }
0x93: {  	_ =	strace s4  }
0x94: {  	s4 =	sld [smem:$0x3FFC];
	_ =	sdelay $0x3  }
0x95: {  	_ =	strace s4  }
0x96: {  	s4 =	sld [smem:$0x3FFD];
	_ =	sdelay $0x3  }
0x97: {  	_ =	strace s4  }
0x98: {  	_ =	strace $0x8FFFFFFF  }
0x99: {  	s19 =	sld [smem:$0x3FDB];
	_ =	sdelay $0x1  }
0x9a: {  	s5 =	simm.s32 $_scs_section_size  }
0x9b: {  	s6 =	simm.s32 $_size__tile_overlayer_lowered;
	s7 =	simm.s32 $_tile_overlayer_lowered  }
0x9c: {  	s22 =	simm.s32 $0x1BFF;
	s21 =	sshll.u32 s7, $0x1;
	s4 =	sadd.s32 s5, s19  }
0x9d: {  	s8 =	simm.s32 $0x0;
	s20 =	sshll.u32 s6, $0x1;
	s6 =	sadd.s32 s21, s4  }
0x9e: {  	[timem:s8], [sflag:s22] =	dma.local [hbm:s6], s20  }
0x9f: {  	_ =	swait.ge [sflag:s22], s20  }
0xa0: {  	s5 =	ssub.s32 $0x0, s20;
	[sflag:s22] =	ssyncset.done $0x0  }
0xa1: {  	[sflag:s22] =	ssyncadd.s32 s5;
	_ =	sdelay $0x1  }
0xa2: {  	s23 =	simm.s32 $0x1B8B  }
0xa3: {  	_ =	swait.ge [sflag:s23], $0x1  }
0xa4: {  	[sflag:s23] =	ssyncset.done $0x0  }
0xa5: {  	s25 =	simm.s32 $0x1B8E;
	s24 =	sld [smem:$0x3FFE];
	[sflag:s23] =	ssyncadd.s32 $0xFFFFFFFF  }
0xa6: {  	s26 =	simm.s32 $execute0_lowered;
	[smem:$0x3FD2] =	sst s25  }
0xa7: {  	s6 =	sshll.u32 s26, $0x1;
	_ =	strace $0x80000046;
	[dreg:$0x1] =	wrdreg $0xFFFFFFFF  }
0xa8: {  	s28 =	simm.s32 $_size_execute0_lowered;
	s4 =	sadd.s32 s4, s6;
	[dreg:$0x0] =	wrdreg $0x0  }
0xa9: {  	s6 =	sshll.u32 s28, $0x1;
	[dreg:$0x2] =	wrdreg s4  }
0xaa: {  	[dreg:$0x3] =	wrdreg s6  }
0xab: {  	[dreg:$0x4] =	wrdreg $0xC0  }
0xac: {  	_ =	task [dreg:s8], $0x5FFFF  }
0xad: {  	[dreg:$0x1] =	wrdreg $0xFFFFFFFF  }
0xae: {  	[dreg:$0x0] =	wrdreg $0x60  }
0xaf: {  	[dreg:$0x2] =	wrdreg s24  }
0xb0: {  	[dreg:$0x3] =	wrdreg s2  }
0xb1: {  	[dreg:$0x4] =	wrdreg s18  }
0xb2: {  	[dreg:$0x5] =	wrdreg $0x9  }
0xb3: {  	_ =	task.clear_ibuf [dreg:s8], $0x6FFFF;
	_ =	strace $0x90000046  }
0xb4: {  	s29 =	simm.s32 $0x9;
	_ =	strace $0x80000048  }
0xb5: {  	_ =	swait.ge [sflag:s29], $0x1  }
0xb6: {  	[sflag:s29] =	ssyncadd.s32 $0xFFFFFFFF  }
0xb7: {  	_ =	strace $0x90000048  }
0xb8: {  	_ =	sfence  }
0xb9: {  	s30 =	sld [smem:$0x0];
	_ =	sdelay $0x2  }
0xba: {  	s31 =	sshll.u32 s1, $0xD;
	s1 =	sshrl.u32 s1, $0x2  }
0xbb: {  	s3 =	sand.u32 $0x4000, s31;
	s1 =	sadd.s32 s1, s30  }
0xbc: {  	s0 =	sor.u32 s3, s0;
	s1 =	sshll.u32 s1, $0x11  }
0xbd: {  	s0 =	sor.u32 s1, s0  }
0xbe: {  	s0 =	sadd.s32 $0x8F2B, s0  }
0xbf: {  	[sflag:s0] =	ssyncadd.remote.s32 $0x1  }
0xc0: {  	_ =	sfence.sel $0xFFFF  }
0xc1: {  	[dreg:$0x0] =	wrdreg $0xFFFFFFFF;
	(pc) =	sbr.abs _section_cstart, $3  }
0xc2: {  	[dreg:$0x1] =	wrdreg $0xFFFFFFFF  }
0xc3: {  	_ =	task.clear_ibuf [dreg:s8], $0x2FFFF;
	_ =	strace $0x9FFFFFFF  }
0xc4: {  	(tm) =	ssettm $0x7FFFFFFF  }
0xc5: {  	_ =	shalt  }
tec
execute0_lowered:
.L_overlay_start_1:
0x0: {  	(tag) =	ssettag $0x1  }
0x1: {  	s4 =	rddreg [dreg:$0x0]  }
0x2: {  	s1 =	rddreg [dreg:$0x1]  }
0x3: {  	s5 =	rddreg [dreg:$0x2]  }
0x4: {  	s0 =	rddreg [dreg:$0x3];
	s3 =	simm.s32 $0x0;
	s6 =	srdreg.scid  }
0x5: {  	s2 =	stileid.u32;
	s11 =	simm.s32 $0x400;
	s12 =	simm.s32 $0x4400  }
0x6: {  	s13 =	simm.s32 $0x8400;
	s14 =	simm.s32 $0x280;
	s15 =	simm.s32 $0xC400  }
0x7: {  	s16 =	simm.s32 $0x1;
	s17 =	simm.s32 $0x10400;
	s18 =	simm.s32 $0x100  }
0x8: {  	v0 =	vlaneseq.u32;
	s19 =	simm.s32 $0x300;
	s20 =	simm.s32 $0x2;
	s21 =	simm.s32 $0x180  }
0x9: {  	s22 =	simm.s32 $0x380;
	s23 =	simm.s32 $0x10C00;
	s24 =	simm.s32 $0x0;
	v0 =	vmul.u32 $0x80, v0  }
0xa: {  	[smem:$0x7FF] =	sst s3;
	s6 =	sand.u32 $0x1, s6;
	s7 =	sshll.u32 s2, $0x7  }
0xb: {  	s8 =	sshll.u32 s6, $0x6;
	s6 =	ssub.s32 $0x2, s6;
	_ =	strace $0x80000047;
	v1 =	vor.u32 $0x1, v0;
	v2 =	vor.u32 $0x2, v0;
	v3 =	vor.u32 $0x3, v0  }
0xc: {  	s9 =	sor.u32 s8, s7;
	s10 =	sshrl.u32 s6, $0x1;
	s31 =	sadd.s32 s5, s8;
	v4 =	vor.u32 $0x4, v0;
	v5 =	vor.u32 $0x5, v0;
	v6 =	vor.u32 $0x6, v0  }
0xd: {  	s8 =	simm.s32 $0x3;
	v7 =	vor.u32 $0x7, v0;
	v8 =	vor.u32 $0x8, v0;
	v9 =	vor.u32 $0x9, v0;
	s9 =	sadd.s32 s9, s4;
	s10 =	ssub.s32 s6, s10  }
0xe: {  	v10 =	vor.u32 $0xA, v0;
	v11 =	vor.u32 $0xB, v0;
	v12 =	vor.u32 $0xC, v0;
	s6 =	sadd.s32 s7, s31;
	s4 =	sadd.s32 $0xE00, s9;
	s5 =	sadd.s32 $0x600, s9  }
0xf: {  	v13 =	vor.u32 $0xD, v0;
	v14 =	vor.u32 $0xE, v0;
	v15 =	vor.u32 $0xF, v0;
	s7 =	smax.u32 s10, $0x1;
	s9 =	simm.s32 $0x200;
	s10 =	simm.s32 $0x80  }
.LBB2_1:
0x10: {  	[tilespmem:s3], [sflag:$0x3] =	stream.linear.gather [hbm4b:s4+s3], $0x200, $0x38;
	[tilespmem:$0x10E00] =	vst v63  }
0x11: {  	_ =	swait.ge [sflag:s8], $0x200  }
0x12: {  	[sflag:s8] =	ssyncset.done $0x0  }
0x13: {  	[sflag:s8] =	ssyncadd.s32 $0xFFFFFE00  }
0x14: {  	[tilespmem:s9], [sflag:$0x3] =	stream.linear.gather [hbm4b:s5+s3], $0x200, $0x38;
	[tilespmem:$0x10E00] =	vst v63  }
0x15: {  	_ =	swait.ge [sflag:s8], $0x200  }
0x16: {  	[sflag:s8] =	ssyncset.done $0x0  }
0x17: {  	[sflag:s8] =	ssyncadd.s32 $0xFFFFFE00  }
0x18: {  	[tilespmem:s11], [sflag:$0x1] =	stream.indirect.gather [hbm4b:s1+s10], $0x80, s3, s10, $0xb8;
	[tilespmem:$0x10E00] =	vst v63  }
0x19: {  	_ = 	snop  }
0x1a: {  	[tilespmem:s12], [sflag:$0x1] =	stream.indirect.gather [hbm4b:s1+s10], $0x80, s9, s10, $0xb8;
	[tilespmem:$0x10E00] =	vst v63  }
0x1b: {  	_ = 	snop  }
0x1c: {  	[tilespmem:s13], [sflag:$0x2] =	stream.indirect.gather [hbm4b:s1+s10], $0x80, s10, s10, $0xb8;
	[tilespmem:$0x10E00] =	vst v63  }
0x1d: {  	_ = 	snop  }
0x1e: {  	[tilespmem:s15], [sflag:$0x2] =	stream.indirect.gather [hbm4b:s1+s10], $0x80, s14, s10, $0xb8;
	[tilespmem:$0x10E00] =	vst v63  }
0x1f: {  	_ =	swait.ge [sflag:s16], $0x4000  }
0x20: {  	[sflag:s16] =	ssyncset.done $0x0  }
0x21: {  	[sflag:s16] =	ssyncadd.s32 $0xFFFFC000  }
0x22: {  	_ =	swait.ge [sflag:s16], $0x4000  }
0x23: {  	[sflag:s16] =	ssyncset.done $0x0  }
0x24: {  	s25 =	simm.s32 $0x0;
	[sflag:s16] =	ssyncadd.s32 $0xFFFFC000  }
.LBB2_2:
0x25: {  	s26 =	sshll.u32 s25, $0xB  }
0x26: {  	v16 =	vld [tilespmem:s26+$0x400]  }
0x27: {  	v17 =	vld [tilespmem:s26+$0x4400]  }
0x28: {  	v18 =	vld [tilespmem:s26+$0x410]  }
0x29: {  	v19 =	vld [tilespmem:s26+$0x4410]  }
0x2a: {  	v20 =	vld [tilespmem:s26+$0x420]  }
0x2b: {  	v21 =	vld [tilespmem:s26+$0x4420]  }
0x2c: {  	v22 =	vld [tilespmem:s26+$0x430]  }
0x2d: {  	v23 =	vld [tilespmem:s26+$0x4430]  }
0x2e: {  	v36 =	vld [tilespmem:s26+$0x440];
	v16 =	vmul.f32 v17, v16;
	v17 =	vmul.f32 v19, v18  }
0x2f: {  	v37 =	vld [tilespmem:s26+$0x4440]  }
0x30: {  	v38 =	vld [tilespmem:s26+$0x450];
	v16 =	vadd.f32 v17, v16;
	v17 =	vmul.f32 v21, v20  }
0x31: {  	v39 =	vld [tilespmem:s26+$0x4450]  }
0x32: {  	v40 =	vld [tilespmem:s26+$0x460];
	v16 =	vadd.f32 v17, v16;
	v17 =	vmul.f32 v23, v22  }
0x33: {  	v41 =	vld [tilespmem:s26+$0x4460]  }
0x34: {  	v42 =	vld [tilespmem:s26+$0x470];
	v16 =	vadd.f32 v17, v16;
	v17 =	vmul.f32 v37, v36  }
0x35: {  	v43 =	vld [tilespmem:s26+$0x4470]  }
0x36: {  	v16 =	vadd.f32 v17, v16;
	v17 =	vmul.f32 v39, v38;
	_ =	sdelay $0x1  }
0x37: {  	v16 =	vadd.f32 v17, v16;
	v17 =	vmul.f32 v41, v40;
	_ =	sdelay $0x1  }
0x38: {  	v16 =	vadd.f32 v17, v16;
	v17 =	vmul.f32 v43, v42;
	_ =	sdelay $0x1  }
0x39: {  	v16 =	vadd.f32 v17, v16;
	_ =	sdelay $0x1  }
0x3a: {  	[tilespmem:v0+s17+$0x0] =	vst.idx.msk $0xffff, v16  }
0x3b: {  	v16 =	vld [tilespmem:s26+$0x480]  }
0x3c: {  	v17 =	vld [tilespmem:s26+$0x4480]  }
0x3d: {  	v44 =	vld [tilespmem:s26+$0x490]  }
0x3e: {  	v45 =	vld [tilespmem:s26+$0x4490]  }
0x3f: {  	v46 =	vld [tilespmem:s26+$0x4A0]  }
0x40: {  	v47 =	vld [tilespmem:s26+$0x44A0]  }
0x41: {  	v48 =	vld [tilespmem:s26+$0x4B0]  }
0x42: {  	v49 =	vld [tilespmem:s26+$0x44B0]  }
0x43: {  	v50 =	vld [tilespmem:s26+$0x4C0];
	v16 =	vmul.f32 v17, v16;
	v17 =	vmul.f32 v45, v44  }
0x44: {  	v51 =	vld [tilespmem:s26+$0x44C0]  }
0x45: {  	v52 =	vld [tilespmem:s26+$0x4D0];
	v16 =	vadd.f32 v17, v16;
	v17 =	vmul.f32 v47, v46  }
0x46: {  	v53 =	vld [tilespmem:s26+$0x44D0]  }
0x47: {  	v54 =	vld [tilespmem:s26+$0x4E0];
	v16 =	vadd.f32 v17, v16;
	v17 =	vmul.f32 v49, v48  }
0x48: {  	v55 =	vld [tilespmem:s26+$0x44E0]  }
0x49: {  	v56 =	vld [tilespmem:s26+$0x4F0];
	v16 =	vadd.f32 v17, v16;
	v17 =	vmul.f32 v51, v50  }
0x4a: {  	v57 =	vld [tilespmem:s26+$0x44F0]  }
0x4b: {  	v16 =	vadd.f32 v17, v16;
	v17 =	vmul.f32 v53, v52;
	_ =	sdelay $0x1  }
0x4c: {  	v16 =	vadd.f32 v17, v16;
	v17 =	vmul.f32 v55, v54;
	_ =	sdelay $0x1  }
0x4d: {  	v16 =	vadd.f32 v17, v16;
	v17 =	vmul.f32 v57, v56;
	_ =	sdelay $0x1  }
0x4e: {  	v16 =	vadd.f32 v17, v16;
	_ =	sdelay $0x1  }
0x4f: {  	[tilespmem:v1+s17+$0x0] =	vst.idx.msk $0xffff, v16  }
0x50: {  	v16 =	vld [tilespmem:s26+$0x500]  }
0x51: {  	v17 =	vld [tilespmem:s26+$0x4500]  }
0x52: {  	v58 =	vld [tilespmem:s26+$0x510]  }
0x53: {  	v59 =	vld [tilespmem:s26+$0x4510]  }
0x54: {  	v60 =	vld [tilespmem:s26+$0x520]  }
0x55: {  	v61 =	vld [tilespmem:s26+$0x4520]  }
0x56: {  	v62 =	vld [tilespmem:s26+$0x530]  }
0x57: {  	v63 =	vld [tilespmem:s26+$0x4530]  }
0x58: {  	v24 =	vld [tilespmem:s26+$0x540];
	v16 =	vmul.f32 v17, v16;
	v17 =	vmul.f32 v59, v58  }
0x59: {  	v25 =	vld [tilespmem:s26+$0x4540]  }
0x5a: {  	v26 =	vld [tilespmem:s26+$0x550];
	v16 =	vadd.f32 v17, v16;
	v17 =	vmul.f32 v61, v60  }
0x5b: {  	v27 =	vld [tilespmem:s26+$0x4550]  }
0x5c: {  	v28 =	vld [tilespmem:s26+$0x560];
	v16 =	vadd.f32 v17, v16;
	v17 =	vmul.f32 v63, v62  }
0x5d: {  	v29 =	vld [tilespmem:s26+$0x4560]  }
0x5e: {  	v30 =	vld [tilespmem:s26+$0x570];
	v16 =	vadd.f32 v17, v16;
	v17 =	vmul.f32 v25, v24  }
0x5f: {  	v31 =	vld [tilespmem:s26+$0x4570]  }
0x60: {  	v16 =	vadd.f32 v17, v16;
	v17 =	vmul.f32 v27, v26;
	_ =	sdelay $0x1  }
0x61: {  	v16 =	vadd.f32 v17, v16;
	v17 =	vmul.f32 v29, v28;
	_ =	sdelay $0x1  }
0x62: {  	v16 =	vadd.f32 v17, v16;
	v17 =	vmul.f32 v31, v30;
	_ =	sdelay $0x1  }
0x63: {  	v16 =	vadd.f32 v17, v16;
	_ =	sdelay $0x1  }
0x64: {  	[tilespmem:v2+s17+$0x0] =	vst.idx.msk $0xffff, v16  }
0x65: {  	v16 =	vld [tilespmem:s26+$0x580]  }
0x66: {  	v17 =	vld [tilespmem:s26+$0x4580]  }
0x67: {  	v32 =	vld [tilespmem:s26+$0x590]  }
0x68: {  	v33 =	vld [tilespmem:s26+$0x4590]  }
0x69: {  	v34 =	vld [tilespmem:s26+$0x5A0]  }
0x6a: {  	v35 =	vld [tilespmem:s26+$0x45A0]  }
0x6b: {  	v36 =	vld [tilespmem:s26+$0x5B0]  }
0x6c: {  	v37 =	vld [tilespmem:s26+$0x45B0]  }
0x6d: {  	v38 =	vld [tilespmem:s26+$0x5C0];
	v16 =	vmul.f32 v17, v16;
	v17 =	vmul.f32 v33, v32  }
0x6e: {  	v39 =	vld [tilespmem:s26+$0x45C0]  }
0x6f: {  	v40 =	vld [tilespmem:s26+$0x5D0];
	v16 =	vadd.f32 v17, v16;
	v17 =	vmul.f32 v35, v34  }
0x70: {  	v41 =	vld [tilespmem:s26+$0x45D0]  }
0x71: {  	v42 =	vld [tilespmem:s26+$0x5E0];
	v16 =	vadd.f32 v17, v16;
	v17 =	vmul.f32 v37, v36  }
0x72: {  	v43 =	vld [tilespmem:s26+$0x45E0]  }
0x73: {  	v44 =	vld [tilespmem:s26+$0x5F0];
	v16 =	vadd.f32 v17, v16;
	v17 =	vmul.f32 v39, v38  }
0x74: {  	v45 =	vld [tilespmem:s26+$0x45F0]  }
0x75: {  	v16 =	vadd.f32 v17, v16;
	v17 =	vmul.f32 v41, v40;
	_ =	sdelay $0x1  }
0x76: {  	v16 =	vadd.f32 v17, v16;
	v17 =	vmul.f32 v43, v42;
	_ =	sdelay $0x1  }
0x77: {  	v16 =	vadd.f32 v17, v16;
	v17 =	vmul.f32 v45, v44;
	_ =	sdelay $0x1  }
0x78: {  	v16 =	vadd.f32 v17, v16;
	_ =	sdelay $0x1  }
0x79: {  	[tilespmem:v3+s17+$0x0] =	vst.idx.msk $0xffff, v16  }
0x7a: {  	v16 =	vld [tilespmem:s26+$0x600]  }
0x7b: {  	v17 =	vld [tilespmem:s26+$0x4600]  }
0x7c: {  	v46 =	vld [tilespmem:s26+$0x610]  }
0x7d: {  	v47 =	vld [tilespmem:s26+$0x4610]  }
0x7e: {  	v48 =	vld [tilespmem:s26+$0x620]  }
0x7f: {  	v49 =	vld [tilespmem:s26+$0x4620]  }
0x80: {  	v50 =	vld [tilespmem:s26+$0x630]  }
0x81: {  	v51 =	vld [tilespmem:s26+$0x4630]  }
0x82: {  	v52 =	vld [tilespmem:s26+$0x640];
	v16 =	vmul.f32 v17, v16;
	v17 =	vmul.f32 v47, v46  }
0x83: {  	v53 =	vld [tilespmem:s26+$0x4640]  }
0x84: {  	v54 =	vld [tilespmem:s26+$0x650];
	v16 =	vadd.f32 v17, v16;
	v17 =	vmul.f32 v49, v48  }
0x85: {  	v55 =	vld [tilespmem:s26+$0x4650]  }
0x86: {  	v56 =	vld [tilespmem:s26+$0x660];
	v16 =	vadd.f32 v17, v16;
	v17 =	vmul.f32 v51, v50  }
0x87: {  	v57 =	vld [tilespmem:s26+$0x4660]  }
0x88: {  	v58 =	vld [tilespmem:s26+$0x670];
	v16 =	vadd.f32 v17, v16;
	v17 =	vmul.f32 v53, v52  }
0x89: {  	v59 =	vld [tilespmem:s26+$0x4670]  }
0x8a: {  	v16 =	vadd.f32 v17, v16;
	v17 =	vmul.f32 v55, v54;
	_ =	sdelay $0x1  }
0x8b: {  	v16 =	vadd.f32 v17, v16;
	v17 =	vmul.f32 v57, v56;
	_ =	sdelay $0x1  }
0x8c: {  	v16 =	vadd.f32 v17, v16;
	v17 =	vmul.f32 v59, v58;
	_ =	sdelay $0x1  }
0x8d: {  	v16 =	vadd.f32 v17, v16;
	_ =	sdelay $0x1  }
0x8e: {  	[tilespmem:v4+s17+$0x0] =	vst.idx.msk $0xffff, v16  }
0x8f: {  	v16 =	vld [tilespmem:s26+$0x680]  }
0x90: {  	v17 =	vld [tilespmem:s26+$0x4680]  }
0x91: {  	v60 =	vld [tilespmem:s26+$0x690]  }
0x92: {  	v61 =	vld [tilespmem:s26+$0x4690]  }
0x93: {  	v62 =	vld [tilespmem:s26+$0x6A0]  }
0x94: {  	v63 =	vld [tilespmem:s26+$0x46A0]  }
0x95: {  	v24 =	vld [tilespmem:s26+$0x6B0]  }
0x96: {  	v25 =	vld [tilespmem:s26+$0x46B0]  }
0x97: {  	v26 =	vld [tilespmem:s26+$0x6C0];
	v16 =	vmul.f32 v17, v16;
	v17 =	vmul.f32 v61, v60  }
0x98: {  	v27 =	vld [tilespmem:s26+$0x46C0]  }
0x99: {  	v28 =	vld [tilespmem:s26+$0x6D0];
	v16 =	vadd.f32 v17, v16;
	v17 =	vmul.f32 v63, v62  }
0x9a: {  	v29 =	vld [tilespmem:s26+$0x46D0]  }
0x9b: {  	v30 =	vld [tilespmem:s26+$0x6E0];
	v16 =	vadd.f32 v17, v16;
	v17 =	vmul.f32 v25, v24  }
0x9c: {  	v31 =	vld [tilespmem:s26+$0x46E0]  }
0x9d: {  	v32 =	vld [tilespmem:s26+$0x6F0];
	v16 =	vadd.f32 v17, v16;
	v17 =	vmul.f32 v27, v26  }
0x9e: {  	v33 =	vld [tilespmem:s26+$0x46F0]  }
0x9f: {  	v16 =	vadd.f32 v17, v16;
	v17 =	vmul.f32 v29, v28;
	_ =	sdelay $0x1  }
0xa0: {  	v16 =	vadd.f32 v17, v16;
	v17 =	vmul.f32 v31, v30;
	_ =	sdelay $0x1  }
0xa1: {  	v16 =	vadd.f32 v17, v16;
	v17 =	vmul.f32 v33, v32;
	_ =	sdelay $0x1  }
0xa2: {  	v16 =	vadd.f32 v17, v16;
	_ =	sdelay $0x1  }
0xa3: {  	[tilespmem:v5+s17+$0x0] =	vst.idx.msk $0xffff, v16  }
0xa4: {  	v16 =	vld [tilespmem:s26+$0x700]  }
0xa5: {  	v17 =	vld [tilespmem:s26+$0x4700]  }
0xa6: {  	v34 =	vld [tilespmem:s26+$0x710]  }
0xa7: {  	v35 =	vld [tilespmem:s26+$0x4710]  }
0xa8: {  	v36 =	vld [tilespmem:s26+$0x720]  }
0xa9: {  	v37 =	vld [tilespmem:s26+$0x4720]  }
0xaa: {  	v38 =	vld [tilespmem:s26+$0x730]  }
0xab: {  	v39 =	vld [tilespmem:s26+$0x4730]  }
0xac: {  	v40 =	vld [tilespmem:s26+$0x740];
	v16 =	vmul.f32 v17, v16;
	v17 =	vmul.f32 v35, v34  }
0xad: {  	v41 =	vld [tilespmem:s26+$0x4740]  }
0xae: {  	v42 =	vld [tilespmem:s26+$0x750];
	v16 =	vadd.f32 v17, v16;
	v17 =	vmul.f32 v37, v36  }
0xaf: {  	v43 =	vld [tilespmem:s26+$0x4750]  }
0xb0: {  	v44 =	vld [tilespmem:s26+$0x760];
	v16 =	vadd.f32 v17, v16;
	v17 =	vmul.f32 v39, v38  }
0xb1: {  	v45 =	vld [tilespmem:s26+$0x4760]  }
0xb2: {  	v46 =	vld [tilespmem:s26+$0x770];
	v16 =	vadd.f32 v17, v16;
	v17 =	vmul.f32 v41, v40  }
0xb3: {  	v47 =	vld [tilespmem:s26+$0x4770]  }
0xb4: {  	v16 =	vadd.f32 v17, v16;
	v17 =	vmul.f32 v43, v42;
	_ =	sdelay $0x1  }
0xb5: {  	v16 =	vadd.f32 v17, v16;
	v17 =	vmul.f32 v45, v44;
	_ =	sdelay $0x1  }
0xb6: {  	v16 =	vadd.f32 v17, v16;
	v17 =	vmul.f32 v47, v46;
	_ =	sdelay $0x1  }
0xb7: {  	v16 =	vadd.f32 v17, v16;
	_ =	sdelay $0x1  }
0xb8: {  	[tilespmem:v6+s17+$0x0] =	vst.idx.msk $0xffff, v16  }
0xb9: {  	v16 =	vld [tilespmem:s26+$0x780]  }
0xba: {  	v17 =	vld [tilespmem:s26+$0x4780]  }
0xbb: {  	v48 =	vld [tilespmem:s26+$0x790]  }
0xbc: {  	v49 =	vld [tilespmem:s26+$0x4790]  }
0xbd: {  	v50 =	vld [tilespmem:s26+$0x7A0]  }
0xbe: {  	v51 =	vld [tilespmem:s26+$0x47A0]  }
0xbf: {  	v52 =	vld [tilespmem:s26+$0x7B0]  }
0xc0: {  	v53 =	vld [tilespmem:s26+$0x47B0]  }
0xc1: {  	v54 =	vld [tilespmem:s26+$0x7C0];
	v16 =	vmul.f32 v17, v16;
	v17 =	vmul.f32 v49, v48  }
0xc2: {  	v55 =	vld [tilespmem:s26+$0x47C0]  }
0xc3: {  	v56 =	vld [tilespmem:s26+$0x7D0];
	v16 =	vadd.f32 v17, v16;
	v17 =	vmul.f32 v51, v50  }
0xc4: {  	v57 =	vld [tilespmem:s26+$0x47D0]  }
0xc5: {  	v58 =	vld [tilespmem:s26+$0x7E0];
	v16 =	vadd.f32 v17, v16;
	v17 =	vmul.f32 v53, v52  }
0xc6: {  	v59 =	vld [tilespmem:s26+$0x47E0]  }
0xc7: {  	v60 =	vld [tilespmem:s26+$0x7F0];
	v16 =	vadd.f32 v17, v16;
	v17 =	vmul.f32 v55, v54  }
0xc8: {  	v61 =	vld [tilespmem:s26+$0x47F0]  }
0xc9: {  	v16 =	vadd.f32 v17, v16;
	v17 =	vmul.f32 v57, v56;
	_ =	sdelay $0x1  }
0xca: {  	v16 =	vadd.f32 v17, v16;
	v17 =	vmul.f32 v59, v58;
	_ =	sdelay $0x1  }
0xcb: {  	v16 =	vadd.f32 v17, v16;
	v17 =	vmul.f32 v61, v60;
	_ =	sdelay $0x1  }
0xcc: {  	v16 =	vadd.f32 v17, v16;
	_ =	sdelay $0x1  }
0xcd: {  	[tilespmem:v7+s17+$0x0] =	vst.idx.msk $0xffff, v16  }
0xce: {  	v16 =	vld [tilespmem:s26+$0x800]  }
0xcf: {  	v17 =	vld [tilespmem:s26+$0x4800]  }
0xd0: {  	v62 =	vld [tilespmem:s26+$0x810]  }
0xd1: {  	v63 =	vld [tilespmem:s26+$0x4810]  }
0xd2: {  	v24 =	vld [tilespmem:s26+$0x820]  }
0xd3: {  	v25 =	vld [tilespmem:s26+$0x4820]  }
0xd4: {  	v26 =	vld [tilespmem:s26+$0x830]  }
0xd5: {  	v27 =	vld [tilespmem:s26+$0x4830]  }
0xd6: {  	v28 =	vld [tilespmem:s26+$0x840];
	v16 =	vmul.f32 v17, v16;
	v17 =	vmul.f32 v63, v62  }
0xd7: {  	v29 =	vld [tilespmem:s26+$0x4840]  }
0xd8: {  	v30 =	vld [tilespmem:s26+$0x850];
	v16 =	vadd.f32 v17, v16;
	v17 =	vmul.f32 v25, v24  }
0xd9: {  	v31 =	vld [tilespmem:s26+$0x4850]  }
0xda: {  	v32 =	vld [tilespmem:s26+$0x860];
	v16 =	vadd.f32 v17, v16;
	v17 =	vmul.f32 v27, v26  }
0xdb: {  	v33 =	vld [tilespmem:s26+$0x4860]  }
0xdc: {  	v34 =	vld [tilespmem:s26+$0x870];
	v16 =	vadd.f32 v17, v16;
	v17 =	vmul.f32 v29, v28  }
0xdd: {  	v35 =	vld [tilespmem:s26+$0x4870]  }
0xde: {  	v16 =	vadd.f32 v17, v16;
	v17 =	vmul.f32 v31, v30;
	_ =	sdelay $0x1  }
0xdf: {  	v16 =	vadd.f32 v17, v16;
	v17 =	vmul.f32 v33, v32;
	_ =	sdelay $0x1  }
0xe0: {  	v16 =	vadd.f32 v17, v16;
	v17 =	vmul.f32 v35, v34;
	_ =	sdelay $0x1  }
0xe1: {  	v16 =	vadd.f32 v17, v16;
	_ =	sdelay $0x1  }
0xe2: {  	[tilespmem:v8+s17+$0x0] =	vst.idx.msk $0xffff, v16  }
0xe3: {  	v16 =	vld [tilespmem:s26+$0x880]  }
0xe4: {  	v17 =	vld [tilespmem:s26+$0x4880]  }
0xe5: {  	v36 =	vld [tilespmem:s26+$0x890]  }
0xe6: {  	v37 =	vld [tilespmem:s26+$0x4890]  }
0xe7: {  	v38 =	vld [tilespmem:s26+$0x8A0]  }
0xe8: {  	v39 =	vld [tilespmem:s26+$0x48A0]  }
0xe9: {  	v40 =	vld [tilespmem:s26+$0x8B0]  }
0xea: {  	v41 =	vld [tilespmem:s26+$0x48B0]  }
0xeb: {  	v42 =	vld [tilespmem:s26+$0x8C0];
	v16 =	vmul.f32 v17, v16;
	v17 =	vmul.f32 v37, v36  }
0xec: {  	v43 =	vld [tilespmem:s26+$0x48C0]  }
0xed: {  	v44 =	vld [tilespmem:s26+$0x8D0];
	v16 =	vadd.f32 v17, v16;
	v17 =	vmul.f32 v39, v38  }
0xee: {  	v45 =	vld [tilespmem:s26+$0x48D0]  }
0xef: {  	v46 =	vld [tilespmem:s26+$0x8E0];
	v16 =	vadd.f32 v17, v16;
	v17 =	vmul.f32 v41, v40  }
0xf0: {  	v47 =	vld [tilespmem:s26+$0x48E0]  }
0xf1: {  	v48 =	vld [tilespmem:s26+$0x8F0];
	v16 =	vadd.f32 v17, v16;
	v17 =	vmul.f32 v43, v42  }
0xf2: {  	v49 =	vld [tilespmem:s26+$0x48F0]  }
0xf3: {  	v16 =	vadd.f32 v17, v16;
	v17 =	vmul.f32 v45, v44;
	_ =	sdelay $0x1  }
0xf4: {  	v16 =	vadd.f32 v17, v16;
	v17 =	vmul.f32 v47, v46;
	_ =	sdelay $0x1  }
0xf5: {  	v16 =	vadd.f32 v17, v16;
	v17 =	vmul.f32 v49, v48;
	_ =	sdelay $0x1  }
0xf6: {  	v16 =	vadd.f32 v17, v16;
	_ =	sdelay $0x1  }
0xf7: {  	[tilespmem:v9+s17+$0x0] =	vst.idx.msk $0xffff, v16  }
0xf8: {  	v16 =	vld [tilespmem:s26+$0x900]  }
0xf9: {  	v17 =	vld [tilespmem:s26+$0x4900]  }
0xfa: {  	v50 =	vld [tilespmem:s26+$0x910]  }
0xfb: {  	v51 =	vld [tilespmem:s26+$0x4910]  }
0xfc: {  	v52 =	vld [tilespmem:s26+$0x920]  }
0xfd: {  	v53 =	vld [tilespmem:s26+$0x4920]  }
0xfe: {  	v54 =	vld [tilespmem:s26+$0x930]  }
0xff: {  	v55 =	vld [tilespmem:s26+$0x4930]  }
0x100: {  	v56 =	vld [tilespmem:s26+$0x940];
	v16 =	vmul.f32 v17, v16;
	v17 =	vmul.f32 v51, v50  }
0x101: {  	v57 =	vld [tilespmem:s26+$0x4940]  }
0x102: {  	v58 =	vld [tilespmem:s26+$0x950];
	v16 =	vadd.f32 v17, v16;
	v17 =	vmul.f32 v53, v52  }
0x103: {  	v59 =	vld [tilespmem:s26+$0x4950]  }
0x104: {  	v60 =	vld [tilespmem:s26+$0x960];
	v16 =	vadd.f32 v17, v16;
	v17 =	vmul.f32 v55, v54  }
0x105: {  	v61 =	vld [tilespmem:s26+$0x4960]  }
0x106: {  	v62 =	vld [tilespmem:s26+$0x970];
	v16 =	vadd.f32 v17, v16;
	v17 =	vmul.f32 v57, v56  }
0x107: {  	v63 =	vld [tilespmem:s26+$0x4970]  }
0x108: {  	v16 =	vadd.f32 v17, v16;
	v17 =	vmul.f32 v59, v58;
	_ =	sdelay $0x1  }
0x109: {  	v16 =	vadd.f32 v17, v16;
	v17 =	vmul.f32 v61, v60;
	_ =	sdelay $0x1  }
0x10a: {  	v16 =	vadd.f32 v17, v16;
	v17 =	vmul.f32 v63, v62;
	_ =	sdelay $0x1  }
0x10b: {  	v16 =	vadd.f32 v17, v16;
	_ =	sdelay $0x1  }
0x10c: {  	[tilespmem:v10+s17+$0x0] =	vst.idx.msk $0xffff, v16  }
0x10d: {  	v16 =	vld [tilespmem:s26+$0x980]  }
0x10e: {  	v17 =	vld [tilespmem:s26+$0x4980]  }
0x10f: {  	v24 =	vld [tilespmem:s26+$0x990]  }
0x110: {  	v25 =	vld [tilespmem:s26+$0x4990]  }
0x111: {  	v26 =	vld [tilespmem:s26+$0x9A0]  }
0x112: {  	v27 =	vld [tilespmem:s26+$0x49A0]  }
0x113: {  	v28 =	vld [tilespmem:s26+$0x9B0]  }
0x114: {  	v29 =	vld [tilespmem:s26+$0x49B0]  }
0x115: {  	v30 =	vld [tilespmem:s26+$0x9C0];
	v16 =	vmul.f32 v17, v16;
	v17 =	vmul.f32 v25, v24  }
0x116: {  	v31 =	vld [tilespmem:s26+$0x49C0]  }
0x117: {  	v32 =	vld [tilespmem:s26+$0x9D0];
	v16 =	vadd.f32 v17, v16;
	v17 =	vmul.f32 v27, v26  }
0x118: {  	v33 =	vld [tilespmem:s26+$0x49D0]  }
0x119: {  	v34 =	vld [tilespmem:s26+$0x9E0];
	v16 =	vadd.f32 v17, v16;
	v17 =	vmul.f32 v29, v28  }
0x11a: {  	v35 =	vld [tilespmem:s26+$0x49E0]  }
0x11b: {  	v36 =	vld [tilespmem:s26+$0x9F0];
	v16 =	vadd.f32 v17, v16;
	v17 =	vmul.f32 v31, v30  }
0x11c: {  	v37 =	vld [tilespmem:s26+$0x49F0]  }
0x11d: {  	v16 =	vadd.f32 v17, v16;
	v17 =	vmul.f32 v33, v32;
	_ =	sdelay $0x1  }
0x11e: {  	v16 =	vadd.f32 v17, v16;
	v17 =	vmul.f32 v35, v34;
	_ =	sdelay $0x1  }
0x11f: {  	v16 =	vadd.f32 v17, v16;
	v17 =	vmul.f32 v37, v36;
	_ =	sdelay $0x1  }
0x120: {  	v16 =	vadd.f32 v17, v16;
	_ =	sdelay $0x1  }
0x121: {  	[tilespmem:v11+s17+$0x0] =	vst.idx.msk $0xffff, v16  }
0x122: {  	v16 =	vld [tilespmem:s26+$0xA00]  }
0x123: {  	v17 =	vld [tilespmem:s26+$0x4A00]  }
0x124: {  	v38 =	vld [tilespmem:s26+$0xA10]  }
0x125: {  	v39 =	vld [tilespmem:s26+$0x4A10]  }
0x126: {  	v40 =	vld [tilespmem:s26+$0xA20]  }
0x127: {  	v41 =	vld [tilespmem:s26+$0x4A20]  }
0x128: {  	v42 =	vld [tilespmem:s26+$0xA30]  }
0x129: {  	v43 =	vld [tilespmem:s26+$0x4A30]  }
0x12a: {  	v44 =	vld [tilespmem:s26+$0xA40];
	v16 =	vmul.f32 v17, v16;
	v17 =	vmul.f32 v39, v38  }
0x12b: {  	v45 =	vld [tilespmem:s26+$0x4A40]  }
0x12c: {  	v46 =	vld [tilespmem:s26+$0xA50];
	v16 =	vadd.f32 v17, v16;
	v17 =	vmul.f32 v41, v40  }
0x12d: {  	v47 =	vld [tilespmem:s26+$0x4A50]  }
0x12e: {  	v48 =	vld [tilespmem:s26+$0xA60];
	v16 =	vadd.f32 v17, v16;
	v17 =	vmul.f32 v43, v42  }
0x12f: {  	v49 =	vld [tilespmem:s26+$0x4A60]  }
0x130: {  	v50 =	vld [tilespmem:s26+$0xA70];
	v16 =	vadd.f32 v17, v16;
	v17 =	vmul.f32 v45, v44  }
0x131: {  	v51 =	vld [tilespmem:s26+$0x4A70]  }
0x132: {  	v16 =	vadd.f32 v17, v16;
	v17 =	vmul.f32 v47, v46;
	_ =	sdelay $0x1  }
0x133: {  	v16 =	vadd.f32 v17, v16;
	v17 =	vmul.f32 v49, v48;
	_ =	sdelay $0x1  }
0x134: {  	v16 =	vadd.f32 v17, v16;
	v17 =	vmul.f32 v51, v50;
	_ =	sdelay $0x1  }
0x135: {  	v16 =	vadd.f32 v17, v16;
	_ =	sdelay $0x1  }
0x136: {  	[tilespmem:v12+s17+$0x0] =	vst.idx.msk $0xffff, v16  }
0x137: {  	v16 =	vld [tilespmem:s26+$0xA80]  }
0x138: {  	v17 =	vld [tilespmem:s26+$0x4A80]  }
0x139: {  	v52 =	vld [tilespmem:s26+$0xA90]  }
0x13a: {  	v53 =	vld [tilespmem:s26+$0x4A90]  }
0x13b: {  	v54 =	vld [tilespmem:s26+$0xAA0]  }
0x13c: {  	v55 =	vld [tilespmem:s26+$0x4AA0]  }
0x13d: {  	v56 =	vld [tilespmem:s26+$0xAB0]  }
0x13e: {  	v57 =	vld [tilespmem:s26+$0x4AB0]  }
0x13f: {  	v58 =	vld [tilespmem:s26+$0xAC0];
	v16 =	vmul.f32 v17, v16;
	v17 =	vmul.f32 v53, v52  }
0x140: {  	v59 =	vld [tilespmem:s26+$0x4AC0]  }
0x141: {  	v60 =	vld [tilespmem:s26+$0xAD0];
	v16 =	vadd.f32 v17, v16;
	v17 =	vmul.f32 v55, v54  }
0x142: {  	v61 =	vld [tilespmem:s26+$0x4AD0]  }
0x143: {  	v62 =	vld [tilespmem:s26+$0xAE0];
	v16 =	vadd.f32 v17, v16;
	v17 =	vmul.f32 v57, v56  }
0x144: {  	v63 =	vld [tilespmem:s26+$0x4AE0]  }
0x145: {  	v24 =	vld [tilespmem:s26+$0xAF0];
	v16 =	vadd.f32 v17, v16;
	v17 =	vmul.f32 v59, v58  }
0x146: {  	v25 =	vld [tilespmem:s26+$0x4AF0]  }
0x147: {  	v16 =	vadd.f32 v17, v16;
	v17 =	vmul.f32 v61, v60;
	_ =	sdelay $0x1  }
0x148: {  	v16 =	vadd.f32 v17, v16;
	v17 =	vmul.f32 v63, v62;
	_ =	sdelay $0x1  }
0x149: {  	v16 =	vadd.f32 v17, v16;
	v17 =	vmul.f32 v25, v24;
	_ =	sdelay $0x1  }
0x14a: {  	v16 =	vadd.f32 v17, v16;
	_ =	sdelay $0x1  }
0x14b: {  	[tilespmem:v13+s17+$0x0] =	vst.idx.msk $0xffff, v16  }
0x14c: {  	v16 =	vld [tilespmem:s26+$0xB00]  }
0x14d: {  	v17 =	vld [tilespmem:s26+$0x4B00]  }
0x14e: {  	v26 =	vld [tilespmem:s26+$0xB10]  }
0x14f: {  	v27 =	vld [tilespmem:s26+$0x4B10]  }
0x150: {  	v28 =	vld [tilespmem:s26+$0xB20]  }
0x151: {  	v29 =	vld [tilespmem:s26+$0x4B20]  }
0x152: {  	v30 =	vld [tilespmem:s26+$0xB30]  }
0x153: {  	v31 =	vld [tilespmem:s26+$0x4B30]  }
0x154: {  	v32 =	vld [tilespmem:s26+$0xB40];
	v16 =	vmul.f32 v17, v16;
	v17 =	vmul.f32 v27, v26  }
0x155: {  	v33 =	vld [tilespmem:s26+$0x4B40]  }
0x156: {  	v34 =	vld [tilespmem:s26+$0xB50];
	v16 =	vadd.f32 v17, v16;
	v17 =	vmul.f32 v29, v28  }
0x157: {  	v35 =	vld [tilespmem:s26+$0x4B50]  }
0x158: {  	v36 =	vld [tilespmem:s26+$0xB60];
	v16 =	vadd.f32 v17, v16;
	v17 =	vmul.f32 v31, v30  }
0x159: {  	v37 =	vld [tilespmem:s26+$0x4B60]  }
0x15a: {  	v38 =	vld [tilespmem:s26+$0xB70];
	v16 =	vadd.f32 v17, v16;
	v17 =	vmul.f32 v33, v32  }
0x15b: {  	v39 =	vld [tilespmem:s26+$0x4B70]  }
0x15c: {  	v16 =	vadd.f32 v17, v16;
	v17 =	vmul.f32 v35, v34;
	_ =	sdelay $0x1  }
0x15d: {  	v16 =	vadd.f32 v17, v16;
	v17 =	vmul.f32 v37, v36;
	_ =	sdelay $0x1  }
0x15e: {  	v16 =	vadd.f32 v17, v16;
	v17 =	vmul.f32 v39, v38;
	_ =	sdelay $0x1  }
0x15f: {  	v16 =	vadd.f32 v17, v16;
	_ =	sdelay $0x1  }
0x160: {  	[tilespmem:v14+s17+$0x0] =	vst.idx.msk $0xffff, v16  }
0x161: {  	v16 =	vld [tilespmem:s26+$0xB80]  }
0x162: {  	v17 =	vld [tilespmem:s26+$0x4B80]  }
0x163: {  	v40 =	vld [tilespmem:s26+$0xB90]  }
0x164: {  	v41 =	vld [tilespmem:s26+$0x4B90]  }
0x165: {  	v42 =	vld [tilespmem:s26+$0xBA0]  }
0x166: {  	v43 =	vld [tilespmem:s26+$0x4BA0]  }
0x167: {  	v44 =	vld [tilespmem:s26+$0xBB0]  }
0x168: {  	v45 =	vld [tilespmem:s26+$0x4BB0]  }
0x169: {  	v46 =	vld [tilespmem:s26+$0xBC0];
	v16 =	vmul.f32 v17, v16;
	v17 =	vmul.f32 v41, v40  }
0x16a: {  	v47 =	vld [tilespmem:s26+$0x4BC0]  }
0x16b: {  	v48 =	vld [tilespmem:s26+$0xBD0];
	v16 =	vadd.f32 v17, v16;
	v17 =	vmul.f32 v43, v42  }
0x16c: {  	v49 =	vld [tilespmem:s26+$0x4BD0]  }
0x16d: {  	v50 =	vld [tilespmem:s26+$0xBE0];
	v16 =	vadd.f32 v17, v16;
	v17 =	vmul.f32 v45, v44  }
0x16e: {  	v51 =	vld [tilespmem:s26+$0x4BE0]  }
0x16f: {  	v52 =	vld [tilespmem:s26+$0xBF0];
	v16 =	vadd.f32 v17, v16;
	v17 =	vmul.f32 v47, v46  }
0x170: {  	v53 =	vld [tilespmem:s26+$0x4BF0]  }
0x171: {  	v16 =	vadd.f32 v17, v16;
	v17 =	vmul.f32 v49, v48;
	_ =	sdelay $0x1  }
0x172: {  	v16 =	vadd.f32 v17, v16;
	v17 =	vmul.f32 v51, v50;
	_ =	sdelay $0x1  }
0x173: {  	v16 =	vadd.f32 v17, v16;
	v17 =	vmul.f32 v53, v52;
	_ =	sdelay $0x1  }
0x174: {  	v16 =	vadd.f32 v17, v16;
	_ =	sdelay $0x1  }
0x175: {  	[tilespmem:v15+s17+$0x0] =	vst.idx.msk $0xffff, v16  }
0x176: {  	v16 =	vld [tilespmem:$0x10400]  }
0x177: {  	v17 =	vld [tilespmem:$0x10480];
	_ =	sdelay $0x1  }
0x178: {  	v54 =	vld [tilespmem:$0x10500];
	_ =	sdelay $0x1  }
0x179: {  	v55 =	vld [tilespmem:$0x10580]  }
0x17a: {  	v16 =	vadd.f32 v17, v16  }
0x17b: {  	v17 =	vld [tilespmem:$0x10600]  }
0x17c: {  	v16 =	vadd.f32 v54, v16  }
0x17d: {  	v56 =	vld [tilespmem:$0x10680]  }
0x17e: {  	v16 =	vadd.f32 v55, v16  }
0x17f: {  	v57 =	vld [tilespmem:$0x10700]  }
0x180: {  	v16 =	vadd.f32 v17, v16  }
0x181: {  	v17 =	vld [tilespmem:$0x10780]  }
0x182: {  	v16 =	vadd.f32 v56, v16  }
0x183: {  	v58 =	vld [tilespmem:$0x10800]  }
0x184: {  	v16 =	vadd.f32 v57, v16  }
0x185: {  	v59 =	vld [tilespmem:$0x10880]  }
0x186: {  	v16 =	vadd.f32 v17, v16  }
0x187: {  	v17 =	vld [tilespmem:$0x10900]  }
0x188: {  	v16 =	vadd.f32 v58, v16  }
0x189: {  	v60 =	vld [tilespmem:$0x10980]  }
0x18a: {  	v16 =	vadd.f32 v59, v16  }
0x18b: {  	v61 =	vld [tilespmem:$0x10A00]  }
0x18c: {  	v16 =	vadd.f32 v17, v16  }
0x18d: {  	v17 =	vld [tilespmem:$0x10A80]  }
0x18e: {  	v16 =	vadd.f32 v60, v16  }
0x18f: {  	v62 =	vld [tilespmem:$0x10B00]  }
0x190: {  	v16 =	vadd.f32 v61, v16  }
0x191: {  	v63 =	vld [tilespmem:$0x10B80]  }
0x192: {  	v16 =	vadd.f32 v17, v16  }
0x193: {  	p0 =	sne.s32 s25, $0x7  }
.Ltmp0:
0x194: {  	v16 =	vadd.f32 v62, v16;
	(pc) =	sbr.rel @p0 .LBB2_2-.Ltmp0, $4  }
0x195: {  	_ = 	snop  }
0x196: {  	s31 =	sshll.u32 s25, $0x4;
	v16 =	vadd.f32 v63, v16  }
0x197: {  	s26 =	sand.u32 $0x3FFFFFF0, s31  }
0x198: {  	s25 =	sadd.s32 $0x1, s25;
	[tilespmem:s26+$0x10C00] =	vst v16  }
0x199: {  	[tilespmem:s11], [sflag:$0x1] =	stream.indirect.gather [hbm4b:s1+s10], $0x80, s18, s10, $0xb8;
	[tilespmem:$0x10E00] =	vst v63  }
0x19a: {  	_ = 	snop  }
0x19b: {  	[tilespmem:s12], [sflag:$0x1] =	stream.indirect.gather [hbm4b:s1+s10], $0x80, s19, s10, $0xb8;
	[tilespmem:$0x10E00] =	vst v63  }
0x19c: {  	_ =	swait.ge [sflag:s20], $0x4000  }
0x19d: {  	[sflag:s20] =	ssyncset.done $0x0  }
0x19e: {  	[sflag:s20] =	ssyncadd.s32 $0xFFFFC000  }
0x19f: {  	_ =	swait.ge [sflag:s20], $0x4000  }
0x1a0: {  	[sflag:s20] =	ssyncset.done $0x0  }
0x1a1: {  	s25 =	simm.s32 $0x0;
	[sflag:s20] =	ssyncadd.s32 $0xFFFFC000  }
.LBB2_4:
0x1a2: {  	s26 =	sshll.u32 s25, $0xB  }
0x1a3: {  	v16 =	vld [tilespmem:s26+$0x8400]  }
0x1a4: {  	v17 =	vld [tilespmem:s26+$0xC400]  }
0x1a5: {  	v18 =	vld [tilespmem:s26+$0x8410]  }
0x1a6: {  	v19 =	vld [tilespmem:s26+$0xC410]  }
0x1a7: {  	v20 =	vld [tilespmem:s26+$0x8420]  }
0x1a8: {  	v21 =	vld [tilespmem:s26+$0xC420]  }
0x1a9: {  	v22 =	vld [tilespmem:s26+$0x8430]  }
0x1aa: {  	v23 =	vld [tilespmem:s26+$0xC430]  }
0x1ab: {  	v36 =	vld [tilespmem:s26+$0x8440];
	v16 =	vmul.f32 v17, v16;
	v17 =	vmul.f32 v19, v18  }
0x1ac: {  	v37 =	vld [tilespmem:s26+$0xC440]  }
0x1ad: {  	v38 =	vld [tilespmem:s26+$0x8450];
	v16 =	vadd.f32 v17, v16;
	v17 =	vmul.f32 v21, v20  }
0x1ae: {  	v39 =	vld [tilespmem:s26+$0xC450]  }
0x1af: {  	v40 =	vld [tilespmem:s26+$0x8460];
	v16 =	vadd.f32 v17, v16;
	v17 =	vmul.f32 v23, v22  }
0x1b0: {  	v41 =	vld [tilespmem:s26+$0xC460]  }
0x1b1: {  	v42 =	vld [tilespmem:s26+$0x8470];
	v16 =	vadd.f32 v17, v16;
	v17 =	vmul.f32 v37, v36  }
0x1b2: {  	v43 =	vld [tilespmem:s26+$0xC470]  }
0x1b3: {  	v16 =	vadd.f32 v17, v16;
	v17 =	vmul.f32 v39, v38;
	_ =	sdelay $0x1  }
0x1b4: {  	v16 =	vadd.f32 v17, v16;
	v17 =	vmul.f32 v41, v40;
	_ =	sdelay $0x1  }
0x1b5: {  	v16 =	vadd.f32 v17, v16;
	v17 =	vmul.f32 v43, v42;
	_ =	sdelay $0x1  }
0x1b6: {  	v16 =	vadd.f32 v17, v16;
	_ =	sdelay $0x1  }
0x1b7: {  	[tilespmem:v0+s17+$0x0] =	vst.idx.msk $0xffff, v16  }
0x1b8: {  	v16 =	vld [tilespmem:s26+$0x8480]  }
0x1b9: {  	v17 =	vld [tilespmem:s26+$0xC480]  }
0x1ba: {  	v44 =	vld [tilespmem:s26+$0x8490]  }
0x1bb: {  	v45 =	vld [tilespmem:s26+$0xC490]  }
0x1bc: {  	v46 =	vld [tilespmem:s26+$0x84A0]  }
0x1bd: {  	v47 =	vld [tilespmem:s26+$0xC4A0]  }
0x1be: {  	v48 =	vld [tilespmem:s26+$0x84B0]  }
0x1bf: {  	v49 =	vld [tilespmem:s26+$0xC4B0]  }
0x1c0: {  	v50 =	vld [tilespmem:s26+$0x84C0];
	v16 =	vmul.f32 v17, v16;
	v17 =	vmul.f32 v45, v44  }
0x1c1: {  	v51 =	vld [tilespmem:s26+$0xC4C0]  }
0x1c2: {  	v52 =	vld [tilespmem:s26+$0x84D0];
	v16 =	vadd.f32 v17, v16;
	v17 =	vmul.f32 v47, v46  }
0x1c3: {  	v53 =	vld [tilespmem:s26+$0xC4D0]  }
0x1c4: {  	v54 =	vld [tilespmem:s26+$0x84E0];
	v16 =	vadd.f32 v17, v16;
	v17 =	vmul.f32 v49, v48  }
0x1c5: {  	v55 =	vld [tilespmem:s26+$0xC4E0]  }
0x1c6: {  	v56 =	vld [tilespmem:s26+$0x84F0];
	v16 =	vadd.f32 v17, v16;
	v17 =	vmul.f32 v51, v50  }
0x1c7: {  	v57 =	vld [tilespmem:s26+$0xC4F0]  }
0x1c8: {  	v16 =	vadd.f32 v17, v16;
	v17 =	vmul.f32 v53, v52;
	_ =	sdelay $0x1  }
0x1c9: {  	v16 =	vadd.f32 v17, v16;
	v17 =	vmul.f32 v55, v54;
	_ =	sdelay $0x1  }
0x1ca: {  	v16 =	vadd.f32 v17, v16;
	v17 =	vmul.f32 v57, v56;
	_ =	sdelay $0x1  }
0x1cb: {  	v16 =	vadd.f32 v17, v16;
	_ =	sdelay $0x1  }
0x1cc: {  	[tilespmem:v1+s17+$0x0] =	vst.idx.msk $0xffff, v16  }
0x1cd: {  	v16 =	vld [tilespmem:s26+$0x8500]  }
0x1ce: {  	v17 =	vld [tilespmem:s26+$0xC500]  }
0x1cf: {  	v58 =	vld [tilespmem:s26+$0x8510]  }
0x1d0: {  	v59 =	vld [tilespmem:s26+$0xC510]  }
0x1d1: {  	v60 =	vld [tilespmem:s26+$0x8520]  }
0x1d2: {  	v61 =	vld [tilespmem:s26+$0xC520]  }
0x1d3: {  	v62 =	vld [tilespmem:s26+$0x8530]  }
0x1d4: {  	v63 =	vld [tilespmem:s26+$0xC530]  }
0x1d5: {  	v24 =	vld [tilespmem:s26+$0x8540];
	v16 =	vmul.f32 v17, v16;
	v17 =	vmul.f32 v59, v58  }
0x1d6: {  	v25 =	vld [tilespmem:s26+$0xC540]  }
0x1d7: {  	v26 =	vld [tilespmem:s26+$0x8550];
	v16 =	vadd.f32 v17, v16;
	v17 =	vmul.f32 v61, v60  }
0x1d8: {  	v27 =	vld [tilespmem:s26+$0xC550]  }
0x1d9: {  	v28 =	vld [tilespmem:s26+$0x8560];
	v16 =	vadd.f32 v17, v16;
	v17 =	vmul.f32 v63, v62  }
0x1da: {  	v29 =	vld [tilespmem:s26+$0xC560]  }
0x1db: {  	v30 =	vld [tilespmem:s26+$0x8570];
	v16 =	vadd.f32 v17, v16;
	v17 =	vmul.f32 v25, v24  }
0x1dc: {  	v31 =	vld [tilespmem:s26+$0xC570]  }
0x1dd: {  	v16 =	vadd.f32 v17, v16;
	v17 =	vmul.f32 v27, v26;
	_ =	sdelay $0x1  }
0x1de: {  	v16 =	vadd.f32 v17, v16;
	v17 =	vmul.f32 v29, v28;
	_ =	sdelay $0x1  }
0x1df: {  	v16 =	vadd.f32 v17, v16;
	v17 =	vmul.f32 v31, v30;
	_ =	sdelay $0x1  }
0x1e0: {  	v16 =	vadd.f32 v17, v16;
	_ =	sdelay $0x1  }
0x1e1: {  	[tilespmem:v2+s17+$0x0] =	vst.idx.msk $0xffff, v16  }
0x1e2: {  	v16 =	vld [tilespmem:s26+$0x8580]  }
0x1e3: {  	v17 =	vld [tilespmem:s26+$0xC580]  }
0x1e4: {  	v32 =	vld [tilespmem:s26+$0x8590]  }
0x1e5: {  	v33 =	vld [tilespmem:s26+$0xC590]  }
0x1e6: {  	v34 =	vld [tilespmem:s26+$0x85A0]  }
0x1e7: {  	v35 =	vld [tilespmem:s26+$0xC5A0]  }
0x1e8: {  	v36 =	vld [tilespmem:s26+$0x85B0]  }
0x1e9: {  	v37 =	vld [tilespmem:s26+$0xC5B0]  }
0x1ea: {  	v38 =	vld [tilespmem:s26+$0x85C0];
	v16 =	vmul.f32 v17, v16;
	v17 =	vmul.f32 v33, v32  }
0x1eb: {  	v39 =	vld [tilespmem:s26+$0xC5C0]  }
0x1ec: {  	v40 =	vld [tilespmem:s26+$0x85D0];
	v16 =	vadd.f32 v17, v16;
	v17 =	vmul.f32 v35, v34  }
0x1ed: {  	v41 =	vld [tilespmem:s26+$0xC5D0]  }
0x1ee: {  	v42 =	vld [tilespmem:s26+$0x85E0];
	v16 =	vadd.f32 v17, v16;
	v17 =	vmul.f32 v37, v36  }
0x1ef: {  	v43 =	vld [tilespmem:s26+$0xC5E0]  }
0x1f0: {  	v44 =	vld [tilespmem:s26+$0x85F0];
	v16 =	vadd.f32 v17, v16;
	v17 =	vmul.f32 v39, v38  }
0x1f1: {  	v45 =	vld [tilespmem:s26+$0xC5F0]  }
0x1f2: {  	v16 =	vadd.f32 v17, v16;
	v17 =	vmul.f32 v41, v40;
	_ =	sdelay $0x1  }
0x1f3: {  	v16 =	vadd.f32 v17, v16;
	v17 =	vmul.f32 v43, v42;
	_ =	sdelay $0x1  }
0x1f4: {  	v16 =	vadd.f32 v17, v16;
	v17 =	vmul.f32 v45, v44;
	_ =	sdelay $0x1  }
0x1f5: {  	v16 =	vadd.f32 v17, v16;
	_ =	sdelay $0x1  }
0x1f6: {  	[tilespmem:v3+s17+$0x0] =	vst.idx.msk $0xffff, v16  }
0x1f7: {  	v16 =	vld [tilespmem:s26+$0x8600]  }
0x1f8: {  	v17 =	vld [tilespmem:s26+$0xC600]  }
0x1f9: {  	v46 =	vld [tilespmem:s26+$0x8610]  }
0x1fa: {  	v47 =	vld [tilespmem:s26+$0xC610]  }
0x1fb: {  	v48 =	vld [tilespmem:s26+$0x8620]  }
0x1fc: {  	v49 =	vld [tilespmem:s26+$0xC620]  }
0x1fd: {  	v50 =	vld [tilespmem:s26+$0x8630]  }
0x1fe: {  	v51 =	vld [tilespmem:s26+$0xC630]  }
0x1ff: {  	v52 =	vld [tilespmem:s26+$0x8640];
	v16 =	vmul.f32 v17, v16;
	v17 =	vmul.f32 v47, v46  }
0x200: {  	v53 =	vld [tilespmem:s26+$0xC640]  }
0x201: {  	v54 =	vld [tilespmem:s26+$0x8650];
	v16 =	vadd.f32 v17, v16;
	v17 =	vmul.f32 v49, v48  }
0x202: {  	v55 =	vld [tilespmem:s26+$0xC650]  }
0x203: {  	v56 =	vld [tilespmem:s26+$0x8660];
	v16 =	vadd.f32 v17, v16;
	v17 =	vmul.f32 v51, v50  }
0x204: {  	v57 =	vld [tilespmem:s26+$0xC660]  }
0x205: {  	v58 =	vld [tilespmem:s26+$0x8670];
	v16 =	vadd.f32 v17, v16;
	v17 =	vmul.f32 v53, v52  }
0x206: {  	v59 =	vld [tilespmem:s26+$0xC670]  }
0x207: {  	v16 =	vadd.f32 v17, v16;
	v17 =	vmul.f32 v55, v54;
	_ =	sdelay $0x1  }
0x208: {  	v16 =	vadd.f32 v17, v16;
	v17 =	vmul.f32 v57, v56;
	_ =	sdelay $0x1  }
0x209: {  	v16 =	vadd.f32 v17, v16;
	v17 =	vmul.f32 v59, v58;
	_ =	sdelay $0x1  }
0x20a: {  	v16 =	vadd.f32 v17, v16;
	_ =	sdelay $0x1  }
0x20b: {  	[tilespmem:v4+s17+$0x0] =	vst.idx.msk $0xffff, v16  }
0x20c: {  	v16 =	vld [tilespmem:s26+$0x8680]  }
0x20d: {  	v17 =	vld [tilespmem:s26+$0xC680]  }
0x20e: {  	v60 =	vld [tilespmem:s26+$0x8690]  }
0x20f: {  	v61 =	vld [tilespmem:s26+$0xC690]  }
0x210: {  	v62 =	vld [tilespmem:s26+$0x86A0]  }
0x211: {  	v63 =	vld [tilespmem:s26+$0xC6A0]  }
0x212: {  	v24 =	vld [tilespmem:s26+$0x86B0]  }
0x213: {  	v25 =	vld [tilespmem:s26+$0xC6B0]  }
0x214: {  	v26 =	vld [tilespmem:s26+$0x86C0];
	v16 =	vmul.f32 v17, v16;
	v17 =	vmul.f32 v61, v60  }
0x215: {  	v27 =	vld [tilespmem:s26+$0xC6C0]  }
0x216: {  	v28 =	vld [tilespmem:s26+$0x86D0];
	v16 =	vadd.f32 v17, v16;
	v17 =	vmul.f32 v63, v62  }
0x217: {  	v29 =	vld [tilespmem:s26+$0xC6D0]  }
0x218: {  	v30 =	vld [tilespmem:s26+$0x86E0];
	v16 =	vadd.f32 v17, v16;
	v17 =	vmul.f32 v25, v24  }
0x219: {  	v31 =	vld [tilespmem:s26+$0xC6E0]  }
0x21a: {  	v32 =	vld [tilespmem:s26+$0x86F0];
	v16 =	vadd.f32 v17, v16;
	v17 =	vmul.f32 v27, v26  }
0x21b: {  	v33 =	vld [tilespmem:s26+$0xC6F0]  }
0x21c: {  	v16 =	vadd.f32 v17, v16;
	v17 =	vmul.f32 v29, v28;
	_ =	sdelay $0x1  }
0x21d: {  	v16 =	vadd.f32 v17, v16;
	v17 =	vmul.f32 v31, v30;
	_ =	sdelay $0x1  }
0x21e: {  	v16 =	vadd.f32 v17, v16;
	v17 =	vmul.f32 v33, v32;
	_ =	sdelay $0x1  }
0x21f: {  	v16 =	vadd.f32 v17, v16;
	_ =	sdelay $0x1  }
0x220: {  	[tilespmem:v5+s17+$0x0] =	vst.idx.msk $0xffff, v16  }
0x221: {  	v16 =	vld [tilespmem:s26+$0x8700]  }
0x222: {  	v17 =	vld [tilespmem:s26+$0xC700]  }
0x223: {  	v34 =	vld [tilespmem:s26+$0x8710]  }
0x224: {  	v35 =	vld [tilespmem:s26+$0xC710]  }
0x225: {  	v36 =	vld [tilespmem:s26+$0x8720]  }
0x226: {  	v37 =	vld [tilespmem:s26+$0xC720]  }
0x227: {  	v38 =	vld [tilespmem:s26+$0x8730]  }
0x228: {  	v39 =	vld [tilespmem:s26+$0xC730]  }
0x229: {  	v40 =	vld [tilespmem:s26+$0x8740];
	v16 =	vmul.f32 v17, v16;
	v17 =	vmul.f32 v35, v34  }
0x22a: {  	v41 =	vld [tilespmem:s26+$0xC740]  }
0x22b: {  	v42 =	vld [tilespmem:s26+$0x8750];
	v16 =	vadd.f32 v17, v16;
	v17 =	vmul.f32 v37, v36  }
0x22c: {  	v43 =	vld [tilespmem:s26+$0xC750]  }
0x22d: {  	v44 =	vld [tilespmem:s26+$0x8760];
	v16 =	vadd.f32 v17, v16;
	v17 =	vmul.f32 v39, v38  }
0x22e: {  	v45 =	vld [tilespmem:s26+$0xC760]  }
0x22f: {  	v46 =	vld [tilespmem:s26+$0x8770];
	v16 =	vadd.f32 v17, v16;
	v17 =	vmul.f32 v41, v40  }
0x230: {  	v47 =	vld [tilespmem:s26+$0xC770]  }
0x231: {  	v16 =	vadd.f32 v17, v16;
	v17 =	vmul.f32 v43, v42;
	_ =	sdelay $0x1  }
0x232: {  	v16 =	vadd.f32 v17, v16;
	v17 =	vmul.f32 v45, v44;
	_ =	sdelay $0x1  }
0x233: {  	v16 =	vadd.f32 v17, v16;
	v17 =	vmul.f32 v47, v46;
	_ =	sdelay $0x1  }
0x234: {  	v16 =	vadd.f32 v17, v16;
	_ =	sdelay $0x1  }
0x235: {  	[tilespmem:v6+s17+$0x0] =	vst.idx.msk $0xffff, v16  }
0x236: {  	v16 =	vld [tilespmem:s26+$0x8780]  }
0x237: {  	v17 =	vld [tilespmem:s26+$0xC780]  }
0x238: {  	v48 =	vld [tilespmem:s26+$0x8790]  }
0x239: {  	v49 =	vld [tilespmem:s26+$0xC790]  }
0x23a: {  	v50 =	vld [tilespmem:s26+$0x87A0]  }
0x23b: {  	v51 =	vld [tilespmem:s26+$0xC7A0]  }
0x23c: {  	v52 =	vld [tilespmem:s26+$0x87B0]  }
0x23d: {  	v53 =	vld [tilespmem:s26+$0xC7B0]  }
0x23e: {  	v54 =	vld [tilespmem:s26+$0x87C0];
	v16 =	vmul.f32 v17, v16;
	v17 =	vmul.f32 v49, v48  }
0x23f: {  	v55 =	vld [tilespmem:s26+$0xC7C0]  }
0x240: {  	v56 =	vld [tilespmem:s26+$0x87D0];
	v16 =	vadd.f32 v17, v16;
	v17 =	vmul.f32 v51, v50  }
0x241: {  	v57 =	vld [tilespmem:s26+$0xC7D0]  }
0x242: {  	v58 =	vld [tilespmem:s26+$0x87E0];
	v16 =	vadd.f32 v17, v16;
	v17 =	vmul.f32 v53, v52  }
0x243: {  	v59 =	vld [tilespmem:s26+$0xC7E0]  }
0x244: {  	v60 =	vld [tilespmem:s26+$0x87F0];
	v16 =	vadd.f32 v17, v16;
	v17 =	vmul.f32 v55, v54  }
0x245: {  	v61 =	vld [tilespmem:s26+$0xC7F0]  }
0x246: {  	v16 =	vadd.f32 v17, v16;
	v17 =	vmul.f32 v57, v56;
	_ =	sdelay $0x1  }
0x247: {  	v16 =	vadd.f32 v17, v16;
	v17 =	vmul.f32 v59, v58;
	_ =	sdelay $0x1  }
0x248: {  	v16 =	vadd.f32 v17, v16;
	v17 =	vmul.f32 v61, v60;
	_ =	sdelay $0x1  }
0x249: {  	v16 =	vadd.f32 v17, v16;
	_ =	sdelay $0x1  }
0x24a: {  	[tilespmem:v7+s17+$0x0] =	vst.idx.msk $0xffff, v16  }
0x24b: {  	v16 =	vld [tilespmem:s26+$0x8800]  }
0x24c: {  	v17 =	vld [tilespmem:s26+$0xC800]  }
0x24d: {  	v62 =	vld [tilespmem:s26+$0x8810]  }
0x24e: {  	v63 =	vld [tilespmem:s26+$0xC810]  }
0x24f: {  	v24 =	vld [tilespmem:s26+$0x8820]  }
0x250: {  	v25 =	vld [tilespmem:s26+$0xC820]  }
0x251: {  	v26 =	vld [tilespmem:s26+$0x8830]  }
0x252: {  	v27 =	vld [tilespmem:s26+$0xC830]  }
0x253: {  	v28 =	vld [tilespmem:s26+$0x8840];
	v16 =	vmul.f32 v17, v16;
	v17 =	vmul.f32 v63, v62  }
0x254: {  	v29 =	vld [tilespmem:s26+$0xC840]  }
0x255: {  	v30 =	vld [tilespmem:s26+$0x8850];
	v16 =	vadd.f32 v17, v16;
	v17 =	vmul.f32 v25, v24  }
0x256: {  	v31 =	vld [tilespmem:s26+$0xC850]  }
0x257: {  	v32 =	vld [tilespmem:s26+$0x8860];
	v16 =	vadd.f32 v17, v16;
	v17 =	vmul.f32 v27, v26  }
0x258: {  	v33 =	vld [tilespmem:s26+$0xC860]  }
0x259: {  	v34 =	vld [tilespmem:s26+$0x8870];
	v16 =	vadd.f32 v17, v16;
	v17 =	vmul.f32 v29, v28  }
0x25a: {  	v35 =	vld [tilespmem:s26+$0xC870]  }
0x25b: {  	v16 =	vadd.f32 v17, v16;
	v17 =	vmul.f32 v31, v30;
	_ =	sdelay $0x1  }
0x25c: {  	v16 =	vadd.f32 v17, v16;
	v17 =	vmul.f32 v33, v32;
	_ =	sdelay $0x1  }
0x25d: {  	v16 =	vadd.f32 v17, v16;
	v17 =	vmul.f32 v35, v34;
	_ =	sdelay $0x1  }
0x25e: {  	v16 =	vadd.f32 v17, v16;
	_ =	sdelay $0x1  }
0x25f: {  	[tilespmem:v8+s17+$0x0] =	vst.idx.msk $0xffff, v16  }
0x260: {  	v16 =	vld [tilespmem:s26+$0x8880]  }
0x261: {  	v17 =	vld [tilespmem:s26+$0xC880]  }
0x262: {  	v36 =	vld [tilespmem:s26+$0x8890]  }
0x263: {  	v37 =	vld [tilespmem:s26+$0xC890]  }
0x264: {  	v38 =	vld [tilespmem:s26+$0x88A0]  }
0x265: {  	v39 =	vld [tilespmem:s26+$0xC8A0]  }
0x266: {  	v40 =	vld [tilespmem:s26+$0x88B0]  }
0x267: {  	v41 =	vld [tilespmem:s26+$0xC8B0]  }
0x268: {  	v42 =	vld [tilespmem:s26+$0x88C0];
	v16 =	vmul.f32 v17, v16;
	v17 =	vmul.f32 v37, v36  }
0x269: {  	v43 =	vld [tilespmem:s26+$0xC8C0]  }
0x26a: {  	v44 =	vld [tilespmem:s26+$0x88D0];
	v16 =	vadd.f32 v17, v16;
	v17 =	vmul.f32 v39, v38  }
0x26b: {  	v45 =	vld [tilespmem:s26+$0xC8D0]  }
0x26c: {  	v46 =	vld [tilespmem:s26+$0x88E0];
	v16 =	vadd.f32 v17, v16;
	v17 =	vmul.f32 v41, v40  }
0x26d: {  	v47 =	vld [tilespmem:s26+$0xC8E0]  }
0x26e: {  	v48 =	vld [tilespmem:s26+$0x88F0];
	v16 =	vadd.f32 v17, v16;
	v17 =	vmul.f32 v43, v42  }
0x26f: {  	v49 =	vld [tilespmem:s26+$0xC8F0]  }
0x270: {  	v16 =	vadd.f32 v17, v16;
	v17 =	vmul.f32 v45, v44;
	_ =	sdelay $0x1  }
0x271: {  	v16 =	vadd.f32 v17, v16;
	v17 =	vmul.f32 v47, v46;
	_ =	sdelay $0x1  }
0x272: {  	v16 =	vadd.f32 v17, v16;
	v17 =	vmul.f32 v49, v48;
	_ =	sdelay $0x1  }
0x273: {  	v16 =	vadd.f32 v17, v16;
	_ =	sdelay $0x1  }
0x274: {  	[tilespmem:v9+s17+$0x0] =	vst.idx.msk $0xffff, v16  }
0x275: {  	v16 =	vld [tilespmem:s26+$0x8900]  }
0x276: {  	v17 =	vld [tilespmem:s26+$0xC900]  }
0x277: {  	v50 =	vld [tilespmem:s26+$0x8910]  }
0x278: {  	v51 =	vld [tilespmem:s26+$0xC910]  }
0x279: {  	v52 =	vld [tilespmem:s26+$0x8920]  }
0x27a: {  	v53 =	vld [tilespmem:s26+$0xC920]  }
0x27b: {  	v54 =	vld [tilespmem:s26+$0x8930]  }
0x27c: {  	v55 =	vld [tilespmem:s26+$0xC930]  }
0x27d: {  	v56 =	vld [tilespmem:s26+$0x8940];
	v16 =	vmul.f32 v17, v16;
	v17 =	vmul.f32 v51, v50  }
0x27e: {  	v57 =	vld [tilespmem:s26+$0xC940]  }
0x27f: {  	v58 =	vld [tilespmem:s26+$0x8950];
	v16 =	vadd.f32 v17, v16;
	v17 =	vmul.f32 v53, v52  }
0x280: {  	v59 =	vld [tilespmem:s26+$0xC950]  }
0x281: {  	v60 =	vld [tilespmem:s26+$0x8960];
	v16 =	vadd.f32 v17, v16;
	v17 =	vmul.f32 v55, v54  }
0x282: {  	v61 =	vld [tilespmem:s26+$0xC960]  }
0x283: {  	v62 =	vld [tilespmem:s26+$0x8970];
	v16 =	vadd.f32 v17, v16;
	v17 =	vmul.f32 v57, v56  }
0x284: {  	v63 =	vld [tilespmem:s26+$0xC970]  }
0x285: {  	v16 =	vadd.f32 v17, v16;
	v17 =	vmul.f32 v59, v58;
	_ =	sdelay $0x1  }
0x286: {  	v16 =	vadd.f32 v17, v16;
	v17 =	vmul.f32 v61, v60;
	_ =	sdelay $0x1  }
0x287: {  	v16 =	vadd.f32 v17, v16;
	v17 =	vmul.f32 v63, v62;
	_ =	sdelay $0x1  }
0x288: {  	v16 =	vadd.f32 v17, v16;
	_ =	sdelay $0x1  }
0x289: {  	[tilespmem:v10+s17+$0x0] =	vst.idx.msk $0xffff, v16  }
0x28a: {  	v16 =	vld [tilespmem:s26+$0x8980]  }
0x28b: {  	v17 =	vld [tilespmem:s26+$0xC980]  }
0x28c: {  	v24 =	vld [tilespmem:s26+$0x8990]  }
0x28d: {  	v25 =	vld [tilespmem:s26+$0xC990]  }
0x28e: {  	v26 =	vld [tilespmem:s26+$0x89A0]  }
0x28f: {  	v27 =	vld [tilespmem:s26+$0xC9A0]  }
0x290: {  	v28 =	vld [tilespmem:s26+$0x89B0]  }
0x291: {  	v29 =	vld [tilespmem:s26+$0xC9B0]  }
0x292: {  	v30 =	vld [tilespmem:s26+$0x89C0];
	v16 =	vmul.f32 v17, v16;
	v17 =	vmul.f32 v25, v24  }
0x293: {  	v31 =	vld [tilespmem:s26+$0xC9C0]  }
0x294: {  	v32 =	vld [tilespmem:s26+$0x89D0];
	v16 =	vadd.f32 v17, v16;
	v17 =	vmul.f32 v27, v26  }
0x295: {  	v33 =	vld [tilespmem:s26+$0xC9D0]  }
0x296: {  	v34 =	vld [tilespmem:s26+$0x89E0];
	v16 =	vadd.f32 v17, v16;
	v17 =	vmul.f32 v29, v28  }
0x297: {  	v35 =	vld [tilespmem:s26+$0xC9E0]  }
0x298: {  	v36 =	vld [tilespmem:s26+$0x89F0];
	v16 =	vadd.f32 v17, v16;
	v17 =	vmul.f32 v31, v30  }
0x299: {  	v37 =	vld [tilespmem:s26+$0xC9F0]  }
0x29a: {  	v16 =	vadd.f32 v17, v16;
	v17 =	vmul.f32 v33, v32;
	_ =	sdelay $0x1  }
0x29b: {  	v16 =	vadd.f32 v17, v16;
	v17 =	vmul.f32 v35, v34;
	_ =	sdelay $0x1  }
0x29c: {  	v16 =	vadd.f32 v17, v16;
	v17 =	vmul.f32 v37, v36;
	_ =	sdelay $0x1  }
0x29d: {  	v16 =	vadd.f32 v17, v16;
	_ =	sdelay $0x1  }
0x29e: {  	[tilespmem:v11+s17+$0x0] =	vst.idx.msk $0xffff, v16  }
0x29f: {  	v16 =	vld [tilespmem:s26+$0x8A00]  }
0x2a0: {  	v17 =	vld [tilespmem:s26+$0xCA00]  }
0x2a1: {  	v38 =	vld [tilespmem:s26+$0x8A10]  }
0x2a2: {  	v39 =	vld [tilespmem:s26+$0xCA10]  }
0x2a3: {  	v40 =	vld [tilespmem:s26+$0x8A20]  }
0x2a4: {  	v41 =	vld [tilespmem:s26+$0xCA20]  }
0x2a5: {  	v42 =	vld [tilespmem:s26+$0x8A30]  }
0x2a6: {  	v43 =	vld [tilespmem:s26+$0xCA30]  }
0x2a7: {  	v44 =	vld [tilespmem:s26+$0x8A40];
	v16 =	vmul.f32 v17, v16;
	v17 =	vmul.f32 v39, v38  }
0x2a8: {  	v45 =	vld [tilespmem:s26+$0xCA40]  }
0x2a9: {  	v46 =	vld [tilespmem:s26+$0x8A50];
	v16 =	vadd.f32 v17, v16;
	v17 =	vmul.f32 v41, v40  }
0x2aa: {  	v47 =	vld [tilespmem:s26+$0xCA50]  }
0x2ab: {  	v48 =	vld [tilespmem:s26+$0x8A60];
	v16 =	vadd.f32 v17, v16;
	v17 =	vmul.f32 v43, v42  }
0x2ac: {  	v49 =	vld [tilespmem:s26+$0xCA60]  }
0x2ad: {  	v50 =	vld [tilespmem:s26+$0x8A70];
	v16 =	vadd.f32 v17, v16;
	v17 =	vmul.f32 v45, v44  }
0x2ae: {  	v51 =	vld [tilespmem:s26+$0xCA70]  }
0x2af: {  	v16 =	vadd.f32 v17, v16;
	v17 =	vmul.f32 v47, v46;
	_ =	sdelay $0x1  }
0x2b0: {  	v16 =	vadd.f32 v17, v16;
	v17 =	vmul.f32 v49, v48;
	_ =	sdelay $0x1  }
0x2b1: {  	v16 =	vadd.f32 v17, v16;
	v17 =	vmul.f32 v51, v50;
	_ =	sdelay $0x1  }
0x2b2: {  	v16 =	vadd.f32 v17, v16;
	_ =	sdelay $0x1  }
0x2b3: {  	[tilespmem:v12+s17+$0x0] =	vst.idx.msk $0xffff, v16  }
0x2b4: {  	v16 =	vld [tilespmem:s26+$0x8A80]  }
0x2b5: {  	v17 =	vld [tilespmem:s26+$0xCA80]  }
0x2b6: {  	v52 =	vld [tilespmem:s26+$0x8A90]  }
0x2b7: {  	v53 =	vld [tilespmem:s26+$0xCA90]  }
0x2b8: {  	v54 =	vld [tilespmem:s26+$0x8AA0]  }
0x2b9: {  	v55 =	vld [tilespmem:s26+$0xCAA0]  }
0x2ba: {  	v56 =	vld [tilespmem:s26+$0x8AB0]  }
0x2bb: {  	v57 =	vld [tilespmem:s26+$0xCAB0]  }
0x2bc: {  	v58 =	vld [tilespmem:s26+$0x8AC0];
	v16 =	vmul.f32 v17, v16;
	v17 =	vmul.f32 v53, v52  }
0x2bd: {  	v59 =	vld [tilespmem:s26+$0xCAC0]  }
0x2be: {  	v60 =	vld [tilespmem:s26+$0x8AD0];
	v16 =	vadd.f32 v17, v16;
	v17 =	vmul.f32 v55, v54  }
0x2bf: {  	v61 =	vld [tilespmem:s26+$0xCAD0]  }
0x2c0: {  	v62 =	vld [tilespmem:s26+$0x8AE0];
	v16 =	vadd.f32 v17, v16;
	v17 =	vmul.f32 v57, v56  }
0x2c1: {  	v63 =	vld [tilespmem:s26+$0xCAE0]  }
0x2c2: {  	v24 =	vld [tilespmem:s26+$0x8AF0];
	v16 =	vadd.f32 v17, v16;
	v17 =	vmul.f32 v59, v58  }
0x2c3: {  	v25 =	vld [tilespmem:s26+$0xCAF0]  }
0x2c4: {  	v16 =	vadd.f32 v17, v16;
	v17 =	vmul.f32 v61, v60;
	_ =	sdelay $0x1  }
0x2c5: {  	v16 =	vadd.f32 v17, v16;
	v17 =	vmul.f32 v63, v62;
	_ =	sdelay $0x1  }
0x2c6: {  	v16 =	vadd.f32 v17, v16;
	v17 =	vmul.f32 v25, v24;
	_ =	sdelay $0x1  }
0x2c7: {  	v16 =	vadd.f32 v17, v16;
	_ =	sdelay $0x1  }
0x2c8: {  	[tilespmem:v13+s17+$0x0] =	vst.idx.msk $0xffff, v16  }
0x2c9: {  	v16 =	vld [tilespmem:s26+$0x8B00]  }
0x2ca: {  	v17 =	vld [tilespmem:s26+$0xCB00]  }
0x2cb: {  	v26 =	vld [tilespmem:s26+$0x8B10]  }
0x2cc: {  	v27 =	vld [tilespmem:s26+$0xCB10]  }
0x2cd: {  	v28 =	vld [tilespmem:s26+$0x8B20]  }
0x2ce: {  	v29 =	vld [tilespmem:s26+$0xCB20]  }
0x2cf: {  	v30 =	vld [tilespmem:s26+$0x8B30]  }
0x2d0: {  	v31 =	vld [tilespmem:s26+$0xCB30]  }
0x2d1: {  	v32 =	vld [tilespmem:s26+$0x8B40];
	v16 =	vmul.f32 v17, v16;
	v17 =	vmul.f32 v27, v26  }
0x2d2: {  	v33 =	vld [tilespmem:s26+$0xCB40]  }
0x2d3: {  	v34 =	vld [tilespmem:s26+$0x8B50];
	v16 =	vadd.f32 v17, v16;
	v17 =	vmul.f32 v29, v28  }
0x2d4: {  	v35 =	vld [tilespmem:s26+$0xCB50]  }
0x2d5: {  	v36 =	vld [tilespmem:s26+$0x8B60];
	v16 =	vadd.f32 v17, v16;
	v17 =	vmul.f32 v31, v30  }
0x2d6: {  	v37 =	vld [tilespmem:s26+$0xCB60]  }
0x2d7: {  	v38 =	vld [tilespmem:s26+$0x8B70];
	v16 =	vadd.f32 v17, v16;
	v17 =	vmul.f32 v33, v32  }
0x2d8: {  	v39 =	vld [tilespmem:s26+$0xCB70]  }
0x2d9: {  	v16 =	vadd.f32 v17, v16;
	v17 =	vmul.f32 v35, v34;
	_ =	sdelay $0x1  }
0x2da: {  	v16 =	vadd.f32 v17, v16;
	v17 =	vmul.f32 v37, v36;
	_ =	sdelay $0x1  }
0x2db: {  	v16 =	vadd.f32 v17, v16;
	v17 =	vmul.f32 v39, v38;
	_ =	sdelay $0x1  }
0x2dc: {  	v16 =	vadd.f32 v17, v16;
	_ =	sdelay $0x1  }
0x2dd: {  	[tilespmem:v14+s17+$0x0] =	vst.idx.msk $0xffff, v16  }
0x2de: {  	v16 =	vld [tilespmem:s26+$0x8B80]  }
0x2df: {  	v17 =	vld [tilespmem:s26+$0xCB80]  }
0x2e0: {  	v40 =	vld [tilespmem:s26+$0x8B90]  }
0x2e1: {  	v41 =	vld [tilespmem:s26+$0xCB90]  }
0x2e2: {  	v42 =	vld [tilespmem:s26+$0x8BA0]  }
0x2e3: {  	v43 =	vld [tilespmem:s26+$0xCBA0]  }
0x2e4: {  	v44 =	vld [tilespmem:s26+$0x8BB0]  }
0x2e5: {  	v45 =	vld [tilespmem:s26+$0xCBB0]  }
0x2e6: {  	v46 =	vld [tilespmem:s26+$0x8BC0];
	v16 =	vmul.f32 v17, v16;
	v17 =	vmul.f32 v41, v40  }
0x2e7: {  	v47 =	vld [tilespmem:s26+$0xCBC0]  }
0x2e8: {  	v48 =	vld [tilespmem:s26+$0x8BD0];
	v16 =	vadd.f32 v17, v16;
	v17 =	vmul.f32 v43, v42  }
0x2e9: {  	v49 =	vld [tilespmem:s26+$0xCBD0]  }
0x2ea: {  	v50 =	vld [tilespmem:s26+$0x8BE0];
	v16 =	vadd.f32 v17, v16;
	v17 =	vmul.f32 v45, v44  }
0x2eb: {  	v51 =	vld [tilespmem:s26+$0xCBE0]  }
0x2ec: {  	v52 =	vld [tilespmem:s26+$0x8BF0];
	v16 =	vadd.f32 v17, v16;
	v17 =	vmul.f32 v47, v46  }
0x2ed: {  	v53 =	vld [tilespmem:s26+$0xCBF0]  }
0x2ee: {  	v16 =	vadd.f32 v17, v16;
	v17 =	vmul.f32 v49, v48;
	_ =	sdelay $0x1  }
0x2ef: {  	v16 =	vadd.f32 v17, v16;
	v17 =	vmul.f32 v51, v50;
	_ =	sdelay $0x1  }
0x2f0: {  	v16 =	vadd.f32 v17, v16;
	v17 =	vmul.f32 v53, v52;
	_ =	sdelay $0x1  }
0x2f1: {  	v16 =	vadd.f32 v17, v16;
	_ =	sdelay $0x1  }
0x2f2: {  	[tilespmem:v15+s17+$0x0] =	vst.idx.msk $0xffff, v16  }
0x2f3: {  	v16 =	vld [tilespmem:$0x10400]  }
0x2f4: {  	v17 =	vld [tilespmem:$0x10480];
	_ =	sdelay $0x1  }
0x2f5: {  	v54 =	vld [tilespmem:$0x10500];
	_ =	sdelay $0x1  }
0x2f6: {  	v55 =	vld [tilespmem:$0x10580]  }
0x2f7: {  	v16 =	vadd.f32 v17, v16  }
0x2f8: {  	v17 =	vld [tilespmem:$0x10600]  }
0x2f9: {  	v16 =	vadd.f32 v54, v16  }
0x2fa: {  	v56 =	vld [tilespmem:$0x10680]  }
0x2fb: {  	v16 =	vadd.f32 v55, v16  }
0x2fc: {  	v57 =	vld [tilespmem:$0x10700]  }
0x2fd: {  	v16 =	vadd.f32 v17, v16  }
0x2fe: {  	v17 =	vld [tilespmem:$0x10780]  }
0x2ff: {  	v16 =	vadd.f32 v56, v16  }
0x300: {  	v58 =	vld [tilespmem:$0x10800]  }
0x301: {  	v16 =	vadd.f32 v57, v16  }
0x302: {  	v59 =	vld [tilespmem:$0x10880]  }
0x303: {  	v16 =	vadd.f32 v17, v16  }
0x304: {  	v17 =	vld [tilespmem:$0x10900]  }
0x305: {  	v16 =	vadd.f32 v58, v16  }
0x306: {  	v60 =	vld [tilespmem:$0x10980]  }
0x307: {  	v16 =	vadd.f32 v59, v16  }
0x308: {  	v61 =	vld [tilespmem:$0x10A00]  }
0x309: {  	v16 =	vadd.f32 v17, v16  }
0x30a: {  	v17 =	vld [tilespmem:$0x10A80]  }
0x30b: {  	v16 =	vadd.f32 v60, v16  }
0x30c: {  	v62 =	vld [tilespmem:$0x10B00]  }
0x30d: {  	v16 =	vadd.f32 v61, v16  }
0x30e: {  	v63 =	vld [tilespmem:$0x10B80]  }
0x30f: {  	v16 =	vadd.f32 v17, v16  }
0x310: {  	p0 =	sne.s32 s25, $0x7  }
.Ltmp1:
0x311: {  	v16 =	vadd.f32 v62, v16;
	(pc) =	sbr.rel @p0 .LBB2_4-.Ltmp1, $4  }
0x312: {  	_ = 	snop  }
0x313: {  	s31 =	sshll.u32 s25, $0x4;
	v16 =	vadd.f32 v63, v16  }
0x314: {  	s26 =	sand.u32 $0x3FFFFFF0, s31  }
0x315: {  	s25 =	sadd.s32 $0x1, s25;
	[tilespmem:s26+$0x10C80] =	vst v16  }
0x316: {  	[tilespmem:s13], [sflag:$0x2] =	stream.indirect.gather [hbm4b:s1+s10], $0x80, s21, s10, $0xb8;
	[tilespmem:$0x10E00] =	vst v63  }
0x317: {  	_ = 	snop  }
0x318: {  	[tilespmem:s15], [sflag:$0x2] =	stream.indirect.gather [hbm4b:s1+s10], $0x80, s22, s10, $0xb8;
	[tilespmem:$0x10E00] =	vst v63  }
0x319: {  	_ =	swait.ge [sflag:s16], $0x4000  }
0x31a: {  	[sflag:s16] =	ssyncset.done $0x0  }
0x31b: {  	[sflag:s16] =	ssyncadd.s32 $0xFFFFC000  }
0x31c: {  	_ =	swait.ge [sflag:s16], $0x4000  }
0x31d: {  	[sflag:s16] =	ssyncset.done $0x0  }
0x31e: {  	s25 =	simm.s32 $0x0;
	[sflag:s16] =	ssyncadd.s32 $0xFFFFC000  }
.LBB2_6:
0x31f: {  	s26 =	sshll.u32 s25, $0xB  }
0x320: {  	v16 =	vld [tilespmem:s26+$0x400]  }
0x321: {  	v17 =	vld [tilespmem:s26+$0x4400]  }
0x322: {  	v18 =	vld [tilespmem:s26+$0x410]  }
0x323: {  	v19 =	vld [tilespmem:s26+$0x4410]  }
0x324: {  	v20 =	vld [tilespmem:s26+$0x420]  }
0x325: {  	v21 =	vld [tilespmem:s26+$0x4420]  }
0x326: {  	v22 =	vld [tilespmem:s26+$0x430]  }
0x327: {  	v23 =	vld [tilespmem:s26+$0x4430]  }
0x328: {  	v36 =	vld [tilespmem:s26+$0x440];
	v16 =	vmul.f32 v17, v16;
	v17 =	vmul.f32 v19, v18  }
0x329: {  	v37 =	vld [tilespmem:s26+$0x4440]  }
0x32a: {  	v38 =	vld [tilespmem:s26+$0x450];
	v16 =	vadd.f32 v17, v16;
	v17 =	vmul.f32 v21, v20  }
0x32b: {  	v39 =	vld [tilespmem:s26+$0x4450]  }
0x32c: {  	v40 =	vld [tilespmem:s26+$0x460];
	v16 =	vadd.f32 v17, v16;
	v17 =	vmul.f32 v23, v22  }
0x32d: {  	v41 =	vld [tilespmem:s26+$0x4460]  }
0x32e: {  	v42 =	vld [tilespmem:s26+$0x470];
	v16 =	vadd.f32 v17, v16;
	v17 =	vmul.f32 v37, v36  }
0x32f: {  	v43 =	vld [tilespmem:s26+$0x4470]  }
0x330: {  	v16 =	vadd.f32 v17, v16;
	v17 =	vmul.f32 v39, v38;
	_ =	sdelay $0x1  }
0x331: {  	v16 =	vadd.f32 v17, v16;
	v17 =	vmul.f32 v41, v40;
	_ =	sdelay $0x1  }
0x332: {  	v16 =	vadd.f32 v17, v16;
	v17 =	vmul.f32 v43, v42;
	_ =	sdelay $0x1  }
0x333: {  	v16 =	vadd.f32 v17, v16;
	_ =	sdelay $0x1  }
0x334: {  	[tilespmem:v0+s17+$0x0] =	vst.idx.msk $0xffff, v16  }
0x335: {  	v16 =	vld [tilespmem:s26+$0x480]  }
0x336: {  	v17 =	vld [tilespmem:s26+$0x4480]  }
0x337: {  	v44 =	vld [tilespmem:s26+$0x490]  }
0x338: {  	v45 =	vld [tilespmem:s26+$0x4490]  }
0x339: {  	v46 =	vld [tilespmem:s26+$0x4A0]  }
0x33a: {  	v47 =	vld [tilespmem:s26+$0x44A0]  }
0x33b: {  	v48 =	vld [tilespmem:s26+$0x4B0]  }
0x33c: {  	v49 =	vld [tilespmem:s26+$0x44B0]  }
0x33d: {  	v50 =	vld [tilespmem:s26+$0x4C0];
	v16 =	vmul.f32 v17, v16;
	v17 =	vmul.f32 v45, v44  }
0x33e: {  	v51 =	vld [tilespmem:s26+$0x44C0]  }
0x33f: {  	v52 =	vld [tilespmem:s26+$0x4D0];
	v16 =	vadd.f32 v17, v16;
	v17 =	vmul.f32 v47, v46  }
0x340: {  	v53 =	vld [tilespmem:s26+$0x44D0]  }
0x341: {  	v54 =	vld [tilespmem:s26+$0x4E0];
	v16 =	vadd.f32 v17, v16;
	v17 =	vmul.f32 v49, v48  }
0x342: {  	v55 =	vld [tilespmem:s26+$0x44E0]  }
0x343: {  	v56 =	vld [tilespmem:s26+$0x4F0];
	v16 =	vadd.f32 v17, v16;
	v17 =	vmul.f32 v51, v50  }
0x344: {  	v57 =	vld [tilespmem:s26+$0x44F0]  }
0x345: {  	v16 =	vadd.f32 v17, v16;
	v17 =	vmul.f32 v53, v52;
	_ =	sdelay $0x1  }
0x346: {  	v16 =	vadd.f32 v17, v16;
	v17 =	vmul.f32 v55, v54;
	_ =	sdelay $0x1  }
0x347: {  	v16 =	vadd.f32 v17, v16;
	v17 =	vmul.f32 v57, v56;
	_ =	sdelay $0x1  }
0x348: {  	v16 =	vadd.f32 v17, v16;
	_ =	sdelay $0x1  }
0x349: {  	[tilespmem:v1+s17+$0x0] =	vst.idx.msk $0xffff, v16  }
0x34a: {  	v16 =	vld [tilespmem:s26+$0x500]  }
0x34b: {  	v17 =	vld [tilespmem:s26+$0x4500]  }
0x34c: {  	v58 =	vld [tilespmem:s26+$0x510]  }
0x34d: {  	v59 =	vld [tilespmem:s26+$0x4510]  }
0x34e: {  	v60 =	vld [tilespmem:s26+$0x520]  }
0x34f: {  	v61 =	vld [tilespmem:s26+$0x4520]  }
0x350: {  	v62 =	vld [tilespmem:s26+$0x530]  }
0x351: {  	v63 =	vld [tilespmem:s26+$0x4530]  }
0x352: {  	v24 =	vld [tilespmem:s26+$0x540];
	v16 =	vmul.f32 v17, v16;
	v17 =	vmul.f32 v59, v58  }
0x353: {  	v25 =	vld [tilespmem:s26+$0x4540]  }
0x354: {  	v26 =	vld [tilespmem:s26+$0x550];
	v16 =	vadd.f32 v17, v16;
	v17 =	vmul.f32 v61, v60  }
0x355: {  	v27 =	vld [tilespmem:s26+$0x4550]  }
0x356: {  	v28 =	vld [tilespmem:s26+$0x560];
	v16 =	vadd.f32 v17, v16;
	v17 =	vmul.f32 v63, v62  }
0x357: {  	v29 =	vld [tilespmem:s26+$0x4560]  }
0x358: {  	v30 =	vld [tilespmem:s26+$0x570];
	v16 =	vadd.f32 v17, v16;
	v17 =	vmul.f32 v25, v24  }
0x359: {  	v31 =	vld [tilespmem:s26+$0x4570]  }
0x35a: {  	v16 =	vadd.f32 v17, v16;
	v17 =	vmul.f32 v27, v26;
	_ =	sdelay $0x1  }
0x35b: {  	v16 =	vadd.f32 v17, v16;
	v17 =	vmul.f32 v29, v28;
	_ =	sdelay $0x1  }
0x35c: {  	v16 =	vadd.f32 v17, v16;
	v17 =	vmul.f32 v31, v30;
	_ =	sdelay $0x1  }
0x35d: {  	v16 =	vadd.f32 v17, v16;
	_ =	sdelay $0x1  }
0x35e: {  	[tilespmem:v2+s17+$0x0] =	vst.idx.msk $0xffff, v16  }
0x35f: {  	v16 =	vld [tilespmem:s26+$0x580]  }
0x360: {  	v17 =	vld [tilespmem:s26+$0x4580]  }
0x361: {  	v32 =	vld [tilespmem:s26+$0x590]  }
0x362: {  	v33 =	vld [tilespmem:s26+$0x4590]  }
0x363: {  	v34 =	vld [tilespmem:s26+$0x5A0]  }
0x364: {  	v35 =	vld [tilespmem:s26+$0x45A0]  }
0x365: {  	v36 =	vld [tilespmem:s26+$0x5B0]  }
0x366: {  	v37 =	vld [tilespmem:s26+$0x45B0]  }
0x367: {  	v38 =	vld [tilespmem:s26+$0x5C0];
	v16 =	vmul.f32 v17, v16;
	v17 =	vmul.f32 v33, v32  }
0x368: {  	v39 =	vld [tilespmem:s26+$0x45C0]  }
0x369: {  	v40 =	vld [tilespmem:s26+$0x5D0];
	v16 =	vadd.f32 v17, v16;
	v17 =	vmul.f32 v35, v34  }
0x36a: {  	v41 =	vld [tilespmem:s26+$0x45D0]  }
0x36b: {  	v42 =	vld [tilespmem:s26+$0x5E0];
	v16 =	vadd.f32 v17, v16;
	v17 =	vmul.f32 v37, v36  }
0x36c: {  	v43 =	vld [tilespmem:s26+$0x45E0]  }
0x36d: {  	v44 =	vld [tilespmem:s26+$0x5F0];
	v16 =	vadd.f32 v17, v16;
	v17 =	vmul.f32 v39, v38  }
0x36e: {  	v45 =	vld [tilespmem:s26+$0x45F0]  }
0x36f: {  	v16 =	vadd.f32 v17, v16;
	v17 =	vmul.f32 v41, v40;
	_ =	sdelay $0x1  }
0x370: {  	v16 =	vadd.f32 v17, v16;
	v17 =	vmul.f32 v43, v42;
	_ =	sdelay $0x1  }
0x371: {  	v16 =	vadd.f32 v17, v16;
	v17 =	vmul.f32 v45, v44;
	_ =	sdelay $0x1  }
0x372: {  	v16 =	vadd.f32 v17, v16;
	_ =	sdelay $0x1  }
0x373: {  	[tilespmem:v3+s17+$0x0] =	vst.idx.msk $0xffff, v16  }
0x374: {  	v16 =	vld [tilespmem:s26+$0x600]  }
0x375: {  	v17 =	vld [tilespmem:s26+$0x4600]  }
0x376: {  	v46 =	vld [tilespmem:s26+$0x610]  }
0x377: {  	v47 =	vld [tilespmem:s26+$0x4610]  }
0x378: {  	v48 =	vld [tilespmem:s26+$0x620]  }
0x379: {  	v49 =	vld [tilespmem:s26+$0x4620]  }
0x37a: {  	v50 =	vld [tilespmem:s26+$0x630]  }
0x37b: {  	v51 =	vld [tilespmem:s26+$0x4630]  }
0x37c: {  	v52 =	vld [tilespmem:s26+$0x640];
	v16 =	vmul.f32 v17, v16;
	v17 =	vmul.f32 v47, v46  }
0x37d: {  	v53 =	vld [tilespmem:s26+$0x4640]  }
0x37e: {  	v54 =	vld [tilespmem:s26+$0x650];
	v16 =	vadd.f32 v17, v16;
	v17 =	vmul.f32 v49, v48  }
0x37f: {  	v55 =	vld [tilespmem:s26+$0x4650]  }
0x380: {  	v56 =	vld [tilespmem:s26+$0x660];
	v16 =	vadd.f32 v17, v16;
	v17 =	vmul.f32 v51, v50  }
0x381: {  	v57 =	vld [tilespmem:s26+$0x4660]  }
0x382: {  	v58 =	vld [tilespmem:s26+$0x670];
	v16 =	vadd.f32 v17, v16;
	v17 =	vmul.f32 v53, v52  }
0x383: {  	v59 =	vld [tilespmem:s26+$0x4670]  }
0x384: {  	v16 =	vadd.f32 v17, v16;
	v17 =	vmul.f32 v55, v54;
	_ =	sdelay $0x1  }
0x385: {  	v16 =	vadd.f32 v17, v16;
	v17 =	vmul.f32 v57, v56;
	_ =	sdelay $0x1  }
0x386: {  	v16 =	vadd.f32 v17, v16;
	v17 =	vmul.f32 v59, v58;
	_ =	sdelay $0x1  }
0x387: {  	v16 =	vadd.f32 v17, v16;
	_ =	sdelay $0x1  }
0x388: {  	[tilespmem:v4+s17+$0x0] =	vst.idx.msk $0xffff, v16  }
0x389: {  	v16 =	vld [tilespmem:s26+$0x680]  }
0x38a: {  	v17 =	vld [tilespmem:s26+$0x4680]  }
0x38b: {  	v60 =	vld [tilespmem:s26+$0x690]  }
0x38c: {  	v61 =	vld [tilespmem:s26+$0x4690]  }
0x38d: {  	v62 =	vld [tilespmem:s26+$0x6A0]  }
0x38e: {  	v63 =	vld [tilespmem:s26+$0x46A0]  }
0x38f: {  	v24 =	vld [tilespmem:s26+$0x6B0]  }
0x390: {  	v25 =	vld [tilespmem:s26+$0x46B0]  }
0x391: {  	v26 =	vld [tilespmem:s26+$0x6C0];
	v16 =	vmul.f32 v17, v16;
	v17 =	vmul.f32 v61, v60  }
0x392: {  	v27 =	vld [tilespmem:s26+$0x46C0]  }
0x393: {  	v28 =	vld [tilespmem:s26+$0x6D0];
	v16 =	vadd.f32 v17, v16;
	v17 =	vmul.f32 v63, v62  }
0x394: {  	v29 =	vld [tilespmem:s26+$0x46D0]  }
0x395: {  	v30 =	vld [tilespmem:s26+$0x6E0];
	v16 =	vadd.f32 v17, v16;
	v17 =	vmul.f32 v25, v24  }
0x396: {  	v31 =	vld [tilespmem:s26+$0x46E0]  }
0x397: {  	v32 =	vld [tilespmem:s26+$0x6F0];
	v16 =	vadd.f32 v17, v16;
	v17 =	vmul.f32 v27, v26  }
0x398: {  	v33 =	vld [tilespmem:s26+$0x46F0]  }
0x399: {  	v16 =	vadd.f32 v17, v16;
	v17 =	vmul.f32 v29, v28;
	_ =	sdelay $0x1  }
0x39a: {  	v16 =	vadd.f32 v17, v16;
	v17 =	vmul.f32 v31, v30;
	_ =	sdelay $0x1  }
0x39b: {  	v16 =	vadd.f32 v17, v16;
	v17 =	vmul.f32 v33, v32;
	_ =	sdelay $0x1  }
0x39c: {  	v16 =	vadd.f32 v17, v16;
	_ =	sdelay $0x1  }
0x39d: {  	[tilespmem:v5+s17+$0x0] =	vst.idx.msk $0xffff, v16  }
0x39e: {  	v16 =	vld [tilespmem:s26+$0x700]  }
0x39f: {  	v17 =	vld [tilespmem:s26+$0x4700]  }
0x3a0: {  	v34 =	vld [tilespmem:s26+$0x710]  }
0x3a1: {  	v35 =	vld [tilespmem:s26+$0x4710]  }
0x3a2: {  	v36 =	vld [tilespmem:s26+$0x720]  }
0x3a3: {  	v37 =	vld [tilespmem:s26+$0x4720]  }
0x3a4: {  	v38 =	vld [tilespmem:s26+$0x730]  }
0x3a5: {  	v39 =	vld [tilespmem:s26+$0x4730]  }
0x3a6: {  	v40 =	vld [tilespmem:s26+$0x740];
	v16 =	vmul.f32 v17, v16;
	v17 =	vmul.f32 v35, v34  }
0x3a7: {  	v41 =	vld [tilespmem:s26+$0x4740]  }
0x3a8: {  	v42 =	vld [tilespmem:s26+$0x750];
	v16 =	vadd.f32 v17, v16;
	v17 =	vmul.f32 v37, v36  }
0x3a9: {  	v43 =	vld [tilespmem:s26+$0x4750]  }
0x3aa: {  	v44 =	vld [tilespmem:s26+$0x760];
	v16 =	vadd.f32 v17, v16;
	v17 =	vmul.f32 v39, v38  }
0x3ab: {  	v45 =	vld [tilespmem:s26+$0x4760]  }
0x3ac: {  	v46 =	vld [tilespmem:s26+$0x770];
	v16 =	vadd.f32 v17, v16;
	v17 =	vmul.f32 v41, v40  }
0x3ad: {  	v47 =	vld [tilespmem:s26+$0x4770]  }
0x3ae: {  	v16 =	vadd.f32 v17, v16;
	v17 =	vmul.f32 v43, v42;
	_ =	sdelay $0x1  }
0x3af: {  	v16 =	vadd.f32 v17, v16;
	v17 =	vmul.f32 v45, v44;
	_ =	sdelay $0x1  }
0x3b0: {  	v16 =	vadd.f32 v17, v16;
	v17 =	vmul.f32 v47, v46;
	_ =	sdelay $0x1  }
0x3b1: {  	v16 =	vadd.f32 v17, v16;
	_ =	sdelay $0x1  }
0x3b2: {  	[tilespmem:v6+s17+$0x0] =	vst.idx.msk $0xffff, v16  }
0x3b3: {  	v16 =	vld [tilespmem:s26+$0x780]  }
0x3b4: {  	v17 =	vld [tilespmem:s26+$0x4780]  }
0x3b5: {  	v48 =	vld [tilespmem:s26+$0x790]  }
0x3b6: {  	v49 =	vld [tilespmem:s26+$0x4790]  }
0x3b7: {  	v50 =	vld [tilespmem:s26+$0x7A0]  }
0x3b8: {  	v51 =	vld [tilespmem:s26+$0x47A0]  }
0x3b9: {  	v52 =	vld [tilespmem:s26+$0x7B0]  }
0x3ba: {  	v53 =	vld [tilespmem:s26+$0x47B0]  }
0x3bb: {  	v54 =	vld [tilespmem:s26+$0x7C0];
	v16 =	vmul.f32 v17, v16;
	v17 =	vmul.f32 v49, v48  }
0x3bc: {  	v55 =	vld [tilespmem:s26+$0x47C0]  }
0x3bd: {  	v56 =	vld [tilespmem:s26+$0x7D0];
	v16 =	vadd.f32 v17, v16;
	v17 =	vmul.f32 v51, v50  }
0x3be: {  	v57 =	vld [tilespmem:s26+$0x47D0]  }
0x3bf: {  	v58 =	vld [tilespmem:s26+$0x7E0];
	v16 =	vadd.f32 v17, v16;
	v17 =	vmul.f32 v53, v52  }
0x3c0: {  	v59 =	vld [tilespmem:s26+$0x47E0]  }
0x3c1: {  	v60 =	vld [tilespmem:s26+$0x7F0];
	v16 =	vadd.f32 v17, v16;
	v17 =	vmul.f32 v55, v54  }
0x3c2: {  	v61 =	vld [tilespmem:s26+$0x47F0]  }
0x3c3: {  	v16 =	vadd.f32 v17, v16;
	v17 =	vmul.f32 v57, v56;
	_ =	sdelay $0x1  }
0x3c4: {  	v16 =	vadd.f32 v17, v16;
	v17 =	vmul.f32 v59, v58;
	_ =	sdelay $0x1  }
0x3c5: {  	v16 =	vadd.f32 v17, v16;
	v17 =	vmul.f32 v61, v60;
	_ =	sdelay $0x1  }
0x3c6: {  	v16 =	vadd.f32 v17, v16;
	_ =	sdelay $0x1  }
0x3c7: {  	[tilespmem:v7+s17+$0x0] =	vst.idx.msk $0xffff, v16  }
0x3c8: {  	v16 =	vld [tilespmem:s26+$0x800]  }
0x3c9: {  	v17 =	vld [tilespmem:s26+$0x4800]  }
0x3ca: {  	v62 =	vld [tilespmem:s26+$0x810]  }
0x3cb: {  	v63 =	vld [tilespmem:s26+$0x4810]  }
0x3cc: {  	v24 =	vld [tilespmem:s26+$0x820]  }
0x3cd: {  	v25 =	vld [tilespmem:s26+$0x4820]  }
0x3ce: {  	v26 =	vld [tilespmem:s26+$0x830]  }
0x3cf: {  	v27 =	vld [tilespmem:s26+$0x4830]  }
0x3d0: {  	v28 =	vld [tilespmem:s26+$0x840];
	v16 =	vmul.f32 v17, v16;
	v17 =	vmul.f32 v63, v62  }
0x3d1: {  	v29 =	vld [tilespmem:s26+$0x4840]  }
0x3d2: {  	v30 =	vld [tilespmem:s26+$0x850];
	v16 =	vadd.f32 v17, v16;
	v17 =	vmul.f32 v25, v24  }
0x3d3: {  	v31 =	vld [tilespmem:s26+$0x4850]  }
0x3d4: {  	v32 =	vld [tilespmem:s26+$0x860];
	v16 =	vadd.f32 v17, v16;
	v17 =	vmul.f32 v27, v26  }
0x3d5: {  	v33 =	vld [tilespmem:s26+$0x4860]  }
0x3d6: {  	v34 =	vld [tilespmem:s26+$0x870];
	v16 =	vadd.f32 v17, v16;
	v17 =	vmul.f32 v29, v28  }
0x3d7: {  	v35 =	vld [tilespmem:s26+$0x4870]  }
0x3d8: {  	v16 =	vadd.f32 v17, v16;
	v17 =	vmul.f32 v31, v30;
	_ =	sdelay $0x1  }
0x3d9: {  	v16 =	vadd.f32 v17, v16;
	v17 =	vmul.f32 v33, v32;
	_ =	sdelay $0x1  }
0x3da: {  	v16 =	vadd.f32 v17, v16;
	v17 =	vmul.f32 v35, v34;
	_ =	sdelay $0x1  }
0x3db: {  	v16 =	vadd.f32 v17, v16;
	_ =	sdelay $0x1  }
0x3dc: {  	[tilespmem:v8+s17+$0x0] =	vst.idx.msk $0xffff, v16  }
0x3dd: {  	v16 =	vld [tilespmem:s26+$0x880]  }
0x3de: {  	v17 =	vld [tilespmem:s26+$0x4880]  }
0x3df: {  	v36 =	vld [tilespmem:s26+$0x890]  }
0x3e0: {  	v37 =	vld [tilespmem:s26+$0x4890]  }
0x3e1: {  	v38 =	vld [tilespmem:s26+$0x8A0]  }
0x3e2: {  	v39 =	vld [tilespmem:s26+$0x48A0]  }
0x3e3: {  	v40 =	vld [tilespmem:s26+$0x8B0]  }
0x3e4: {  	v41 =	vld [tilespmem:s26+$0x48B0]  }
0x3e5: {  	v42 =	vld [tilespmem:s26+$0x8C0];
	v16 =	vmul.f32 v17, v16;
	v17 =	vmul.f32 v37, v36  }
0x3e6: {  	v43 =	vld [tilespmem:s26+$0x48C0]  }
0x3e7: {  	v44 =	vld [tilespmem:s26+$0x8D0];
	v16 =	vadd.f32 v17, v16;
	v17 =	vmul.f32 v39, v38  }
0x3e8: {  	v45 =	vld [tilespmem:s26+$0x48D0]  }
0x3e9: {  	v46 =	vld [tilespmem:s26+$0x8E0];
	v16 =	vadd.f32 v17, v16;
	v17 =	vmul.f32 v41, v40  }
0x3ea: {  	v47 =	vld [tilespmem:s26+$0x48E0]  }
0x3eb: {  	v48 =	vld [tilespmem:s26+$0x8F0];
	v16 =	vadd.f32 v17, v16;
	v17 =	vmul.f32 v43, v42  }
0x3ec: {  	v49 =	vld [tilespmem:s26+$0x48F0]  }
0x3ed: {  	v16 =	vadd.f32 v17, v16;
	v17 =	vmul.f32 v45, v44;
	_ =	sdelay $0x1  }
0x3ee: {  	v16 =	vadd.f32 v17, v16;
	v17 =	vmul.f32 v47, v46;
	_ =	sdelay $0x1  }
0x3ef: {  	v16 =	vadd.f32 v17, v16;
	v17 =	vmul.f32 v49, v48;
	_ =	sdelay $0x1  }
0x3f0: {  	v16 =	vadd.f32 v17, v16;
	_ =	sdelay $0x1  }
0x3f1: {  	[tilespmem:v9+s17+$0x0] =	vst.idx.msk $0xffff, v16  }
0x3f2: {  	v16 =	vld [tilespmem:s26+$0x900]  }
0x3f3: {  	v17 =	vld [tilespmem:s26+$0x4900]  }
0x3f4: {  	v50 =	vld [tilespmem:s26+$0x910]  }
0x3f5: {  	v51 =	vld [tilespmem:s26+$0x4910]  }
0x3f6: {  	v52 =	vld [tilespmem:s26+$0x920]  }
0x3f7: {  	v53 =	vld [tilespmem:s26+$0x4920]  }
0x3f8: {  	v54 =	vld [tilespmem:s26+$0x930]  }
0x3f9: {  	v55 =	vld [tilespmem:s26+$0x4930]  }
0x3fa: {  	v56 =	vld [tilespmem:s26+$0x940];
	v16 =	vmul.f32 v17, v16;
	v17 =	vmul.f32 v51, v50  }
0x3fb: {  	v57 =	vld [tilespmem:s26+$0x4940]  }
0x3fc: {  	v58 =	vld [tilespmem:s26+$0x950];
	v16 =	vadd.f32 v17, v16;
	v17 =	vmul.f32 v53, v52  }
0x3fd: {  	v59 =	vld [tilespmem:s26+$0x4950]  }
0x3fe: {  	v60 =	vld [tilespmem:s26+$0x960];
	v16 =	vadd.f32 v17, v16;
	v17 =	vmul.f32 v55, v54  }
0x3ff: {  	v61 =	vld [tilespmem:s26+$0x4960]  }
0x400: {  	v62 =	vld [tilespmem:s26+$0x970];
	v16 =	vadd.f32 v17, v16;
	v17 =	vmul.f32 v57, v56  }
0x401: {  	v63 =	vld [tilespmem:s26+$0x4970]  }
0x402: {  	v16 =	vadd.f32 v17, v16;
	v17 =	vmul.f32 v59, v58;
	_ =	sdelay $0x1  }
0x403: {  	v16 =	vadd.f32 v17, v16;
	v17 =	vmul.f32 v61, v60;
	_ =	sdelay $0x1  }
0x404: {  	v16 =	vadd.f32 v17, v16;
	v17 =	vmul.f32 v63, v62;
	_ =	sdelay $0x1  }
0x405: {  	v16 =	vadd.f32 v17, v16;
	_ =	sdelay $0x1  }
0x406: {  	[tilespmem:v10+s17+$0x0] =	vst.idx.msk $0xffff, v16  }
0x407: {  	v16 =	vld [tilespmem:s26+$0x980]  }
0x408: {  	v17 =	vld [tilespmem:s26+$0x4980]  }
0x409: {  	v24 =	vld [tilespmem:s26+$0x990]  }
0x40a: {  	v25 =	vld [tilespmem:s26+$0x4990]  }
0x40b: {  	v26 =	vld [tilespmem:s26+$0x9A0]  }
0x40c: {  	v27 =	vld [tilespmem:s26+$0x49A0]  }
0x40d: {  	v28 =	vld [tilespmem:s26+$0x9B0]  }
0x40e: {  	v29 =	vld [tilespmem:s26+$0x49B0]  }
0x40f: {  	v30 =	vld [tilespmem:s26+$0x9C0];
	v16 =	vmul.f32 v17, v16;
	v17 =	vmul.f32 v25, v24  }
0x410: {  	v31 =	vld [tilespmem:s26+$0x49C0]  }
0x411: {  	v32 =	vld [tilespmem:s26+$0x9D0];
	v16 =	vadd.f32 v17, v16;
	v17 =	vmul.f32 v27, v26  }
0x412: {  	v33 =	vld [tilespmem:s26+$0x49D0]  }
0x413: {  	v34 =	vld [tilespmem:s26+$0x9E0];
	v16 =	vadd.f32 v17, v16;
	v17 =	vmul.f32 v29, v28  }
0x414: {  	v35 =	vld [tilespmem:s26+$0x49E0]  }
0x415: {  	v36 =	vld [tilespmem:s26+$0x9F0];
	v16 =	vadd.f32 v17, v16;
	v17 =	vmul.f32 v31, v30  }
0x416: {  	v37 =	vld [tilespmem:s26+$0x49F0]  }
0x417: {  	v16 =	vadd.f32 v17, v16;
	v17 =	vmul.f32 v33, v32;
	_ =	sdelay $0x1  }
0x418: {  	v16 =	vadd.f32 v17, v16;
	v17 =	vmul.f32 v35, v34;
	_ =	sdelay $0x1  }
0x419: {  	v16 =	vadd.f32 v17, v16;
	v17 =	vmul.f32 v37, v36;
	_ =	sdelay $0x1  }
0x41a: {  	v16 =	vadd.f32 v17, v16;
	_ =	sdelay $0x1  }
0x41b: {  	[tilespmem:v11+s17+$0x0] =	vst.idx.msk $0xffff, v16  }
0x41c: {  	v16 =	vld [tilespmem:s26+$0xA00]  }
0x41d: {  	v17 =	vld [tilespmem:s26+$0x4A00]  }
0x41e: {  	v38 =	vld [tilespmem:s26+$0xA10]  }
0x41f: {  	v39 =	vld [tilespmem:s26+$0x4A10]  }
0x420: {  	v40 =	vld [tilespmem:s26+$0xA20]  }
0x421: {  	v41 =	vld [tilespmem:s26+$0x4A20]  }
0x422: {  	v42 =	vld [tilespmem:s26+$0xA30]  }
0x423: {  	v43 =	vld [tilespmem:s26+$0x4A30]  }
0x424: {  	v44 =	vld [tilespmem:s26+$0xA40];
	v16 =	vmul.f32 v17, v16;
	v17 =	vmul.f32 v39, v38  }
0x425: {  	v45 =	vld [tilespmem:s26+$0x4A40]  }
0x426: {  	v46 =	vld [tilespmem:s26+$0xA50];
	v16 =	vadd.f32 v17, v16;
	v17 =	vmul.f32 v41, v40  }
0x427: {  	v47 =	vld [tilespmem:s26+$0x4A50]  }
0x428: {  	v48 =	vld [tilespmem:s26+$0xA60];
	v16 =	vadd.f32 v17, v16;
	v17 =	vmul.f32 v43, v42  }
0x429: {  	v49 =	vld [tilespmem:s26+$0x4A60]  }
0x42a: {  	v50 =	vld [tilespmem:s26+$0xA70];
	v16 =	vadd.f32 v17, v16;
	v17 =	vmul.f32 v45, v44  }
0x42b: {  	v51 =	vld [tilespmem:s26+$0x4A70]  }
0x42c: {  	v16 =	vadd.f32 v17, v16;
	v17 =	vmul.f32 v47, v46;
	_ =	sdelay $0x1  }
0x42d: {  	v16 =	vadd.f32 v17, v16;
	v17 =	vmul.f32 v49, v48;
	_ =	sdelay $0x1  }
0x42e: {  	v16 =	vadd.f32 v17, v16;
	v17 =	vmul.f32 v51, v50;
	_ =	sdelay $0x1  }
0x42f: {  	v16 =	vadd.f32 v17, v16;
	_ =	sdelay $0x1  }
0x430: {  	[tilespmem:v12+s17+$0x0] =	vst.idx.msk $0xffff, v16  }
0x431: {  	v16 =	vld [tilespmem:s26+$0xA80]  }
0x432: {  	v17 =	vld [tilespmem:s26+$0x4A80]  }
0x433: {  	v52 =	vld [tilespmem:s26+$0xA90]  }
0x434: {  	v53 =	vld [tilespmem:s26+$0x4A90]  }
0x435: {  	v54 =	vld [tilespmem:s26+$0xAA0]  }
0x436: {  	v55 =	vld [tilespmem:s26+$0x4AA0]  }
0x437: {  	v56 =	vld [tilespmem:s26+$0xAB0]  }
0x438: {  	v57 =	vld [tilespmem:s26+$0x4AB0]  }
0x439: {  	v58 =	vld [tilespmem:s26+$0xAC0];
	v16 =	vmul.f32 v17, v16;
	v17 =	vmul.f32 v53, v52  }
0x43a: {  	v59 =	vld [tilespmem:s26+$0x4AC0]  }
0x43b: {  	v60 =	vld [tilespmem:s26+$0xAD0];
	v16 =	vadd.f32 v17, v16;
	v17 =	vmul.f32 v55, v54  }
0x43c: {  	v61 =	vld [tilespmem:s26+$0x4AD0]  }
0x43d: {  	v62 =	vld [tilespmem:s26+$0xAE0];
	v16 =	vadd.f32 v17, v16;
	v17 =	vmul.f32 v57, v56  }
0x43e: {  	v63 =	vld [tilespmem:s26+$0x4AE0]  }
0x43f: {  	v24 =	vld [tilespmem:s26+$0xAF0];
	v16 =	vadd.f32 v17, v16;
	v17 =	vmul.f32 v59, v58  }
0x440: {  	v25 =	vld [tilespmem:s26+$0x4AF0]  }
0x441: {  	v16 =	vadd.f32 v17, v16;
	v17 =	vmul.f32 v61, v60;
	_ =	sdelay $0x1  }
0x442: {  	v16 =	vadd.f32 v17, v16;
	v17 =	vmul.f32 v63, v62;
	_ =	sdelay $0x1  }
0x443: {  	v16 =	vadd.f32 v17, v16;
	v17 =	vmul.f32 v25, v24;
	_ =	sdelay $0x1  }
0x444: {  	v16 =	vadd.f32 v17, v16;
	_ =	sdelay $0x1  }
0x445: {  	[tilespmem:v13+s17+$0x0] =	vst.idx.msk $0xffff, v16  }
0x446: {  	v16 =	vld [tilespmem:s26+$0xB00]  }
0x447: {  	v17 =	vld [tilespmem:s26+$0x4B00]  }
0x448: {  	v26 =	vld [tilespmem:s26+$0xB10]  }
0x449: {  	v27 =	vld [tilespmem:s26+$0x4B10]  }
0x44a: {  	v28 =	vld [tilespmem:s26+$0xB20]  }
0x44b: {  	v29 =	vld [tilespmem:s26+$0x4B20]  }
0x44c: {  	v30 =	vld [tilespmem:s26+$0xB30]  }
0x44d: {  	v31 =	vld [tilespmem:s26+$0x4B30]  }
0x44e: {  	v32 =	vld [tilespmem:s26+$0xB40];
	v16 =	vmul.f32 v17, v16;
	v17 =	vmul.f32 v27, v26  }
0x44f: {  	v33 =	vld [tilespmem:s26+$0x4B40]  }
0x450: {  	v34 =	vld [tilespmem:s26+$0xB50];
	v16 =	vadd.f32 v17, v16;
	v17 =	vmul.f32 v29, v28  }
0x451: {  	v35 =	vld [tilespmem:s26+$0x4B50]  }
0x452: {  	v36 =	vld [tilespmem:s26+$0xB60];
	v16 =	vadd.f32 v17, v16;
	v17 =	vmul.f32 v31, v30  }
0x453: {  	v37 =	vld [tilespmem:s26+$0x4B60]  }
0x454: {  	v38 =	vld [tilespmem:s26+$0xB70];
	v16 =	vadd.f32 v17, v16;
	v17 =	vmul.f32 v33, v32  }
0x455: {  	v39 =	vld [tilespmem:s26+$0x4B70]  }
0x456: {  	v16 =	vadd.f32 v17, v16;
	v17 =	vmul.f32 v35, v34;
	_ =	sdelay $0x1  }
0x457: {  	v16 =	vadd.f32 v17, v16;
	v17 =	vmul.f32 v37, v36;
	_ =	sdelay $0x1  }
0x458: {  	v16 =	vadd.f32 v17, v16;
	v17 =	vmul.f32 v39, v38;
	_ =	sdelay $0x1  }
0x459: {  	v16 =	vadd.f32 v17, v16;
	_ =	sdelay $0x1  }
0x45a: {  	[tilespmem:v14+s17+$0x0] =	vst.idx.msk $0xffff, v16  }
0x45b: {  	v16 =	vld [tilespmem:s26+$0xB80]  }
0x45c: {  	v17 =	vld [tilespmem:s26+$0x4B80]  }
0x45d: {  	v40 =	vld [tilespmem:s26+$0xB90]  }
0x45e: {  	v41 =	vld [tilespmem:s26+$0x4B90]  }
0x45f: {  	v42 =	vld [tilespmem:s26+$0xBA0]  }
0x460: {  	v43 =	vld [tilespmem:s26+$0x4BA0]  }
0x461: {  	v44 =	vld [tilespmem:s26+$0xBB0]  }
0x462: {  	v45 =	vld [tilespmem:s26+$0x4BB0]  }
0x463: {  	v46 =	vld [tilespmem:s26+$0xBC0];
	v16 =	vmul.f32 v17, v16;
	v17 =	vmul.f32 v41, v40  }
0x464: {  	v47 =	vld [tilespmem:s26+$0x4BC0]  }
0x465: {  	v48 =	vld [tilespmem:s26+$0xBD0];
	v16 =	vadd.f32 v17, v16;
	v17 =	vmul.f32 v43, v42  }
0x466: {  	v49 =	vld [tilespmem:s26+$0x4BD0]  }
0x467: {  	v50 =	vld [tilespmem:s26+$0xBE0];
	v16 =	vadd.f32 v17, v16;
	v17 =	vmul.f32 v45, v44  }
0x468: {  	v51 =	vld [tilespmem:s26+$0x4BE0]  }
0x469: {  	v52 =	vld [tilespmem:s26+$0xBF0];
	v16 =	vadd.f32 v17, v16;
	v17 =	vmul.f32 v47, v46  }
0x46a: {  	v53 =	vld [tilespmem:s26+$0x4BF0]  }
0x46b: {  	v16 =	vadd.f32 v17, v16;
	v17 =	vmul.f32 v49, v48;
	_ =	sdelay $0x1  }
0x46c: {  	v16 =	vadd.f32 v17, v16;
	v17 =	vmul.f32 v51, v50;
	_ =	sdelay $0x1  }
0x46d: {  	v16 =	vadd.f32 v17, v16;
	v17 =	vmul.f32 v53, v52;
	_ =	sdelay $0x1  }
0x46e: {  	v16 =	vadd.f32 v17, v16;
	_ =	sdelay $0x1  }
0x46f: {  	[tilespmem:v15+s17+$0x0] =	vst.idx.msk $0xffff, v16  }
0x470: {  	v16 =	vld [tilespmem:$0x10400]  }
0x471: {  	v17 =	vld [tilespmem:$0x10480];
	_ =	sdelay $0x1  }
0x472: {  	v54 =	vld [tilespmem:$0x10500];
	_ =	sdelay $0x1  }
0x473: {  	v55 =	vld [tilespmem:$0x10580]  }
0x474: {  	v16 =	vadd.f32 v17, v16  }
0x475: {  	v17 =	vld [tilespmem:$0x10600]  }
0x476: {  	v16 =	vadd.f32 v54, v16  }
0x477: {  	v56 =	vld [tilespmem:$0x10680]  }
0x478: {  	v16 =	vadd.f32 v55, v16  }
0x479: {  	v57 =	vld [tilespmem:$0x10700]  }
0x47a: {  	v16 =	vadd.f32 v17, v16  }
0x47b: {  	v17 =	vld [tilespmem:$0x10780]  }
0x47c: {  	v16 =	vadd.f32 v56, v16  }
0x47d: {  	v58 =	vld [tilespmem:$0x10800]  }
0x47e: {  	v16 =	vadd.f32 v57, v16  }
0x47f: {  	v59 =	vld [tilespmem:$0x10880]  }
0x480: {  	v16 =	vadd.f32 v17, v16  }
0x481: {  	v17 =	vld [tilespmem:$0x10900]  }
0x482: {  	v16 =	vadd.f32 v58, v16  }
0x483: {  	v60 =	vld [tilespmem:$0x10980]  }
0x484: {  	v16 =	vadd.f32 v59, v16  }
0x485: {  	v61 =	vld [tilespmem:$0x10A00]  }
0x486: {  	v16 =	vadd.f32 v17, v16  }
0x487: {  	v17 =	vld [tilespmem:$0x10A80]  }
0x488: {  	v16 =	vadd.f32 v60, v16  }
0x489: {  	v62 =	vld [tilespmem:$0x10B00]  }
0x48a: {  	v16 =	vadd.f32 v61, v16  }
0x48b: {  	v63 =	vld [tilespmem:$0x10B80]  }
0x48c: {  	v16 =	vadd.f32 v17, v16  }
0x48d: {  	p0 =	sne.s32 s25, $0x7  }
.Ltmp2:
0x48e: {  	v16 =	vadd.f32 v62, v16;
	(pc) =	sbr.rel @p0 .LBB2_6-.Ltmp2, $4  }
0x48f: {  	_ = 	snop  }
0x490: {  	s31 =	sshll.u32 s25, $0x4;
	v16 =	vadd.f32 v63, v16  }
0x491: {  	s26 =	sand.u32 $0x3FFFFFF0, s31  }
0x492: {  	s25 =	sadd.s32 $0x1, s25;
	[tilespmem:s26+$0x10D00] =	vst v16  }
0x493: {  	_ =	swait.ge [sflag:s20], $0x4000  }
0x494: {  	[sflag:s20] =	ssyncset.done $0x0  }
0x495: {  	[sflag:s20] =	ssyncadd.s32 $0xFFFFC000  }
0x496: {  	_ =	swait.ge [sflag:s20], $0x4000  }
0x497: {  	[sflag:s20] =	ssyncset.done $0x0  }
0x498: {  	s25 =	simm.s32 $0x0;
	[sflag:s20] =	ssyncadd.s32 $0xFFFFC000  }
.LBB2_8:
0x499: {  	s26 =	sshll.u32 s25, $0xB  }
0x49a: {  	v16 =	vld [tilespmem:s26+$0x8400]  }
0x49b: {  	v17 =	vld [tilespmem:s26+$0xC400]  }
0x49c: {  	v18 =	vld [tilespmem:s26+$0x8410]  }
0x49d: {  	v19 =	vld [tilespmem:s26+$0xC410]  }
0x49e: {  	v20 =	vld [tilespmem:s26+$0x8420]  }
0x49f: {  	v21 =	vld [tilespmem:s26+$0xC420]  }
0x4a0: {  	v22 =	vld [tilespmem:s26+$0x8430]  }
0x4a1: {  	v23 =	vld [tilespmem:s26+$0xC430]  }
0x4a2: {  	v36 =	vld [tilespmem:s26+$0x8440];
	v16 =	vmul.f32 v17, v16;
	v17 =	vmul.f32 v19, v18  }
0x4a3: {  	v37 =	vld [tilespmem:s26+$0xC440]  }
0x4a4: {  	v38 =	vld [tilespmem:s26+$0x8450];
	v16 =	vadd.f32 v17, v16;
	v17 =	vmul.f32 v21, v20  }
0x4a5: {  	v39 =	vld [tilespmem:s26+$0xC450]  }
0x4a6: {  	v40 =	vld [tilespmem:s26+$0x8460];
	v16 =	vadd.f32 v17, v16;
	v17 =	vmul.f32 v23, v22  }
0x4a7: {  	v41 =	vld [tilespmem:s26+$0xC460]  }
0x4a8: {  	v42 =	vld [tilespmem:s26+$0x8470];
	v16 =	vadd.f32 v17, v16;
	v17 =	vmul.f32 v37, v36  }
0x4a9: {  	v43 =	vld [tilespmem:s26+$0xC470]  }
0x4aa: {  	v16 =	vadd.f32 v17, v16;
	v17 =	vmul.f32 v39, v38;
	_ =	sdelay $0x1  }
0x4ab: {  	v16 =	vadd.f32 v17, v16;
	v17 =	vmul.f32 v41, v40;
	_ =	sdelay $0x1  }
0x4ac: {  	v16 =	vadd.f32 v17, v16;
	v17 =	vmul.f32 v43, v42;
	_ =	sdelay $0x1  }
0x4ad: {  	v16 =	vadd.f32 v17, v16;
	_ =	sdelay $0x1  }
0x4ae: {  	[tilespmem:v0+s17+$0x0] =	vst.idx.msk $0xffff, v16  }
0x4af: {  	v16 =	vld [tilespmem:s26+$0x8480]  }
0x4b0: {  	v17 =	vld [tilespmem:s26+$0xC480]  }
0x4b1: {  	v44 =	vld [tilespmem:s26+$0x8490]  }
0x4b2: {  	v45 =	vld [tilespmem:s26+$0xC490]  }
0x4b3: {  	v46 =	vld [tilespmem:s26+$0x84A0]  }
0x4b4: {  	v47 =	vld [tilespmem:s26+$0xC4A0]  }
0x4b5: {  	v48 =	vld [tilespmem:s26+$0x84B0]  }
0x4b6: {  	v49 =	vld [tilespmem:s26+$0xC4B0]  }
0x4b7: {  	v50 =	vld [tilespmem:s26+$0x84C0];
	v16 =	vmul.f32 v17, v16;
	v17 =	vmul.f32 v45, v44  }
0x4b8: {  	v51 =	vld [tilespmem:s26+$0xC4C0]  }
0x4b9: {  	v52 =	vld [tilespmem:s26+$0x84D0];
	v16 =	vadd.f32 v17, v16;
	v17 =	vmul.f32 v47, v46  }
0x4ba: {  	v53 =	vld [tilespmem:s26+$0xC4D0]  }
0x4bb: {  	v54 =	vld [tilespmem:s26+$0x84E0];
	v16 =	vadd.f32 v17, v16;
	v17 =	vmul.f32 v49, v48  }
0x4bc: {  	v55 =	vld [tilespmem:s26+$0xC4E0]  }
0x4bd: {  	v56 =	vld [tilespmem:s26+$0x84F0];
	v16 =	vadd.f32 v17, v16;
	v17 =	vmul.f32 v51, v50  }
0x4be: {  	v57 =	vld [tilespmem:s26+$0xC4F0]  }
0x4bf: {  	v16 =	vadd.f32 v17, v16;
	v17 =	vmul.f32 v53, v52;
	_ =	sdelay $0x1  }
0x4c0: {  	v16 =	vadd.f32 v17, v16;
	v17 =	vmul.f32 v55, v54;
	_ =	sdelay $0x1  }
0x4c1: {  	v16 =	vadd.f32 v17, v16;
	v17 =	vmul.f32 v57, v56;
	_ =	sdelay $0x1  }
0x4c2: {  	v16 =	vadd.f32 v17, v16;
	_ =	sdelay $0x1  }
0x4c3: {  	[tilespmem:v1+s17+$0x0] =	vst.idx.msk $0xffff, v16  }
0x4c4: {  	v16 =	vld [tilespmem:s26+$0x8500]  }
0x4c5: {  	v17 =	vld [tilespmem:s26+$0xC500]  }
0x4c6: {  	v58 =	vld [tilespmem:s26+$0x8510]  }
0x4c7: {  	v59 =	vld [tilespmem:s26+$0xC510]  }
0x4c8: {  	v60 =	vld [tilespmem:s26+$0x8520]  }
0x4c9: {  	v61 =	vld [tilespmem:s26+$0xC520]  }
0x4ca: {  	v62 =	vld [tilespmem:s26+$0x8530]  }
0x4cb: {  	v63 =	vld [tilespmem:s26+$0xC530]  }
0x4cc: {  	v24 =	vld [tilespmem:s26+$0x8540];
	v16 =	vmul.f32 v17, v16;
	v17 =	vmul.f32 v59, v58  }
0x4cd: {  	v25 =	vld [tilespmem:s26+$0xC540]  }
0x4ce: {  	v26 =	vld [tilespmem:s26+$0x8550];
	v16 =	vadd.f32 v17, v16;
	v17 =	vmul.f32 v61, v60  }
0x4cf: {  	v27 =	vld [tilespmem:s26+$0xC550]  }
0x4d0: {  	v28 =	vld [tilespmem:s26+$0x8560];
	v16 =	vadd.f32 v17, v16;
	v17 =	vmul.f32 v63, v62  }
0x4d1: {  	v29 =	vld [tilespmem:s26+$0xC560]  }
0x4d2: {  	v30 =	vld [tilespmem:s26+$0x8570];
	v16 =	vadd.f32 v17, v16;
	v17 =	vmul.f32 v25, v24  }
0x4d3: {  	v31 =	vld [tilespmem:s26+$0xC570]  }
0x4d4: {  	v16 =	vadd.f32 v17, v16;
	v17 =	vmul.f32 v27, v26;
	_ =	sdelay $0x1  }
0x4d5: {  	v16 =	vadd.f32 v17, v16;
	v17 =	vmul.f32 v29, v28;
	_ =	sdelay $0x1  }
0x4d6: {  	v16 =	vadd.f32 v17, v16;
	v17 =	vmul.f32 v31, v30;
	_ =	sdelay $0x1  }
0x4d7: {  	v16 =	vadd.f32 v17, v16;
	_ =	sdelay $0x1  }
0x4d8: {  	[tilespmem:v2+s17+$0x0] =	vst.idx.msk $0xffff, v16  }
0x4d9: {  	v16 =	vld [tilespmem:s26+$0x8580]  }
0x4da: {  	v17 =	vld [tilespmem:s26+$0xC580]  }
0x4db: {  	v32 =	vld [tilespmem:s26+$0x8590]  }
0x4dc: {  	v33 =	vld [tilespmem:s26+$0xC590]  }
0x4dd: {  	v34 =	vld [tilespmem:s26+$0x85A0]  }
0x4de: {  	v35 =	vld [tilespmem:s26+$0xC5A0]  }
0x4df: {  	v36 =	vld [tilespmem:s26+$0x85B0]  }
0x4e0: {  	v37 =	vld [tilespmem:s26+$0xC5B0]  }
0x4e1: {  	v38 =	vld [tilespmem:s26+$0x85C0];
	v16 =	vmul.f32 v17, v16;
	v17 =	vmul.f32 v33, v32  }
0x4e2: {  	v39 =	vld [tilespmem:s26+$0xC5C0]  }
0x4e3: {  	v40 =	vld [tilespmem:s26+$0x85D0];
	v16 =	vadd.f32 v17, v16;
	v17 =	vmul.f32 v35, v34  }
0x4e4: {  	v41 =	vld [tilespmem:s26+$0xC5D0]  }
0x4e5: {  	v42 =	vld [tilespmem:s26+$0x85E0];
	v16 =	vadd.f32 v17, v16;
	v17 =	vmul.f32 v37, v36  }
0x4e6: {  	v43 =	vld [tilespmem:s26+$0xC5E0]  }
0x4e7: {  	v44 =	vld [tilespmem:s26+$0x85F0];
	v16 =	vadd.f32 v17, v16;
	v17 =	vmul.f32 v39, v38  }
0x4e8: {  	v45 =	vld [tilespmem:s26+$0xC5F0]  }
0x4e9: {  	v16 =	vadd.f32 v17, v16;
	v17 =	vmul.f32 v41, v40;
	_ =	sdelay $0x1  }
0x4ea: {  	v16 =	vadd.f32 v17, v16;
	v17 =	vmul.f32 v43, v42;
	_ =	sdelay $0x1  }
0x4eb: {  	v16 =	vadd.f32 v17, v16;
	v17 =	vmul.f32 v45, v44;
	_ =	sdelay $0x1  }
0x4ec: {  	v16 =	vadd.f32 v17, v16;
	_ =	sdelay $0x1  }
0x4ed: {  	[tilespmem:v3+s17+$0x0] =	vst.idx.msk $0xffff, v16  }
0x4ee: {  	v16 =	vld [tilespmem:s26+$0x8600]  }
0x4ef: {  	v17 =	vld [tilespmem:s26+$0xC600]  }
0x4f0: {  	v46 =	vld [tilespmem:s26+$0x8610]  }
0x4f1: {  	v47 =	vld [tilespmem:s26+$0xC610]  }
0x4f2: {  	v48 =	vld [tilespmem:s26+$0x8620]  }
0x4f3: {  	v49 =	vld [tilespmem:s26+$0xC620]  }
0x4f4: {  	v50 =	vld [tilespmem:s26+$0x8630]  }
0x4f5: {  	v51 =	vld [tilespmem:s26+$0xC630]  }
0x4f6: {  	v52 =	vld [tilespmem:s26+$0x8640];
	v16 =	vmul.f32 v17, v16;
	v17 =	vmul.f32 v47, v46  }
0x4f7: {  	v53 =	vld [tilespmem:s26+$0xC640]  }
0x4f8: {  	v54 =	vld [tilespmem:s26+$0x8650];
	v16 =	vadd.f32 v17, v16;
	v17 =	vmul.f32 v49, v48  }
0x4f9: {  	v55 =	vld [tilespmem:s26+$0xC650]  }
0x4fa: {  	v56 =	vld [tilespmem:s26+$0x8660];
	v16 =	vadd.f32 v17, v16;
	v17 =	vmul.f32 v51, v50  }
0x4fb: {  	v57 =	vld [tilespmem:s26+$0xC660]  }
0x4fc: {  	v58 =	vld [tilespmem:s26+$0x8670];
	v16 =	vadd.f32 v17, v16;
	v17 =	vmul.f32 v53, v52  }
0x4fd: {  	v59 =	vld [tilespmem:s26+$0xC670]  }
0x4fe: {  	v16 =	vadd.f32 v17, v16;
	v17 =	vmul.f32 v55, v54;
	_ =	sdelay $0x1  }
0x4ff: {  	v16 =	vadd.f32 v17, v16;
	v17 =	vmul.f32 v57, v56;
	_ =	sdelay $0x1  }
0x500: {  	v16 =	vadd.f32 v17, v16;
	v17 =	vmul.f32 v59, v58;
	_ =	sdelay $0x1  }
0x501: {  	v16 =	vadd.f32 v17, v16;
	_ =	sdelay $0x1  }
0x502: {  	[tilespmem:v4+s17+$0x0] =	vst.idx.msk $0xffff, v16  }
0x503: {  	v16 =	vld [tilespmem:s26+$0x8680]  }
0x504: {  	v17 =	vld [tilespmem:s26+$0xC680]  }
0x505: {  	v60 =	vld [tilespmem:s26+$0x8690]  }
0x506: {  	v61 =	vld [tilespmem:s26+$0xC690]  }
0x507: {  	v62 =	vld [tilespmem:s26+$0x86A0]  }
0x508: {  	v63 =	vld [tilespmem:s26+$0xC6A0]  }
0x509: {  	v24 =	vld [tilespmem:s26+$0x86B0]  }
0x50a: {  	v25 =	vld [tilespmem:s26+$0xC6B0]  }
0x50b: {  	v26 =	vld [tilespmem:s26+$0x86C0];
	v16 =	vmul.f32 v17, v16;
	v17 =	vmul.f32 v61, v60  }
0x50c: {  	v27 =	vld [tilespmem:s26+$0xC6C0]  }
0x50d: {  	v28 =	vld [tilespmem:s26+$0x86D0];
	v16 =	vadd.f32 v17, v16;
	v17 =	vmul.f32 v63, v62  }
0x50e: {  	v29 =	vld [tilespmem:s26+$0xC6D0]  }
0x50f: {  	v30 =	vld [tilespmem:s26+$0x86E0];
	v16 =	vadd.f32 v17, v16;
	v17 =	vmul.f32 v25, v24  }
0x510: {  	v31 =	vld [tilespmem:s26+$0xC6E0]  }
0x511: {  	v32 =	vld [tilespmem:s26+$0x86F0];
	v16 =	vadd.f32 v17, v16;
	v17 =	vmul.f32 v27, v26  }
0x512: {  	v33 =	vld [tilespmem:s26+$0xC6F0]  }
0x513: {  	v16 =	vadd.f32 v17, v16;
	v17 =	vmul.f32 v29, v28;
	_ =	sdelay $0x1  }
0x514: {  	v16 =	vadd.f32 v17, v16;
	v17 =	vmul.f32 v31, v30;
	_ =	sdelay $0x1  }
0x515: {  	v16 =	vadd.f32 v17, v16;
	v17 =	vmul.f32 v33, v32;
	_ =	sdelay $0x1  }
0x516: {  	v16 =	vadd.f32 v17, v16;
	_ =	sdelay $0x1  }
0x517: {  	[tilespmem:v5+s17+$0x0] =	vst.idx.msk $0xffff, v16  }
0x518: {  	v16 =	vld [tilespmem:s26+$0x8700]  }
0x519: {  	v17 =	vld [tilespmem:s26+$0xC700]  }
0x51a: {  	v34 =	vld [tilespmem:s26+$0x8710]  }
0x51b: {  	v35 =	vld [tilespmem:s26+$0xC710]  }
0x51c: {  	v36 =	vld [tilespmem:s26+$0x8720]  }
0x51d: {  	v37 =	vld [tilespmem:s26+$0xC720]  }
0x51e: {  	v38 =	vld [tilespmem:s26+$0x8730]  }
0x51f: {  	v39 =	vld [tilespmem:s26+$0xC730]  }
0x520: {  	v40 =	vld [tilespmem:s26+$0x8740];
	v16 =	vmul.f32 v17, v16;
	v17 =	vmul.f32 v35, v34  }
0x521: {  	v41 =	vld [tilespmem:s26+$0xC740]  }
0x522: {  	v42 =	vld [tilespmem:s26+$0x8750];
	v16 =	vadd.f32 v17, v16;
	v17 =	vmul.f32 v37, v36  }
0x523: {  	v43 =	vld [tilespmem:s26+$0xC750]  }
0x524: {  	v44 =	vld [tilespmem:s26+$0x8760];
	v16 =	vadd.f32 v17, v16;
	v17 =	vmul.f32 v39, v38  }
0x525: {  	v45 =	vld [tilespmem:s26+$0xC760]  }
0x526: {  	v46 =	vld [tilespmem:s26+$0x8770];
	v16 =	vadd.f32 v17, v16;
	v17 =	vmul.f32 v41, v40  }
0x527: {  	v47 =	vld [tilespmem:s26+$0xC770]  }
0x528: {  	v16 =	vadd.f32 v17, v16;
	v17 =	vmul.f32 v43, v42;
	_ =	sdelay $0x1  }
0x529: {  	v16 =	vadd.f32 v17, v16;
	v17 =	vmul.f32 v45, v44;
	_ =	sdelay $0x1  }
0x52a: {  	v16 =	vadd.f32 v17, v16;
	v17 =	vmul.f32 v47, v46;
	_ =	sdelay $0x1  }
0x52b: {  	v16 =	vadd.f32 v17, v16;
	_ =	sdelay $0x1  }
0x52c: {  	[tilespmem:v6+s17+$0x0] =	vst.idx.msk $0xffff, v16  }
0x52d: {  	v16 =	vld [tilespmem:s26+$0x8780]  }
0x52e: {  	v17 =	vld [tilespmem:s26+$0xC780]  }
0x52f: {  	v48 =	vld [tilespmem:s26+$0x8790]  }
0x530: {  	v49 =	vld [tilespmem:s26+$0xC790]  }
0x531: {  	v50 =	vld [tilespmem:s26+$0x87A0]  }
0x532: {  	v51 =	vld [tilespmem:s26+$0xC7A0]  }
0x533: {  	v52 =	vld [tilespmem:s26+$0x87B0]  }
0x534: {  	v53 =	vld [tilespmem:s26+$0xC7B0]  }
0x535: {  	v54 =	vld [tilespmem:s26+$0x87C0];
	v16 =	vmul.f32 v17, v16;
	v17 =	vmul.f32 v49, v48  }
0x536: {  	v55 =	vld [tilespmem:s26+$0xC7C0]  }
0x537: {  	v56 =	vld [tilespmem:s26+$0x87D0];
	v16 =	vadd.f32 v17, v16;
	v17 =	vmul.f32 v51, v50  }
0x538: {  	v57 =	vld [tilespmem:s26+$0xC7D0]  }
0x539: {  	v58 =	vld [tilespmem:s26+$0x87E0];
	v16 =	vadd.f32 v17, v16;
	v17 =	vmul.f32 v53, v52  }
0x53a: {  	v59 =	vld [tilespmem:s26+$0xC7E0]  }
0x53b: {  	v60 =	vld [tilespmem:s26+$0x87F0];
	v16 =	vadd.f32 v17, v16;
	v17 =	vmul.f32 v55, v54  }
0x53c: {  	v61 =	vld [tilespmem:s26+$0xC7F0]  }
0x53d: {  	v16 =	vadd.f32 v17, v16;
	v17 =	vmul.f32 v57, v56;
	_ =	sdelay $0x1  }
0x53e: {  	v16 =	vadd.f32 v17, v16;
	v17 =	vmul.f32 v59, v58;
	_ =	sdelay $0x1  }
0x53f: {  	v16 =	vadd.f32 v17, v16;
	v17 =	vmul.f32 v61, v60;
	_ =	sdelay $0x1  }
0x540: {  	v16 =	vadd.f32 v17, v16;
	_ =	sdelay $0x1  }
0x541: {  	[tilespmem:v7+s17+$0x0] =	vst.idx.msk $0xffff, v16  }
0x542: {  	v16 =	vld [tilespmem:s26+$0x8800]  }
0x543: {  	v17 =	vld [tilespmem:s26+$0xC800]  }
0x544: {  	v62 =	vld [tilespmem:s26+$0x8810]  }
0x545: {  	v63 =	vld [tilespmem:s26+$0xC810]  }
0x546: {  	v24 =	vld [tilespmem:s26+$0x8820]  }
0x547: {  	v25 =	vld [tilespmem:s26+$0xC820]  }
0x548: {  	v26 =	vld [tilespmem:s26+$0x8830]  }
0x549: {  	v27 =	vld [tilespmem:s26+$0xC830]  }
0x54a: {  	v28 =	vld [tilespmem:s26+$0x8840];
	v16 =	vmul.f32 v17, v16;
	v17 =	vmul.f32 v63, v62  }
0x54b: {  	v29 =	vld [tilespmem:s26+$0xC840]  }
0x54c: {  	v30 =	vld [tilespmem:s26+$0x8850];
	v16 =	vadd.f32 v17, v16;
	v17 =	vmul.f32 v25, v24  }
0x54d: {  	v31 =	vld [tilespmem:s26+$0xC850]  }
0x54e: {  	v32 =	vld [tilespmem:s26+$0x8860];
	v16 =	vadd.f32 v17, v16;
	v17 =	vmul.f32 v27, v26  }
0x54f: {  	v33 =	vld [tilespmem:s26+$0xC860]  }
0x550: {  	v34 =	vld [tilespmem:s26+$0x8870];
	v16 =	vadd.f32 v17, v16;
	v17 =	vmul.f32 v29, v28  }
0x551: {  	v35 =	vld [tilespmem:s26+$0xC870]  }
0x552: {  	v16 =	vadd.f32 v17, v16;
	v17 =	vmul.f32 v31, v30;
	_ =	sdelay $0x1  }
0x553: {  	v16 =	vadd.f32 v17, v16;
	v17 =	vmul.f32 v33, v32;
	_ =	sdelay $0x1  }
0x554: {  	v16 =	vadd.f32 v17, v16;
	v17 =	vmul.f32 v35, v34;
	_ =	sdelay $0x1  }
0x555: {  	v16 =	vadd.f32 v17, v16;
	_ =	sdelay $0x1  }
0x556: {  	[tilespmem:v8+s17+$0x0] =	vst.idx.msk $0xffff, v16  }
0x557: {  	v16 =	vld [tilespmem:s26+$0x8880]  }
0x558: {  	v17 =	vld [tilespmem:s26+$0xC880]  }
0x559: {  	v36 =	vld [tilespmem:s26+$0x8890]  }
0x55a: {  	v37 =	vld [tilespmem:s26+$0xC890]  }
0x55b: {  	v38 =	vld [tilespmem:s26+$0x88A0]  }
0x55c: {  	v39 =	vld [tilespmem:s26+$0xC8A0]  }
0x55d: {  	v40 =	vld [tilespmem:s26+$0x88B0]  }
0x55e: {  	v41 =	vld [tilespmem:s26+$0xC8B0]  }
0x55f: {  	v42 =	vld [tilespmem:s26+$0x88C0];
	v16 =	vmul.f32 v17, v16;
	v17 =	vmul.f32 v37, v36  }
0x560: {  	v43 =	vld [tilespmem:s26+$0xC8C0]  }
0x561: {  	v44 =	vld [tilespmem:s26+$0x88D0];
	v16 =	vadd.f32 v17, v16;
	v17 =	vmul.f32 v39, v38  }
0x562: {  	v45 =	vld [tilespmem:s26+$0xC8D0]  }
0x563: {  	v46 =	vld [tilespmem:s26+$0x88E0];
	v16 =	vadd.f32 v17, v16;
	v17 =	vmul.f32 v41, v40  }
0x564: {  	v47 =	vld [tilespmem:s26+$0xC8E0]  }
0x565: {  	v48 =	vld [tilespmem:s26+$0x88F0];
	v16 =	vadd.f32 v17, v16;
	v17 =	vmul.f32 v43, v42  }
0x566: {  	v49 =	vld [tilespmem:s26+$0xC8F0]  }
0x567: {  	v16 =	vadd.f32 v17, v16;
	v17 =	vmul.f32 v45, v44;
	_ =	sdelay $0x1  }
0x568: {  	v16 =	vadd.f32 v17, v16;
	v17 =	vmul.f32 v47, v46;
	_ =	sdelay $0x1  }
0x569: {  	v16 =	vadd.f32 v17, v16;
	v17 =	vmul.f32 v49, v48;
	_ =	sdelay $0x1  }
0x56a: {  	v16 =	vadd.f32 v17, v16;
	_ =	sdelay $0x1  }
0x56b: {  	[tilespmem:v9+s17+$0x0] =	vst.idx.msk $0xffff, v16  }
0x56c: {  	v16 =	vld [tilespmem:s26+$0x8900]  }
0x56d: {  	v17 =	vld [tilespmem:s26+$0xC900]  }
0x56e: {  	v50 =	vld [tilespmem:s26+$0x8910]  }
0x56f: {  	v51 =	vld [tilespmem:s26+$0xC910]  }
0x570: {  	v52 =	vld [tilespmem:s26+$0x8920]  }
0x571: {  	v53 =	vld [tilespmem:s26+$0xC920]  }
0x572: {  	v54 =	vld [tilespmem:s26+$0x8930]  }
0x573: {  	v55 =	vld [tilespmem:s26+$0xC930]  }
0x574: {  	v56 =	vld [tilespmem:s26+$0x8940];
	v16 =	vmul.f32 v17, v16;
	v17 =	vmul.f32 v51, v50  }
0x575: {  	v57 =	vld [tilespmem:s26+$0xC940]  }
0x576: {  	v58 =	vld [tilespmem:s26+$0x8950];
	v16 =	vadd.f32 v17, v16;
	v17 =	vmul.f32 v53, v52  }
0x577: {  	v59 =	vld [tilespmem:s26+$0xC950]  }
0x578: {  	v60 =	vld [tilespmem:s26+$0x8960];
	v16 =	vadd.f32 v17, v16;
	v17 =	vmul.f32 v55, v54  }
0x579: {  	v61 =	vld [tilespmem:s26+$0xC960]  }
0x57a: {  	v62 =	vld [tilespmem:s26+$0x8970];
	v16 =	vadd.f32 v17, v16;
	v17 =	vmul.f32 v57, v56  }
0x57b: {  	v63 =	vld [tilespmem:s26+$0xC970]  }
0x57c: {  	v16 =	vadd.f32 v17, v16;
	v17 =	vmul.f32 v59, v58;
	_ =	sdelay $0x1  }
0x57d: {  	v16 =	vadd.f32 v17, v16;
	v17 =	vmul.f32 v61, v60;
	_ =	sdelay $0x1  }
0x57e: {  	v16 =	vadd.f32 v17, v16;
	v17 =	vmul.f32 v63, v62;
	_ =	sdelay $0x1  }
0x57f: {  	v16 =	vadd.f32 v17, v16;
	_ =	sdelay $0x1  }
0x580: {  	[tilespmem:v10+s17+$0x0] =	vst.idx.msk $0xffff, v16  }
0x581: {  	v16 =	vld [tilespmem:s26+$0x8980]  }
0x582: {  	v17 =	vld [tilespmem:s26+$0xC980]  }
0x583: {  	v24 =	vld [tilespmem:s26+$0x8990]  }
0x584: {  	v25 =	vld [tilespmem:s26+$0xC990]  }
0x585: {  	v26 =	vld [tilespmem:s26+$0x89A0]  }
0x586: {  	v27 =	vld [tilespmem:s26+$0xC9A0]  }
0x587: {  	v28 =	vld [tilespmem:s26+$0x89B0]  }
0x588: {  	v29 =	vld [tilespmem:s26+$0xC9B0]  }
0x589: {  	v30 =	vld [tilespmem:s26+$0x89C0];
	v16 =	vmul.f32 v17, v16;
	v17 =	vmul.f32 v25, v24  }
0x58a: {  	v31 =	vld [tilespmem:s26+$0xC9C0]  }
0x58b: {  	v32 =	vld [tilespmem:s26+$0x89D0];
	v16 =	vadd.f32 v17, v16;
	v17 =	vmul.f32 v27, v26  }
0x58c: {  	v33 =	vld [tilespmem:s26+$0xC9D0]  }
0x58d: {  	v34 =	vld [tilespmem:s26+$0x89E0];
	v16 =	vadd.f32 v17, v16;
	v17 =	vmul.f32 v29, v28  }
0x58e: {  	v35 =	vld [tilespmem:s26+$0xC9E0]  }
0x58f: {  	v36 =	vld [tilespmem:s26+$0x89F0];
	v16 =	vadd.f32 v17, v16;
	v17 =	vmul.f32 v31, v30  }
0x590: {  	v37 =	vld [tilespmem:s26+$0xC9F0]  }
0x591: {  	v16 =	vadd.f32 v17, v16;
	v17 =	vmul.f32 v33, v32;
	_ =	sdelay $0x1  }
0x592: {  	v16 =	vadd.f32 v17, v16;
	v17 =	vmul.f32 v35, v34;
	_ =	sdelay $0x1  }
0x593: {  	v16 =	vadd.f32 v17, v16;
	v17 =	vmul.f32 v37, v36;
	_ =	sdelay $0x1  }
0x594: {  	v16 =	vadd.f32 v17, v16;
	_ =	sdelay $0x1  }
0x595: {  	[tilespmem:v11+s17+$0x0] =	vst.idx.msk $0xffff, v16  }
0x596: {  	v16 =	vld [tilespmem:s26+$0x8A00]  }
0x597: {  	v17 =	vld [tilespmem:s26+$0xCA00]  }
0x598: {  	v38 =	vld [tilespmem:s26+$0x8A10]  }
0x599: {  	v39 =	vld [tilespmem:s26+$0xCA10]  }
0x59a: {  	v40 =	vld [tilespmem:s26+$0x8A20]  }
0x59b: {  	v41 =	vld [tilespmem:s26+$0xCA20]  }
0x59c: {  	v42 =	vld [tilespmem:s26+$0x8A30]  }
0x59d: {  	v43 =	vld [tilespmem:s26+$0xCA30]  }
0x59e: {  	v44 =	vld [tilespmem:s26+$0x8A40];
	v16 =	vmul.f32 v17, v16;
	v17 =	vmul.f32 v39, v38  }
0x59f: {  	v45 =	vld [tilespmem:s26+$0xCA40]  }
0x5a0: {  	v46 =	vld [tilespmem:s26+$0x8A50];
	v16 =	vadd.f32 v17, v16;
	v17 =	vmul.f32 v41, v40  }
0x5a1: {  	v47 =	vld [tilespmem:s26+$0xCA50]  }
0x5a2: {  	v48 =	vld [tilespmem:s26+$0x8A60];
	v16 =	vadd.f32 v17, v16;
	v17 =	vmul.f32 v43, v42  }
0x5a3: {  	v49 =	vld [tilespmem:s26+$0xCA60]  }
0x5a4: {  	v50 =	vld [tilespmem:s26+$0x8A70];
	v16 =	vadd.f32 v17, v16;
	v17 =	vmul.f32 v45, v44  }
0x5a5: {  	v51 =	vld [tilespmem:s26+$0xCA70]  }
0x5a6: {  	v16 =	vadd.f32 v17, v16;
	v17 =	vmul.f32 v47, v46;
	_ =	sdelay $0x1  }
0x5a7: {  	v16 =	vadd.f32 v17, v16;
	v17 =	vmul.f32 v49, v48;
	_ =	sdelay $0x1  }
0x5a8: {  	v16 =	vadd.f32 v17, v16;
	v17 =	vmul.f32 v51, v50;
	_ =	sdelay $0x1  }
0x5a9: {  	v16 =	vadd.f32 v17, v16;
	_ =	sdelay $0x1  }
0x5aa: {  	[tilespmem:v12+s17+$0x0] =	vst.idx.msk $0xffff, v16  }
0x5ab: {  	v16 =	vld [tilespmem:s26+$0x8A80]  }
0x5ac: {  	v17 =	vld [tilespmem:s26+$0xCA80]  }
0x5ad: {  	v52 =	vld [tilespmem:s26+$0x8A90]  }
0x5ae: {  	v53 =	vld [tilespmem:s26+$0xCA90]  }
0x5af: {  	v54 =	vld [tilespmem:s26+$0x8AA0]  }
0x5b0: {  	v55 =	vld [tilespmem:s26+$0xCAA0]  }
0x5b1: {  	v56 =	vld [tilespmem:s26+$0x8AB0]  }
0x5b2: {  	v57 =	vld [tilespmem:s26+$0xCAB0]  }
0x5b3: {  	v58 =	vld [tilespmem:s26+$0x8AC0];
	v16 =	vmul.f32 v17, v16;
	v17 =	vmul.f32 v53, v52  }
0x5b4: {  	v59 =	vld [tilespmem:s26+$0xCAC0]  }
0x5b5: {  	v60 =	vld [tilespmem:s26+$0x8AD0];
	v16 =	vadd.f32 v17, v16;
	v17 =	vmul.f32 v55, v54  }
0x5b6: {  	v61 =	vld [tilespmem:s26+$0xCAD0]  }
0x5b7: {  	v62 =	vld [tilespmem:s26+$0x8AE0];
	v16 =	vadd.f32 v17, v16;
	v17 =	vmul.f32 v57, v56  }
0x5b8: {  	v63 =	vld [tilespmem:s26+$0xCAE0]  }
0x5b9: {  	v24 =	vld [tilespmem:s26+$0x8AF0];
	v16 =	vadd.f32 v17, v16;
	v17 =	vmul.f32 v59, v58  }
0x5ba: {  	v25 =	vld [tilespmem:s26+$0xCAF0]  }
0x5bb: {  	v16 =	vadd.f32 v17, v16;
	v17 =	vmul.f32 v61, v60;
	_ =	sdelay $0x1  }
0x5bc: {  	v16 =	vadd.f32 v17, v16;
	v17 =	vmul.f32 v63, v62;
	_ =	sdelay $0x1  }
0x5bd: {  	v16 =	vadd.f32 v17, v16;
	v17 =	vmul.f32 v25, v24;
	_ =	sdelay $0x1  }
0x5be: {  	v16 =	vadd.f32 v17, v16;
	_ =	sdelay $0x1  }
0x5bf: {  	[tilespmem:v13+s17+$0x0] =	vst.idx.msk $0xffff, v16  }
0x5c0: {  	v16 =	vld [tilespmem:s26+$0x8B00]  }
0x5c1: {  	v17 =	vld [tilespmem:s26+$0xCB00]  }
0x5c2: {  	v26 =	vld [tilespmem:s26+$0x8B10]  }
0x5c3: {  	v27 =	vld [tilespmem:s26+$0xCB10]  }
0x5c4: {  	v28 =	vld [tilespmem:s26+$0x8B20]  }
0x5c5: {  	v29 =	vld [tilespmem:s26+$0xCB20]  }
0x5c6: {  	v30 =	vld [tilespmem:s26+$0x8B30]  }
0x5c7: {  	v31 =	vld [tilespmem:s26+$0xCB30]  }
0x5c8: {  	v32 =	vld [tilespmem:s26+$0x8B40];
	v16 =	vmul.f32 v17, v16;
	v17 =	vmul.f32 v27, v26  }
0x5c9: {  	v33 =	vld [tilespmem:s26+$0xCB40]  }
0x5ca: {  	v34 =	vld [tilespmem:s26+$0x8B50];
	v16 =	vadd.f32 v17, v16;
	v17 =	vmul.f32 v29, v28  }
0x5cb: {  	v35 =	vld [tilespmem:s26+$0xCB50]  }
0x5cc: {  	v36 =	vld [tilespmem:s26+$0x8B60];
	v16 =	vadd.f32 v17, v16;
	v17 =	vmul.f32 v31, v30  }
0x5cd: {  	v37 =	vld [tilespmem:s26+$0xCB60]  }
0x5ce: {  	v38 =	vld [tilespmem:s26+$0x8B70];
	v16 =	vadd.f32 v17, v16;
	v17 =	vmul.f32 v33, v32  }
0x5cf: {  	v39 =	vld [tilespmem:s26+$0xCB70]  }
0x5d0: {  	v16 =	vadd.f32 v17, v16;
	v17 =	vmul.f32 v35, v34;
	_ =	sdelay $0x1  }
0x5d1: {  	v16 =	vadd.f32 v17, v16;
	v17 =	vmul.f32 v37, v36;
	_ =	sdelay $0x1  }
0x5d2: {  	v16 =	vadd.f32 v17, v16;
	v17 =	vmul.f32 v39, v38;
	_ =	sdelay $0x1  }
0x5d3: {  	v16 =	vadd.f32 v17, v16;
	_ =	sdelay $0x1  }
0x5d4: {  	[tilespmem:v14+s17+$0x0] =	vst.idx.msk $0xffff, v16  }
0x5d5: {  	v16 =	vld [tilespmem:s26+$0x8B80]  }
0x5d6: {  	v17 =	vld [tilespmem:s26+$0xCB80]  }
0x5d7: {  	v40 =	vld [tilespmem:s26+$0x8B90]  }
0x5d8: {  	v41 =	vld [tilespmem:s26+$0xCB90]  }
0x5d9: {  	v42 =	vld [tilespmem:s26+$0x8BA0]  }
0x5da: {  	v43 =	vld [tilespmem:s26+$0xCBA0]  }
0x5db: {  	v44 =	vld [tilespmem:s26+$0x8BB0]  }
0x5dc: {  	v45 =	vld [tilespmem:s26+$0xCBB0]  }
0x5dd: {  	v46 =	vld [tilespmem:s26+$0x8BC0];
	v16 =	vmul.f32 v17, v16;
	v17 =	vmul.f32 v41, v40  }
0x5de: {  	v47 =	vld [tilespmem:s26+$0xCBC0]  }
0x5df: {  	v48 =	vld [tilespmem:s26+$0x8BD0];
	v16 =	vadd.f32 v17, v16;
	v17 =	vmul.f32 v43, v42  }
0x5e0: {  	v49 =	vld [tilespmem:s26+$0xCBD0]  }
0x5e1: {  	v50 =	vld [tilespmem:s26+$0x8BE0];
	v16 =	vadd.f32 v17, v16;
	v17 =	vmul.f32 v45, v44  }
0x5e2: {  	v51 =	vld [tilespmem:s26+$0xCBE0]  }
0x5e3: {  	v52 =	vld [tilespmem:s26+$0x8BF0];
	v16 =	vadd.f32 v17, v16;
	v17 =	vmul.f32 v47, v46  }
0x5e4: {  	v53 =	vld [tilespmem:s26+$0xCBF0]  }
0x5e5: {  	v16 =	vadd.f32 v17, v16;
	v17 =	vmul.f32 v49, v48;
	_ =	sdelay $0x1  }
0x5e6: {  	v16 =	vadd.f32 v17, v16;
	v17 =	vmul.f32 v51, v50;
	_ =	sdelay $0x1  }
0x5e7: {  	v16 =	vadd.f32 v17, v16;
	v17 =	vmul.f32 v53, v52;
	_ =	sdelay $0x1  }
0x5e8: {  	v16 =	vadd.f32 v17, v16;
	_ =	sdelay $0x1  }
0x5e9: {  	[tilespmem:v15+s17+$0x0] =	vst.idx.msk $0xffff, v16  }
0x5ea: {  	v16 =	vld [tilespmem:$0x10400]  }
0x5eb: {  	v17 =	vld [tilespmem:$0x10480];
	_ =	sdelay $0x1  }
0x5ec: {  	v54 =	vld [tilespmem:$0x10500];
	_ =	sdelay $0x1  }
0x5ed: {  	v55 =	vld [tilespmem:$0x10580]  }
0x5ee: {  	v16 =	vadd.f32 v17, v16  }
0x5ef: {  	v17 =	vld [tilespmem:$0x10600]  }
0x5f0: {  	v16 =	vadd.f32 v54, v16  }
0x5f1: {  	v56 =	vld [tilespmem:$0x10680]  }
0x5f2: {  	v16 =	vadd.f32 v55, v16  }
0x5f3: {  	v57 =	vld [tilespmem:$0x10700]  }
0x5f4: {  	v16 =	vadd.f32 v17, v16  }
0x5f5: {  	v17 =	vld [tilespmem:$0x10780]  }
0x5f6: {  	v16 =	vadd.f32 v56, v16  }
0x5f7: {  	v58 =	vld [tilespmem:$0x10800]  }
0x5f8: {  	v16 =	vadd.f32 v57, v16  }
0x5f9: {  	v59 =	vld [tilespmem:$0x10880]  }
0x5fa: {  	v16 =	vadd.f32 v17, v16  }
0x5fb: {  	v17 =	vld [tilespmem:$0x10900]  }
0x5fc: {  	v16 =	vadd.f32 v58, v16  }
0x5fd: {  	v60 =	vld [tilespmem:$0x10980]  }
0x5fe: {  	v16 =	vadd.f32 v59, v16  }
0x5ff: {  	v61 =	vld [tilespmem:$0x10A00]  }
0x600: {  	v16 =	vadd.f32 v17, v16  }
0x601: {  	v17 =	vld [tilespmem:$0x10A80]  }
0x602: {  	v16 =	vadd.f32 v60, v16  }
0x603: {  	v62 =	vld [tilespmem:$0x10B00]  }
0x604: {  	v16 =	vadd.f32 v61, v16  }
0x605: {  	v63 =	vld [tilespmem:$0x10B80]  }
0x606: {  	v16 =	vadd.f32 v17, v16  }
0x607: {  	p0 =	sne.s32 s25, $0x7  }
.Ltmp3:
0x608: {  	v16 =	vadd.f32 v62, v16;
	(pc) =	sbr.rel @p0 .LBB2_8-.Ltmp3, $4  }
0x609: {  	_ = 	snop  }
0x60a: {  	s31 =	sshll.u32 s25, $0x4;
	v16 =	vadd.f32 v63, v16  }
0x60b: {  	s26 =	sand.u32 $0x3FFFFFF0, s31  }
0x60c: {  	s25 =	sadd.s32 $0x1, s25;
	[tilespmem:s26+$0x10D80] =	vst v16  }
0x60d: {  	s24 =	sadd.s32 $0x1, s24  }
0x60e: {  	p0 =	sne.s32 s24, s7  }
.Ltmp4:
0x60f: {  	_ = 	snop;
	(pc) =	sbr.rel @p0 .LBB2_1-.Ltmp4, $4  }
0x610: {  	[hbm4b:s6+s3] =	stream.linear.scatter [tilespmem:s23], [sflag:$0x3], $0x200, $0x38;
	[tilespmem:$0x10E00] =	vst v63  }
0x611: {  	_ =	swait.ge [sflag:s8], $0x200  }
0x612: {  	[sflag:s8] =	ssyncset.done $0x0  }
0x613: {  	[sflag:s8] =	ssyncadd.s32 $0xFFFFFE00  }
0x614: {  	_ =	sfence.sel $0x180000  }
0x615: {  	[bflag:$0x0] =	sbarrier.arrive $0xFFFF  }
0x616: {  	p0 =	sne.s32 s2, $0x0;
	_ =	strace $0x90000047  }
0x617: {  	s0 =	sadd.s32 @!p0 $0x100000, s0;
	[bflag:$0x2] =	sbarrier.arrive $0xFFFF  }
0x618: {  	[sflag:s0] =	ssyncadd.tile.s32 @!p0 $0x1;
	_ =	shalt  }
.Lfunc_end2:
_tile_overlayer_lowered:
.L_overlay_start_2:
0x619: {  	(tag) =	ssettag $0x2  }
0x61a: {  	s0 =	rddreg [dreg:$0x0];
	s2 =	stileid.u32  }
0x61b: {  	s1 =	rddreg [dreg:$0x1];
	p0 =	sne.s32 s2, $0x0  }
0x61c: {  	s3 =	rddreg [dreg:$0x2];
	[bflag:$0x3] =	sbarrier.arrive $0xFFFF;
	s2 =	simm.s32 @!p0 $0x1C03  }
0x61d: {  	[timem:s3], [sflag:s2] =	dma.local @!p0 [hbm:s0], s1  }
0x61e: {  	s0 =	simm.s32 @!p0 $0x3  }
0x61f: {  	_ =	swait.ge @!p0 [sflag:s0], s1  }
0x620: {  	s1 =	ssub.s32 @!p0 $0x0, s1;
	[sflag:s0] =	ssyncset.done @!p0 $0x0  }
0x621: {  	[sflag:s0] =	ssyncadd.s32 @!p0 s1  }
0x622: {  	[bflag:$0x3] =	sbarrier.arrive $0xFFFF  }
0x623: {  	_ =	shalt  }

</sc_bundles>
